<compile_context>
chip_gen: v7x
topology: tpu7x:2x2x1
jax: 0.10.2.dev20260603
libtpu: 0.0.44.dev20260713+nightly
codegen_flags: <defaults>
</compile_context>

<pallas_src>
import functools

import jax
import jax.numpy as jnp
from jax import lax
from jax.experimental import pallas as pl
from jax.experimental.pallas import tpu as pltpu
from jax.experimental.pallas import tpu_sc as plsc

N = 10000
E = 320000
G = 16

_PC = (3.5075520536942406e-06, 0.999792435728606, -0.49697791116761014,
       0.31459053537083104, -0.18878267362071732, 0.08172680837495,
       -0.017208061121084715)

_NSUB = 16
_K = 80
_EPT = E // _NSUB
_NPAD = 10240
_NPT = _NPAD // _NSUB
_ZR = 128
_TW = 128
_HH = _TW // 2



_sc_mesh = plsc.VectorSubcoreMesh(core_axis_name="c", subcore_axis_name="s")


def _make_sc_layer(call_idx, wfull):
    @functools.partial(
        pl.kernel,
        out_type=jax.ShapeDtypeStruct((2, _NPAD, _TW), jnp.float32),
        mesh=_sc_mesh,
        scratch_types=[
            pltpu.VMEM((_K,), jnp.int32),
            pltpu.VMEM((_K, _TW), jnp.float32),
            pltpu.VMEM((_K, _TW), jnp.float32),
            pltpu.VMEM((_K, _TW), jnp.float32),
            pltpu.VMEM((_ZR, _TW), jnp.float32),
            pltpu.VMEM_SHARED((_NPAD, _TW), jnp.float32),
        ],
    )
    def sc_layer(u_all, ae_all, dst_i,
                 out, idxd, U, Eb, M, zbuf, agg):
        c = lax.axis_index("c")
        s = lax.axis_index("s")

        def _zrow(i, carry):
            for j in range(_TW // 16):
                zbuf[i, pl.ds(j * 16, 16)] = jnp.zeros((16,), jnp.float32)
            return carry
        lax.fori_loop(0, _ZR, _zrow, 0)

        def _mrow(k, carry):
            for j in range(_HH // 16):
                M[k, pl.ds(_HH + j * 16, 16)] = jnp.zeros((16,), jnp.float32)
            return carry
        lax.fori_loop(0, _K, _mrow, 0)
        for b in range(_NPT // _ZR):
            pltpu.sync_copy(zbuf, agg.at[pl.ds(s * _NPT + b * _ZR, _ZR)])
        plsc.subcore_barrier()

        base_e = s * _EPT

        def _chunk(i, carry):
            e0 = base_e + i * _K
            col = (2 * call_idx + c) * _TW
            pltpu.sync_copy(dst_i.at[pl.ds(e0, _K)], idxd)
            pltpu.sync_copy(u_all.at[pl.ds(e0, _K), pl.ds(col, _TW)], U)
            pltpu.sync_copy(ae_all.at[pl.ds(e0, _K), pl.ds(col, _TW)], Eb)

            def _edge(k, inner):
                for j in range(_HH // 16):
                    lo = pl.ds(j * 16, 16)
                    hi = pl.ds(_HH + j * 16, 16)
                    gp = U[k, lo] + Eb[k, lo]
                    cp = U[k, hi] + Eb[k, hi]
                    g = 1.0 / (1.0 + jnp.exp(-gp))
                    t = jnp.exp(-jnp.abs(cp))
                    p = jnp.full((16,), _PC[6], jnp.float32)
                    for coef in (_PC[5], _PC[4], _PC[3], _PC[2], _PC[1], _PC[0]):
                        p = p * t + coef
                    sp = jnp.maximum(cp, 0.0) + p
                    M[k, lo] = g * sp
                return inner
            lax.fori_loop(0, _K, _edge, 0)

            pltpu.sync_copy(M, agg.at[idxd], add=True)
            return carry
        lax.fori_loop(0, _EPT // _K, _chunk, 0)

        plsc.subcore_barrier()
        pltpu.sync_copy(agg.at[pl.ds(s * _NPT, _NPT)],
                        out.at[c, pl.ds(s * _NPT, _NPT)])

    return sc_layer


_sc_call_0 = _make_sc_layer(0, 256)
_sc_call_0w = _make_sc_layer(0, 512)
_sc_call_1w = _make_sc_layer(1, 512)



_BN = 1000
_BE = 2000


def _node_tables_body(h_ref, wd_ref, ws_ref, od, os_):
    hb = h_ref[...]
    od[...] = jnp.dot(hb, wd_ref[...], preferred_element_type=jnp.float32)
    os_[...] = jnp.dot(hb, ws_ref[...], preferred_element_type=jnp.float32)


def _node_tables(h, wd, ws):
    C = h.shape[1]
    W = wd.shape[1]
    return pl.pallas_call(
        _node_tables_body,
        grid=(N // _BN,),
        in_specs=[pl.BlockSpec((_BN, C), lambda i: (i, 0)),
                  pl.BlockSpec((C, W), lambda i: (0, 0)),
                  pl.BlockSpec((C, W), lambda i: (0, 0))],
        out_specs=[pl.BlockSpec((_BN, W), lambda i: (i, 0))] * 2,
        out_shape=[jax.ShapeDtypeStruct((N, W), jnp.float32)] * 2,
    )(h, wd, ws)


def _node_tables_res_body(h_ref, q0_ref, q1_ref, q2_ref, q3_ref,
                          wd_ref, ws_ref, od, os_, oh):
    hb = h_ref[...] + jnp.concatenate(
        [q0_ref[...], q1_ref[...], q2_ref[...], q3_ref[...]], axis=1)
    hb = jnp.maximum(hb, 0.0)
    oh[...] = hb
    od[...] = jnp.dot(hb, wd_ref[...], preferred_element_type=jnp.float32)
    os_[...] = jnp.dot(hb, ws_ref[...], preferred_element_type=jnp.float32)


def _node_tables_res(h, quarters, wd, ws):
    C = h.shape[1]
    W = wd.shape[1]
    return pl.pallas_call(
        _node_tables_res_body,
        grid=(N // _BN,),
        in_specs=[pl.BlockSpec((_BN, C), lambda i: (i, 0))]
        + [pl.BlockSpec((_BN, _HH), lambda i: (i, 0))] * 4
        + [pl.BlockSpec((C, W), lambda i: (0, 0)),
           pl.BlockSpec((C, W), lambda i: (0, 0))],
        out_specs=[pl.BlockSpec((_BN, W), lambda i: (i, 0))] * 2
        + [pl.BlockSpec((_BN, C), lambda i: (i, 0))],
        out_shape=[jax.ShapeDtypeStruct((N, W), jnp.float32)] * 2
        + [jax.ShapeDtypeStruct((N, C), jnp.float32)],
    )(h, *quarters, wd, ws)


def _lin_body(x_ref, q0_ref, q1_ref, w_ref, b_ref, o_ref):
    hb = x_ref[...] + jnp.concatenate([q0_ref[...], q1_ref[...]], axis=1)
    hb = jnp.maximum(hb, 0.0)
    o_ref[...] = (jnp.dot(hb, w_ref[...], preferred_element_type=jnp.float32)
                  + b_ref[...])


def _lin(x, q0, q1, w, b):
    C = x.shape[1]
    H = w.shape[1]
    return pl.pallas_call(
        _lin_body,
        grid=(N // _BN,),
        in_specs=[pl.BlockSpec((_BN, C), lambda i: (i, 0)),
                  pl.BlockSpec((_BN, _HH), lambda i: (i, 0)),
                  pl.BlockSpec((_BN, _HH), lambda i: (i, 0)),
                  pl.BlockSpec((C, H), lambda i: (0, 0)),
                  pl.BlockSpec((1, H), lambda i: (0, 0))],
        out_specs=pl.BlockSpec((_BN, H), lambda i: (i, 0)),
        out_shape=jax.ShapeDtypeStruct((N, H), jnp.float32),
    )(x, q0, q1, w, b)


def _edge_tables_body(ea_ref, w_ref, b_ref, o_ref):
    o_ref[...] = (jnp.dot(ea_ref[...], w_ref[...],
                          preferred_element_type=jnp.float32)
                  + b_ref[...])


def _edge_tables(ea, w, b):
    DE = ea.shape[1]
    W = w.shape[1]
    return pl.pallas_call(
        _edge_tables_body,
        grid=(E // _BE,),
        in_specs=[pl.BlockSpec((_BE, DE), lambda i: (i, 0)),
                  pl.BlockSpec((DE, W), lambda i: (0, 0)),
                  pl.BlockSpec((1, W), lambda i: (0, 0))],
        out_specs=pl.BlockSpec((_BE, W), lambda i: (i, 0)),
        out_shape=jax.ShapeDtypeStruct((E, W), jnp.float32),
    )(ea, w, b)


def _pool_body(h_ref, q0_ref, q1_ref, q2_ref, q3_ref, b_ref, sums_ref):
    i = pl.program_id(0)

    @pl.when(i == 0)
    def _():
        sums_ref[...] = jnp.zeros_like(sums_ref)

    h3 = h_ref[...] + jnp.concatenate(
        [q0_ref[...], q1_ref[...], q2_ref[...], q3_ref[...]], axis=1)
    h3 = jnp.maximum(h3, 0.0)
    bb = b_ref[0]
    onehot = (bb == lax.broadcasted_iota(jnp.int32, (G, _BN), 0))
    onehot = onehot.astype(jnp.float32)
    sums_ref[...] += jnp.dot(onehot, h3, preferred_element_type=jnp.float32)


def _pool(h, quarters, batch_blocks):
    C = h.shape[1]
    return pl.pallas_call(
        _pool_body,
        grid=(N // _BN,),
        in_specs=[pl.BlockSpec((_BN, C), lambda i: (i, 0))]
        + [pl.BlockSpec((_BN, _HH), lambda i: (i, 0))] * 4
        + [pl.BlockSpec((1, 1, _BN), lambda i: (i, 0, 0))],
        out_specs=pl.BlockSpec((G, C), lambda i: (0, 0)),
        out_shape=jax.ShapeDtypeStruct((G, C), jnp.float32),
    )(h, *quarters, batch_blocks)


def _probe_body(sums_ref, batch_ref, wp_ref, bp_ref, out_ref):
    bb = batch_ref[...]
    onehot = (bb == lax.broadcasted_iota(jnp.int32, (G, N), 0))
    counts = jnp.sum(onehot.astype(jnp.float32), axis=1, keepdims=True)
    pooled = sums_ref[...] / jnp.maximum(counts, 1.0)
    out_ref[...] = (jnp.sum(pooled * wp_ref[...], axis=1, keepdims=True)
                    + bp_ref[0])


def _probe(sums, batch_row, wp, bp):
    return pl.pallas_call(
        _probe_body,
        out_shape=jax.ShapeDtypeStruct((G, 1), jnp.float32),
    )(sums, batch_row, wp, bp)



def _prep_layer(Wf, bf, Ws, bs, D):
    Wf_d, Wf_s, Wf_e = Wf[:, :D], Wf[:, D:2 * D], Wf[:, 2 * D:]
    Ws_d, Ws_s, Ws_e = Ws[:, :D], Ws[:, D:2 * D], Ws[:, 2 * D:]
    wd, wsrc, wedg, bedg = [], [], [], []
    for i in range(D // _TW):
        for h in (0, 1):
            sl = slice(i * _TW + h * _HH, i * _TW + (h + 1) * _HH)
            wd.append(jnp.concatenate([Wf_d[sl], Ws_d[sl]], axis=0).T)
            wsrc.append(jnp.concatenate([Wf_s[sl], Ws_s[sl]], axis=0).T)
            wedg.append(jnp.concatenate([Wf_e[sl], Ws_e[sl]], axis=0).T)
            bedg.append(jnp.concatenate([bf[sl], bs[sl]]))
    return (jnp.concatenate(wd, axis=1),
            jnp.concatenate(wsrc, axis=1),
            jnp.concatenate(wedg, axis=1),
            jnp.concatenate(bedg)[None, :])


def _run_sc_call(h, prep, ea, dst, src, sc_calls):
    wd, ws, we, be = prep
    ad_full, as_full = _node_tables(h, wd, ws)
    ae_full = _edge_tables(ea, we, be)
    u_full = ad_full[dst] + as_full[src]
    quarters = []
    for sc in sc_calls:
        agg = sc(u_full, ae_full, dst)
        quarters.append(agg[0, :N, :_HH])
        quarters.append(agg[1, :N, :_HH])
    return quarters


def kernel(x, edge_index, edge_attr, batch, Wf1, bf1, Ws1, bs1, Wlin, blin,
           Wf2, bf2, Ws2, bs2, Wf3, bf3, Ws3, bs3, Wp, bp):
    src = edge_index[0]
    dst = edge_index[1]
    batch_blocks = batch.reshape(N // _BN, 1, _BN)
    batch_row = batch.reshape(1, N)

    p1 = _prep_layer(Wf1, bf1, Ws1, bs1, 128)
    p2 = _prep_layer(Wf2, bf2, Ws2, bs2, 256)
    p3 = _prep_layer(Wf3, bf3, Ws3, bs3, 256)

    q0, q1 = _run_sc_call(x, p1, edge_attr, dst, src, [_sc_call_0])

    hlin = _lin(x, q0, q1, Wlin.T, blin[None, :])

    quarters2 = _run_sc_call(hlin, p2, edge_attr, dst, src,
                             [_sc_call_0w, _sc_call_1w])

    ad_full, as_full, h2 = _node_tables_res(hlin, quarters2, p3[0], p3[1])
    ae_full = _edge_tables(edge_attr, p3[2], p3[3])
    u_full = ad_full[dst] + as_full[src]
    quarters3 = []
    for sc in (_sc_call_0w, _sc_call_1w):
        agg = sc(u_full, ae_full, dst)
        quarters3.append(agg[0, :N, :_HH])
        quarters3.append(agg[1, :N, :_HH])

    sums = _pool(h2, quarters3, batch_blocks)
    return _probe(sums, batch_row, Wp, bp)

# --- scband reference (transcript-rebuilt; emitter-appended) ---
"""Pipeline reference for scband-frozen-transfer-model-39994735460852 (READ-ONLY COPY).

The authoritative reference and input builder live on the scoring server;
editing this copy changes nothing except your own understanding.
"""

import jax, jax.numpy as jnp
import numpy as np

N = 10000
E = 320000
DF = 128   # node_features
DE = 16    # edge_features
H = 256    # hidden_channels
G = 16     # number of graphs in batch


def _linear_params(key, out_dim, in_dim):
    k1, k2 = jax.random.split(key)
    W = jax.random.normal(k1, (out_dim, in_dim), dtype=jnp.float32) * 0.05
    b = jax.random.normal(k2, (out_dim,), dtype=jnp.float32) * 0.05
    return W, b


def setup_inputs(seed: int = 0) -> dict:
    key = jax.random.key(seed)
    ks = jax.random.split(key, 16)
    x = jax.random.normal(ks[0], (N, DF), dtype=jnp.float32)
    edge_index = jax.random.randint(ks[1], (2, E), 0, N, dtype=jnp.int32)
    edge_attr = jax.random.uniform(ks[2], (E, DE), dtype=jnp.float32)
    batch = jnp.sort(jax.random.randint(ks[3], (N,), 0, G, dtype=jnp.int32))
    # conv1: CGConv(channels=DF, dim=DE) -> lin_f, lin_s: (DF, 2*DF+DE)
    Wf1, bf1 = _linear_params(ks[4], DF, 2 * DF + DE)
    Ws1, bs1 = _linear_params(ks[5], DF, 2 * DF + DE)
    # lin_in: Linear(DF -> H)
    Wlin, blin = _linear_params(ks[6], H, DF)
    # convs (num_conv_layers - 1 = 2): CGConv(channels=H, dim=DE)
    Wf2, bf2 = _linear_params(ks[7], H, 2 * H + DE)
    Ws2, bs2 = _linear_params(ks[8], H, 2 * H + DE)
    Wf3, bf3 = _linear_params(ks[9], H, 2 * H + DE)
    Ws3, bs3 = _linear_params(ks[10], H, 2 * H + DE)
    # probe: Linear(H -> 1)
    Wp, bp = _linear_params(ks[11], 1, H)
    return {"x": x, "edge_index": edge_index, "edge_attr": edge_attr, "batch": batch,
            "Wf1": Wf1, "bf1": bf1, "Ws1": Ws1, "bs1": bs1,
            "Wlin": Wlin, "blin": blin,
            "Wf2": Wf2, "bf2": bf2, "Ws2": Ws2, "bs2": bs2,
            "Wf3": Wf3, "bf3": bf3, "Ws3": Ws3, "bs3": bs3,
            "Wp": Wp, "bp": bp}


def _cgconv(x, src, dst, edge_attr, Wf, bf, Ws, bs):
    # PyG CGConv with aggr='add': z = [x_i, x_j, e_ij];
    # msg = sigmoid(lin_f(z)) * softplus(lin_s(z)); out = x + scatter_add(msg, dst)
    z = jnp.concatenate([x[dst], x[src], edge_attr], axis=-1)
    gate = jax.nn.sigmoid(z @ Wf.T + bf)
    core = jax.nn.softplus(z @ Ws.T + bs)
    msg = gate * core
    agg = jax.ops.segment_sum(msg, dst, num_segments=x.shape[0])
    return x + agg


def reference(x, edge_index, edge_attr, batch,
              Wf1, bf1, Ws1, bs1, Wlin, blin,
              Wf2, bf2, Ws2, bs2, Wf3, bf3, Ws3, bs3,
              Wp, bp):
    src = edge_index[0]
    dst = edge_index[1]
    h = _cgconv(x, src, dst, edge_attr, Wf1, bf1, Ws1, bs1)
    h = jax.nn.relu(h)
    h = h @ Wlin.T + blin
    for (Wf, bf, Ws, bs) in ((Wf2, bf2, Ws2, bs2), (Wf3, bf3, Ws3, bs3)):
        h = _cgconv(h, src, dst, edge_attr, Wf, bf, Ws, bs)
        h = jax.nn.relu(h)
    # global_mean_pool
    sums = jax.ops.segment_sum(h, batch, num_segments=G)
    counts = jax.ops.segment_sum(jnp.ones((h.shape[0],), dtype=jnp.float32), batch, num_segments=G)
    pooled = sums / jnp.maximum(counts, 1.0)[:, None]
    return pooled @ Wp.T + bp


if False:  # reference __main__ guard neutralized (emitter)
    out = reference(**setup_inputs())
    print(out.shape)

if __name__ == "__main__":
    import jax
    _d = setup_inputs()
    print(jax.jit(kernel)(*tuple(_d.values())))

</pallas_src>

<mosaic_0001>
#map = affine_map<(d0, d1) -> (0, 0)>
#map1 = affine_map<(d0, d1) -> (0)>
#map2 = affine_map<(d0, d1) -> (0, 0, 0)>
module attributes {stable_mosaic.version = 14 : i64} {
  func.func @sc_layer(%arg0: i32, %arg1: i32, %arg2: memref<320000x256xf32, #tpu.memory_space<hbm>>, %arg3: memref<320000x256xf32, #tpu.memory_space<hbm>>, %arg4: memref<320000xi32, #tpu.memory_space<hbm>>, %arg5: memref<2x10240x128xf32, #tpu.memory_space<hbm>>, %arg6: memref<80xi32, #tpu.memory_space<vmem>>, %arg7: memref<80x128xf32, #tpu.memory_space<vmem>>, %arg8: memref<80x128xf32, #tpu.memory_space<vmem>>, %arg9: memref<80x128xf32, #tpu.memory_space<vmem>>, %arg10: memref<128x128xf32, #tpu.memory_space<vmem>>, %arg11: memref<10240x128xf32, #tpu.memory_space<vmem_shared>>) attributes {dimension_semantics = [#tpu.dimension_semantics<core_parallel>, #tpu.dimension_semantics<subcore_parallel>], iteration_bounds = array<i64: 2, 16>, scalar_prefetch = 0 : i64, scratch_operands = 6 : i64, tpu.core_type = #tpu.core_type<sc_vector_subcore>, window_params = [{transform_indices = #map}, {transform_indices = #map}, {transform_indices = #map1}, {transform_indices = #map2}]} {
    %scan3A = arith.constant 0 : i32
    %scan3A_0 = arith.constant 0 : i32
    %scan3A_1 = arith.constant 128 : i32
    %scan3A_2 = arith.addi %scan3A_0, %scan3A_1 : i32
    %scan3A_3 = arith.constant 1 : i32
    scf.for %scan3A_42 = %scan3A_0 to %scan3A_2 step %scan3A_3  : i32 {
      %broadcast_in_dim3A = arith.constant 0.000000e+00 : f32
      %broadcast_in_dim3A_43 = vector.broadcast %broadcast_in_dim3A : f32 to vector<16xf32>
      %swap3A = arith.index_cast %scan3A_42 : i32 to index
      %swap3A_44 = arith.constant 0 : index
      %swap3A_45 = tpu.vector_load %arg10[%swap3A, %swap3A_44] {strides = array<i32>} : memref<128x128xf32, #tpu.memory_space<vmem>>, vector<1x16xf32>,
      %swap3A_46 = vector.shape_cast %swap3A_45 : vector<1x16xf32> to vector<16xf32>
      %swap3A_47 = vector.shape_cast %broadcast_in_dim3A_43 : vector<16xf32> to vector<1x16xf32>
      tpu.vector_store %arg10[%swap3A, %swap3A_44], %swap3A_47 {strides = array<i32>} : memref<128x128xf32, #tpu.memory_space<vmem>>, vector<1x16xf32>,
      %broadcast_in_dim3A_48 = arith.constant 0.000000e+00 : f32
      %broadcast_in_dim3A_49 = vector.broadcast %broadcast_in_dim3A_48 : f32 to vector<16xf32>
      %swap3A_50 = arith.index_cast %scan3A_42 : i32 to index
      %swap3A_51 = arith.constant 16 : index
      %swap3A_52 = tpu.vector_load %arg10[%swap3A_50, %swap3A_51] {strides = array<i32>} : memref<128x128xf32, #tpu.memory_space<vmem>>, vector<1x16xf32>,
      %swap3A_53 = vector.shape_cast %swap3A_52 : vector<1x16xf32> to vector<16xf32>
      %swap3A_54 = vector.shape_cast %broadcast_in_dim3A_49 : vector<16xf32> to vector<1x16xf32>
      tpu.vector_store %arg10[%swap3A_50, %swap3A_51], %swap3A_54 {strides = array<i32>} : memref<128x128xf32, #tpu.memory_space<vmem>>, vector<1x16xf32>,
      %broadcast_in_dim3A_55 = arith.constant 0.000000e+00 : f32
      %broadcast_in_dim3A_56 = vector.broadcast %broadcast_in_dim3A_55 : f32 to vector<16xf32>
      %swap3A_57 = arith.index_cast %scan3A_42 : i32 to index
      %swap3A_58 = arith.constant 32 : index
      %swap3A_59 = tpu.vector_load %arg10[%swap3A_57, %swap3A_58] {strides = array<i32>} : memref<128x128xf32, #tpu.memory_space<vmem>>, vector<1x16xf32>,
      %swap3A_60 = vector.shape_cast %swap3A_59 : vector<1x16xf32> to vector<16xf32>
      %swap3A_61 = vector.shape_cast %broadcast_in_dim3A_56 : vector<16xf32> to vector<1x16xf32>
      tpu.vector_store %arg10[%swap3A_57, %swap3A_58], %swap3A_61 {strides = array<i32>} : memref<128x128xf32, #tpu.memory_space<vmem>>, vector<1x16xf32>,
      %broadcast_in_dim3A_62 = arith.constant 0.000000e+00 : f32
      %broadcast_in_dim3A_63 = vector.broadcast %broadcast_in_dim3A_62 : f32 to vector<16xf32>
      %swap3A_64 = arith.index_cast %scan3A_42 : i32 to index
      %swap3A_65 = arith.constant 48 : index
      %swap3A_66 = tpu.vector_load %arg10[%swap3A_64, %swap3A_65] {strides = array<i32>} : memref<128x128xf32, #tpu.memory_space<vmem>>, vector<1x16xf32>,
      %swap3A_67 = vector.shape_cast %swap3A_66 : vector<1x16xf32> to vector<16xf32>
      %swap3A_68 = vector.shape_cast %broadcast_in_dim3A_63 : vector<16xf32> to vector<1x16xf32>
      tpu.vector_store %arg10[%swap3A_64, %swap3A_65], %swap3A_68 {strides = array<i32>} : memref<128x128xf32, #tpu.memory_space<vmem>>, vector<1x16xf32>,
      %broadcast_in_dim3A_69 = arith.constant 0.000000e+00 : f32
      %broadcast_in_dim3A_70 = vector.broadcast %broadcast_in_dim3A_69 : f32 to vector<16xf32>
      %swap3A_71 = arith.index_cast %scan3A_42 : i32 to index
      %swap3A_72 = arith.constant 64 : index
      %swap3A_73 = tpu.vector_load %arg10[%swap3A_71, %swap3A_72] {strides = array<i32>} : memref<128x128xf32, #tpu.memory_space<vmem>>, vector<1x16xf32>,
      %swap3A_74 = vector.shape_cast %swap3A_73 : vector<1x16xf32> to vector<16xf32>
      %swap3A_75 = vector.shape_cast %broadcast_in_dim3A_70 : vector<16xf32> to vector<1x16xf32>
      tpu.vector_store %arg10[%swap3A_71, %swap3A_72], %swap3A_75 {strides = array<i32>} : memref<128x128xf32, #tpu.memory_space<vmem>>, vector<1x16xf32>,
      %broadcast_in_dim3A_76 = arith.constant 0.000000e+00 : f32
      %broadcast_in_dim3A_77 = vector.broadcast %broadcast_in_dim3A_76 : f32 to vector<16xf32>
      %swap3A_78 = arith.index_cast %scan3A_42 : i32 to index
      %swap3A_79 = arith.constant 80 : index
      %swap3A_80 = tpu.vector_load %arg10[%swap3A_78, %swap3A_79] {strides = array<i32>} : memref<128x128xf32, #tpu.memory_space<vmem>>, vector<1x16xf32>,
      %swap3A_81 = vector.shape_cast %swap3A_80 : vector<1x16xf32> to vector<16xf32>
      %swap3A_82 = vector.shape_cast %broadcast_in_dim3A_77 : vector<16xf32> to vector<1x16xf32>
      tpu.vector_store %arg10[%swap3A_78, %swap3A_79], %swap3A_82 {strides = array<i32>} : memref<128x128xf32, #tpu.memory_space<vmem>>, vector<1x16xf32>,
      %broadcast_in_dim3A_83 = arith.constant 0.000000e+00 : f32
      %broadcast_in_dim3A_84 = vector.broadcast %broadcast_in_dim3A_83 : f32 to vector<16xf32>
      %swap3A_85 = arith.index_cast %scan3A_42 : i32 to index
      %swap3A_86 = arith.constant 96 : index
      %swap3A_87 = tpu.vector_load %arg10[%swap3A_85, %swap3A_86] {strides = array<i32>} : memref<128x128xf32, #tpu.memory_space<vmem>>, vector<1x16xf32>,
      %swap3A_88 = vector.shape_cast %swap3A_87 : vector<1x16xf32> to vector<16xf32>
      %swap3A_89 = vector.shape_cast %broadcast_in_dim3A_84 : vector<16xf32> to vector<1x16xf32>
      tpu.vector_store %arg10[%swap3A_85, %swap3A_86], %swap3A_89 {strides = array<i32>} : memref<128x128xf32, #tpu.memory_space<vmem>>, vector<1x16xf32>,
      %broadcast_in_dim3A_90 = arith.constant 0.000000e+00 : f32
      %broadcast_in_dim3A_91 = vector.broadcast %broadcast_in_dim3A_90 : f32 to vector<16xf32>
      %swap3A_92 = arith.index_cast %scan3A_42 : i32 to index
      %swap3A_93 = arith.constant 112 : index
      %swap3A_94 = tpu.vector_load %arg10[%swap3A_92, %swap3A_93] {strides = array<i32>} : memref<128x128xf32, #tpu.memory_space<vmem>>, vector<1x16xf32>,
      %swap3A_95 = vector.shape_cast %swap3A_94 : vector<1x16xf32> to vector<16xf32>
      %swap3A_96 = vector.shape_cast %broadcast_in_dim3A_91 : vector<16xf32> to vector<1x16xf32>
      tpu.vector_store %arg10[%swap3A_92, %swap3A_93], %swap3A_96 {strides = array<i32>} : memref<128x128xf32, #tpu.memory_space<vmem>>, vector<1x16xf32>,
    }
    %scan3A_4 = arith.constant 128 : i32
    %scan3A_5 = arith.constant 0 : i32
    %scan3A_6 = arith.constant 0 : i32
    %scan3A_7 = arith.constant 80 : i32
    %scan3A_8 = arith.addi %scan3A_6, %scan3A_7 : i32
    %scan3A_9 = arith.constant 1 : i32
    scf.for %scan3A_42 = %scan3A_6 to %scan3A_8 step %scan3A_9  : i32 {
      %broadcast_in_dim3A = arith.constant 0.000000e+00 : f32
      %broadcast_in_dim3A_43 = vector.broadcast %broadcast_in_dim3A : f32 to vector<16xf32>
      %swap3A = arith.index_cast %scan3A_42 : i32 to index
      %swap3A_44 = arith.constant 64 : index
      %swap3A_45 = tpu.vector_load %arg9[%swap3A, %swap3A_44] {strides = array<i32>} : memref<80x128xf32, #tpu.memory_space<vmem>>, vector<1x16xf32>,
      %swap3A_46 = vector.shape_cast %swap3A_45 : vector<1x16xf32> to vector<16xf32>
      %swap3A_47 = vector.shape_cast %broadcast_in_dim3A_43 : vector<16xf32> to vector<1x16xf32>
      tpu.vector_store %arg9[%swap3A, %swap3A_44], %swap3A_47 {strides = array<i32>} : memref<80x128xf32, #tpu.memory_space<vmem>>, vector<1x16xf32>,
      %broadcast_in_dim3A_48 = arith.constant 0.000000e+00 : f32
      %broadcast_in_dim3A_49 = vector.broadcast %broadcast_in_dim3A_48 : f32 to vector<16xf32>
      %swap3A_50 = arith.index_cast %scan3A_42 : i32 to index
      %swap3A_51 = arith.constant 80 : index
      %swap3A_52 = tpu.vector_load %arg9[%swap3A_50, %swap3A_51] {strides = array<i32>} : memref<80x128xf32, #tpu.memory_space<vmem>>, vector<1x16xf32>,
      %swap3A_53 = vector.shape_cast %swap3A_52 : vector<1x16xf32> to vector<16xf32>
      %swap3A_54 = vector.shape_cast %broadcast_in_dim3A_49 : vector<16xf32> to vector<1x16xf32>
      tpu.vector_store %arg9[%swap3A_50, %swap3A_51], %swap3A_54 {strides = array<i32>} : memref<80x128xf32, #tpu.memory_space<vmem>>, vector<1x16xf32>,
      %broadcast_in_dim3A_55 = arith.constant 0.000000e+00 : f32
      %broadcast_in_dim3A_56 = vector.broadcast %broadcast_in_dim3A_55 : f32 to vector<16xf32>
      %swap3A_57 = arith.index_cast %scan3A_42 : i32 to index
      %swap3A_58 = arith.constant 96 : index
      %swap3A_59 = tpu.vector_load %arg9[%swap3A_57, %swap3A_58] {strides = array<i32>} : memref<80x128xf32, #tpu.memory_space<vmem>>, vector<1x16xf32>,
      %swap3A_60 = vector.shape_cast %swap3A_59 : vector<1x16xf32> to vector<16xf32>
      %swap3A_61 = vector.shape_cast %broadcast_in_dim3A_56 : vector<16xf32> to vector<1x16xf32>
      tpu.vector_store %arg9[%swap3A_57, %swap3A_58], %swap3A_61 {strides = array<i32>} : memref<80x128xf32, #tpu.memory_space<vmem>>, vector<1x16xf32>,
      %broadcast_in_dim3A_62 = arith.constant 0.000000e+00 : f32
      %broadcast_in_dim3A_63 = vector.broadcast %broadcast_in_dim3A_62 : f32 to vector<16xf32>
      %swap3A_64 = arith.index_cast %scan3A_42 : i32 to index
      %swap3A_65 = arith.constant 112 : index
      %swap3A_66 = tpu.vector_load %arg9[%swap3A_64, %swap3A_65] {strides = array<i32>} : memref<80x128xf32, #tpu.memory_space<vmem>>, vector<1x16xf32>,
      %swap3A_67 = vector.shape_cast %swap3A_66 : vector<1x16xf32> to vector<16xf32>
      %swap3A_68 = vector.shape_cast %broadcast_in_dim3A_63 : vector<16xf32> to vector<1x16xf32>
      tpu.vector_store %arg9[%swap3A_64, %swap3A_65], %swap3A_68 {strides = array<i32>} : memref<80x128xf32, #tpu.memory_space<vmem>>, vector<1x16xf32>,
    }
    %scan3A_10 = arith.constant 80 : i32
    %mul3A = arith.constant 640 : i32
    %mul3A_11 = arith.muli %arg1, %mul3A : i32
    %add3A = arith.constant 0 : i32
    %add3A_12 = arith.addi %mul3A_11, %add3A : i32
    "tpu.region"() ({
      %run_scoped3A = tpu.sem_alloc : memref<!tpu.dma_semaphore, #tpu.memory_space<semaphore_mem>>
      %dma_start3A = arith.constant 0 : i32
      %dma_start3A_42 = tpu.memref_slice %arg11[%add3A_12, %dma_start3A] : memref<10240x128xf32, #tpu.memory_space<vmem_shared>> -> memref<128x128xf32, #tpu.memory_space<vmem_shared>>
      %dma_start3A_43 = arith.constant 0 : i32
      %dma_start3A_44 = tpu.memref_slice %arg11[%add3A_12, %dma_start3A_43] : memref<10240x128xf32, #tpu.memory_space<vmem_shared>> -> memref<128x128xf32, #tpu.memory_space<vmem_shared>>
      tpu.enqueue_dma source(%arg10 : memref<128x128xf32, #tpu.memory_space<vmem>>) target(%dma_start3A_44 : memref<128x128xf32, #tpu.memory_space<vmem_shared>>) target_semaphore(%run_scoped3A : memref<!tpu.dma_semaphore, #tpu.memory_space<semaphore_mem>>)
      %dma_wait3A = arith.constant 0 : i32
      %dma_wait3A_45 = tpu.memref_slice %arg11[%add3A_12, %dma_wait3A] : memref<10240x128xf32, #tpu.memory_space<vmem_shared>> -> memref<128x128xf32, #tpu.memory_space<vmem_shared>>
      %dma_wait3A_46 = arith.constant 0 : i32
      %dma_wait3A_47 = tpu.memref_slice %arg11[%add3A_12, %dma_wait3A_46] : memref<10240x128xf32, #tpu.memory_space<vmem_shared>> -> memref<128x128xf32, #tpu.memory_space<vmem_shared>>
      tpu.wait_dma2 semaphore(%run_scoped3A : memref<!tpu.dma_semaphore, #tpu.memory_space<semaphore_mem>>) src(%arg10 : memref<128x128xf32, #tpu.memory_space<vmem>>) dst(%dma_wait3A_47 : memref<128x128xf32, #tpu.memory_space<vmem_shared>>)
      tpu.yield
    }) : () -> ()
    %mul3A_13 = arith.constant 640 : i32
    %mul3A_14 = arith.muli %arg1, %mul3A_13 : i32
    %add3A_15 = arith.constant 128 : i32
    %add3A_16 = arith.addi %mul3A_14, %add3A_15 : i32
    "tpu.region"() ({
      %run_scoped3A = tpu.sem_alloc : memref<!tpu.dma_semaphore, #tpu.memory_space<semaphore_mem>>
      %dma_start3A = arith.constant 0 : i32
      %dma_start3A_42 = tpu.memref_slice %arg11[%add3A_16, %dma_start3A] : memref<10240x128xf32, #tpu.memory_space<vmem_shared>> -> memref<128x128xf32, #tpu.memory_space<vmem_shared>>
      %dma_start3A_43 = arith.constant 0 : i32
      %dma_start3A_44 = tpu.memref_slice %arg11[%add3A_16, %dma_start3A_43] : memref<10240x128xf32, #tpu.memory_space<vmem_shared>> -> memref<128x128xf32, #tpu.memory_space<vmem_shared>>
      tpu.enqueue_dma source(%arg10 : memref<128x128xf32, #tpu.memory_space<vmem>>) target(%dma_start3A_44 : memref<128x128xf32, #tpu.memory_space<vmem_shared>>) target_semaphore(%run_scoped3A : memref<!tpu.dma_semaphore, #tpu.memory_space<semaphore_mem>>)
      %dma_wait3A = arith.constant 0 : i32
      %dma_wait3A_45 = tpu.memref_slice %arg11[%add3A_16, %dma_wait3A] : memref<10240x128xf32, #tpu.memory_space<vmem_shared>> -> memref<128x128xf32, #tpu.memory_space<vmem_shared>>
      %dma_wait3A_46 = arith.constant 0 : i32
      %dma_wait3A_47 = tpu.memref_slice %arg11[%add3A_16, %dma_wait3A_46] : memref<10240x128xf32, #tpu.memory_space<vmem_shared>> -> memref<128x128xf32, #tpu.memory_space<vmem_shared>>
      tpu.wait_dma2 semaphore(%run_scoped3A : memref<!tpu.dma_semaphore, #tpu.memory_space<semaphore_mem>>) src(%arg10 : memref<128x128xf32, #tpu.memory_space<vmem>>) dst(%dma_wait3A_47 : memref<128x128xf32, #tpu.memory_space<vmem_shared>>)
      tpu.yield
    }) : () -> ()
    %mul3A_17 = arith.constant 640 : i32
    %mul3A_18 = arith.muli %arg1, %mul3A_17 : i32
    %add3A_19 = arith.constant 256 : i32
    %add3A_20 = arith.addi %mul3A_18, %add3A_19 : i32
    "tpu.region"() ({
      %run_scoped3A = tpu.sem_alloc : memref<!tpu.dma_semaphore, #tpu.memory_space<semaphore_mem>>
      %dma_start3A = arith.constant 0 : i32
      %dma_start3A_42 = tpu.memref_slice %arg11[%add3A_20, %dma_start3A] : memref<10240x128xf32, #tpu.memory_space<vmem_shared>> -> memref<128x128xf32, #tpu.memory_space<vmem_shared>>
      %dma_start3A_43 = arith.constant 0 : i32
      %dma_start3A_44 = tpu.memref_slice %arg11[%add3A_20, %dma_start3A_43] : memref<10240x128xf32, #tpu.memory_space<vmem_shared>> -> memref<128x128xf32, #tpu.memory_space<vmem_shared>>
      tpu.enqueue_dma source(%arg10 : memref<128x128xf32, #tpu.memory_space<vmem>>) target(%dma_start3A_44 : memref<128x128xf32, #tpu.memory_space<vmem_shared>>) target_semaphore(%run_scoped3A : memref<!tpu.dma_semaphore, #tpu.memory_space<semaphore_mem>>)
      %dma_wait3A = arith.constant 0 : i32
      %dma_wait3A_45 = tpu.memref_slice %arg11[%add3A_20, %dma_wait3A] : memref<10240x128xf32, #tpu.memory_space<vmem_shared>> -> memref<128x128xf32, #tpu.memory_space<vmem_shared>>
      %dma_wait3A_46 = arith.constant 0 : i32
      %dma_wait3A_47 = tpu.memref_slice %arg11[%add3A_20, %dma_wait3A_46] : memref<10240x128xf32, #tpu.memory_space<vmem_shared>> -> memref<128x128xf32, #tpu.memory_space<vmem_shared>>
      tpu.wait_dma2 semaphore(%run_scoped3A : memref<!tpu.dma_semaphore, #tpu.memory_space<semaphore_mem>>) src(%arg10 : memref<128x128xf32, #tpu.memory_space<vmem>>) dst(%dma_wait3A_47 : memref<128x128xf32, #tpu.memory_space<vmem_shared>>)
      tpu.yield
    }) : () -> ()
    %mul3A_21 = arith.constant 640 : i32
    %mul3A_22 = arith.muli %arg1, %mul3A_21 : i32
    %add3A_23 = arith.constant 384 : i32
    %add3A_24 = arith.addi %mul3A_22, %add3A_23 : i32
    "tpu.region"() ({
      %run_scoped3A = tpu.sem_alloc : memref<!tpu.dma_semaphore, #tpu.memory_space<semaphore_mem>>
      %dma_start3A = arith.constant 0 : i32
      %dma_start3A_42 = tpu.memref_slice %arg11[%add3A_24, %dma_start3A] : memref<10240x128xf32, #tpu.memory_space<vmem_shared>> -> memref<128x128xf32, #tpu.memory_space<vmem_shared>>
      %dma_start3A_43 = arith.constant 0 : i32
      %dma_start3A_44 = tpu.memref_slice %arg11[%add3A_24, %dma_start3A_43] : memref<10240x128xf32, #tpu.memory_space<vmem_shared>> -> memref<128x128xf32, #tpu.memory_space<vmem_shared>>
      tpu.enqueue_dma source(%arg10 : memref<128x128xf32, #tpu.memory_space<vmem>>) target(%dma_start3A_44 : memref<128x128xf32, #tpu.memory_space<vmem_shared>>) target_semaphore(%run_scoped3A : memref<!tpu.dma_semaphore, #tpu.memory_space<semaphore_mem>>)
      %dma_wait3A = arith.constant 0 : i32
      %dma_wait3A_45 = tpu.memref_slice %arg11[%add3A_24, %dma_wait3A] : memref<10240x128xf32, #tpu.memory_space<vmem_shared>> -> memref<128x128xf32, #tpu.memory_space<vmem_shared>>
      %dma_wait3A_46 = arith.constant 0 : i32
      %dma_wait3A_47 = tpu.memref_slice %arg11[%add3A_24, %dma_wait3A_46] : memref<10240x128xf32, #tpu.memory_space<vmem_shared>> -> memref<128x128xf32, #tpu.memory_space<vmem_shared>>
      tpu.wait_dma2 semaphore(%run_scoped3A : memref<!tpu.dma_semaphore, #tpu.memory_space<semaphore_mem>>) src(%arg10 : memref<128x128xf32, #tpu.memory_space<vmem>>) dst(%dma_wait3A_47 : memref<128x128xf32, #tpu.memory_space<vmem_shared>>)
      tpu.yield
    }) : () -> ()
    %mul3A_25 = arith.constant 640 : i32
    %mul3A_26 = arith.muli %arg1, %mul3A_25 : i32
    %add3A_27 = arith.constant 512 : i32
    %add3A_28 = arith.addi %mul3A_26, %add3A_27 : i32
    "tpu.region"() ({
      %run_scoped3A = tpu.sem_alloc : memref<!tpu.dma_semaphore, #tpu.memory_space<semaphore_mem>>
      %dma_start3A = arith.constant 0 : i32
      %dma_start3A_42 = tpu.memref_slice %arg11[%add3A_28, %dma_start3A] : memref<10240x128xf32, #tpu.memory_space<vmem_shared>> -> memref<128x128xf32, #tpu.memory_space<vmem_shared>>
      %dma_start3A_43 = arith.constant 0 : i32
      %dma_start3A_44 = tpu.memref_slice %arg11[%add3A_28, %dma_start3A_43] : memref<10240x128xf32, #tpu.memory_space<vmem_shared>> -> memref<128x128xf32, #tpu.memory_space<vmem_shared>>
      tpu.enqueue_dma source(%arg10 : memref<128x128xf32, #tpu.memory_space<vmem>>) target(%dma_start3A_44 : memref<128x128xf32, #tpu.memory_space<vmem_shared>>) target_semaphore(%run_scoped3A : memref<!tpu.dma_semaphore, #tpu.memory_space<semaphore_mem>>)
      %dma_wait3A = arith.constant 0 : i32
      %dma_wait3A_45 = tpu.memref_slice %arg11[%add3A_28, %dma_wait3A] : memref<10240x128xf32, #tpu.memory_space<vmem_shared>> -> memref<128x128xf32, #tpu.memory_space<vmem_shared>>
      %dma_wait3A_46 = arith.constant 0 : i32
      %dma_wait3A_47 = tpu.memref_slice %arg11[%add3A_28, %dma_wait3A_46] : memref<10240x128xf32, #tpu.memory_space<vmem_shared>> -> memref<128x128xf32, #tpu.memory_space<vmem_shared>>
      tpu.wait_dma2 semaphore(%run_scoped3A : memref<!tpu.dma_semaphore, #tpu.memory_space<semaphore_mem>>) src(%arg10 : memref<128x128xf32, #tpu.memory_space<vmem>>) dst(%dma_wait3A_47 : memref<128x128xf32, #tpu.memory_space<vmem_shared>>)
      tpu.yield
    }) : () -> ()
    %barrier3A = arith.constant 0 : index
    tpu.barrier barrier_id(%barrier3A)
    %mul3A_29 = arith.constant 20000 : i32
    %mul3A_30 = arith.muli %arg1, %mul3A_29 : i32
    %scan3A_31 = arith.constant 0 : i32
    %scan3A_32 = arith.constant 0 : i32
    %scan3A_33 = arith.constant 250 : i32
    %scan3A_34 = arith.addi %scan3A_32, %scan3A_33 : i32
    %scan3A_35 = arith.constant 1 : i32
    scf.for %scan3A_42 = %scan3A_32 to %scan3A_34 step %scan3A_35  : i32 {
      %mul3A_43 = arith.constant 80 : i32
      %mul3A_44 = arith.muli %scan3A_42, %mul3A_43 : i32
      %add3A_45 = arith.addi %mul3A_30, %mul3A_44 : i32
      %add3A_46 = arith.constant 0 : i32
      %add3A_47 = arith.addi %add3A_46, %arg0 : i32
      %mul3A_48 = arith.constant 128 : i32
      %mul3A_49 = arith.muli %add3A_47, %mul3A_48 : i32
      "tpu.region"() ({
        %run_scoped3A = tpu.sem_alloc : memref<!tpu.dma_semaphore, #tpu.memory_space<semaphore_mem>>
        %dma_start3A = tpu.memref_slice %arg4[%add3A_45] : memref<320000xi32, #tpu.memory_space<hbm>> -> memref<80xi32, #tpu.memory_space<hbm>>
        %dma_start3A_56 = tpu.memref_slice %arg4[%add3A_45] : memref<320000xi32, #tpu.memory_space<hbm>> -> memref<80xi32, #tpu.memory_space<hbm>>
        tpu.enqueue_dma source(%dma_start3A_56 : memref<80xi32, #tpu.memory_space<hbm>>) target(%arg6 : memref<80xi32, #tpu.memory_space<vmem>>) target_semaphore(%run_scoped3A : memref<!tpu.dma_semaphore, #tpu.memory_space<semaphore_mem>>)
        %dma_wait3A = tpu.memref_slice %arg4[%add3A_45] : memref<320000xi32, #tpu.memory_space<hbm>> -> memref<80xi32, #tpu.memory_space<hbm>>
        %dma_wait3A_57 = tpu.memref_slice %arg4[%add3A_45] : memref<320000xi32, #tpu.memory_space<hbm>> -> memref<80xi32, #tpu.memory_space<hbm>>
        tpu.wait_dma2 semaphore(%run_scoped3A : memref<!tpu.dma_semaphore, #tpu.memory_space<semaphore_mem>>) src(%dma_wait3A_57 : memref<80xi32, #tpu.memory_space<hbm>>) dst(%arg6 : memref<80xi32, #tpu.memory_space<vmem>>)
        tpu.yield
      }) : () -> ()
      "tpu.region"() ({
        %run_scoped3A = tpu.sem_alloc : memref<!tpu.dma_semaphore, #tpu.memory_space<semaphore_mem>>
        %dma_start3A = tpu.memref_slice %arg2[%add3A_45, %mul3A_49] : memref<320000x256xf32, #tpu.memory_space<hbm>> -> memref<80x128xf32, #tpu.memory_space<hbm>>
        %dma_start3A_56 = tpu.memref_slice %arg2[%add3A_45, %mul3A_49] : memref<320000x256xf32, #tpu.memory_space<hbm>> -> memref<80x128xf32, #tpu.memory_space<hbm>>
        tpu.enqueue_dma source(%dma_start3A_56 : memref<80x128xf32, #tpu.memory_space<hbm>>) target(%arg7 : memref<80x128xf32, #tpu.memory_space<vmem>>) target_semaphore(%run_scoped3A : memref<!tpu.dma_semaphore, #tpu.memory_space<semaphore_mem>>)
        %dma_wait3A = tpu.memref_slice %arg2[%add3A_45, %mul3A_49] : memref<320000x256xf32, #tpu.memory_space<hbm>> -> memref<80x128xf32, #tpu.memory_space<hbm>>
        %dma_wait3A_57 = tpu.memref_slice %arg2[%add3A_45, %mul3A_49] : memref<320000x256xf32, #tpu.memory_space<hbm>> -> memref<80x128xf32, #tpu.memory_space<hbm>>
        tpu.wait_dma2 semaphore(%run_scoped3A : memref<!tpu.dma_semaphore, #tpu.memory_space<semaphore_mem>>) src(%dma_wait3A_57 : memref<80x128xf32, #tpu.memory_space<hbm>>) dst(%arg7 : memref<80x128xf32, #tpu.memory_space<vmem>>)
        tpu.yield
      }) : () -> ()
      "tpu.region"() ({
        %run_scoped3A = tpu.sem_alloc : memref<!tpu.dma_semaphore, #tpu.memory_space<semaphore_mem>>
        %dma_start3A = tpu.memref_slice %arg3[%add3A_45, %mul3A_49] : memref<320000x256xf32, #tpu.memory_space<hbm>> -> memref<80x128xf32, #tpu.memory_space<hbm>>
        %dma_start3A_56 = tpu.memref_slice %arg3[%add3A_45, %mul3A_49] : memref<320000x256xf32, #tpu.memory_space<hbm>> -> memref<80x128xf32, #tpu.memory_space<hbm>>
        tpu.enqueue_dma source(%dma_start3A_56 : memref<80x128xf32, #tpu.memory_space<hbm>>) target(%arg8 : memref<80x128xf32, #tpu.memory_space<vmem>>) target_semaphore(%run_scoped3A : memref<!tpu.dma_semaphore, #tpu.memory_space<semaphore_mem>>)
        %dma_wait3A = tpu.memref_slice %arg3[%add3A_45, %mul3A_49] : memref<320000x256xf32, #tpu.memory_space<hbm>> -> memref<80x128xf32, #tpu.memory_space<hbm>>
        %dma_wait3A_57 = tpu.memref_slice %arg3[%add3A_45, %mul3A_49] : memref<320000x256xf32, #tpu.memory_space<hbm>> -> memref<80x128xf32, #tpu.memory_space<hbm>>
        tpu.wait_dma2 semaphore(%run_scoped3A : memref<!tpu.dma_semaphore, #tpu.memory_space<semaphore_mem>>) src(%dma_wait3A_57 : memref<80x128xf32, #tpu.memory_space<hbm>>) dst(%arg8 : memref<80x128xf32, #tpu.memory_space<vmem>>)
        tpu.yield
      }) : () -> ()
      %scan3A_50 = arith.constant 0 : i32
      %scan3A_51 = arith.constant 0 : i32
      %scan3A_52 = arith.constant 80 : i32
      %scan3A_53 = arith.addi %scan3A_51, %scan3A_52 : i32
      %scan3A_54 = arith.constant 1 : i32
      scf.for %scan3A_56 = %scan3A_51 to %scan3A_53 step %scan3A_54  : i32 {
        %get3A = arith.index_cast %scan3A_56 : i32 to index
        %get3A_57 = arith.constant 0 : index
        %get3A_58 = tpu.vector_load %arg7[%get3A, %get3A_57] {strides = array<i32>} : memref<80x128xf32, #tpu.memory_space<vmem>>, vector<1x16xf32>,
        %get3A_59 = vector.shape_cast %get3A_58 : vector<1x16xf32> to vector<16xf32>
        %get3A_60 = arith.index_cast %scan3A_56 : i32 to index
        %get3A_61 = arith.constant 0 : index
        %get3A_62 = tpu.vector_load %arg8[%get3A_60, %get3A_61] {strides = array<i32>} : memref<80x128xf32, #tpu.memory_space<vmem>>, vector<1x16xf32>,
        %get3A_63 = vector.shape_cast %get3A_62 : vector<1x16xf32> to vector<16xf32>
        %add3A_64 = arith.addf %get3A_59, %get3A_63 : vector<16xf32>
        %get3A_65 = arith.index_cast %scan3A_56 : i32 to index
        %get3A_66 = arith.constant 64 : index
        %get3A_67 = tpu.vector_load %arg7[%get3A_65, %get3A_66] {strides = array<i32>} : memref<80x128xf32, #tpu.memory_space<vmem>>, vector<1x16xf32>,
        %get3A_68 = vector.shape_cast %get3A_67 : vector<1x16xf32> to vector<16xf32>
        %get3A_69 = arith.index_cast %scan3A_56 : i32 to index
        %get3A_70 = arith.constant 64 : index
        %get3A_71 = tpu.vector_load %arg8[%get3A_69, %get3A_70] {strides = array<i32>} : memref<80x128xf32, #tpu.memory_space<vmem>>, vector<1x16xf32>,
        %get3A_72 = vector.shape_cast %get3A_71 : vector<1x16xf32> to vector<16xf32>
        %add3A_73 = arith.addf %get3A_68, %get3A_72 : vector<16xf32>
        %neg3A = arith.constant 0.000000e+00 : f32
        %neg3A_74 = vector.broadcast %neg3A : f32 to vector<16xf32>
        %neg3A_75 = arith.subf %neg3A_74, %add3A_64 : vector<16xf32>
        %exp3A = math.exp %neg3A_75 : vector<16xf32>
        %add3A_76 = arith.constant 1.000000e+00 : f32
        %add3A_77 = vector.broadcast %add3A_76 : f32 to vector<16xf32>
        %add3A_78 = arith.addf %add3A_77, %exp3A : vector<16xf32>
        %div3A = arith.constant 1.000000e+00 : f32
        %div3A_79 = vector.broadcast %div3A : f32 to vector<16xf32>
        %div3A_80 = arith.divf %div3A_79, %add3A_78 : vector<16xf32>
        %abs3A = math.absf %add3A_73 : vector<16xf32>
        %neg3A_81 = arith.constant 0.000000e+00 : f32
        %neg3A_82 = vector.broadcast %neg3A_81 : f32 to vector<16xf32>
        %neg3A_83 = arith.subf %neg3A_82, %abs3A : vector<16xf32>
        %exp3A_84 = math.exp %neg3A_83 : vector<16xf32>
        %broadcast_in_dim3A = arith.constant -0.0172080602 : f32
        %broadcast_in_dim3A_85 = vector.broadcast %broadcast_in_dim3A : f32 to vector<16xf32>
        %mul3A_86 = arith.mulf %broadcast_in_dim3A_85, %exp3A_84 : vector<16xf32>
        %add3A_87 = arith.constant 0.0817268118 : f32
        %add3A_88 = vector.broadcast %add3A_87 : f32 to vector<16xf32>
        %add3A_89 = arith.addf %mul3A_86, %add3A_88 : vector<16xf32>
        %mul3A_90 = arith.mulf %add3A_89, %exp3A_84 : vector<16xf32>
        %add3A_91 = arith.constant -0.188782677 : f32
        %add3A_92 = vector.broadcast %add3A_91 : f32 to vector<16xf32>
        %add3A_93 = arith.addf %mul3A_90, %add3A_92 : vector<16xf32>
        %mul3A_94 = arith.mulf %add3A_93, %exp3A_84 : vector<16xf32>
        %add3A_95 = arith.constant 0.314590544 : f32
        %add3A_96 = vector.broadcast %add3A_95 : f32 to vector<16xf32>
        %add3A_97 = arith.addf %mul3A_94, %add3A_96 : vector<16xf32>
        %mul3A_98 = arith.mulf %add3A_97, %exp3A_84 : vector<16xf32>
        %add3A_99 = arith.constant -0.496977925 : f32
        %add3A_100 = vector.broadcast %add3A_99 : f32 to vector<16xf32>
        %add3A_101 = arith.addf %mul3A_98, %add3A_100 : vector<16xf32>
        %mul3A_102 = arith.mulf %add3A_101, %exp3A_84 : vector<16xf32>
        %add3A_103 = arith.constant 0.999792456 : f32
        %add3A_104 = vector.broadcast %add3A_103 : f32 to vector<16xf32>
        %add3A_105 = arith.addf %mul3A_102, %add3A_104 : vector<16xf32>
        %mul3A_106 = arith.mulf %add3A_105, %exp3A_84 : vector<16xf32>
        %add3A_107 = arith.constant 3.50755204E-6 : f32
        %add3A_108 = vector.broadcast %add3A_107 : f32 to vector<16xf32>
        %add3A_109 = arith.addf %mul3A_106, %add3A_108 : vector<16xf32>
        %max3A = arith.constant 0.000000e+00 : f32
        %max3A_110 = vector.broadcast %max3A : f32 to vector<16xf32>
        %max3A_111 = arith.maximumf %add3A_73, %max3A_110 : vector<16xf32>
        %add3A_112 = arith.addf %max3A_111, %add3A_109 : vector<16xf32>
        %mul3A_113 = arith.mulf %div3A_80, %add3A_112 : vector<16xf32>
        %swap3A = arith.index_cast %scan3A_56 : i32 to index
        %swap3A_114 = arith.constant 0 : index
        %swap3A_115 = tpu.vector_load %arg9[%swap3A, %swap3A_114] {strides = array<i32>} : memref<80x128xf32, #tpu.memory_space<vmem>>, vector<1x16xf32>,
        %swap3A_116 = vector.shape_cast %swap3A_115 : vector<1x16xf32> to vector<16xf32>
        %swap3A_117 = vector.shape_cast %mul3A_113 : vector<16xf32> to vector<1x16xf32>
        tpu.vector_store %arg9[%swap3A, %swap3A_114], %swap3A_117 {strides = array<i32>} : memref<80x128xf32, #tpu.memory_space<vmem>>, vector<1x16xf32>,
        %get3A_118 = arith.index_cast %scan3A_56 : i32 to index
        %get3A_119 = arith.constant 16 : index
        %get3A_120 = tpu.vector_load %arg7[%get3A_118, %get3A_119] {strides = array<i32>} : memref<80x128xf32, #tpu.memory_space<vmem>>, vector<1x16xf32>,
        %get3A_121 = vector.shape_cast %get3A_120 : vector<1x16xf32> to vector<16xf32>
        %get3A_122 = arith.index_cast %scan3A_56 : i32 to index
        %get3A_123 = arith.constant 16 : index
        %get3A_124 = tpu.vector_load %arg8[%get3A_122, %get3A_123] {strides = array<i32>} : memref<80x128xf32, #tpu.memory_space<vmem>>, vector<1x16xf32>,
        %get3A_125 = vector.shape_cast %get3A_124 : vector<1x16xf32> to vector<16xf32>
        %add3A_126 = arith.addf %get3A_121, %get3A_125 : vector<16xf32>
        %get3A_127 = arith.index_cast %scan3A_56 : i32 to index
        %get3A_128 = arith.constant 80 : index
        %get3A_129 = tpu.vector_load %arg7[%get3A_127, %get3A_128] {strides = array<i32>} : memref<80x128xf32, #tpu.memory_space<vmem>>, vector<1x16xf32>,
        %get3A_130 = vector.shape_cast %get3A_129 : vector<1x16xf32> to vector<16xf32>
        %get3A_131 = arith.index_cast %scan3A_56 : i32 to index
        %get3A_132 = arith.constant 80 : index
        %get3A_133 = tpu.vector_load %arg8[%get3A_131, %get3A_132] {strides = array<i32>} : memref<80x128xf32, #tpu.memory_space<vmem>>, vector<1x16xf32>,
        %get3A_134 = vector.shape_cast %get3A_133 : vector<1x16xf32> to vector<16xf32>
        %add3A_135 = arith.addf %get3A_130, %get3A_134 : vector<16xf32>
        %neg3A_136 = arith.constant 0.000000e+00 : f32
        %neg3A_137 = vector.broadcast %neg3A_136 : f32 to vector<16xf32>
        %neg3A_138 = arith.subf %neg3A_137, %add3A_126 : vector<16xf32>
        %exp3A_139 = math.exp %neg3A_138 : vector<16xf32>
        %add3A_140 = arith.constant 1.000000e+00 : f32
        %add3A_141 = vector.broadcast %add3A_140 : f32 to vector<16xf32>
        %add3A_142 = arith.addf %add3A_141, %exp3A_139 : vector<16xf32>
        %div3A_143 = arith.constant 1.000000e+00 : f32
        %div3A_144 = vector.broadcast %div3A_143 : f32 to vector<16xf32>
        %div3A_145 = arith.divf %div3A_144, %add3A_142 : vector<16xf32>
        %abs3A_146 = math.absf %add3A_135 : vector<16xf32>
        %neg3A_147 = arith.constant 0.000000e+00 : f32
        %neg3A_148 = vector.broadcast %neg3A_147 : f32 to vector<16xf32>
        %neg3A_149 = arith.subf %neg3A_148, %abs3A_146 : vector<16xf32>
        %exp3A_150 = math.exp %neg3A_149 : vector<16xf32>
        %broadcast_in_dim3A_151 = arith.constant -0.0172080602 : f32
        %broadcast_in_dim3A_152 = vector.broadcast %broadcast_in_dim3A_151 : f32 to vector<16xf32>
        %mul3A_153 = arith.mulf %broadcast_in_dim3A_152, %exp3A_150 : vector<16xf32>
        %add3A_154 = arith.constant 0.0817268118 : f32
        %add3A_155 = vector.broadcast %add3A_154 : f32 to vector<16xf32>
        %add3A_156 = arith.addf %mul3A_153, %add3A_155 : vector<16xf32>
        %mul3A_157 = arith.mulf %add3A_156, %exp3A_150 : vector<16xf32>
        %add3A_158 = arith.constant -0.188782677 : f32
        %add3A_159 = vector.broadcast %add3A_158 : f32 to vector<16xf32>
        %add3A_160 = arith.addf %mul3A_157, %add3A_159 : vector<16xf32>
        %mul3A_161 = arith.mulf %add3A_160, %exp3A_150 : vector<16xf32>
        %add3A_162 = arith.constant 0.314590544 : f32
        %add3A_163 = vector.broadcast %add3A_162 : f32 to vector<16xf32>
        %add3A_164 = arith.addf %mul3A_161, %add3A_163 : vector<16xf32>
        %mul3A_165 = arith.mulf %add3A_164, %exp3A_150 : vector<16xf32>
        %add3A_166 = arith.constant -0.496977925 : f32
        %add3A_167 = vector.broadcast %add3A_166 : f32 to vector<16xf32>
        %add3A_168 = arith.addf %mul3A_165, %add3A_167 : vector<16xf32>
        %mul3A_169 = arith.mulf %add3A_168, %exp3A_150 : vector<16xf32>
        %add3A_170 = arith.constant 0.999792456 : f32
        %add3A_171 = vector.broadcast %add3A_170 : f32 to vector<16xf32>
        %add3A_172 = arith.addf %mul3A_169, %add3A_171 : vector<16xf32>
        %mul3A_173 = arith.mulf %add3A_172, %exp3A_150 : vector<16xf32>
        %add3A_174 = arith.constant 3.50755204E-6 : f32
        %add3A_175 = vector.broadcast %add3A_174 : f32 to vector<16xf32>
        %add3A_176 = arith.addf %mul3A_173, %add3A_175 : vector<16xf32>
        %max3A_177 = arith.constant 0.000000e+00 : f32
        %max3A_178 = vector.broadcast %max3A_177 : f32 to vector<16xf32>
        %max3A_179 = arith.maximumf %add3A_135, %max3A_178 : vector<16xf32>
        %add3A_180 = arith.addf %max3A_179, %add3A_176 : vector<16xf32>
        %mul3A_181 = arith.mulf %div3A_145, %add3A_180 : vector<16xf32>
        %swap3A_182 = arith.index_cast %scan3A_56 : i32 to index
        %swap3A_183 = arith.constant 16 : index
        %swap3A_184 = tpu.vector_load %arg9[%swap3A_182, %swap3A_183] {strides = array<i32>} : memref<80x128xf32, #tpu.memory_space<vmem>>, vector<1x16xf32>,
        %swap3A_185 = vector.shape_cast %swap3A_184 : vector<1x16xf32> to vector<16xf32>
        %swap3A_186 = vector.shape_cast %mul3A_181 : vector<16xf32> to vector<1x16xf32>
        tpu.vector_store %arg9[%swap3A_182, %swap3A_183], %swap3A_186 {strides = array<i32>} : memref<80x128xf32, #tpu.memory_space<vmem>>, vector<1x16xf32>,
        %get3A_187 = arith.index_cast %scan3A_56 : i32 to index
        %get3A_188 = arith.constant 32 : index
        %get3A_189 = tpu.vector_load %arg7[%get3A_187, %get3A_188] {strides = array<i32>} : memref<80x128xf32, #tpu.memory_space<vmem>>, vector<1x16xf32>,
        %get3A_190 = vector.shape_cast %get3A_189 : vector<1x16xf32> to vector<16xf32>
        %get3A_191 = arith.index_cast %scan3A_56 : i32 to index
        %get3A_192 = arith.constant 32 : index
        %get3A_193 = tpu.vector_load %arg8[%get3A_191, %get3A_192] {strides = array<i32>} : memref<80x128xf32, #tpu.memory_space<vmem>>, vector<1x16xf32>,
        %get3A_194 = vector.shape_cast %get3A_193 : vector<1x16xf32> to vector<16xf32>
        %add3A_195 = arith.addf %get3A_190, %get3A_194 : vector<16xf32>
        %get3A_196 = arith.index_cast %scan3A_56 : i32 to index
        %get3A_197 = arith.constant 96 : index
        %get3A_198 = tpu.vector_load %arg7[%get3A_196, %get3A_197] {strides = array<i32>} : memref<80x128xf32, #tpu.memory_space<vmem>>, vector<1x16xf32>,
        %get3A_199 = vector.shape_cast %get3A_198 : vector<1x16xf32> to vector<16xf32>
        %get3A_200 = arith.index_cast %scan3A_56 : i32 to index
        %get3A_201 = arith.constant 96 : index
        %get3A_202 = tpu.vector_load %arg8[%get3A_200, %get3A_201] {strides = array<i32>} : memref<80x128xf32, #tpu.memory_space<vmem>>, vector<1x16xf32>,
        %get3A_203 = vector.shape_cast %get3A_202 : vector<1x16xf32> to vector<16xf32>
        %add3A_204 = arith.addf %get3A_199, %get3A_203 : vector<16xf32>
        %neg3A_205 = arith.constant 0.000000e+00 : f32
        %neg3A_206 = vector.broadcast %neg3A_205 : f32 to vector<16xf32>
        %neg3A_207 = arith.subf %neg3A_206, %add3A_195 : vector<16xf32>
        %exp3A_208 = math.exp %neg3A_207 : vector<16xf32>
        %add3A_209 = arith.constant 1.000000e+00 : f32
        %add3A_210 = vector.broadcast %add3A_209 : f32 to vector<16xf32>
        %add3A_211 = arith.addf %add3A_210, %exp3A_208 : vector<16xf32>
        %div3A_212 = arith.constant 1.000000e+00 : f32
        %div3A_213 = vector.broadcast %div3A_212 : f32 to vector<16xf32>
        %div3A_214 = arith.divf %div3A_213, %add3A_211 : vector<16xf32>
        %abs3A_215 = math.absf %add3A_204 : vector<16xf32>
        %neg3A_216 = arith.constant 0.000000e+00 : f32
        %neg3A_217 = vector.broadcast %neg3A_216 : f32 to vector<16xf32>
        %neg3A_218 = arith.subf %neg3A_217, %abs3A_215 : vector<16xf32>
        %exp3A_219 = math.exp %neg3A_218 : vector<16xf32>
        %broadcast_in_dim3A_220 = arith.constant -0.0172080602 : f32
        %broadcast_in_dim3A_221 = vector.broadcast %broadcast_in_dim3A_220 : f32 to vector<16xf32>
        %mul3A_222 = arith.mulf %broadcast_in_dim3A_221, %exp3A_219 : vector<16xf32>
        %add3A_223 = arith.constant 0.0817268118 : f32
        %add3A_224 = vector.broadcast %add3A_223 : f32 to vector<16xf32>
        %add3A_225 = arith.addf %mul3A_222, %add3A_224 : vector<16xf32>
        %mul3A_226 = arith.mulf %add3A_225, %exp3A_219 : vector<16xf32>
        %add3A_227 = arith.constant -0.188782677 : f32
        %add3A_228 = vector.broadcast %add3A_227 : f32 to vector<16xf32>
        %add3A_229 = arith.addf %mul3A_226, %add3A_228 : vector<16xf32>
        %mul3A_230 = arith.mulf %add3A_229, %exp3A_219 : vector<16xf32>
        %add3A_231 = arith.constant 0.314590544 : f32
        %add3A_232 = vector.broadcast %add3A_231 : f32 to vector<16xf32>
        %add3A_233 = arith.addf %mul3A_230, %add3A_232 : vector<16xf32>
        %mul3A_234 = arith.mulf %add3A_233, %exp3A_219 : vector<16xf32>
        %add3A_235 = arith.constant -0.496977925 : f32
        %add3A_236 = vector.broadcast %add3A_235 : f32 to vector<16xf32>
        %add3A_237 = arith.addf %mul3A_234, %add3A_236 : vector<16xf32>
        %mul3A_238 = arith.mulf %add3A_237, %exp3A_219 : vector<16xf32>
        %add3A_239 = arith.constant 0.999792456 : f32
        %add3A_240 = vector.broadcast %add3A_239 : f32 to vector<16xf32>
        %add3A_241 = arith.addf %mul3A_238, %add3A_240 : vector<16xf32>
        %mul3A_242 = arith.mulf %add3A_241, %exp3A_219 : vector<16xf32>
        %add3A_243 = arith.constant 3.50755204E-6 : f32
        %add3A_244 = vector.broadcast %add3A_243 : f32 to vector<16xf32>
        %add3A_245 = arith.addf %mul3A_242, %add3A_244 : vector<16xf32>
        %max3A_246 = arith.constant 0.000000e+00 : f32
        %max3A_247 = vector.broadcast %max3A_246 : f32 to vector<16xf32>
        %max3A_248 = arith.maximumf %add3A_204, %max3A_247 : vector<16xf32>
        %add3A_249 = arith.addf %max3A_248, %add3A_245 : vector<16xf32>
        %mul3A_250 = arith.mulf %div3A_214, %add3A_249 : vector<16xf32>
        %swap3A_251 = arith.index_cast %scan3A_56 : i32 to index
        %swap3A_252 = arith.constant 32 : index
        %swap3A_253 = tpu.vector_load %arg9[%swap3A_251, %swap3A_252] {strides = array<i32>} : memref<80x128xf32, #tpu.memory_space<vmem>>, vector<1x16xf32>,
        %swap3A_254 = vector.shape_cast %swap3A_253 : vector<1x16xf32> to vector<16xf32>
        %swap3A_255 = vector.shape_cast %mul3A_250 : vector<16xf32> to vector<1x16xf32>
        tpu.vector_store %arg9[%swap3A_251, %swap3A_252], %swap3A_255 {strides = array<i32>} : memref<80x128xf32, #tpu.memory_space<vmem>>, vector<1x16xf32>,
        %get3A_256 = arith.index_cast %scan3A_56 : i32 to index
        %get3A_257 = arith.constant 48 : index
        %get3A_258 = tpu.vector_load %arg7[%get3A_256, %get3A_257] {strides = array<i32>} : memref<80x128xf32, #tpu.memory_space<vmem>>, vector<1x16xf32>,
        %get3A_259 = vector.shape_cast %get3A_258 : vector<1x16xf32> to vector<16xf32>
        %get3A_260 = arith.index_cast %scan3A_56 : i32 to index
        %get3A_261 = arith.constant 48 : index
        %get3A_262 = tpu.vector_load %arg8[%get3A_260, %get3A_261] {strides = array<i32>} : memref<80x128xf32, #tpu.memory_space<vmem>>, vector<1x16xf32>,
        %get3A_263 = vector.shape_cast %get3A_262 : vector<1x16xf32> to vector<16xf32>
        %add3A_264 = arith.addf %get3A_259, %get3A_263 : vector<16xf32>
        %get3A_265 = arith.index_cast %scan3A_56 : i32 to index
        %get3A_266 = arith.constant 112 : index
        %get3A_267 = tpu.vector_load %arg7[%get3A_265, %get3A_266] {strides = array<i32>} : memref<80x128xf32, #tpu.memory_space<vmem>>, vector<1x16xf32>,
        %get3A_268 = vector.shape_cast %get3A_267 : vector<1x16xf32> to vector<16xf32>
        %get3A_269 = arith.index_cast %scan3A_56 : i32 to index
        %get3A_270 = arith.constant 112 : index
        %get3A_271 = tpu.vector_load %arg8[%get3A_269, %get3A_270] {strides = array<i32>} : memref<80x128xf32, #tpu.memory_space<vmem>>, vector<1x16xf32>,
        %get3A_272 = vector.shape_cast %get3A_271 : vector<1x16xf32> to vector<16xf32>
        %add3A_273 = arith.addf %get3A_268, %get3A_272 : vector<16xf32>
        %neg3A_274 = arith.constant 0.000000e+00 : f32
        %neg3A_275 = vector.broadcast %neg3A_274 : f32 to vector<16xf32>
        %neg3A_276 = arith.subf %neg3A_275, %add3A_264 : vector<16xf32>
        %exp3A_277 = math.exp %neg3A_276 : vector<16xf32>
        %add3A_278 = arith.constant 1.000000e+00 : f32
        %add3A_279 = vector.broadcast %add3A_278 : f32 to vector<16xf32>
        %add3A_280 = arith.addf %add3A_279, %exp3A_277 : vector<16xf32>
        %div3A_281 = arith.constant 1.000000e+00 : f32
        %div3A_282 = vector.broadcast %div3A_281 : f32 to vector<16xf32>
        %div3A_283 = arith.divf %div3A_282, %add3A_280 : vector<16xf32>
        %abs3A_284 = math.absf %add3A_273 : vector<16xf32>
        %neg3A_285 = arith.constant 0.000000e+00 : f32
        %neg3A_286 = vector.broadcast %neg3A_285 : f32 to vector<16xf32>
        %neg3A_287 = arith.subf %neg3A_286, %abs3A_284 : vector<16xf32>
        %exp3A_288 = math.exp %neg3A_287 : vector<16xf32>
        %broadcast_in_dim3A_289 = arith.constant -0.0172080602 : f32
        %broadcast_in_dim3A_290 = vector.broadcast %broadcast_in_dim3A_289 : f32 to vector<16xf32>
        %mul3A_291 = arith.mulf %broadcast_in_dim3A_290, %exp3A_288 : vector<16xf32>
        %add3A_292 = arith.constant 0.0817268118 : f32
        %add3A_293 = vector.broadcast %add3A_292 : f32 to vector<16xf32>
        %add3A_294 = arith.addf %mul3A_291, %add3A_293 : vector<16xf32>
        %mul3A_295 = arith.mulf %add3A_294, %exp3A_288 : vector<16xf32>
        %add3A_296 = arith.constant -0.188782677 : f32
        %add3A_297 = vector.broadcast %add3A_296 : f32 to vector<16xf32>
        %add3A_298 = arith.addf %mul3A_295, %add3A_297 : vector<16xf32>
        %mul3A_299 = arith.mulf %add3A_298, %exp3A_288 : vector<16xf32>
        %add3A_300 = arith.constant 0.314590544 : f32
        %add3A_301 = vector.broadcast %add3A_300 : f32 to vector<16xf32>
        %add3A_302 = arith.addf %mul3A_299, %add3A_301 : vector<16xf32>
        %mul3A_303 = arith.mulf %add3A_302, %exp3A_288 : vector<16xf32>
        %add3A_304 = arith.constant -0.496977925 : f32
        %add3A_305 = vector.broadcast %add3A_304 : f32 to vector<16xf32>
        %add3A_306 = arith.addf %mul3A_303, %add3A_305 : vector<16xf32>
        %mul3A_307 = arith.mulf %add3A_306, %exp3A_288 : vector<16xf32>
        %add3A_308 = arith.constant 0.999792456 : f32
        %add3A_309 = vector.broadcast %add3A_308 : f32 to vector<16xf32>
        %add3A_310 = arith.addf %mul3A_307, %add3A_309 : vector<16xf32>
        %mul3A_311 = arith.mulf %add3A_310, %exp3A_288 : vector<16xf32>
        %add3A_312 = arith.constant 3.50755204E-6 : f32
        %add3A_313 = vector.broadcast %add3A_312 : f32 to vector<16xf32>
        %add3A_314 = arith.addf %mul3A_311, %add3A_313 : vector<16xf32>
        %max3A_315 = arith.constant 0.000000e+00 : f32
        %max3A_316 = vector.broadcast %max3A_315 : f32 to vector<16xf32>
        %max3A_317 = arith.maximumf %add3A_273, %max3A_316 : vector<16xf32>
        %add3A_318 = arith.addf %max3A_317, %add3A_314 : vector<16xf32>
        %mul3A_319 = arith.mulf %div3A_283, %add3A_318 : vector<16xf32>
        %swap3A_320 = arith.index_cast %scan3A_56 : i32 to index
        %swap3A_321 = arith.constant 48 : index
        %swap3A_322 = tpu.vector_load %arg9[%swap3A_320, %swap3A_321] {strides = array<i32>} : memref<80x128xf32, #tpu.memory_space<vmem>>, vector<1x16xf32>,
        %swap3A_323 = vector.shape_cast %swap3A_322 : vector<1x16xf32> to vector<16xf32>
        %swap3A_324 = vector.shape_cast %mul3A_319 : vector<16xf32> to vector<1x16xf32>
        tpu.vector_store %arg9[%swap3A_320, %swap3A_321], %swap3A_324 {strides = array<i32>} : memref<80x128xf32, #tpu.memory_space<vmem>>, vector<1x16xf32>,
      }
      %scan3A_55 = arith.constant 80 : i32
      "tpu.region"() ({
        %run_scoped3A = tpu.sem_alloc : memref<!tpu.dma_semaphore, #tpu.memory_space<semaphore_mem>>
        %dma_start3A = arith.constant 0 : i32
        %dma_start3A_56 = arith.constant 0 : i32
        %dma_start3A_57 = tpu.memref_slice %arg11[%dma_start3A, %dma_start3A_56] : memref<10240x128xf32, #tpu.memory_space<vmem_shared>> -> memref<10240x128xf32, #tpu.memory_space<vmem_shared>>
        tpu.enqueue_indirect_dma source(%arg9 : memref<80x128xf32, #tpu.memory_space<vmem>>) target(%dma_start3A_57 : memref<10240x128xf32, #tpu.memory_space<vmem_shared>>) offsets(%arg6 : memref<80xi32, #tpu.memory_space<vmem>>) semaphore(%run_scoped3A : memref<!tpu.dma_semaphore, #tpu.memory_space<semaphore_mem>>) {add = true}
        %dma_wait3A = arith.constant 0 : i32
        %dma_wait3A_58 = arith.constant 0 : i32
        %dma_wait3A_59 = tpu.memref_slice %arg11[%dma_wait3A, %dma_wait3A_58] : memref<10240x128xf32, #tpu.memory_space<vmem_shared>> -> memref<10240x128xf32, #tpu.memory_space<vmem_shared>>
        tpu.wait_indirect_dma semaphore(%run_scoped3A : memref<!tpu.dma_semaphore, #tpu.memory_space<semaphore_mem>>) src(%arg9 : memref<80x128xf32, #tpu.memory_space<vmem>>) dst(%dma_wait3A_59 : memref<10240x128xf32, #tpu.memory_space<vmem_shared>>)
        tpu.yield
      }) : () -> ()
    }
    %scan3A_36 = arith.constant 250 : i32
    %barrier3A_37 = arith.constant 0 : index
    tpu.barrier barrier_id(%barrier3A_37)
    %mul3A_38 = arith.constant 640 : i32
    %mul3A_39 = arith.muli %arg1, %mul3A_38 : i32
    %mul3A_40 = arith.constant 640 : i32
    %mul3A_41 = arith.muli %arg1, %mul3A_40 : i32
    "tpu.region"() ({
      %run_scoped3A = tpu.sem_alloc : memref<!tpu.dma_semaphore, #tpu.memory_space<semaphore_mem>>
      %dma_start3A = arith.constant 0 : i32
      %dma_start3A_42 = tpu.memref_slice %arg5[%arg0, %mul3A_41, %dma_start3A] : memref<2x10240x128xf32, #tpu.memory_space<hbm>> -> memref<1x640x128xf32, #tpu.memory_space<hbm>>
      %dma_start3A_43 = tpu.memref_squeeze %dma_start3A_42 : memref<1x640x128xf32, #tpu.memory_space<hbm>> -> memref<640x128xf32, #tpu.memory_space<hbm>>
      %dma_start3A_44 = arith.constant 0 : i32
      %dma_start3A_45 = tpu.memref_slice %arg11[%mul3A_39, %dma_start3A_44] : memref<10240x128xf32, #tpu.memory_space<vmem_shared>> -> memref<640x128xf32, #tpu.memory_space<vmem_shared>>
      tpu.enqueue_dma source(%dma_start3A_45 : memref<640x128xf32, #tpu.memory_space<vmem_shared>>) target(%dma_start3A_43 : memref<640x128xf32, #tpu.memory_space<hbm>>) target_semaphore(%run_scoped3A : memref<!tpu.dma_semaphore, #tpu.memory_space<semaphore_mem>>)
      %dma_wait3A = arith.constant 0 : i32
      %dma_wait3A_46 = tpu.memref_slice %arg5[%arg0, %mul3A_41, %dma_wait3A] : memref<2x10240x128xf32, #tpu.memory_space<hbm>> -> memref<1x640x128xf32, #tpu.memory_space<hbm>>
      %dma_wait3A_47 = tpu.memref_squeeze %dma_wait3A_46 : memref<1x640x128xf32, #tpu.memory_space<hbm>> -> memref<640x128xf32, #tpu.memory_space<hbm>>
      %dma_wait3A_48 = arith.constant 0 : i32
      %dma_wait3A_49 = tpu.memref_slice %arg11[%mul3A_39, %dma_wait3A_48] : memref<10240x128xf32, #tpu.memory_space<vmem_shared>> -> memref<640x128xf32, #tpu.memory_space<vmem_shared>>
      tpu.wait_dma2 semaphore(%run_scoped3A : memref<!tpu.dma_semaphore, #tpu.memory_space<semaphore_mem>>) src(%dma_wait3A_49 : memref<640x128xf32, #tpu.memory_space<vmem_shared>>) dst(%dma_wait3A_47 : memref<640x128xf32, #tpu.memory_space<hbm>>)
      tpu.yield
    }) : () -> ()
    return
  }
}

#map = affine_map<(d0, d1) -> (0, 0)>
#map1 = affine_map<(d0, d1) -> (0)>
#map2 = affine_map<(d0, d1) -> (0, 0, 0)>
module attributes {stable_mosaic.version = 14 : i64} {
  func.func @sc_layer(%arg0: i32, %arg1: i32, %arg2: memref<320000x512xf32, #tpu.memory_space<hbm>>, %arg3: memref<320000x512xf32, #tpu.memory_space<hbm>>, %arg4: memref<320000xi32, #tpu.memory_space<hbm>>, %arg5: memref<2x10240x128xf32, #tpu.memory_space<hbm>>, %arg6: memref<80xi32, #tpu.memory_space<vmem>>, %arg7: memref<80x128xf32, #tpu.memory_space<vmem>>, %arg8: memref<80x128xf32, #tpu.memory_space<vmem>>, %arg9: memref<80x128xf32, #tpu.memory_space<vmem>>, %arg10: memref<128x128xf32, #tpu.memory_space<vmem>>, %arg11: memref<10240x128xf32, #tpu.memory_space<vmem_shared>>) attributes {dimension_semantics = [#tpu.dimension_semantics<core_parallel>, #tpu.dimension_semantics<subcore_parallel>], iteration_bounds = array<i64: 2, 16>, scalar_prefetch = 0 : i64, scratch_operands = 6 : i64, tpu.core_type = #tpu.core_type<sc_vector_subcore>, window_params = [{transform_indices = #map}, {transform_indices = #map}, {transform_indices = #map1}, {transform_indices = #map2}]} {
    %scan3A = arith.constant 0 : i32
    %scan3A_0 = arith.constant 0 : i32
    %scan3A_1 = arith.constant 128 : i32
    %scan3A_2 = arith.addi %scan3A_0, %scan3A_1 : i32
    %scan3A_3 = arith.constant 1 : i32
    scf.for %scan3A_42 = %scan3A_0 to %scan3A_2 step %scan3A_3  : i32 {
      %broadcast_in_dim3A = arith.constant 0.000000e+00 : f32
      %broadcast_in_dim3A_43 = vector.broadcast %broadcast_in_dim3A : f32 to vector<16xf32>
      %swap3A = arith.index_cast %scan3A_42 : i32 to index
      %swap3A_44 = arith.constant 0 : index
      %swap3A_45 = tpu.vector_load %arg10[%swap3A, %swap3A_44] {strides = array<i32>} : memref<128x128xf32, #tpu.memory_space<vmem>>, vector<1x16xf32>,
      %swap3A_46 = vector.shape_cast %swap3A_45 : vector<1x16xf32> to vector<16xf32>
      %swap3A_47 = vector.shape_cast %broadcast_in_dim3A_43 : vector<16xf32> to vector<1x16xf32>
      tpu.vector_store %arg10[%swap3A, %swap3A_44], %swap3A_47 {strides = array<i32>} : memref<128x128xf32, #tpu.memory_space<vmem>>, vector<1x16xf32>,
      %broadcast_in_dim3A_48 = arith.constant 0.000000e+00 : f32
      %broadcast_in_dim3A_49 = vector.broadcast %broadcast_in_dim3A_48 : f32 to vector<16xf32>
      %swap3A_50 = arith.index_cast %scan3A_42 : i32 to index
      %swap3A_51 = arith.constant 16 : index
      %swap3A_52 = tpu.vector_load %arg10[%swap3A_50, %swap3A_51] {strides = array<i32>} : memref<128x128xf32, #tpu.memory_space<vmem>>, vector<1x16xf32>,
      %swap3A_53 = vector.shape_cast %swap3A_52 : vector<1x16xf32> to vector<16xf32>
      %swap3A_54 = vector.shape_cast %broadcast_in_dim3A_49 : vector<16xf32> to vector<1x16xf32>
      tpu.vector_store %arg10[%swap3A_50, %swap3A_51], %swap3A_54 {strides = array<i32>} : memref<128x128xf32, #tpu.memory_space<vmem>>, vector<1x16xf32>,
      %broadcast_in_dim3A_55 = arith.constant 0.000000e+00 : f32
      %broadcast_in_dim3A_56 = vector.broadcast %broadcast_in_dim3A_55 : f32 to vector<16xf32>
      %swap3A_57 = arith.index_cast %scan3A_42 : i32 to index
      %swap3A_58 = arith.constant 32 : index
      %swap3A_59 = tpu.vector_load %arg10[%swap3A_57, %swap3A_58] {strides = array<i32>} : memref<128x128xf32, #tpu.memory_space<vmem>>, vector<1x16xf32>,
      %swap3A_60 = vector.shape_cast %swap3A_59 : vector<1x16xf32> to vector<16xf32>
      %swap3A_61 = vector.shape_cast %broadcast_in_dim3A_56 : vector<16xf32> to vector<1x16xf32>
      tpu.vector_store %arg10[%swap3A_57, %swap3A_58], %swap3A_61 {strides = array<i32>} : memref<128x128xf32, #tpu.memory_space<vmem>>, vector<1x16xf32>,
      %broadcast_in_dim3A_62 = arith.constant 0.000000e+00 : f32
      %broadcast_in_dim3A_63 = vector.broadcast %broadcast_in_dim3A_62 : f32 to vector<16xf32>
      %swap3A_64 = arith.index_cast %scan3A_42 : i32 to index
      %swap3A_65 = arith.constant 48 : index
      %swap3A_66 = tpu.vector_load %arg10[%swap3A_64, %swap3A_65] {strides = array<i32>} : memref<128x128xf32, #tpu.memory_space<vmem>>, vector<1x16xf32>,
      %swap3A_67 = vector.shape_cast %swap3A_66 : vector<1x16xf32> to vector<16xf32>
      %swap3A_68 = vector.shape_cast %broadcast_in_dim3A_63 : vector<16xf32> to vector<1x16xf32>
      tpu.vector_store %arg10[%swap3A_64, %swap3A_65], %swap3A_68 {strides = array<i32>} : memref<128x128xf32, #tpu.memory_space<vmem>>, vector<1x16xf32>,
      %broadcast_in_dim3A_69 = arith.constant 0.000000e+00 : f32
      %broadcast_in_dim3A_70 = vector.broadcast %broadcast_in_dim3A_69 : f32 to vector<16xf32>
      %swap3A_71 = arith.index_cast %scan3A_42 : i32 to index
      %swap3A_72 = arith.constant 64 : index
      %swap3A_73 = tpu.vector_load %arg10[%swap3A_71, %swap3A_72] {strides = array<i32>} : memref<128x128xf32, #tpu.memory_space<vmem>>, vector<1x16xf32>,
      %swap3A_74 = vector.shape_cast %swap3A_73 : vector<1x16xf32> to vector<16xf32>
      %swap3A_75 = vector.shape_cast %broadcast_in_dim3A_70 : vector<16xf32> to vector<1x16xf32>
      tpu.vector_store %arg10[%swap3A_71, %swap3A_72], %swap3A_75 {strides = array<i32>} : memref<128x128xf32, #tpu.memory_space<vmem>>, vector<1x16xf32>,
      %broadcast_in_dim3A_76 = arith.constant 0.000000e+00 : f32
      %broadcast_in_dim3A_77 = vector.broadcast %broadcast_in_dim3A_76 : f32 to vector<16xf32>
      %swap3A_78 = arith.index_cast %scan3A_42 : i32 to index
      %swap3A_79 = arith.constant 80 : index
      %swap3A_80 = tpu.vector_load %arg10[%swap3A_78, %swap3A_79] {strides = array<i32>} : memref<128x128xf32, #tpu.memory_space<vmem>>, vector<1x16xf32>,
      %swap3A_81 = vector.shape_cast %swap3A_80 : vector<1x16xf32> to vector<16xf32>
      %swap3A_82 = vector.shape_cast %broadcast_in_dim3A_77 : vector<16xf32> to vector<1x16xf32>
      tpu.vector_store %arg10[%swap3A_78, %swap3A_79], %swap3A_82 {strides = array<i32>} : memref<128x128xf32, #tpu.memory_space<vmem>>, vector<1x16xf32>,
      %broadcast_in_dim3A_83 = arith.constant 0.000000e+00 : f32
      %broadcast_in_dim3A_84 = vector.broadcast %broadcast_in_dim3A_83 : f32 to vector<16xf32>
      %swap3A_85 = arith.index_cast %scan3A_42 : i32 to index
      %swap3A_86 = arith.constant 96 : index
      %swap3A_87 = tpu.vector_load %arg10[%swap3A_85, %swap3A_86] {strides = array<i32>} : memref<128x128xf32, #tpu.memory_space<vmem>>, vector<1x16xf32>,
      %swap3A_88 = vector.shape_cast %swap3A_87 : vector<1x16xf32> to vector<16xf32>
      %swap3A_89 = vector.shape_cast %broadcast_in_dim3A_84 : vector<16xf32> to vector<1x16xf32>
      tpu.vector_store %arg10[%swap3A_85, %swap3A_86], %swap3A_89 {strides = array<i32>} : memref<128x128xf32, #tpu.memory_space<vmem>>, vector<1x16xf32>,
      %broadcast_in_dim3A_90 = arith.constant 0.000000e+00 : f32
      %broadcast_in_dim3A_91 = vector.broadcast %broadcast_in_dim3A_90 : f32 to vector<16xf32>
      %swap3A_92 = arith.index_cast %scan3A_42 : i32 to index
      %swap3A_93 = arith.constant 112 : index
      %swap3A_94 = tpu.vector_load %arg10[%swap3A_92, %swap3A_93] {strides = array<i32>} : memref<128x128xf32, #tpu.memory_space<vmem>>, vector<1x16xf32>,
      %swap3A_95 = vector.shape_cast %swap3A_94 : vector<1x16xf32> to vector<16xf32>
      %swap3A_96 = vector.shape_cast %broadcast_in_dim3A_91 : vector<16xf32> to vector<1x16xf32>
      tpu.vector_store %arg10[%swap3A_92, %swap3A_93], %swap3A_96 {strides = array<i32>} : memref<128x128xf32, #tpu.memory_space<vmem>>, vector<1x16xf32>,
    }
    %scan3A_4 = arith.constant 128 : i32
    %scan3A_5 = arith.constant 0 : i32
    %scan3A_6 = arith.constant 0 : i32
    %scan3A_7 = arith.constant 80 : i32
    %scan3A_8 = arith.addi %scan3A_6, %scan3A_7 : i32
    %scan3A_9 = arith.constant 1 : i32
    scf.for %scan3A_42 = %scan3A_6 to %scan3A_8 step %scan3A_9  : i32 {
      %broadcast_in_dim3A = arith.constant 0.000000e+00 : f32
      %broadcast_in_dim3A_43 = vector.broadcast %broadcast_in_dim3A : f32 to vector<16xf32>
      %swap3A = arith.index_cast %scan3A_42 : i32 to index
      %swap3A_44 = arith.constant 64 : index
      %swap3A_45 = tpu.vector_load %arg9[%swap3A, %swap3A_44] {strides = array<i32>} : memref<80x128xf32, #tpu.memory_space<vmem>>, vector<1x16xf32>,
      %swap3A_46 = vector.shape_cast %swap3A_45 : vector<1x16xf32> to vector<16xf32>
      %swap3A_47 = vector.shape_cast %broadcast_in_dim3A_43 : vector<16xf32> to vector<1x16xf32>
      tpu.vector_store %arg9[%swap3A, %swap3A_44], %swap3A_47 {strides = array<i32>} : memref<80x128xf32, #tpu.memory_space<vmem>>, vector<1x16xf32>,
      %broadcast_in_dim3A_48 = arith.constant 0.000000e+00 : f32
      %broadcast_in_dim3A_49 = vector.broadcast %broadcast_in_dim3A_48 : f32 to vector<16xf32>
      %swap3A_50 = arith.index_cast %scan3A_42 : i32 to index
      %swap3A_51 = arith.constant 80 : index
      %swap3A_52 = tpu.vector_load %arg9[%swap3A_50, %swap3A_51] {strides = array<i32>} : memref<80x128xf32, #tpu.memory_space<vmem>>, vector<1x16xf32>,
      %swap3A_53 = vector.shape_cast %swap3A_52 : vector<1x16xf32> to vector<16xf32>
      %swap3A_54 = vector.shape_cast %broadcast_in_dim3A_49 : vector<16xf32> to vector<1x16xf32>
      tpu.vector_store %arg9[%swap3A_50, %swap3A_51], %swap3A_54 {strides = array<i32>} : memref<80x128xf32, #tpu.memory_space<vmem>>, vector<1x16xf32>,
      %broadcast_in_dim3A_55 = arith.constant 0.000000e+00 : f32
      %broadcast_in_dim3A_56 = vector.broadcast %broadcast_in_dim3A_55 : f32 to vector<16xf32>
      %swap3A_57 = arith.index_cast %scan3A_42 : i32 to index
      %swap3A_58 = arith.constant 96 : index
      %swap3A_59 = tpu.vector_load %arg9[%swap3A_57, %swap3A_58] {strides = array<i32>} : memref<80x128xf32, #tpu.memory_space<vmem>>, vector<1x16xf32>,
      %swap3A_60 = vector.shape_cast %swap3A_59 : vector<1x16xf32> to vector<16xf32>
      %swap3A_61 = vector.shape_cast %broadcast_in_dim3A_56 : vector<16xf32> to vector<1x16xf32>
      tpu.vector_store %arg9[%swap3A_57, %swap3A_58], %swap3A_61 {strides = array<i32>} : memref<80x128xf32, #tpu.memory_space<vmem>>, vector<1x16xf32>,
      %broadcast_in_dim3A_62 = arith.constant 0.000000e+00 : f32
      %broadcast_in_dim3A_63 = vector.broadcast %broadcast_in_dim3A_62 : f32 to vector<16xf32>
      %swap3A_64 = arith.index_cast %scan3A_42 : i32 to index
      %swap3A_65 = arith.constant 112 : index
      %swap3A_66 = tpu.vector_load %arg9[%swap3A_64, %swap3A_65] {strides = array<i32>} : memref<80x128xf32, #tpu.memory_space<vmem>>, vector<1x16xf32>,
      %swap3A_67 = vector.shape_cast %swap3A_66 : vector<1x16xf32> to vector<16xf32>
      %swap3A_68 = vector.shape_cast %broadcast_in_dim3A_63 : vector<16xf32> to vector<1x16xf32>
      tpu.vector_store %arg9[%swap3A_64, %swap3A_65], %swap3A_68 {strides = array<i32>} : memref<80x128xf32, #tpu.memory_space<vmem>>, vector<1x16xf32>,
    }
    %scan3A_10 = arith.constant 80 : i32
    %mul3A = arith.constant 640 : i32
    %mul3A_11 = arith.muli %arg1, %mul3A : i32
    %add3A = arith.constant 0 : i32
    %add3A_12 = arith.addi %mul3A_11, %add3A : i32
    "tpu.region"() ({
      %run_scoped3A = tpu.sem_alloc : memref<!tpu.dma_semaphore, #tpu.memory_space<semaphore_mem>>
      %dma_start3A = arith.constant 0 : i32
      %dma_start3A_42 = tpu.memref_slice %arg11[%add3A_12, %dma_start3A] : memref<10240x128xf32, #tpu.memory_space<vmem_shared>> -> memref<128x128xf32, #tpu.memory_space<vmem_shared>>
      %dma_start3A_43 = arith.constant 0 : i32
      %dma_start3A_44 = tpu.memref_slice %arg11[%add3A_12, %dma_start3A_43] : memref<10240x128xf32, #tpu.memory_space<vmem_shared>> -> memref<128x128xf32, #tpu.memory_space<vmem_shared>>
      tpu.enqueue_dma source(%arg10 : memref<128x128xf32, #tpu.memory_space<vmem>>) target(%dma_start3A_44 : memref<128x128xf32, #tpu.memory_space<vmem_shared>>) target_semaphore(%run_scoped3A : memref<!tpu.dma_semaphore, #tpu.memory_space<semaphore_mem>>)
      %dma_wait3A = arith.constant 0 : i32
      %dma_wait3A_45 = tpu.memref_slice %arg11[%add3A_12, %dma_wait3A] : memref<10240x128xf32, #tpu.memory_space<vmem_shared>> -> memref<128x128xf32, #tpu.memory_space<vmem_shared>>
      %dma_wait3A_46 = arith.constant 0 : i32
      %dma_wait3A_47 = tpu.memref_slice %arg11[%add3A_12, %dma_wait3A_46] : memref<10240x128xf32, #tpu.memory_space<vmem_shared>> -> memref<128x128xf32, #tpu.memory_space<vmem_shared>>
      tpu.wait_dma2 semaphore(%run_scoped3A : memref<!tpu.dma_semaphore, #tpu.memory_space<semaphore_mem>>) src(%arg10 : memref<128x128xf32, #tpu.memory_space<vmem>>) dst(%dma_wait3A_47 : memref<128x128xf32, #tpu.memory_space<vmem_shared>>)
      tpu.yield
    }) : () -> ()
    %mul3A_13 = arith.constant 640 : i32
    %mul3A_14 = arith.muli %arg1, %mul3A_13 : i32
    %add3A_15 = arith.constant 128 : i32
    %add3A_16 = arith.addi %mul3A_14, %add3A_15 : i32
    "tpu.region"() ({
      %run_scoped3A = tpu.sem_alloc : memref<!tpu.dma_semaphore, #tpu.memory_space<semaphore_mem>>
      %dma_start3A = arith.constant 0 : i32
      %dma_start3A_42 = tpu.memref_slice %arg11[%add3A_16, %dma_start3A] : memref<10240x128xf32, #tpu.memory_space<vmem_shared>> -> memref<128x128xf32, #tpu.memory_space<vmem_shared>>
      %dma_start3A_43 = arith.constant 0 : i32
      %dma_start3A_44 = tpu.memref_slice %arg11[%add3A_16, %dma_start3A_43] : memref<10240x128xf32, #tpu.memory_space<vmem_shared>> -> memref<128x128xf32, #tpu.memory_space<vmem_shared>>
      tpu.enqueue_dma source(%arg10 : memref<128x128xf32, #tpu.memory_space<vmem>>) target(%dma_start3A_44 : memref<128x128xf32, #tpu.memory_space<vmem_shared>>) target_semaphore(%run_scoped3A : memref<!tpu.dma_semaphore, #tpu.memory_space<semaphore_mem>>)
      %dma_wait3A = arith.constant 0 : i32
      %dma_wait3A_45 = tpu.memref_slice %arg11[%add3A_16, %dma_wait3A] : memref<10240x128xf32, #tpu.memory_space<vmem_shared>> -> memref<128x128xf32, #tpu.memory_space<vmem_shared>>
      %dma_wait3A_46 = arith.constant 0 : i32
      %dma_wait3A_47 = tpu.memref_slice %arg11[%add3A_16, %dma_wait3A_46] : memref<10240x128xf32, #tpu.memory_space<vmem_shared>> -> memref<128x128xf32, #tpu.memory_space<vmem_shared>>
      tpu.wait_dma2 semaphore(%run_scoped3A : memref<!tpu.dma_semaphore, #tpu.memory_space<semaphore_mem>>) src(%arg10 : memref<128x128xf32, #tpu.memory_space<vmem>>) dst(%dma_wait3A_47 : memref<128x128xf32, #tpu.memory_space<vmem_shared>>)
      tpu.yield
    }) : () -> ()
    %mul3A_17 = arith.constant 640 : i32
    %mul3A_18 = arith.muli %arg1, %mul3A_17 : i32
    %add3A_19 = arith.constant 256 : i32
    %add3A_20 = arith.addi %mul3A_18, %add3A_19 : i32
    "tpu.region"() ({
      %run_scoped3A = tpu.sem_alloc : memref<!tpu.dma_semaphore, #tpu.memory_space<semaphore_mem>>
      %dma_start3A = arith.constant 0 : i32
      %dma_start3A_42 = tpu.memref_slice %arg11[%add3A_20, %dma_start3A] : memref<10240x128xf32, #tpu.memory_space<vmem_shared>> -> memref<128x128xf32, #tpu.memory_space<vmem_shared>>
      %dma_start3A_43 = arith.constant 0 : i32
      %dma_start3A_44 = tpu.memref_slice %arg11[%add3A_20, %dma_start3A_43] : memref<10240x128xf32, #tpu.memory_space<vmem_shared>> -> memref<128x128xf32, #tpu.memory_space<vmem_shared>>
      tpu.enqueue_dma source(%arg10 : memref<128x128xf32, #tpu.memory_space<vmem>>) target(%dma_start3A_44 : memref<128x128xf32, #tpu.memory_space<vmem_shared>>) target_semaphore(%run_scoped3A : memref<!tpu.dma_semaphore, #tpu.memory_space<semaphore_mem>>)
      %dma_wait3A = arith.constant 0 : i32
      %dma_wait3A_45 = tpu.memref_slice %arg11[%add3A_20, %dma_wait3A] : memref<10240x128xf32, #tpu.memory_space<vmem_shared>> -> memref<128x128xf32, #tpu.memory_space<vmem_shared>>
      %dma_wait3A_46 = arith.constant 0 : i32
      %dma_wait3A_47 = tpu.memref_slice %arg11[%add3A_20, %dma_wait3A_46] : memref<10240x128xf32, #tpu.memory_space<vmem_shared>> -> memref<128x128xf32, #tpu.memory_space<vmem_shared>>
      tpu.wait_dma2 semaphore(%run_scoped3A : memref<!tpu.dma_semaphore, #tpu.memory_space<semaphore_mem>>) src(%arg10 : memref<128x128xf32, #tpu.memory_space<vmem>>) dst(%dma_wait3A_47 : memref<128x128xf32, #tpu.memory_space<vmem_shared>>)
      tpu.yield
    }) : () -> ()
    %mul3A_21 = arith.constant 640 : i32
    %mul3A_22 = arith.muli %arg1, %mul3A_21 : i32
    %add3A_23 = arith.constant 384 : i32
    %add3A_24 = arith.addi %mul3A_22, %add3A_23 : i32
    "tpu.region"() ({
      %run_scoped3A = tpu.sem_alloc : memref<!tpu.dma_semaphore, #tpu.memory_space<semaphore_mem>>
      %dma_start3A = arith.constant 0 : i32
      %dma_start3A_42 = tpu.memref_slice %arg11[%add3A_24, %dma_start3A] : memref<10240x128xf32, #tpu.memory_space<vmem_shared>> -> memref<128x128xf32, #tpu.memory_space<vmem_shared>>
      %dma_start3A_43 = arith.constant 0 : i32
      %dma_start3A_44 = tpu.memref_slice %arg11[%add3A_24, %dma_start3A_43] : memref<10240x128xf32, #tpu.memory_space<vmem_shared>> -> memref<128x128xf32, #tpu.memory_space<vmem_shared>>
      tpu.enqueue_dma source(%arg10 : memref<128x128xf32, #tpu.memory_space<vmem>>) target(%dma_start3A_44 : memref<128x128xf32, #tpu.memory_space<vmem_shared>>) target_semaphore(%run_scoped3A : memref<!tpu.dma_semaphore, #tpu.memory_space<semaphore_mem>>)
      %dma_wait3A = arith.constant 0 : i32
      %dma_wait3A_45 = tpu.memref_slice %arg11[%add3A_24, %dma_wait3A] : memref<10240x128xf32, #tpu.memory_space<vmem_shared>> -> memref<128x128xf32, #tpu.memory_space<vmem_shared>>
      %dma_wait3A_46 = arith.constant 0 : i32
      %dma_wait3A_47 = tpu.memref_slice %arg11[%add3A_24, %dma_wait3A_46] : memref<10240x128xf32, #tpu.memory_space<vmem_shared>> -> memref<128x128xf32, #tpu.memory_space<vmem_shared>>
      tpu.wait_dma2 semaphore(%run_scoped3A : memref<!tpu.dma_semaphore, #tpu.memory_space<semaphore_mem>>) src(%arg10 : memref<128x128xf32, #tpu.memory_space<vmem>>) dst(%dma_wait3A_47 : memref<128x128xf32, #tpu.memory_space<vmem_shared>>)
      tpu.yield
    }) : () -> ()
    %mul3A_25 = arith.constant 640 : i32
    %mul3A_26 = arith.muli %arg1, %mul3A_25 : i32
    %add3A_27 = arith.constant 512 : i32
    %add3A_28 = arith.addi %mul3A_26, %add3A_27 : i32
    "tpu.region"() ({
      %run_scoped3A = tpu.sem_alloc : memref<!tpu.dma_semaphore, #tpu.memory_space<semaphore_mem>>
      %dma_start3A = arith.constant 0 : i32
      %dma_start3A_42 = tpu.memref_slice %arg11[%add3A_28, %dma_start3A] : memref<10240x128xf32, #tpu.memory_space<vmem_shared>> -> memref<128x128xf32, #tpu.memory_space<vmem_shared>>
      %dma_start3A_43 = arith.constant 0 : i32
      %dma_start3A_44 = tpu.memref_slice %arg11[%add3A_28, %dma_start3A_43] : memref<10240x128xf32, #tpu.memory_space<vmem_shared>> -> memref<128x128xf32, #tpu.memory_space<vmem_shared>>
      tpu.enqueue_dma source(%arg10 : memref<128x128xf32, #tpu.memory_space<vmem>>) target(%dma_start3A_44 : memref<128x128xf32, #tpu.memory_space<vmem_shared>>) target_semaphore(%run_scoped3A : memref<!tpu.dma_semaphore, #tpu.memory_space<semaphore_mem>>)
      %dma_wait3A = arith.constant 0 : i32
      %dma_wait3A_45 = tpu.memref_slice %arg11[%add3A_28, %dma_wait3A] : memref<10240x128xf32, #tpu.memory_space<vmem_shared>> -> memref<128x128xf32, #tpu.memory_space<vmem_shared>>
      %dma_wait3A_46 = arith.constant 0 : i32
      %dma_wait3A_47 = tpu.memref_slice %arg11[%add3A_28, %dma_wait3A_46] : memref<10240x128xf32, #tpu.memory_space<vmem_shared>> -> memref<128x128xf32, #tpu.memory_space<vmem_shared>>
      tpu.wait_dma2 semaphore(%run_scoped3A : memref<!tpu.dma_semaphore, #tpu.memory_space<semaphore_mem>>) src(%arg10 : memref<128x128xf32, #tpu.memory_space<vmem>>) dst(%dma_wait3A_47 : memref<128x128xf32, #tpu.memory_space<vmem_shared>>)
      tpu.yield
    }) : () -> ()
    %barrier3A = arith.constant 0 : index
    tpu.barrier barrier_id(%barrier3A)
    %mul3A_29 = arith.constant 20000 : i32
    %mul3A_30 = arith.muli %arg1, %mul3A_29 : i32
    %scan3A_31 = arith.constant 0 : i32
    %scan3A_32 = arith.constant 0 : i32
    %scan3A_33 = arith.constant 250 : i32
    %scan3A_34 = arith.addi %scan3A_32, %scan3A_33 : i32
    %scan3A_35 = arith.constant 1 : i32
    scf.for %scan3A_42 = %scan3A_32 to %scan3A_34 step %scan3A_35  : i32 {
      %mul3A_43 = arith.constant 80 : i32
      %mul3A_44 = arith.muli %scan3A_42, %mul3A_43 : i32
      %add3A_45 = arith.addi %mul3A_30, %mul3A_44 : i32
      %add3A_46 = arith.constant 0 : i32
      %add3A_47 = arith.addi %add3A_46, %arg0 : i32
      %mul3A_48 = arith.constant 128 : i32
      %mul3A_49 = arith.muli %add3A_47, %mul3A_48 : i32
      "tpu.region"() ({
        %run_scoped3A = tpu.sem_alloc : memref<!tpu.dma_semaphore, #tpu.memory_space<semaphore_mem>>
        %dma_start3A = tpu.memref_slice %arg4[%add3A_45] : memref<320000xi32, #tpu.memory_space<hbm>> -> memref<80xi32, #tpu.memory_space<hbm>>
        %dma_start3A_56 = tpu.memref_slice %arg4[%add3A_45] : memref<320000xi32, #tpu.memory_space<hbm>> -> memref<80xi32, #tpu.memory_space<hbm>>
        tpu.enqueue_dma source(%dma_start3A_56 : memref<80xi32, #tpu.memory_space<hbm>>) target(%arg6 : memref<80xi32, #tpu.memory_space<vmem>>) target_semaphore(%run_scoped3A : memref<!tpu.dma_semaphore, #tpu.memory_space<semaphore_mem>>)
        %dma_wait3A = tpu.memref_slice %arg4[%add3A_45] : memref<320000xi32, #tpu.memory_space<hbm>> -> memref<80xi32, #tpu.memory_space<hbm>>
        %dma_wait3A_57 = tpu.memref_slice %arg4[%add3A_45] : memref<320000xi32, #tpu.memory_space<hbm>> -> memref<80xi32, #tpu.memory_space<hbm>>
        tpu.wait_dma2 semaphore(%run_scoped3A : memref<!tpu.dma_semaphore, #tpu.memory_space<semaphore_mem>>) src(%dma_wait3A_57 : memref<80xi32, #tpu.memory_space<hbm>>) dst(%arg6 : memref<80xi32, #tpu.memory_space<vmem>>)
        tpu.yield
      }) : () -> ()
      "tpu.region"() ({
        %run_scoped3A = tpu.sem_alloc : memref<!tpu.dma_semaphore, #tpu.memory_space<semaphore_mem>>
        %dma_start3A = tpu.memref_slice %arg2[%add3A_45, %mul3A_49] : memref<320000x512xf32, #tpu.memory_space<hbm>> -> memref<80x128xf32, #tpu.memory_space<hbm>>
        %dma_start3A_56 = tpu.memref_slice %arg2[%add3A_45, %mul3A_49] : memref<320000x512xf32, #tpu.memory_space<hbm>> -> memref<80x128xf32, #tpu.memory_space<hbm>>
        tpu.enqueue_dma source(%dma_start3A_56 : memref<80x128xf32, #tpu.memory_space<hbm>>) target(%arg7 : memref<80x128xf32, #tpu.memory_space<vmem>>) target_semaphore(%run_scoped3A : memref<!tpu.dma_semaphore, #tpu.memory_space<semaphore_mem>>)
        %dma_wait3A = tpu.memref_slice %arg2[%add3A_45, %mul3A_49] : memref<320000x512xf32, #tpu.memory_space<hbm>> -> memref<80x128xf32, #tpu.memory_space<hbm>>
        %dma_wait3A_57 = tpu.memref_slice %arg2[%add3A_45, %mul3A_49] : memref<320000x512xf32, #tpu.memory_space<hbm>> -> memref<80x128xf32, #tpu.memory_space<hbm>>
        tpu.wait_dma2 semaphore(%run_scoped3A : memref<!tpu.dma_semaphore, #tpu.memory_space<semaphore_mem>>) src(%dma_wait3A_57 : memref<80x128xf32, #tpu.memory_space<hbm>>) dst(%arg7 : memref<80x128xf32, #tpu.memory_space<vmem>>)
        tpu.yield
      }) : () -> ()
      "tpu.region"() ({
        %run_scoped3A = tpu.sem_alloc : memref<!tpu.dma_semaphore, #tpu.memory_space<semaphore_mem>>
        %dma_start3A = tpu.memref_slice %arg3[%add3A_45, %mul3A_49] : memref<320000x512xf32, #tpu.memory_space<hbm>> -> memref<80x128xf32, #tpu.memory_space<hbm>>
        %dma_start3A_56 = tpu.memref_slice %arg3[%add3A_45, %mul3A_49] : memref<320000x512xf32, #tpu.memory_space<hbm>> -> memref<80x128xf32, #tpu.memory_space<hbm>>
        tpu.enqueue_dma source(%dma_start3A_56 : memref<80x128xf32, #tpu.memory_space<hbm>>) target(%arg8 : memref<80x128xf32, #tpu.memory_space<vmem>>) target_semaphore(%run_scoped3A : memref<!tpu.dma_semaphore, #tpu.memory_space<semaphore_mem>>)
        %dma_wait3A = tpu.memref_slice %arg3[%add3A_45, %mul3A_49] : memref<320000x512xf32, #tpu.memory_space<hbm>> -> memref<80x128xf32, #tpu.memory_space<hbm>>
        %dma_wait3A_57 = tpu.memref_slice %arg3[%add3A_45, %mul3A_49] : memref<320000x512xf32, #tpu.memory_space<hbm>> -> memref<80x128xf32, #tpu.memory_space<hbm>>
        tpu.wait_dma2 semaphore(%run_scoped3A : memref<!tpu.dma_semaphore, #tpu.memory_space<semaphore_mem>>) src(%dma_wait3A_57 : memref<80x128xf32, #tpu.memory_space<hbm>>) dst(%arg8 : memref<80x128xf32, #tpu.memory_space<vmem>>)
        tpu.yield
      }) : () -> ()
      %scan3A_50 = arith.constant 0 : i32
      %scan3A_51 = arith.constant 0 : i32
      %scan3A_52 = arith.constant 80 : i32
      %scan3A_53 = arith.addi %scan3A_51, %scan3A_52 : i32
      %scan3A_54 = arith.constant 1 : i32
      scf.for %scan3A_56 = %scan3A_51 to %scan3A_53 step %scan3A_54  : i32 {
        %get3A = arith.index_cast %scan3A_56 : i32 to index
        %get3A_57 = arith.constant 0 : index
        %get3A_58 = tpu.vector_load %arg7[%get3A, %get3A_57] {strides = array<i32>} : memref<80x128xf32, #tpu.memory_space<vmem>>, vector<1x16xf32>,
        %get3A_59 = vector.shape_cast %get3A_58 : vector<1x16xf32> to vector<16xf32>
        %get3A_60 = arith.index_cast %scan3A_56 : i32 to index
        %get3A_61 = arith.constant 0 : index
        %get3A_62 = tpu.vector_load %arg8[%get3A_60, %get3A_61] {strides = array<i32>} : memref<80x128xf32, #tpu.memory_space<vmem>>, vector<1x16xf32>,
        %get3A_63 = vector.shape_cast %get3A_62 : vector<1x16xf32> to vector<16xf32>
        %add3A_64 = arith.addf %get3A_59, %get3A_63 : vector<16xf32>
        %get3A_65 = arith.index_cast %scan3A_56 : i32 to index
        %get3A_66 = arith.constant 64 : index
        %get3A_67 = tpu.vector_load %arg7[%get3A_65, %get3A_66] {strides = array<i32>} : memref<80x128xf32, #tpu.memory_space<vmem>>, vector<1x16xf32>,
        %get3A_68 = vector.shape_cast %get3A_67 : vector<1x16xf32> to vector<16xf32>
        %get3A_69 = arith.index_cast %scan3A_56 : i32 to index
        %get3A_70 = arith.constant 64 : index
        %get3A_71 = tpu.vector_load %arg8[%get3A_69, %get3A_70] {strides = array<i32>} : memref<80x128xf32, #tpu.memory_space<vmem>>, vector<1x16xf32>,
        %get3A_72 = vector.shape_cast %get3A_71 : vector<1x16xf32> to vector<16xf32>
        %add3A_73 = arith.addf %get3A_68, %get3A_72 : vector<16xf32>
        %neg3A = arith.constant 0.000000e+00 : f32
        %neg3A_74 = vector.broadcast %neg3A : f32 to vector<16xf32>
        %neg3A_75 = arith.subf %neg3A_74, %add3A_64 : vector<16xf32>
        %exp3A = math.exp %neg3A_75 : vector<16xf32>
        %add3A_76 = arith.constant 1.000000e+00 : f32
        %add3A_77 = vector.broadcast %add3A_76 : f32 to vector<16xf32>
        %add3A_78 = arith.addf %add3A_77, %exp3A : vector<16xf32>
        %div3A = arith.constant 1.000000e+00 : f32
        %div3A_79 = vector.broadcast %div3A : f32 to vector<16xf32>
        %div3A_80 = arith.divf %div3A_79, %add3A_78 : vector<16xf32>
        %abs3A = math.absf %add3A_73 : vector<16xf32>
        %neg3A_81 = arith.constant 0.000000e+00 : f32
        %neg3A_82 = vector.broadcast %neg3A_81 : f32 to vector<16xf32>
        %neg3A_83 = arith.subf %neg3A_82, %abs3A : vector<16xf32>
        %exp3A_84 = math.exp %neg3A_83 : vector<16xf32>
        %broadcast_in_dim3A = arith.constant -0.0172080602 : f32
        %broadcast_in_dim3A_85 = vector.broadcast %broadcast_in_dim3A : f32 to vector<16xf32>
        %mul3A_86 = arith.mulf %broadcast_in_dim3A_85, %exp3A_84 : vector<16xf32>
        %add3A_87 = arith.constant 0.0817268118 : f32
        %add3A_88 = vector.broadcast %add3A_87 : f32 to vector<16xf32>
        %add3A_89 = arith.addf %mul3A_86, %add3A_88 : vector<16xf32>
        %mul3A_90 = arith.mulf %add3A_89, %exp3A_84 : vector<16xf32>
        %add3A_91 = arith.constant -0.188782677 : f32
        %add3A_92 = vector.broadcast %add3A_91 : f32 to vector<16xf32>
        %add3A_93 = arith.addf %mul3A_90, %add3A_92 : vector<16xf32>
        %mul3A_94 = arith.mulf %add3A_93, %exp3A_84 : vector<16xf32>
        %add3A_95 = arith.constant 0.314590544 : f32
        %add3A_96 = vector.broadcast %add3A_95 : f32 to vector<16xf32>
        %add3A_97 = arith.addf %mul3A_94, %add3A_96 : vector<16xf32>
        %mul3A_98 = arith.mulf %add3A_97, %exp3A_84 : vector<16xf32>
        %add3A_99 = arith.constant -0.496977925 : f32
        %add3A_100 = vector.broadcast %add3A_99 : f32 to vector<16xf32>
        %add3A_101 = arith.addf %mul3A_98, %add3A_100 : vector<16xf32>
        %mul3A_102 = arith.mulf %add3A_101, %exp3A_84 : vector<16xf32>
        %add3A_103 = arith.constant 0.999792456 : f32
        %add3A_104 = vector.broadcast %add3A_103 : f32 to vector<16xf32>
        %add3A_105 = arith.addf %mul3A_102, %add3A_104 : vector<16xf32>
        %mul3A_106 = arith.mulf %add3A_105, %exp3A_84 : vector<16xf32>
        %add3A_107 = arith.constant 3.50755204E-6 : f32
        %add3A_108 = vector.broadcast %add3A_107 : f32 to vector<16xf32>
        %add3A_109 = arith.addf %mul3A_106, %add3A_108 : vector<16xf32>
        %max3A = arith.constant 0.000000e+00 : f32
        %max3A_110 = vector.broadcast %max3A : f32 to vector<16xf32>
        %max3A_111 = arith.maximumf %add3A_73, %max3A_110 : vector<16xf32>
        %add3A_112 = arith.addf %max3A_111, %add3A_109 : vector<16xf32>
        %mul3A_113 = arith.mulf %div3A_80, %add3A_112 : vector<16xf32>
        %swap3A = arith.index_cast %scan3A_56 : i32 to index
        %swap3A_114 = arith.constant 0 : index
        %swap3A_115 = tpu.vector_load %arg9[%swap3A, %swap3A_114] {strides = array<i32>} : memref<80x128xf32, #tpu.memory_space<vmem>>, vector<1x16xf32>,
        %swap3A_116 = vector.shape_cast %swap3A_115 : vector<1x16xf32> to vector<16xf32>
        %swap3A_117 = vector.shape_cast %mul3A_113 : vector<16xf32> to vector<1x16xf32>
        tpu.vector_store %arg9[%swap3A, %swap3A_114], %swap3A_117 {strides = array<i32>} : memref<80x128xf32, #tpu.memory_space<vmem>>, vector<1x16xf32>,
        %get3A_118 = arith.index_cast %scan3A_56 : i32 to index
        %get3A_119 = arith.constant 16 : index
        %get3A_120 = tpu.vector_load %arg7[%get3A_118, %get3A_119] {strides = array<i32>} : memref<80x128xf32, #tpu.memory_space<vmem>>, vector<1x16xf32>,
        %get3A_121 = vector.shape_cast %get3A_120 : vector<1x16xf32> to vector<16xf32>
        %get3A_122 = arith.index_cast %scan3A_56 : i32 to index
        %get3A_123 = arith.constant 16 : index
        %get3A_124 = tpu.vector_load %arg8[%get3A_122, %get3A_123] {strides = array<i32>} : memref<80x128xf32, #tpu.memory_space<vmem>>, vector<1x16xf32>,
        %get3A_125 = vector.shape_cast %get3A_124 : vector<1x16xf32> to vector<16xf32>
        %add3A_126 = arith.addf %get3A_121, %get3A_125 : vector<16xf32>
        %get3A_127 = arith.index_cast %scan3A_56 : i32 to index
        %get3A_128 = arith.constant 80 : index
        %get3A_129 = tpu.vector_load %arg7[%get3A_127, %get3A_128] {strides = array<i32>} : memref<80x128xf32, #tpu.memory_space<vmem>>, vector<1x16xf32>,
        %get3A_130 = vector.shape_cast %get3A_129 : vector<1x16xf32> to vector<16xf32>
        %get3A_131 = arith.index_cast %scan3A_56 : i32 to index
        %get3A_132 = arith.constant 80 : index
        %get3A_133 = tpu.vector_load %arg8[%get3A_131, %get3A_132] {strides = array<i32>} : memref<80x128xf32, #tpu.memory_space<vmem>>, vector<1x16xf32>,
        %get3A_134 = vector.shape_cast %get3A_133 : vector<1x16xf32> to vector<16xf32>
        %add3A_135 = arith.addf %get3A_130, %get3A_134 : vector<16xf32>
        %neg3A_136 = arith.constant 0.000000e+00 : f32
        %neg3A_137 = vector.broadcast %neg3A_136 : f32 to vector<16xf32>
        %neg3A_138 = arith.subf %neg3A_137, %add3A_126 : vector<16xf32>
        %exp3A_139 = math.exp %neg3A_138 : vector<16xf32>
        %add3A_140 = arith.constant 1.000000e+00 : f32
        %add3A_141 = vector.broadcast %add3A_140 : f32 to vector<16xf32>
        %add3A_142 = arith.addf %add3A_141, %exp3A_139 : vector<16xf32>
        %div3A_143 = arith.constant 1.000000e+00 : f32
        %div3A_144 = vector.broadcast %div3A_143 : f32 to vector<16xf32>
        %div3A_145 = arith.divf %div3A_144, %add3A_142 : vector<16xf32>
        %abs3A_146 = math.absf %add3A_135 : vector<16xf32>
        %neg3A_147 = arith.constant 0.000000e+00 : f32
        %neg3A_148 = vector.broadcast %neg3A_147 : f32 to vector<16xf32>
        %neg3A_149 = arith.subf %neg3A_148, %abs3A_146 : vector<16xf32>
        %exp3A_150 = math.exp %neg3A_149 : vector<16xf32>
        %broadcast_in_dim3A_151 = arith.constant -0.0172080602 : f32
        %broadcast_in_dim3A_152 = vector.broadcast %broadcast_in_dim3A_151 : f32 to vector<16xf32>
        %mul3A_153 = arith.mulf %broadcast_in_dim3A_152, %exp3A_150 : vector<16xf32>
        %add3A_154 = arith.constant 0.0817268118 : f32
        %add3A_155 = vector.broadcast %add3A_154 : f32 to vector<16xf32>
        %add3A_156 = arith.addf %mul3A_153, %add3A_155 : vector<16xf32>
        %mul3A_157 = arith.mulf %add3A_156, %exp3A_150 : vector<16xf32>
        %add3A_158 = arith.constant -0.188782677 : f32
        %add3A_159 = vector.broadcast %add3A_158 : f32 to vector<16xf32>
        %add3A_160 = arith.addf %mul3A_157, %add3A_159 : vector<16xf32>
        %mul3A_161 = arith.mulf %add3A_160, %exp3A_150 : vector<16xf32>
        %add3A_162 = arith.constant 0.314590544 : f32
        %add3A_163 = vector.broadcast %add3A_162 : f32 to vector<16xf32>
        %add3A_164 = arith.addf %mul3A_161, %add3A_163 : vector<16xf32>
        %mul3A_165 = arith.mulf %add3A_164, %exp3A_150 : vector<16xf32>
        %add3A_166 = arith.constant -0.496977925 : f32
        %add3A_167 = vector.broadcast %add3A_166 : f32 to vector<16xf32>
        %add3A_168 = arith.addf %mul3A_165, %add3A_167 : vector<16xf32>
        %mul3A_169 = arith.mulf %add3A_168, %exp3A_150 : vector<16xf32>
        %add3A_170 = arith.constant 0.999792456 : f32
        %add3A_171 = vector.broadcast %add3A_170 : f32 to vector<16xf32>
        %add3A_172 = arith.addf %mul3A_169, %add3A_171 : vector<16xf32>
        %mul3A_173 = arith.mulf %add3A_172, %exp3A_150 : vector<16xf32>
        %add3A_174 = arith.constant 3.50755204E-6 : f32
        %add3A_175 = vector.broadcast %add3A_174 : f32 to vector<16xf32>
        %add3A_176 = arith.addf %mul3A_173, %add3A_175 : vector<16xf32>
        %max3A_177 = arith.constant 0.000000e+00 : f32
        %max3A_178 = vector.broadcast %max3A_177 : f32 to vector<16xf32>
        %max3A_179 = arith.maximumf %add3A_135, %max3A_178 : vector<16xf32>
        %add3A_180 = arith.addf %max3A_179, %add3A_176 : vector<16xf32>
        %mul3A_181 = arith.mulf %div3A_145, %add3A_180 : vector<16xf32>
        %swap3A_182 = arith.index_cast %scan3A_56 : i32 to index
        %swap3A_183 = arith.constant 16 : index
        %swap3A_184 = tpu.vector_load %arg9[%swap3A_182, %swap3A_183] {strides = array<i32>} : memref<80x128xf32, #tpu.memory_space<vmem>>, vector<1x16xf32>,
        %swap3A_185 = vector.shape_cast %swap3A_184 : vector<1x16xf32> to vector<16xf32>
        %swap3A_186 = vector.shape_cast %mul3A_181 : vector<16xf32> to vector<1x16xf32>
        tpu.vector_store %arg9[%swap3A_182, %swap3A_183], %swap3A_186 {strides = array<i32>} : memref<80x128xf32, #tpu.memory_space<vmem>>, vector<1x16xf32>,
        %get3A_187 = arith.index_cast %scan3A_56 : i32 to index
        %get3A_188 = arith.constant 32 : index
        %get3A_189 = tpu.vector_load %arg7[%get3A_187, %get3A_188] {strides = array<i32>} : memref<80x128xf32, #tpu.memory_space<vmem>>, vector<1x16xf32>,
        %get3A_190 = vector.shape_cast %get3A_189 : vector<1x16xf32> to vector<16xf32>
        %get3A_191 = arith.index_cast %scan3A_56 : i32 to index
        %get3A_192 = arith.constant 32 : index
        %get3A_193 = tpu.vector_load %arg8[%get3A_191, %get3A_192] {strides = array<i32>} : memref<80x128xf32, #tpu.memory_space<vmem>>, vector<1x16xf32>,
        %get3A_194 = vector.shape_cast %get3A_193 : vector<1x16xf32> to vector<16xf32>
        %add3A_195 = arith.addf %get3A_190, %get3A_194 : vector<16xf32>
        %get3A_196 = arith.index_cast %scan3A_56 : i32 to index
        %get3A_197 = arith.constant 96 : index
        %get3A_198 = tpu.vector_load %arg7[%get3A_196, %get3A_197] {strides = array<i32>} : memref<80x128xf32, #tpu.memory_space<vmem>>, vector<1x16xf32>,
        %get3A_199 = vector.shape_cast %get3A_198 : vector<1x16xf32> to vector<16xf32>
        %get3A_200 = arith.index_cast %scan3A_56 : i32 to index
        %get3A_201 = arith.constant 96 : index
        %get3A_202 = tpu.vector_load %arg8[%get3A_200, %get3A_201] {strides = array<i32>} : memref<80x128xf32, #tpu.memory_space<vmem>>, vector<1x16xf32>,
        %get3A_203 = vector.shape_cast %get3A_202 : vector<1x16xf32> to vector<16xf32>
        %add3A_204 = arith.addf %get3A_199, %get3A_203 : vector<16xf32>
        %neg3A_205 = arith.constant 0.000000e+00 : f32
        %neg3A_206 = vector.broadcast %neg3A_205 : f32 to vector<16xf32>
        %neg3A_207 = arith.subf %neg3A_206, %add3A_195 : vector<16xf32>
        %exp3A_208 = math.exp %neg3A_207 : vector<16xf32>
        %add3A_209 = arith.constant 1.000000e+00 : f32
        %add3A_210 = vector.broadcast %add3A_209 : f32 to vector<16xf32>
        %add3A_211 = arith.addf %add3A_210, %exp3A_208 : vector<16xf32>
        %div3A_212 = arith.constant 1.000000e+00 : f32
        %div3A_213 = vector.broadcast %div3A_212 : f32 to vector<16xf32>
        %div3A_214 = arith.divf %div3A_213, %add3A_211 : vector<16xf32>
        %abs3A_215 = math.absf %add3A_204 : vector<16xf32>
        %neg3A_216 = arith.constant 0.000000e+00 : f32
        %neg3A_217 = vector.broadcast %neg3A_216 : f32 to vector<16xf32>
        %neg3A_218 = arith.subf %neg3A_217, %abs3A_215 : vector<16xf32>
        %exp3A_219 = math.exp %neg3A_218 : vector<16xf32>
        %broadcast_in_dim3A_220 = arith.constant -0.0172080602 : f32
        %broadcast_in_dim3A_221 = vector.broadcast %broadcast_in_dim3A_220 : f32 to vector<16xf32>
        %mul3A_222 = arith.mulf %broadcast_in_dim3A_221, %exp3A_219 : vector<16xf32>
        %add3A_223 = arith.constant 0.0817268118 : f32
        %add3A_224 = vector.broadcast %add3A_223 : f32 to vector<16xf32>
        %add3A_225 = arith.addf %mul3A_222, %add3A_224 : vector<16xf32>
        %mul3A_226 = arith.mulf %add3A_225, %exp3A_219 : vector<16xf32>
        %add3A_227 = arith.constant -0.188782677 : f32
        %add3A_228 = vector.broadcast %add3A_227 : f32 to vector<16xf32>
        %add3A_229 = arith.addf %mul3A_226, %add3A_228 : vector<16xf32>
        %mul3A_230 = arith.mulf %add3A_229, %exp3A_219 : vector<16xf32>
        %add3A_231 = arith.constant 0.314590544 : f32
        %add3A_232 = vector.broadcast %add3A_231 : f32 to vector<16xf32>
        %add3A_233 = arith.addf %mul3A_230, %add3A_232 : vector<16xf32>
        %mul3A_234 = arith.mulf %add3A_233, %exp3A_219 : vector<16xf32>
        %add3A_235 = arith.constant -0.496977925 : f32
        %add3A_236 = vector.broadcast %add3A_235 : f32 to vector<16xf32>
        %add3A_237 = arith.addf %mul3A_234, %add3A_236 : vector<16xf32>
        %mul3A_238 = arith.mulf %add3A_237, %exp3A_219 : vector<16xf32>
        %add3A_239 = arith.constant 0.999792456 : f32
        %add3A_240 = vector.broadcast %add3A_239 : f32 to vector<16xf32>
        %add3A_241 = arith.addf %mul3A_238, %add3A_240 : vector<16xf32>
        %mul3A_242 = arith.mulf %add3A_241, %exp3A_219 : vector<16xf32>
        %add3A_243 = arith.constant 3.50755204E-6 : f32
        %add3A_244 = vector.broadcast %add3A_243 : f32 to vector<16xf32>
        %add3A_245 = arith.addf %mul3A_242, %add3A_244 : vector<16xf32>
        %max3A_246 = arith.constant 0.000000e+00 : f32
        %max3A_247 = vector.broadcast %max3A_246 : f32 to vector<16xf32>
        %max3A_248 = arith.maximumf %add3A_204, %max3A_247 : vector<16xf32>
        %add3A_249 = arith.addf %max3A_248, %add3A_245 : vector<16xf32>
        %mul3A_250 = arith.mulf %div3A_214, %add3A_249 : vector<16xf32>
        %swap3A_251 = arith.index_cast %scan3A_56 : i32 to index
        %swap3A_252 = arith.constant 32 : index
        %swap3A_253 = tpu.vector_load %arg9[%swap3A_251, %swap3A_252] {strides = array<i32>} : memref<80x128xf32, #tpu.memory_space<vmem>>, vector<1x16xf32>,
        %swap3A_254 = vector.shape_cast %swap3A_253 : vector<1x16xf32> to vector<16xf32>
        %swap3A_255 = vector.shape_cast %mul3A_250 : vector<16xf32> to vector<1x16xf32>
        tpu.vector_store %arg9[%swap3A_251, %swap3A_252], %swap3A_255 {strides = array<i32>} : memref<80x128xf32, #tpu.memory_space<vmem>>, vector<1x16xf32>,
        %get3A_256 = arith.index_cast %scan3A_56 : i32 to index
        %get3A_257 = arith.constant 48 : index
        %get3A_258 = tpu.vector_load %arg7[%get3A_256, %get3A_257] {strides = array<i32>} : memref<80x128xf32, #tpu.memory_space<vmem>>, vector<1x16xf32>,
        %get3A_259 = vector.shape_cast %get3A_258 : vector<1x16xf32> to vector<16xf32>
        %get3A_260 = arith.index_cast %scan3A_56 : i32 to index
        %get3A_261 = arith.constant 48 : index
        %get3A_262 = tpu.vector_load %arg8[%get3A_260, %get3A_261] {strides = array<i32>} : memref<80x128xf32, #tpu.memory_space<vmem>>, vector<1x16xf32>,
        %get3A_263 = vector.shape_cast %get3A_262 : vector<1x16xf32> to vector<16xf32>
        %add3A_264 = arith.addf %get3A_259, %get3A_263 : vector<16xf32>
        %get3A_265 = arith.index_cast %scan3A_56 : i32 to index
        %get3A_266 = arith.constant 112 : index
        %get3A_267 = tpu.vector_load %arg7[%get3A_265, %get3A_266] {strides = array<i32>} : memref<80x128xf32, #tpu.memory_space<vmem>>, vector<1x16xf32>,
        %get3A_268 = vector.shape_cast %get3A_267 : vector<1x16xf32> to vector<16xf32>
        %get3A_269 = arith.index_cast %scan3A_56 : i32 to index
        %get3A_270 = arith.constant 112 : index
        %get3A_271 = tpu.vector_load %arg8[%get3A_269, %get3A_270] {strides = array<i32>} : memref<80x128xf32, #tpu.memory_space<vmem>>, vector<1x16xf32>,
        %get3A_272 = vector.shape_cast %get3A_271 : vector<1x16xf32> to vector<16xf32>
        %add3A_273 = arith.addf %get3A_268, %get3A_272 : vector<16xf32>
        %neg3A_274 = arith.constant 0.000000e+00 : f32
        %neg3A_275 = vector.broadcast %neg3A_274 : f32 to vector<16xf32>
        %neg3A_276 = arith.subf %neg3A_275, %add3A_264 : vector<16xf32>
        %exp3A_277 = math.exp %neg3A_276 : vector<16xf32>
        %add3A_278 = arith.constant 1.000000e+00 : f32
        %add3A_279 = vector.broadcast %add3A_278 : f32 to vector<16xf32>
        %add3A_280 = arith.addf %add3A_279, %exp3A_277 : vector<16xf32>
        %div3A_281 = arith.constant 1.000000e+00 : f32
        %div3A_282 = vector.broadcast %div3A_281 : f32 to vector<16xf32>
        %div3A_283 = arith.divf %div3A_282, %add3A_280 : vector<16xf32>
        %abs3A_284 = math.absf %add3A_273 : vector<16xf32>
        %neg3A_285 = arith.constant 0.000000e+00 : f32
        %neg3A_286 = vector.broadcast %neg3A_285 : f32 to vector<16xf32>
        %neg3A_287 = arith.subf %neg3A_286, %abs3A_284 : vector<16xf32>
        %exp3A_288 = math.exp %neg3A_287 : vector<16xf32>
        %broadcast_in_dim3A_289 = arith.constant -0.0172080602 : f32
        %broadcast_in_dim3A_290 = vector.broadcast %broadcast_in_dim3A_289 : f32 to vector<16xf32>
        %mul3A_291 = arith.mulf %broadcast_in_dim3A_290, %exp3A_288 : vector<16xf32>
        %add3A_292 = arith.constant 0.0817268118 : f32
        %add3A_293 = vector.broadcast %add3A_292 : f32 to vector<16xf32>
        %add3A_294 = arith.addf %mul3A_291, %add3A_293 : vector<16xf32>
        %mul3A_295 = arith.mulf %add3A_294, %exp3A_288 : vector<16xf32>
        %add3A_296 = arith.constant -0.188782677 : f32
        %add3A_297 = vector.broadcast %add3A_296 : f32 to vector<16xf32>
        %add3A_298 = arith.addf %mul3A_295, %add3A_297 : vector<16xf32>
        %mul3A_299 = arith.mulf %add3A_298, %exp3A_288 : vector<16xf32>
        %add3A_300 = arith.constant 0.314590544 : f32
        %add3A_301 = vector.broadcast %add3A_300 : f32 to vector<16xf32>
        %add3A_302 = arith.addf %mul3A_299, %add3A_301 : vector<16xf32>
        %mul3A_303 = arith.mulf %add3A_302, %exp3A_288 : vector<16xf32>
        %add3A_304 = arith.constant -0.496977925 : f32
        %add3A_305 = vector.broadcast %add3A_304 : f32 to vector<16xf32>
        %add3A_306 = arith.addf %mul3A_303, %add3A_305 : vector<16xf32>
        %mul3A_307 = arith.mulf %add3A_306, %exp3A_288 : vector<16xf32>
        %add3A_308 = arith.constant 0.999792456 : f32
        %add3A_309 = vector.broadcast %add3A_308 : f32 to vector<16xf32>
        %add3A_310 = arith.addf %mul3A_307, %add3A_309 : vector<16xf32>
        %mul3A_311 = arith.mulf %add3A_310, %exp3A_288 : vector<16xf32>
        %add3A_312 = arith.constant 3.50755204E-6 : f32
        %add3A_313 = vector.broadcast %add3A_312 : f32 to vector<16xf32>
        %add3A_314 = arith.addf %mul3A_311, %add3A_313 : vector<16xf32>
        %max3A_315 = arith.constant 0.000000e+00 : f32
        %max3A_316 = vector.broadcast %max3A_315 : f32 to vector<16xf32>
        %max3A_317 = arith.maximumf %add3A_273, %max3A_316 : vector<16xf32>
        %add3A_318 = arith.addf %max3A_317, %add3A_314 : vector<16xf32>
        %mul3A_319 = arith.mulf %div3A_283, %add3A_318 : vector<16xf32>
        %swap3A_320 = arith.index_cast %scan3A_56 : i32 to index
        %swap3A_321 = arith.constant 48 : index
        %swap3A_322 = tpu.vector_load %arg9[%swap3A_320, %swap3A_321] {strides = array<i32>} : memref<80x128xf32, #tpu.memory_space<vmem>>, vector<1x16xf32>,
        %swap3A_323 = vector.shape_cast %swap3A_322 : vector<1x16xf32> to vector<16xf32>
        %swap3A_324 = vector.shape_cast %mul3A_319 : vector<16xf32> to vector<1x16xf32>
        tpu.vector_store %arg9[%swap3A_320, %swap3A_321], %swap3A_324 {strides = array<i32>} : memref<80x128xf32, #tpu.memory_space<vmem>>, vector<1x16xf32>,
      }
      %scan3A_55 = arith.constant 80 : i32
      "tpu.region"() ({
        %run_scoped3A = tpu.sem_alloc : memref<!tpu.dma_semaphore, #tpu.memory_space<semaphore_mem>>
        %dma_start3A = arith.constant 0 : i32
        %dma_start3A_56 = arith.constant 0 : i32
        %dma_start3A_57 = tpu.memref_slice %arg11[%dma_start3A, %dma_start3A_56] : memref<10240x128xf32, #tpu.memory_space<vmem_shared>> -> memref<10240x128xf32, #tpu.memory_space<vmem_shared>>
        tpu.enqueue_indirect_dma source(%arg9 : memref<80x128xf32, #tpu.memory_space<vmem>>) target(%dma_start3A_57 : memref<10240x128xf32, #tpu.memory_space<vmem_shared>>) offsets(%arg6 : memref<80xi32, #tpu.memory_space<vmem>>) semaphore(%run_scoped3A : memref<!tpu.dma_semaphore, #tpu.memory_space<semaphore_mem>>) {add = true}
        %dma_wait3A = arith.constant 0 : i32
        %dma_wait3A_58 = arith.constant 0 : i32
        %dma_wait3A_59 = tpu.memref_slice %arg11[%dma_wait3A, %dma_wait3A_58] : memref<10240x128xf32, #tpu.memory_space<vmem_shared>> -> memref<10240x128xf32, #tpu.memory_space<vmem_shared>>
        tpu.wait_indirect_dma semaphore(%run_scoped3A : memref<!tpu.dma_semaphore, #tpu.memory_space<semaphore_mem>>) src(%arg9 : memref<80x128xf32, #tpu.memory_space<vmem>>) dst(%dma_wait3A_59 : memref<10240x128xf32, #tpu.memory_space<vmem_shared>>)
        tpu.yield
      }) : () -> ()
    }
    %scan3A_36 = arith.constant 250 : i32
    %barrier3A_37 = arith.constant 0 : index
    tpu.barrier barrier_id(%barrier3A_37)
    %mul3A_38 = arith.constant 640 : i32
    %mul3A_39 = arith.muli %arg1, %mul3A_38 : i32
    %mul3A_40 = arith.constant 640 : i32
    %mul3A_41 = arith.muli %arg1, %mul3A_40 : i32
    "tpu.region"() ({
      %run_scoped3A = tpu.sem_alloc : memref<!tpu.dma_semaphore, #tpu.memory_space<semaphore_mem>>
      %dma_start3A = arith.constant 0 : i32
      %dma_start3A_42 = tpu.memref_slice %arg5[%arg0, %mul3A_41, %dma_start3A] : memref<2x10240x128xf32, #tpu.memory_space<hbm>> -> memref<1x640x128xf32, #tpu.memory_space<hbm>>
      %dma_start3A_43 = tpu.memref_squeeze %dma_start3A_42 : memref<1x640x128xf32, #tpu.memory_space<hbm>> -> memref<640x128xf32, #tpu.memory_space<hbm>>
      %dma_start3A_44 = arith.constant 0 : i32
      %dma_start3A_45 = tpu.memref_slice %arg11[%mul3A_39, %dma_start3A_44] : memref<10240x128xf32, #tpu.memory_space<vmem_shared>> -> memref<640x128xf32, #tpu.memory_space<vmem_shared>>
      tpu.enqueue_dma source(%dma_start3A_45 : memref<640x128xf32, #tpu.memory_space<vmem_shared>>) target(%dma_start3A_43 : memref<640x128xf32, #tpu.memory_space<hbm>>) target_semaphore(%run_scoped3A : memref<!tpu.dma_semaphore, #tpu.memory_space<semaphore_mem>>)
      %dma_wait3A = arith.constant 0 : i32
      %dma_wait3A_46 = tpu.memref_slice %arg5[%arg0, %mul3A_41, %dma_wait3A] : memref<2x10240x128xf32, #tpu.memory_space<hbm>> -> memref<1x640x128xf32, #tpu.memory_space<hbm>>
      %dma_wait3A_47 = tpu.memref_squeeze %dma_wait3A_46 : memref<1x640x128xf32, #tpu.memory_space<hbm>> -> memref<640x128xf32, #tpu.memory_space<hbm>>
      %dma_wait3A_48 = arith.constant 0 : i32
      %dma_wait3A_49 = tpu.memref_slice %arg11[%mul3A_39, %dma_wait3A_48] : memref<10240x128xf32, #tpu.memory_space<vmem_shared>> -> memref<640x128xf32, #tpu.memory_space<vmem_shared>>
      tpu.wait_dma2 semaphore(%run_scoped3A : memref<!tpu.dma_semaphore, #tpu.memory_space<semaphore_mem>>) src(%dma_wait3A_49 : memref<640x128xf32, #tpu.memory_space<vmem_shared>>) dst(%dma_wait3A_47 : memref<640x128xf32, #tpu.memory_space<hbm>>)
      tpu.yield
    }) : () -> ()
    return
  }
}

#map = affine_map<(d0, d1) -> (0, 0)>
#map1 = affine_map<(d0, d1) -> (0)>
#map2 = affine_map<(d0, d1) -> (0, 0, 0)>
module attributes {stable_mosaic.version = 14 : i64} {
  func.func @sc_layer(%arg0: i32, %arg1: i32, %arg2: memref<320000x512xf32, #tpu.memory_space<hbm>>, %arg3: memref<320000x512xf32, #tpu.memory_space<hbm>>, %arg4: memref<320000xi32, #tpu.memory_space<hbm>>, %arg5: memref<2x10240x128xf32, #tpu.memory_space<hbm>>, %arg6: memref<80xi32, #tpu.memory_space<vmem>>, %arg7: memref<80x128xf32, #tpu.memory_space<vmem>>, %arg8: memref<80x128xf32, #tpu.memory_space<vmem>>, %arg9: memref<80x128xf32, #tpu.memory_space<vmem>>, %arg10: memref<128x128xf32, #tpu.memory_space<vmem>>, %arg11: memref<10240x128xf32, #tpu.memory_space<vmem_shared>>) attributes {dimension_semantics = [#tpu.dimension_semantics<core_parallel>, #tpu.dimension_semantics<subcore_parallel>], iteration_bounds = array<i64: 2, 16>, scalar_prefetch = 0 : i64, scratch_operands = 6 : i64, tpu.core_type = #tpu.core_type<sc_vector_subcore>, window_params = [{transform_indices = #map}, {transform_indices = #map}, {transform_indices = #map1}, {transform_indices = #map2}]} {
    %scan3A = arith.constant 0 : i32
    %scan3A_0 = arith.constant 0 : i32
    %scan3A_1 = arith.constant 128 : i32
    %scan3A_2 = arith.addi %scan3A_0, %scan3A_1 : i32
    %scan3A_3 = arith.constant 1 : i32
    scf.for %scan3A_42 = %scan3A_0 to %scan3A_2 step %scan3A_3  : i32 {
      %broadcast_in_dim3A = arith.constant 0.000000e+00 : f32
      %broadcast_in_dim3A_43 = vector.broadcast %broadcast_in_dim3A : f32 to vector<16xf32>
      %swap3A = arith.index_cast %scan3A_42 : i32 to index
      %swap3A_44 = arith.constant 0 : index
      %swap3A_45 = tpu.vector_load %arg10[%swap3A, %swap3A_44] {strides = array<i32>} : memref<128x128xf32, #tpu.memory_space<vmem>>, vector<1x16xf32>,
      %swap3A_46 = vector.shape_cast %swap3A_45 : vector<1x16xf32> to vector<16xf32>
      %swap3A_47 = vector.shape_cast %broadcast_in_dim3A_43 : vector<16xf32> to vector<1x16xf32>
      tpu.vector_store %arg10[%swap3A, %swap3A_44], %swap3A_47 {strides = array<i32>} : memref<128x128xf32, #tpu.memory_space<vmem>>, vector<1x16xf32>,
      %broadcast_in_dim3A_48 = arith.constant 0.000000e+00 : f32
      %broadcast_in_dim3A_49 = vector.broadcast %broadcast_in_dim3A_48 : f32 to vector<16xf32>
      %swap3A_50 = arith.index_cast %scan3A_42 : i32 to index
      %swap3A_51 = arith.constant 16 : index
      %swap3A_52 = tpu.vector_load %arg10[%swap3A_50, %swap3A_51] {strides = array<i32>} : memref<128x128xf32, #tpu.memory_space<vmem>>, vector<1x16xf32>,
      %swap3A_53 = vector.shape_cast %swap3A_52 : vector<1x16xf32> to vector<16xf32>
      %swap3A_54 = vector.shape_cast %broadcast_in_dim3A_49 : vector<16xf32> to vector<1x16xf32>
      tpu.vector_store %arg10[%swap3A_50, %swap3A_51], %swap3A_54 {strides = array<i32>} : memref<128x128xf32, #tpu.memory_space<vmem>>, vector<1x16xf32>,
      %broadcast_in_dim3A_55 = arith.constant 0.000000e+00 : f32
      %broadcast_in_dim3A_56 = vector.broadcast %broadcast_in_dim3A_55 : f32 to vector<16xf32>
      %swap3A_57 = arith.index_cast %scan3A_42 : i32 to index
      %swap3A_58 = arith.constant 32 : index
      %swap3A_59 = tpu.vector_load %arg10[%swap3A_57, %swap3A_58] {strides = array<i32>} : memref<128x128xf32, #tpu.memory_space<vmem>>, vector<1x16xf32>,
      %swap3A_60 = vector.shape_cast %swap3A_59 : vector<1x16xf32> to vector<16xf32>
      %swap3A_61 = vector.shape_cast %broadcast_in_dim3A_56 : vector<16xf32> to vector<1x16xf32>
      tpu.vector_store %arg10[%swap3A_57, %swap3A_58], %swap3A_61 {strides = array<i32>} : memref<128x128xf32, #tpu.memory_space<vmem>>, vector<1x16xf32>,
      %broadcast_in_dim3A_62 = arith.constant 0.000000e+00 : f32
      %broadcast_in_dim3A_63 = vector.broadcast %broadcast_in_dim3A_62 : f32 to vector<16xf32>
      %swap3A_64 = arith.index_cast %scan3A_42 : i32 to index
      %swap3A_65 = arith.constant 48 : index
      %swap3A_66 = tpu.vector_load %arg10[%swap3A_64, %swap3A_65] {strides = array<i32>} : memref<128x128xf32, #tpu.memory_space<vmem>>, vector<1x16xf32>,
      %swap3A_67 = vector.shape_cast %swap3A_66 : vector<1x16xf32> to vector<16xf32>
      %swap3A_68 = vector.shape_cast %broadcast_in_dim3A_63 : vector<16xf32> to vector<1x16xf32>
      tpu.vector_store %arg10[%swap3A_64, %swap3A_65], %swap3A_68 {strides = array<i32>} : memref<128x128xf32, #tpu.memory_space<vmem>>, vector<1x16xf32>,
      %broadcast_in_dim3A_69 = arith.constant 0.000000e+00 : f32
      %broadcast_in_dim3A_70 = vector.broadcast %broadcast_in_dim3A_69 : f32 to vector<16xf32>
      %swap3A_71 = arith.index_cast %scan3A_42 : i32 to index
      %swap3A_72 = arith.constant 64 : index
      %swap3A_73 = tpu.vector_load %arg10[%swap3A_71, %swap3A_72] {strides = array<i32>} : memref<128x128xf32, #tpu.memory_space<vmem>>, vector<1x16xf32>,
      %swap3A_74 = vector.shape_cast %swap3A_73 : vector<1x16xf32> to vector<16xf32>
      %swap3A_75 = vector.shape_cast %broadcast_in_dim3A_70 : vector<16xf32> to vector<1x16xf32>
      tpu.vector_store %arg10[%swap3A_71, %swap3A_72], %swap3A_75 {strides = array<i32>} : memref<128x128xf32, #tpu.memory_space<vmem>>, vector<1x16xf32>,
      %broadcast_in_dim3A_76 = arith.constant 0.000000e+00 : f32
      %broadcast_in_dim3A_77 = vector.broadcast %broadcast_in_dim3A_76 : f32 to vector<16xf32>
      %swap3A_78 = arith.index_cast %scan3A_42 : i32 to index
      %swap3A_79 = arith.constant 80 : index
      %swap3A_80 = tpu.vector_load %arg10[%swap3A_78, %swap3A_79] {strides = array<i32>} : memref<128x128xf32, #tpu.memory_space<vmem>>, vector<1x16xf32>,
      %swap3A_81 = vector.shape_cast %swap3A_80 : vector<1x16xf32> to vector<16xf32>
      %swap3A_82 = vector.shape_cast %broadcast_in_dim3A_77 : vector<16xf32> to vector<1x16xf32>
      tpu.vector_store %arg10[%swap3A_78, %swap3A_79], %swap3A_82 {strides = array<i32>} : memref<128x128xf32, #tpu.memory_space<vmem>>, vector<1x16xf32>,
      %broadcast_in_dim3A_83 = arith.constant 0.000000e+00 : f32
      %broadcast_in_dim3A_84 = vector.broadcast %broadcast_in_dim3A_83 : f32 to vector<16xf32>
      %swap3A_85 = arith.index_cast %scan3A_42 : i32 to index
      %swap3A_86 = arith.constant 96 : index
      %swap3A_87 = tpu.vector_load %arg10[%swap3A_85, %swap3A_86] {strides = array<i32>} : memref<128x128xf32, #tpu.memory_space<vmem>>, vector<1x16xf32>,
      %swap3A_88 = vector.shape_cast %swap3A_87 : vector<1x16xf32> to vector<16xf32>
      %swap3A_89 = vector.shape_cast %broadcast_in_dim3A_84 : vector<16xf32> to vector<1x16xf32>
      tpu.vector_store %arg10[%swap3A_85, %swap3A_86], %swap3A_89 {strides = array<i32>} : memref<128x128xf32, #tpu.memory_space<vmem>>, vector<1x16xf32>,
      %broadcast_in_dim3A_90 = arith.constant 0.000000e+00 : f32
      %broadcast_in_dim3A_91 = vector.broadcast %broadcast_in_dim3A_90 : f32 to vector<16xf32>
      %swap3A_92 = arith.index_cast %scan3A_42 : i32 to index
      %swap3A_93 = arith.constant 112 : index
      %swap3A_94 = tpu.vector_load %arg10[%swap3A_92, %swap3A_93] {strides = array<i32>} : memref<128x128xf32, #tpu.memory_space<vmem>>, vector<1x16xf32>,
      %swap3A_95 = vector.shape_cast %swap3A_94 : vector<1x16xf32> to vector<16xf32>
      %swap3A_96 = vector.shape_cast %broadcast_in_dim3A_91 : vector<16xf32> to vector<1x16xf32>
      tpu.vector_store %arg10[%swap3A_92, %swap3A_93], %swap3A_96 {strides = array<i32>} : memref<128x128xf32, #tpu.memory_space<vmem>>, vector<1x16xf32>,
    }
    %scan3A_4 = arith.constant 128 : i32
    %scan3A_5 = arith.constant 0 : i32
    %scan3A_6 = arith.constant 0 : i32
    %scan3A_7 = arith.constant 80 : i32
    %scan3A_8 = arith.addi %scan3A_6, %scan3A_7 : i32
    %scan3A_9 = arith.constant 1 : i32
    scf.for %scan3A_42 = %scan3A_6 to %scan3A_8 step %scan3A_9  : i32 {
      %broadcast_in_dim3A = arith.constant 0.000000e+00 : f32
      %broadcast_in_dim3A_43 = vector.broadcast %broadcast_in_dim3A : f32 to vector<16xf32>
      %swap3A = arith.index_cast %scan3A_42 : i32 to index
      %swap3A_44 = arith.constant 64 : index
      %swap3A_45 = tpu.vector_load %arg9[%swap3A, %swap3A_44] {strides = array<i32>} : memref<80x128xf32, #tpu.memory_space<vmem>>, vector<1x16xf32>,
      %swap3A_46 = vector.shape_cast %swap3A_45 : vector<1x16xf32> to vector<16xf32>
      %swap3A_47 = vector.shape_cast %broadcast_in_dim3A_43 : vector<16xf32> to vector<1x16xf32>
      tpu.vector_store %arg9[%swap3A, %swap3A_44], %swap3A_47 {strides = array<i32>} : memref<80x128xf32, #tpu.memory_space<vmem>>, vector<1x16xf32>,
      %broadcast_in_dim3A_48 = arith.constant 0.000000e+00 : f32
      %broadcast_in_dim3A_49 = vector.broadcast %broadcast_in_dim3A_48 : f32 to vector<16xf32>
      %swap3A_50 = arith.index_cast %scan3A_42 : i32 to index
      %swap3A_51 = arith.constant 80 : index
      %swap3A_52 = tpu.vector_load %arg9[%swap3A_50, %swap3A_51] {strides = array<i32>} : memref<80x128xf32, #tpu.memory_space<vmem>>, vector<1x16xf32>,
      %swap3A_53 = vector.shape_cast %swap3A_52 : vector<1x16xf32> to vector<16xf32>
      %swap3A_54 = vector.shape_cast %broadcast_in_dim3A_49 : vector<16xf32> to vector<1x16xf32>
      tpu.vector_store %arg9[%swap3A_50, %swap3A_51], %swap3A_54 {strides = array<i32>} : memref<80x128xf32, #tpu.memory_space<vmem>>, vector<1x16xf32>,
      %broadcast_in_dim3A_55 = arith.constant 0.000000e+00 : f32
      %broadcast_in_dim3A_56 = vector.broadcast %broadcast_in_dim3A_55 : f32 to vector<16xf32>
      %swap3A_57 = arith.index_cast %scan3A_42 : i32 to index
      %swap3A_58 = arith.constant 96 : index
      %swap3A_59 = tpu.vector_load %arg9[%swap3A_57, %swap3A_58] {strides = array<i32>} : memref<80x128xf32, #tpu.memory_space<vmem>>, vector<1x16xf32>,
      %swap3A_60 = vector.shape_cast %swap3A_59 : vector<1x16xf32> to vector<16xf32>
      %swap3A_61 = vector.shape_cast %broadcast_in_dim3A_56 : vector<16xf32> to vector<1x16xf32>
      tpu.vector_store %arg9[%swap3A_57, %swap3A_58], %swap3A_61 {strides = array<i32>} : memref<80x128xf32, #tpu.memory_space<vmem>>, vector<1x16xf32>,
      %broadcast_in_dim3A_62 = arith.constant 0.000000e+00 : f32
      %broadcast_in_dim3A_63 = vector.broadcast %broadcast_in_dim3A_62 : f32 to vector<16xf32>
      %swap3A_64 = arith.index_cast %scan3A_42 : i32 to index
      %swap3A_65 = arith.constant 112 : index
      %swap3A_66 = tpu.vector_load %arg9[%swap3A_64, %swap3A_65] {strides = array<i32>} : memref<80x128xf32, #tpu.memory_space<vmem>>, vector<1x16xf32>,
      %swap3A_67 = vector.shape_cast %swap3A_66 : vector<1x16xf32> to vector<16xf32>
      %swap3A_68 = vector.shape_cast %broadcast_in_dim3A_63 : vector<16xf32> to vector<1x16xf32>
      tpu.vector_store %arg9[%swap3A_64, %swap3A_65], %swap3A_68 {strides = array<i32>} : memref<80x128xf32, #tpu.memory_space<vmem>>, vector<1x16xf32>,
    }
    %scan3A_10 = arith.constant 80 : i32
    %mul3A = arith.constant 640 : i32
    %mul3A_11 = arith.muli %arg1, %mul3A : i32
    %add3A = arith.constant 0 : i32
    %add3A_12 = arith.addi %mul3A_11, %add3A : i32
    "tpu.region"() ({
      %run_scoped3A = tpu.sem_alloc : memref<!tpu.dma_semaphore, #tpu.memory_space<semaphore_mem>>
      %dma_start3A = arith.constant 0 : i32
      %dma_start3A_42 = tpu.memref_slice %arg11[%add3A_12, %dma_start3A] : memref<10240x128xf32, #tpu.memory_space<vmem_shared>> -> memref<128x128xf32, #tpu.memory_space<vmem_shared>>
      %dma_start3A_43 = arith.constant 0 : i32
      %dma_start3A_44 = tpu.memref_slice %arg11[%add3A_12, %dma_start3A_43] : memref<10240x128xf32, #tpu.memory_space<vmem_shared>> -> memref<128x128xf32, #tpu.memory_space<vmem_shared>>
      tpu.enqueue_dma source(%arg10 : memref<128x128xf32, #tpu.memory_space<vmem>>) target(%dma_start3A_44 : memref<128x128xf32, #tpu.memory_space<vmem_shared>>) target_semaphore(%run_scoped3A : memref<!tpu.dma_semaphore, #tpu.memory_space<semaphore_mem>>)
      %dma_wait3A = arith.constant 0 : i32
      %dma_wait3A_45 = tpu.memref_slice %arg11[%add3A_12, %dma_wait3A] : memref<10240x128xf32, #tpu.memory_space<vmem_shared>> -> memref<128x128xf32, #tpu.memory_space<vmem_shared>>
      %dma_wait3A_46 = arith.constant 0 : i32
      %dma_wait3A_47 = tpu.memref_slice %arg11[%add3A_12, %dma_wait3A_46] : memref<10240x128xf32, #tpu.memory_space<vmem_shared>> -> memref<128x128xf32, #tpu.memory_space<vmem_shared>>
      tpu.wait_dma2 semaphore(%run_scoped3A : memref<!tpu.dma_semaphore, #tpu.memory_space<semaphore_mem>>) src(%arg10 : memref<128x128xf32, #tpu.memory_space<vmem>>) dst(%dma_wait3A_47 : memref<128x128xf32, #tpu.memory_space<vmem_shared>>)
      tpu.yield
    }) : () -> ()
    %mul3A_13 = arith.constant 640 : i32
    %mul3A_14 = arith.muli %arg1, %mul3A_13 : i32
    %add3A_15 = arith.constant 128 : i32
    %add3A_16 = arith.addi %mul3A_14, %add3A_15 : i32
    "tpu.region"() ({
      %run_scoped3A = tpu.sem_alloc : memref<!tpu.dma_semaphore, #tpu.memory_space<semaphore_mem>>
      %dma_start3A = arith.constant 0 : i32
      %dma_start3A_42 = tpu.memref_slice %arg11[%add3A_16, %dma_start3A] : memref<10240x128xf32, #tpu.memory_space<vmem_shared>> -> memref<128x128xf32, #tpu.memory_space<vmem_shared>>
      %dma_start3A_43 = arith.constant 0 : i32
      %dma_start3A_44 = tpu.memref_slice %arg11[%add3A_16, %dma_start3A_43] : memref<10240x128xf32, #tpu.memory_space<vmem_shared>> -> memref<128x128xf32, #tpu.memory_space<vmem_shared>>
      tpu.enqueue_dma source(%arg10 : memref<128x128xf32, #tpu.memory_space<vmem>>) target(%dma_start3A_44 : memref<128x128xf32, #tpu.memory_space<vmem_shared>>) target_semaphore(%run_scoped3A : memref<!tpu.dma_semaphore, #tpu.memory_space<semaphore_mem>>)
      %dma_wait3A = arith.constant 0 : i32
      %dma_wait3A_45 = tpu.memref_slice %arg11[%add3A_16, %dma_wait3A] : memref<10240x128xf32, #tpu.memory_space<vmem_shared>> -> memref<128x128xf32, #tpu.memory_space<vmem_shared>>
      %dma_wait3A_46 = arith.constant 0 : i32
      %dma_wait3A_47 = tpu.memref_slice %arg11[%add3A_16, %dma_wait3A_46] : memref<10240x128xf32, #tpu.memory_space<vmem_shared>> -> memref<128x128xf32, #tpu.memory_space<vmem_shared>>
      tpu.wait_dma2 semaphore(%run_scoped3A : memref<!tpu.dma_semaphore, #tpu.memory_space<semaphore_mem>>) src(%arg10 : memref<128x128xf32, #tpu.memory_space<vmem>>) dst(%dma_wait3A_47 : memref<128x128xf32, #tpu.memory_space<vmem_shared>>)
      tpu.yield
    }) : () -> ()
    %mul3A_17 = arith.constant 640 : i32
    %mul3A_18 = arith.muli %arg1, %mul3A_17 : i32
    %add3A_19 = arith.constant 256 : i32
    %add3A_20 = arith.addi %mul3A_18, %add3A_19 : i32
    "tpu.region"() ({
      %run_scoped3A = tpu.sem_alloc : memref<!tpu.dma_semaphore, #tpu.memory_space<semaphore_mem>>
      %dma_start3A = arith.constant 0 : i32
      %dma_start3A_42 = tpu.memref_slice %arg11[%add3A_20, %dma_start3A] : memref<10240x128xf32, #tpu.memory_space<vmem_shared>> -> memref<128x128xf32, #tpu.memory_space<vmem_shared>>
      %dma_start3A_43 = arith.constant 0 : i32
      %dma_start3A_44 = tpu.memref_slice %arg11[%add3A_20, %dma_start3A_43] : memref<10240x128xf32, #tpu.memory_space<vmem_shared>> -> memref<128x128xf32, #tpu.memory_space<vmem_shared>>
      tpu.enqueue_dma source(%arg10 : memref<128x128xf32, #tpu.memory_space<vmem>>) target(%dma_start3A_44 : memref<128x128xf32, #tpu.memory_space<vmem_shared>>) target_semaphore(%run_scoped3A : memref<!tpu.dma_semaphore, #tpu.memory_space<semaphore_mem>>)
      %dma_wait3A = arith.constant 0 : i32
      %dma_wait3A_45 = tpu.memref_slice %arg11[%add3A_20, %dma_wait3A] : memref<10240x128xf32, #tpu.memory_space<vmem_shared>> -> memref<128x128xf32, #tpu.memory_space<vmem_shared>>
      %dma_wait3A_46 = arith.constant 0 : i32
      %dma_wait3A_47 = tpu.memref_slice %arg11[%add3A_20, %dma_wait3A_46] : memref<10240x128xf32, #tpu.memory_space<vmem_shared>> -> memref<128x128xf32, #tpu.memory_space<vmem_shared>>
      tpu.wait_dma2 semaphore(%run_scoped3A : memref<!tpu.dma_semaphore, #tpu.memory_space<semaphore_mem>>) src(%arg10 : memref<128x128xf32, #tpu.memory_space<vmem>>) dst(%dma_wait3A_47 : memref<128x128xf32, #tpu.memory_space<vmem_shared>>)
      tpu.yield
    }) : () -> ()
    %mul3A_21 = arith.constant 640 : i32
    %mul3A_22 = arith.muli %arg1, %mul3A_21 : i32
    %add3A_23 = arith.constant 384 : i32
    %add3A_24 = arith.addi %mul3A_22, %add3A_23 : i32
    "tpu.region"() ({
      %run_scoped3A = tpu.sem_alloc : memref<!tpu.dma_semaphore, #tpu.memory_space<semaphore_mem>>
      %dma_start3A = arith.constant 0 : i32
      %dma_start3A_42 = tpu.memref_slice %arg11[%add3A_24, %dma_start3A] : memref<10240x128xf32, #tpu.memory_space<vmem_shared>> -> memref<128x128xf32, #tpu.memory_space<vmem_shared>>
      %dma_start3A_43 = arith.constant 0 : i32
      %dma_start3A_44 = tpu.memref_slice %arg11[%add3A_24, %dma_start3A_43] : memref<10240x128xf32, #tpu.memory_space<vmem_shared>> -> memref<128x128xf32, #tpu.memory_space<vmem_shared>>
      tpu.enqueue_dma source(%arg10 : memref<128x128xf32, #tpu.memory_space<vmem>>) target(%dma_start3A_44 : memref<128x128xf32, #tpu.memory_space<vmem_shared>>) target_semaphore(%run_scoped3A : memref<!tpu.dma_semaphore, #tpu.memory_space<semaphore_mem>>)
      %dma_wait3A = arith.constant 0 : i32
      %dma_wait3A_45 = tpu.memref_slice %arg11[%add3A_24, %dma_wait3A] : memref<10240x128xf32, #tpu.memory_space<vmem_shared>> -> memref<128x128xf32, #tpu.memory_space<vmem_shared>>
      %dma_wait3A_46 = arith.constant 0 : i32
      %dma_wait3A_47 = tpu.memref_slice %arg11[%add3A_24, %dma_wait3A_46] : memref<10240x128xf32, #tpu.memory_space<vmem_shared>> -> memref<128x128xf32, #tpu.memory_space<vmem_shared>>
      tpu.wait_dma2 semaphore(%run_scoped3A : memref<!tpu.dma_semaphore, #tpu.memory_space<semaphore_mem>>) src(%arg10 : memref<128x128xf32, #tpu.memory_space<vmem>>) dst(%dma_wait3A_47 : memref<128x128xf32, #tpu.memory_space<vmem_shared>>)
      tpu.yield
    }) : () -> ()
    %mul3A_25 = arith.constant 640 : i32
    %mul3A_26 = arith.muli %arg1, %mul3A_25 : i32
    %add3A_27 = arith.constant 512 : i32
    %add3A_28 = arith.addi %mul3A_26, %add3A_27 : i32
    "tpu.region"() ({
      %run_scoped3A = tpu.sem_alloc : memref<!tpu.dma_semaphore, #tpu.memory_space<semaphore_mem>>
      %dma_start3A = arith.constant 0 : i32
      %dma_start3A_42 = tpu.memref_slice %arg11[%add3A_28, %dma_start3A] : memref<10240x128xf32, #tpu.memory_space<vmem_shared>> -> memref<128x128xf32, #tpu.memory_space<vmem_shared>>
      %dma_start3A_43 = arith.constant 0 : i32
      %dma_start3A_44 = tpu.memref_slice %arg11[%add3A_28, %dma_start3A_43] : memref<10240x128xf32, #tpu.memory_space<vmem_shared>> -> memref<128x128xf32, #tpu.memory_space<vmem_shared>>
      tpu.enqueue_dma source(%arg10 : memref<128x128xf32, #tpu.memory_space<vmem>>) target(%dma_start3A_44 : memref<128x128xf32, #tpu.memory_space<vmem_shared>>) target_semaphore(%run_scoped3A : memref<!tpu.dma_semaphore, #tpu.memory_space<semaphore_mem>>)
      %dma_wait3A = arith.constant 0 : i32
      %dma_wait3A_45 = tpu.memref_slice %arg11[%add3A_28, %dma_wait3A] : memref<10240x128xf32, #tpu.memory_space<vmem_shared>> -> memref<128x128xf32, #tpu.memory_space<vmem_shared>>
      %dma_wait3A_46 = arith.constant 0 : i32
      %dma_wait3A_47 = tpu.memref_slice %arg11[%add3A_28, %dma_wait3A_46] : memref<10240x128xf32, #tpu.memory_space<vmem_shared>> -> memref<128x128xf32, #tpu.memory_space<vmem_shared>>
      tpu.wait_dma2 semaphore(%run_scoped3A : memref<!tpu.dma_semaphore, #tpu.memory_space<semaphore_mem>>) src(%arg10 : memref<128x128xf32, #tpu.memory_space<vmem>>) dst(%dma_wait3A_47 : memref<128x128xf32, #tpu.memory_space<vmem_shared>>)
      tpu.yield
    }) : () -> ()
    %barrier3A = arith.constant 0 : index
    tpu.barrier barrier_id(%barrier3A)
    %mul3A_29 = arith.constant 20000 : i32
    %mul3A_30 = arith.muli %arg1, %mul3A_29 : i32
    %scan3A_31 = arith.constant 0 : i32
    %scan3A_32 = arith.constant 0 : i32
    %scan3A_33 = arith.constant 250 : i32
    %scan3A_34 = arith.addi %scan3A_32, %scan3A_33 : i32
    %scan3A_35 = arith.constant 1 : i32
    scf.for %scan3A_42 = %scan3A_32 to %scan3A_34 step %scan3A_35  : i32 {
      %mul3A_43 = arith.constant 80 : i32
      %mul3A_44 = arith.muli %scan3A_42, %mul3A_43 : i32
      %add3A_45 = arith.addi %mul3A_30, %mul3A_44 : i32
      %add3A_46 = arith.constant 2 : i32
      %add3A_47 = arith.addi %add3A_46, %arg0 : i32
      %mul3A_48 = arith.constant 128 : i32
      %mul3A_49 = arith.muli %add3A_47, %mul3A_48 : i32
      "tpu.region"() ({
        %run_scoped3A = tpu.sem_alloc : memref<!tpu.dma_semaphore, #tpu.memory_space<semaphore_mem>>
        %dma_start3A = tpu.memref_slice %arg4[%add3A_45] : memref<320000xi32, #tpu.memory_space<hbm>> -> memref<80xi32, #tpu.memory_space<hbm>>
        %dma_start3A_56 = tpu.memref_slice %arg4[%add3A_45] : memref<320000xi32, #tpu.memory_space<hbm>> -> memref<80xi32, #tpu.memory_space<hbm>>
        tpu.enqueue_dma source(%dma_start3A_56 : memref<80xi32, #tpu.memory_space<hbm>>) target(%arg6 : memref<80xi32, #tpu.memory_space<vmem>>) target_semaphore(%run_scoped3A : memref<!tpu.dma_semaphore, #tpu.memory_space<semaphore_mem>>)
        %dma_wait3A = tpu.memref_slice %arg4[%add3A_45] : memref<320000xi32, #tpu.memory_space<hbm>> -> memref<80xi32, #tpu.memory_space<hbm>>
        %dma_wait3A_57 = tpu.memref_slice %arg4[%add3A_45] : memref<320000xi32, #tpu.memory_space<hbm>> -> memref<80xi32, #tpu.memory_space<hbm>>
        tpu.wait_dma2 semaphore(%run_scoped3A : memref<!tpu.dma_semaphore, #tpu.memory_space<semaphore_mem>>) src(%dma_wait3A_57 : memref<80xi32, #tpu.memory_space<hbm>>) dst(%arg6 : memref<80xi32, #tpu.memory_space<vmem>>)
        tpu.yield
      }) : () -> ()
      "tpu.region"() ({
        %run_scoped3A = tpu.sem_alloc : memref<!tpu.dma_semaphore, #tpu.memory_space<semaphore_mem>>
        %dma_start3A = tpu.memref_slice %arg2[%add3A_45, %mul3A_49] : memref<320000x512xf32, #tpu.memory_space<hbm>> -> memref<80x128xf32, #tpu.memory_space<hbm>>
        %dma_start3A_56 = tpu.memref_slice %arg2[%add3A_45, %mul3A_49] : memref<320000x512xf32, #tpu.memory_space<hbm>> -> memref<80x128xf32, #tpu.memory_space<hbm>>
        tpu.enqueue_dma source(%dma_start3A_56 : memref<80x128xf32, #tpu.memory_space<hbm>>) target(%arg7 : memref<80x128xf32, #tpu.memory_space<vmem>>) target_semaphore(%run_scoped3A : memref<!tpu.dma_semaphore, #tpu.memory_space<semaphore_mem>>)
        %dma_wait3A = tpu.memref_slice %arg2[%add3A_45, %mul3A_49] : memref<320000x512xf32, #tpu.memory_space<hbm>> -> memref<80x128xf32, #tpu.memory_space<hbm>>
        %dma_wait3A_57 = tpu.memref_slice %arg2[%add3A_45, %mul3A_49] : memref<320000x512xf32, #tpu.memory_space<hbm>> -> memref<80x128xf32, #tpu.memory_space<hbm>>
        tpu.wait_dma2 semaphore(%run_scoped3A : memref<!tpu.dma_semaphore, #tpu.memory_space<semaphore_mem>>) src(%dma_wait3A_57 : memref<80x128xf32, #tpu.memory_space<hbm>>) dst(%arg7 : memref<80x128xf32, #tpu.memory_space<vmem>>)
        tpu.yield
      }) : () -> ()
      "tpu.region"() ({
        %run_scoped3A = tpu.sem_alloc : memref<!tpu.dma_semaphore, #tpu.memory_space<semaphore_mem>>
        %dma_start3A = tpu.memref_slice %arg3[%add3A_45, %mul3A_49] : memref<320000x512xf32, #tpu.memory_space<hbm>> -> memref<80x128xf32, #tpu.memory_space<hbm>>
        %dma_start3A_56 = tpu.memref_slice %arg3[%add3A_45, %mul3A_49] : memref<320000x512xf32, #tpu.memory_space<hbm>> -> memref<80x128xf32, #tpu.memory_space<hbm>>
        tpu.enqueue_dma source(%dma_start3A_56 : memref<80x128xf32, #tpu.memory_space<hbm>>) target(%arg8 : memref<80x128xf32, #tpu.memory_space<vmem>>) target_semaphore(%run_scoped3A : memref<!tpu.dma_semaphore, #tpu.memory_space<semaphore_mem>>)
        %dma_wait3A = tpu.memref_slice %arg3[%add3A_45, %mul3A_49] : memref<320000x512xf32, #tpu.memory_space<hbm>> -> memref<80x128xf32, #tpu.memory_space<hbm>>
        %dma_wait3A_57 = tpu.memref_slice %arg3[%add3A_45, %mul3A_49] : memref<320000x512xf32, #tpu.memory_space<hbm>> -> memref<80x128xf32, #tpu.memory_space<hbm>>
        tpu.wait_dma2 semaphore(%run_scoped3A : memref<!tpu.dma_semaphore, #tpu.memory_space<semaphore_mem>>) src(%dma_wait3A_57 : memref<80x128xf32, #tpu.memory_space<hbm>>) dst(%arg8 : memref<80x128xf32, #tpu.memory_space<vmem>>)
        tpu.yield
      }) : () -> ()
      %scan3A_50 = arith.constant 0 : i32
      %scan3A_51 = arith.constant 0 : i32
      %scan3A_52 = arith.constant 80 : i32
      %scan3A_53 = arith.addi %scan3A_51, %scan3A_52 : i32
      %scan3A_54 = arith.constant 1 : i32
      scf.for %scan3A_56 = %scan3A_51 to %scan3A_53 step %scan3A_54  : i32 {
        %get3A = arith.index_cast %scan3A_56 : i32 to index
        %get3A_57 = arith.constant 0 : index
        %get3A_58 = tpu.vector_load %arg7[%get3A, %get3A_57] {strides = array<i32>} : memref<80x128xf32, #tpu.memory_space<vmem>>, vector<1x16xf32>,
        %get3A_59 = vector.shape_cast %get3A_58 : vector<1x16xf32> to vector<16xf32>
        %get3A_60 = arith.index_cast %scan3A_56 : i32 to index
        %get3A_61 = arith.constant 0 : index
        %get3A_62 = tpu.vector_load %arg8[%get3A_60, %get3A_61] {strides = array<i32>} : memref<80x128xf32, #tpu.memory_space<vmem>>, vector<1x16xf32>,
        %get3A_63 = vector.shape_cast %get3A_62 : vector<1x16xf32> to vector<16xf32>
        %add3A_64 = arith.addf %get3A_59, %get3A_63 : vector<16xf32>
        %get3A_65 = arith.index_cast %scan3A_56 : i32 to index
        %get3A_66 = arith.constant 64 : index
        %get3A_67 = tpu.vector_load %arg7[%get3A_65, %get3A_66] {strides = array<i32>} : memref<80x128xf32, #tpu.memory_space<vmem>>, vector<1x16xf32>,
        %get3A_68 = vector.shape_cast %get3A_67 : vector<1x16xf32> to vector<16xf32>
        %get3A_69 = arith.index_cast %scan3A_56 : i32 to index
        %get3A_70 = arith.constant 64 : index
        %get3A_71 = tpu.vector_load %arg8[%get3A_69, %get3A_70] {strides = array<i32>} : memref<80x128xf32, #tpu.memory_space<vmem>>, vector<1x16xf32>,
        %get3A_72 = vector.shape_cast %get3A_71 : vector<1x16xf32> to vector<16xf32>
        %add3A_73 = arith.addf %get3A_68, %get3A_72 : vector<16xf32>
        %neg3A = arith.constant 0.000000e+00 : f32
        %neg3A_74 = vector.broadcast %neg3A : f32 to vector<16xf32>
        %neg3A_75 = arith.subf %neg3A_74, %add3A_64 : vector<16xf32>
        %exp3A = math.exp %neg3A_75 : vector<16xf32>
        %add3A_76 = arith.constant 1.000000e+00 : f32
        %add3A_77 = vector.broadcast %add3A_76 : f32 to vector<16xf32>
        %add3A_78 = arith.addf %add3A_77, %exp3A : vector<16xf32>
        %div3A = arith.constant 1.000000e+00 : f32
        %div3A_79 = vector.broadcast %div3A : f32 to vector<16xf32>
        %div3A_80 = arith.divf %div3A_79, %add3A_78 : vector<16xf32>
        %abs3A = math.absf %add3A_73 : vector<16xf32>
        %neg3A_81 = arith.constant 0.000000e+00 : f32
        %neg3A_82 = vector.broadcast %neg3A_81 : f32 to vector<16xf32>
        %neg3A_83 = arith.subf %neg3A_82, %abs3A : vector<16xf32>
        %exp3A_84 = math.exp %neg3A_83 : vector<16xf32>
        %broadcast_in_dim3A = arith.constant -0.0172080602 : f32
        %broadcast_in_dim3A_85 = vector.broadcast %broadcast_in_dim3A : f32 to vector<16xf32>
        %mul3A_86 = arith.mulf %broadcast_in_dim3A_85, %exp3A_84 : vector<16xf32>
        %add3A_87 = arith.constant 0.0817268118 : f32
        %add3A_88 = vector.broadcast %add3A_87 : f32 to vector<16xf32>
        %add3A_89 = arith.addf %mul3A_86, %add3A_88 : vector<16xf32>
        %mul3A_90 = arith.mulf %add3A_89, %exp3A_84 : vector<16xf32>
        %add3A_91 = arith.constant -0.188782677 : f32
        %add3A_92 = vector.broadcast %add3A_91 : f32 to vector<16xf32>
        %add3A_93 = arith.addf %mul3A_90, %add3A_92 : vector<16xf32>
        %mul3A_94 = arith.mulf %add3A_93, %exp3A_84 : vector<16xf32>
        %add3A_95 = arith.constant 0.314590544 : f32
        %add3A_96 = vector.broadcast %add3A_95 : f32 to vector<16xf32>
        %add3A_97 = arith.addf %mul3A_94, %add3A_96 : vector<16xf32>
        %mul3A_98 = arith.mulf %add3A_97, %exp3A_84 : vector<16xf32>
        %add3A_99 = arith.constant -0.496977925 : f32
        %add3A_100 = vector.broadcast %add3A_99 : f32 to vector<16xf32>
        %add3A_101 = arith.addf %mul3A_98, %add3A_100 : vector<16xf32>
        %mul3A_102 = arith.mulf %add3A_101, %exp3A_84 : vector<16xf32>
        %add3A_103 = arith.constant 0.999792456 : f32
        %add3A_104 = vector.broadcast %add3A_103 : f32 to vector<16xf32>
        %add3A_105 = arith.addf %mul3A_102, %add3A_104 : vector<16xf32>
        %mul3A_106 = arith.mulf %add3A_105, %exp3A_84 : vector<16xf32>
        %add3A_107 = arith.constant 3.50755204E-6 : f32
        %add3A_108 = vector.broadcast %add3A_107 : f32 to vector<16xf32>
        %add3A_109 = arith.addf %mul3A_106, %add3A_108 : vector<16xf32>
        %max3A = arith.constant 0.000000e+00 : f32
        %max3A_110 = vector.broadcast %max3A : f32 to vector<16xf32>
        %max3A_111 = arith.maximumf %add3A_73, %max3A_110 : vector<16xf32>
        %add3A_112 = arith.addf %max3A_111, %add3A_109 : vector<16xf32>
        %mul3A_113 = arith.mulf %div3A_80, %add3A_112 : vector<16xf32>
        %swap3A = arith.index_cast %scan3A_56 : i32 to index
        %swap3A_114 = arith.constant 0 : index
        %swap3A_115 = tpu.vector_load %arg9[%swap3A, %swap3A_114] {strides = array<i32>} : memref<80x128xf32, #tpu.memory_space<vmem>>, vector<1x16xf32>,
        %swap3A_116 = vector.shape_cast %swap3A_115 : vector<1x16xf32> to vector<16xf32>
        %swap3A_117 = vector.shape_cast %mul3A_113 : vector<16xf32> to vector<1x16xf32>
        tpu.vector_store %arg9[%swap3A, %swap3A_114], %swap3A_117 {strides = array<i32>} : memref<80x128xf32, #tpu.memory_space<vmem>>, vector<1x16xf32>,
        %get3A_118 = arith.index_cast %scan3A_56 : i32 to index
        %get3A_119 = arith.constant 16 : index
        %get3A_120 = tpu.vector_load %arg7[%get3A_118, %get3A_119] {strides = array<i32>} : memref<80x128xf32, #tpu.memory_space<vmem>>, vector<1x16xf32>,
        %get3A_121 = vector.shape_cast %get3A_120 : vector<1x16xf32> to vector<16xf32>
        %get3A_122 = arith.index_cast %scan3A_56 : i32 to index
        %get3A_123 = arith.constant 16 : index
        %get3A_124 = tpu.vector_load %arg8[%get3A_122, %get3A_123] {strides = array<i32>} : memref<80x128xf32, #tpu.memory_space<vmem>>, vector<1x16xf32>,
        %get3A_125 = vector.shape_cast %get3A_124 : vector<1x16xf32> to vector<16xf32>
        %add3A_126 = arith.addf %get3A_121, %get3A_125 : vector<16xf32>
        %get3A_127 = arith.index_cast %scan3A_56 : i32 to index
        %get3A_128 = arith.constant 80 : index
        %get3A_129 = tpu.vector_load %arg7[%get3A_127, %get3A_128] {strides = array<i32>} : memref<80x128xf32, #tpu.memory_space<vmem>>, vector<1x16xf32>,
        %get3A_130 = vector.shape_cast %get3A_129 : vector<1x16xf32> to vector<16xf32>
        %get3A_131 = arith.index_cast %scan3A_56 : i32 to index
        %get3A_132 = arith.constant 80 : index
        %get3A_133 = tpu.vector_load %arg8[%get3A_131, %get3A_132] {strides = array<i32>} : memref<80x128xf32, #tpu.memory_space<vmem>>, vector<1x16xf32>,
        %get3A_134 = vector.shape_cast %get3A_133 : vector<1x16xf32> to vector<16xf32>
        %add3A_135 = arith.addf %get3A_130, %get3A_134 : vector<16xf32>
        %neg3A_136 = arith.constant 0.000000e+00 : f32
        %neg3A_137 = vector.broadcast %neg3A_136 : f32 to vector<16xf32>
        %neg3A_138 = arith.subf %neg3A_137, %add3A_126 : vector<16xf32>
        %exp3A_139 = math.exp %neg3A_138 : vector<16xf32>
        %add3A_140 = arith.constant 1.000000e+00 : f32
        %add3A_141 = vector.broadcast %add3A_140 : f32 to vector<16xf32>
        %add3A_142 = arith.addf %add3A_141, %exp3A_139 : vector<16xf32>
        %div3A_143 = arith.constant 1.000000e+00 : f32
        %div3A_144 = vector.broadcast %div3A_143 : f32 to vector<16xf32>
        %div3A_145 = arith.divf %div3A_144, %add3A_142 : vector<16xf32>
        %abs3A_146 = math.absf %add3A_135 : vector<16xf32>
        %neg3A_147 = arith.constant 0.000000e+00 : f32
        %neg3A_148 = vector.broadcast %neg3A_147 : f32 to vector<16xf32>
        %neg3A_149 = arith.subf %neg3A_148, %abs3A_146 : vector<16xf32>
        %exp3A_150 = math.exp %neg3A_149 : vector<16xf32>
        %broadcast_in_dim3A_151 = arith.constant -0.0172080602 : f32
        %broadcast_in_dim3A_152 = vector.broadcast %broadcast_in_dim3A_151 : f32 to vector<16xf32>
        %mul3A_153 = arith.mulf %broadcast_in_dim3A_152, %exp3A_150 : vector<16xf32>
        %add3A_154 = arith.constant 0.0817268118 : f32
        %add3A_155 = vector.broadcast %add3A_154 : f32 to vector<16xf32>
        %add3A_156 = arith.addf %mul3A_153, %add3A_155 : vector<16xf32>
        %mul3A_157 = arith.mulf %add3A_156, %exp3A_150 : vector<16xf32>
        %add3A_158 = arith.constant -0.188782677 : f32
        %add3A_159 = vector.broadcast %add3A_158 : f32 to vector<16xf32>
        %add3A_160 = arith.addf %mul3A_157, %add3A_159 : vector<16xf32>
        %mul3A_161 = arith.mulf %add3A_160, %exp3A_150 : vector<16xf32>
        %add3A_162 = arith.constant 0.314590544 : f32
        %add3A_163 = vector.broadcast %add3A_162 : f32 to vector<16xf32>
        %add3A_164 = arith.addf %mul3A_161, %add3A_163 : vector<16xf32>
        %mul3A_165 = arith.mulf %add3A_164, %exp3A_150 : vector<16xf32>
        %add3A_166 = arith.constant -0.496977925 : f32
        %add3A_167 = vector.broadcast %add3A_166 : f32 to vector<16xf32>
        %add3A_168 = arith.addf %mul3A_165, %add3A_167 : vector<16xf32>
        %mul3A_169 = arith.mulf %add3A_168, %exp3A_150 : vector<16xf32>
        %add3A_170 = arith.constant 0.999792456 : f32
        %add3A_171 = vector.broadcast %add3A_170 : f32 to vector<16xf32>
        %add3A_172 = arith.addf %mul3A_169, %add3A_171 : vector<16xf32>
        %mul3A_173 = arith.mulf %add3A_172, %exp3A_150 : vector<16xf32>
        %add3A_174 = arith.constant 3.50755204E-6 : f32
        %add3A_175 = vector.broadcast %add3A_174 : f32 to vector<16xf32>
        %add3A_176 = arith.addf %mul3A_173, %add3A_175 : vector<16xf32>
        %max3A_177 = arith.constant 0.000000e+00 : f32
        %max3A_178 = vector.broadcast %max3A_177 : f32 to vector<16xf32>
        %max3A_179 = arith.maximumf %add3A_135, %max3A_178 : vector<16xf32>
        %add3A_180 = arith.addf %max3A_179, %add3A_176 : vector<16xf32>
        %mul3A_181 = arith.mulf %div3A_145, %add3A_180 : vector<16xf32>
        %swap3A_182 = arith.index_cast %scan3A_56 : i32 to index
        %swap3A_183 = arith.constant 16 : index
        %swap3A_184 = tpu.vector_load %arg9[%swap3A_182, %swap3A_183] {strides = array<i32>} : memref<80x128xf32, #tpu.memory_space<vmem>>, vector<1x16xf32>,
        %swap3A_185 = vector.shape_cast %swap3A_184 : vector<1x16xf32> to vector<16xf32>
        %swap3A_186 = vector.shape_cast %mul3A_181 : vector<16xf32> to vector<1x16xf32>
        tpu.vector_store %arg9[%swap3A_182, %swap3A_183], %swap3A_186 {strides = array<i32>} : memref<80x128xf32, #tpu.memory_space<vmem>>, vector<1x16xf32>,
        %get3A_187 = arith.index_cast %scan3A_56 : i32 to index
        %get3A_188 = arith.constant 32 : index
        %get3A_189 = tpu.vector_load %arg7[%get3A_187, %get3A_188] {strides = array<i32>} : memref<80x128xf32, #tpu.memory_space<vmem>>, vector<1x16xf32>,
        %get3A_190 = vector.shape_cast %get3A_189 : vector<1x16xf32> to vector<16xf32>
        %get3A_191 = arith.index_cast %scan3A_56 : i32 to index
        %get3A_192 = arith.constant 32 : index
        %get3A_193 = tpu.vector_load %arg8[%get3A_191, %get3A_192] {strides = array<i32>} : memref<80x128xf32, #tpu.memory_space<vmem>>, vector<1x16xf32>,
        %get3A_194 = vector.shape_cast %get3A_193 : vector<1x16xf32> to vector<16xf32>
        %add3A_195 = arith.addf %get3A_190, %get3A_194 : vector<16xf32>
        %get3A_196 = arith.index_cast %scan3A_56 : i32 to index
        %get3A_197 = arith.constant 96 : index
        %get3A_198 = tpu.vector_load %arg7[%get3A_196, %get3A_197] {strides = array<i32>} : memref<80x128xf32, #tpu.memory_space<vmem>>, vector<1x16xf32>,
        %get3A_199 = vector.shape_cast %get3A_198 : vector<1x16xf32> to vector<16xf32>
        %get3A_200 = arith.index_cast %scan3A_56 : i32 to index
        %get3A_201 = arith.constant 96 : index
        %get3A_202 = tpu.vector_load %arg8[%get3A_200, %get3A_201] {strides = array<i32>} : memref<80x128xf32, #tpu.memory_space<vmem>>, vector<1x16xf32>,
        %get3A_203 = vector.shape_cast %get3A_202 : vector<1x16xf32> to vector<16xf32>
        %add3A_204 = arith.addf %get3A_199, %get3A_203 : vector<16xf32>
        %neg3A_205 = arith.constant 0.000000e+00 : f32
        %neg3A_206 = vector.broadcast %neg3A_205 : f32 to vector<16xf32>
        %neg3A_207 = arith.subf %neg3A_206, %add3A_195 : vector<16xf32>
        %exp3A_208 = math.exp %neg3A_207 : vector<16xf32>
        %add3A_209 = arith.constant 1.000000e+00 : f32
        %add3A_210 = vector.broadcast %add3A_209 : f32 to vector<16xf32>
        %add3A_211 = arith.addf %add3A_210, %exp3A_208 : vector<16xf32>
        %div3A_212 = arith.constant 1.000000e+00 : f32
        %div3A_213 = vector.broadcast %div3A_212 : f32 to vector<16xf32>
        %div3A_214 = arith.divf %div3A_213, %add3A_211 : vector<16xf32>
        %abs3A_215 = math.absf %add3A_204 : vector<16xf32>
        %neg3A_216 = arith.constant 0.000000e+00 : f32
        %neg3A_217 = vector.broadcast %neg3A_216 : f32 to vector<16xf32>
        %neg3A_218 = arith.subf %neg3A_217, %abs3A_215 : vector<16xf32>
        %exp3A_219 = math.exp %neg3A_218 : vector<16xf32>
        %broadcast_in_dim3A_220 = arith.constant -0.0172080602 : f32
        %broadcast_in_dim3A_221 = vector.broadcast %broadcast_in_dim3A_220 : f32 to vector<16xf32>
        %mul3A_222 = arith.mulf %broadcast_in_dim3A_221, %exp3A_219 : vector<16xf32>
        %add3A_223 = arith.constant 0.0817268118 : f32
        %add3A_224 = vector.broadcast %add3A_223 : f32 to vector<16xf32>
        %add3A_225 = arith.addf %mul3A_222, %add3A_224 : vector<16xf32>
        %mul3A_226 = arith.mulf %add3A_225, %exp3A_219 : vector<16xf32>
        %add3A_227 = arith.constant -0.188782677 : f32
        %add3A_228 = vector.broadcast %add3A_227 : f32 to vector<16xf32>
        %add3A_229 = arith.addf %mul3A_226, %add3A_228 : vector<16xf32>
        %mul3A_230 = arith.mulf %add3A_229, %exp3A_219 : vector<16xf32>
        %add3A_231 = arith.constant 0.314590544 : f32
        %add3A_232 = vector.broadcast %add3A_231 : f32 to vector<16xf32>
        %add3A_233 = arith.addf %mul3A_230, %add3A_232 : vector<16xf32>
        %mul3A_234 = arith.mulf %add3A_233, %exp3A_219 : vector<16xf32>
        %add3A_235 = arith.constant -0.496977925 : f32
        %add3A_236 = vector.broadcast %add3A_235 : f32 to vector<16xf32>
        %add3A_237 = arith.addf %mul3A_234, %add3A_236 : vector<16xf32>
        %mul3A_238 = arith.mulf %add3A_237, %exp3A_219 : vector<16xf32>
        %add3A_239 = arith.constant 0.999792456 : f32
        %add3A_240 = vector.broadcast %add3A_239 : f32 to vector<16xf32>
        %add3A_241 = arith.addf %mul3A_238, %add3A_240 : vector<16xf32>
        %mul3A_242 = arith.mulf %add3A_241, %exp3A_219 : vector<16xf32>
        %add3A_243 = arith.constant 3.50755204E-6 : f32
        %add3A_244 = vector.broadcast %add3A_243 : f32 to vector<16xf32>
        %add3A_245 = arith.addf %mul3A_242, %add3A_244 : vector<16xf32>
        %max3A_246 = arith.constant 0.000000e+00 : f32
        %max3A_247 = vector.broadcast %max3A_246 : f32 to vector<16xf32>
        %max3A_248 = arith.maximumf %add3A_204, %max3A_247 : vector<16xf32>
        %add3A_249 = arith.addf %max3A_248, %add3A_245 : vector<16xf32>
        %mul3A_250 = arith.mulf %div3A_214, %add3A_249 : vector<16xf32>
        %swap3A_251 = arith.index_cast %scan3A_56 : i32 to index
        %swap3A_252 = arith.constant 32 : index
        %swap3A_253 = tpu.vector_load %arg9[%swap3A_251, %swap3A_252] {strides = array<i32>} : memref<80x128xf32, #tpu.memory_space<vmem>>, vector<1x16xf32>,
        %swap3A_254 = vector.shape_cast %swap3A_253 : vector<1x16xf32> to vector<16xf32>
        %swap3A_255 = vector.shape_cast %mul3A_250 : vector<16xf32> to vector<1x16xf32>
        tpu.vector_store %arg9[%swap3A_251, %swap3A_252], %swap3A_255 {strides = array<i32>} : memref<80x128xf32, #tpu.memory_space<vmem>>, vector<1x16xf32>,
        %get3A_256 = arith.index_cast %scan3A_56 : i32 to index
        %get3A_257 = arith.constant 48 : index
        %get3A_258 = tpu.vector_load %arg7[%get3A_256, %get3A_257] {strides = array<i32>} : memref<80x128xf32, #tpu.memory_space<vmem>>, vector<1x16xf32>,
        %get3A_259 = vector.shape_cast %get3A_258 : vector<1x16xf32> to vector<16xf32>
        %get3A_260 = arith.index_cast %scan3A_56 : i32 to index
        %get3A_261 = arith.constant 48 : index
        %get3A_262 = tpu.vector_load %arg8[%get3A_260, %get3A_261] {strides = array<i32>} : memref<80x128xf32, #tpu.memory_space<vmem>>, vector<1x16xf32>,
        %get3A_263 = vector.shape_cast %get3A_262 : vector<1x16xf32> to vector<16xf32>
        %add3A_264 = arith.addf %get3A_259, %get3A_263 : vector<16xf32>
        %get3A_265 = arith.index_cast %scan3A_56 : i32 to index
        %get3A_266 = arith.constant 112 : index
        %get3A_267 = tpu.vector_load %arg7[%get3A_265, %get3A_266] {strides = array<i32>} : memref<80x128xf32, #tpu.memory_space<vmem>>, vector<1x16xf32>,
        %get3A_268 = vector.shape_cast %get3A_267 : vector<1x16xf32> to vector<16xf32>
        %get3A_269 = arith.index_cast %scan3A_56 : i32 to index
        %get3A_270 = arith.constant 112 : index
        %get3A_271 = tpu.vector_load %arg8[%get3A_269, %get3A_270] {strides = array<i32>} : memref<80x128xf32, #tpu.memory_space<vmem>>, vector<1x16xf32>,
        %get3A_272 = vector.shape_cast %get3A_271 : vector<1x16xf32> to vector<16xf32>
        %add3A_273 = arith.addf %get3A_268, %get3A_272 : vector<16xf32>
        %neg3A_274 = arith.constant 0.000000e+00 : f32
        %neg3A_275 = vector.broadcast %neg3A_274 : f32 to vector<16xf32>
        %neg3A_276 = arith.subf %neg3A_275, %add3A_264 : vector<16xf32>
        %exp3A_277 = math.exp %neg3A_276 : vector<16xf32>
        %add3A_278 = arith.constant 1.000000e+00 : f32
        %add3A_279 = vector.broadcast %add3A_278 : f32 to vector<16xf32>
        %add3A_280 = arith.addf %add3A_279, %exp3A_277 : vector<16xf32>
        %div3A_281 = arith.constant 1.000000e+00 : f32
        %div3A_282 = vector.broadcast %div3A_281 : f32 to vector<16xf32>
        %div3A_283 = arith.divf %div3A_282, %add3A_280 : vector<16xf32>
        %abs3A_284 = math.absf %add3A_273 : vector<16xf32>
        %neg3A_285 = arith.constant 0.000000e+00 : f32
        %neg3A_286 = vector.broadcast %neg3A_285 : f32 to vector<16xf32>
        %neg3A_287 = arith.subf %neg3A_286, %abs3A_284 : vector<16xf32>
        %exp3A_288 = math.exp %neg3A_287 : vector<16xf32>
        %broadcast_in_dim3A_289 = arith.constant -0.0172080602 : f32
        %broadcast_in_dim3A_290 = vector.broadcast %broadcast_in_dim3A_289 : f32 to vector<16xf32>
        %mul3A_291 = arith.mulf %broadcast_in_dim3A_290, %exp3A_288 : vector<16xf32>
        %add3A_292 = arith.constant 0.0817268118 : f32
        %add3A_293 = vector.broadcast %add3A_292 : f32 to vector<16xf32>
        %add3A_294 = arith.addf %mul3A_291, %add3A_293 : vector<16xf32>
        %mul3A_295 = arith.mulf %add3A_294, %exp3A_288 : vector<16xf32>
        %add3A_296 = arith.constant -0.188782677 : f32
        %add3A_297 = vector.broadcast %add3A_296 : f32 to vector<16xf32>
        %add3A_298 = arith.addf %mul3A_295, %add3A_297 : vector<16xf32>
        %mul3A_299 = arith.mulf %add3A_298, %exp3A_288 : vector<16xf32>
        %add3A_300 = arith.constant 0.314590544 : f32
        %add3A_301 = vector.broadcast %add3A_300 : f32 to vector<16xf32>
        %add3A_302 = arith.addf %mul3A_299, %add3A_301 : vector<16xf32>
        %mul3A_303 = arith.mulf %add3A_302, %exp3A_288 : vector<16xf32>
        %add3A_304 = arith.constant -0.496977925 : f32
        %add3A_305 = vector.broadcast %add3A_304 : f32 to vector<16xf32>
        %add3A_306 = arith.addf %mul3A_303, %add3A_305 : vector<16xf32>
        %mul3A_307 = arith.mulf %add3A_306, %exp3A_288 : vector<16xf32>
        %add3A_308 = arith.constant 0.999792456 : f32
        %add3A_309 = vector.broadcast %add3A_308 : f32 to vector<16xf32>
        %add3A_310 = arith.addf %mul3A_307, %add3A_309 : vector<16xf32>
        %mul3A_311 = arith.mulf %add3A_310, %exp3A_288 : vector<16xf32>
        %add3A_312 = arith.constant 3.50755204E-6 : f32
        %add3A_313 = vector.broadcast %add3A_312 : f32 to vector<16xf32>
        %add3A_314 = arith.addf %mul3A_311, %add3A_313 : vector<16xf32>
        %max3A_315 = arith.constant 0.000000e+00 : f32
        %max3A_316 = vector.broadcast %max3A_315 : f32 to vector<16xf32>
        %max3A_317 = arith.maximumf %add3A_273, %max3A_316 : vector<16xf32>
        %add3A_318 = arith.addf %max3A_317, %add3A_314 : vector<16xf32>
        %mul3A_319 = arith.mulf %div3A_283, %add3A_318 : vector<16xf32>
        %swap3A_320 = arith.index_cast %scan3A_56 : i32 to index
        %swap3A_321 = arith.constant 48 : index
        %swap3A_322 = tpu.vector_load %arg9[%swap3A_320, %swap3A_321] {strides = array<i32>} : memref<80x128xf32, #tpu.memory_space<vmem>>, vector<1x16xf32>,
        %swap3A_323 = vector.shape_cast %swap3A_322 : vector<1x16xf32> to vector<16xf32>
        %swap3A_324 = vector.shape_cast %mul3A_319 : vector<16xf32> to vector<1x16xf32>
        tpu.vector_store %arg9[%swap3A_320, %swap3A_321], %swap3A_324 {strides = array<i32>} : memref<80x128xf32, #tpu.memory_space<vmem>>, vector<1x16xf32>,
      }
      %scan3A_55 = arith.constant 80 : i32
      "tpu.region"() ({
        %run_scoped3A = tpu.sem_alloc : memref<!tpu.dma_semaphore, #tpu.memory_space<semaphore_mem>>
        %dma_start3A = arith.constant 0 : i32
        %dma_start3A_56 = arith.constant 0 : i32
        %dma_start3A_57 = tpu.memref_slice %arg11[%dma_start3A, %dma_start3A_56] : memref<10240x128xf32, #tpu.memory_space<vmem_shared>> -> memref<10240x128xf32, #tpu.memory_space<vmem_shared>>
        tpu.enqueue_indirect_dma source(%arg9 : memref<80x128xf32, #tpu.memory_space<vmem>>) target(%dma_start3A_57 : memref<10240x128xf32, #tpu.memory_space<vmem_shared>>) offsets(%arg6 : memref<80xi32, #tpu.memory_space<vmem>>) semaphore(%run_scoped3A : memref<!tpu.dma_semaphore, #tpu.memory_space<semaphore_mem>>) {add = true}
        %dma_wait3A = arith.constant 0 : i32
        %dma_wait3A_58 = arith.constant 0 : i32
        %dma_wait3A_59 = tpu.memref_slice %arg11[%dma_wait3A, %dma_wait3A_58] : memref<10240x128xf32, #tpu.memory_space<vmem_shared>> -> memref<10240x128xf32, #tpu.memory_space<vmem_shared>>
        tpu.wait_indirect_dma semaphore(%run_scoped3A : memref<!tpu.dma_semaphore, #tpu.memory_space<semaphore_mem>>) src(%arg9 : memref<80x128xf32, #tpu.memory_space<vmem>>) dst(%dma_wait3A_59 : memref<10240x128xf32, #tpu.memory_space<vmem_shared>>)
        tpu.yield
      }) : () -> ()
    }
    %scan3A_36 = arith.constant 250 : i32
    %barrier3A_37 = arith.constant 0 : index
    tpu.barrier barrier_id(%barrier3A_37)
    %mul3A_38 = arith.constant 640 : i32
    %mul3A_39 = arith.muli %arg1, %mul3A_38 : i32
    %mul3A_40 = arith.constant 640 : i32
    %mul3A_41 = arith.muli %arg1, %mul3A_40 : i32
    "tpu.region"() ({
      %run_scoped3A = tpu.sem_alloc : memref<!tpu.dma_semaphore, #tpu.memory_space<semaphore_mem>>
      %dma_start3A = arith.constant 0 : i32
      %dma_start3A_42 = tpu.memref_slice %arg5[%arg0, %mul3A_41, %dma_start3A] : memref<2x10240x128xf32, #tpu.memory_space<hbm>> -> memref<1x640x128xf32, #tpu.memory_space<hbm>>
      %dma_start3A_43 = tpu.memref_squeeze %dma_start3A_42 : memref<1x640x128xf32, #tpu.memory_space<hbm>> -> memref<640x128xf32, #tpu.memory_space<hbm>>
      %dma_start3A_44 = arith.constant 0 : i32
      %dma_start3A_45 = tpu.memref_slice %arg11[%mul3A_39, %dma_start3A_44] : memref<10240x128xf32, #tpu.memory_space<vmem_shared>> -> memref<640x128xf32, #tpu.memory_space<vmem_shared>>
      tpu.enqueue_dma source(%dma_start3A_45 : memref<640x128xf32, #tpu.memory_space<vmem_shared>>) target(%dma_start3A_43 : memref<640x128xf32, #tpu.memory_space<hbm>>) target_semaphore(%run_scoped3A : memref<!tpu.dma_semaphore, #tpu.memory_space<semaphore_mem>>)
      %dma_wait3A = arith.constant 0 : i32
      %dma_wait3A_46 = tpu.memref_slice %arg5[%arg0, %mul3A_41, %dma_wait3A] : memref<2x10240x128xf32, #tpu.memory_space<hbm>> -> memref<1x640x128xf32, #tpu.memory_space<hbm>>
      %dma_wait3A_47 = tpu.memref_squeeze %dma_wait3A_46 : memref<1x640x128xf32, #tpu.memory_space<hbm>> -> memref<640x128xf32, #tpu.memory_space<hbm>>
      %dma_wait3A_48 = arith.constant 0 : i32
      %dma_wait3A_49 = tpu.memref_slice %arg11[%mul3A_39, %dma_wait3A_48] : memref<10240x128xf32, #tpu.memory_space<vmem_shared>> -> memref<640x128xf32, #tpu.memory_space<vmem_shared>>
      tpu.wait_dma2 semaphore(%run_scoped3A : memref<!tpu.dma_semaphore, #tpu.memory_space<semaphore_mem>>) src(%dma_wait3A_49 : memref<640x128xf32, #tpu.memory_space<vmem_shared>>) dst(%dma_wait3A_47 : memref<640x128xf32, #tpu.memory_space<hbm>>)
      tpu.yield
    }) : () -> ()
    return
  }
}

#map = affine_map<(d0, d1) -> (0, 0)>
#map1 = affine_map<(d0, d1) -> (0)>
#map2 = affine_map<(d0, d1) -> (0, 0, 0)>
module attributes {stable_mosaic.version = 14 : i64} {
  func.func @sc_layer(%arg0: i32, %arg1: i32, %arg2: memref<320000x512xf32, #tpu.memory_space<hbm>>, %arg3: memref<320000x512xf32, #tpu.memory_space<hbm>>, %arg4: memref<320000xi32, #tpu.memory_space<hbm>>, %arg5: memref<2x10240x128xf32, #tpu.memory_space<hbm>>, %arg6: memref<80xi32, #tpu.memory_space<vmem>>, %arg7: memref<80x128xf32, #tpu.memory_space<vmem>>, %arg8: memref<80x128xf32, #tpu.memory_space<vmem>>, %arg9: memref<80x128xf32, #tpu.memory_space<vmem>>, %arg10: memref<128x128xf32, #tpu.memory_space<vmem>>, %arg11: memref<10240x128xf32, #tpu.memory_space<vmem_shared>>) attributes {dimension_semantics = [#tpu.dimension_semantics<core_parallel>, #tpu.dimension_semantics<subcore_parallel>], iteration_bounds = array<i64: 2, 16>, scalar_prefetch = 0 : i64, scratch_operands = 6 : i64, tpu.core_type = #tpu.core_type<sc_vector_subcore>, window_params = [{transform_indices = #map}, {transform_indices = #map}, {transform_indices = #map1}, {transform_indices = #map2}]} {
    %scan3A = arith.constant 0 : i32
    %scan3A_0 = arith.constant 0 : i32
    %scan3A_1 = arith.constant 128 : i32
    %scan3A_2 = arith.addi %scan3A_0, %scan3A_1 : i32
    %scan3A_3 = arith.constant 1 : i32
    scf.for %scan3A_42 = %scan3A_0 to %scan3A_2 step %scan3A_3  : i32 {
      %broadcast_in_dim3A = arith.constant 0.000000e+00 : f32
      %broadcast_in_dim3A_43 = vector.broadcast %broadcast_in_dim3A : f32 to vector<16xf32>
      %swap3A = arith.index_cast %scan3A_42 : i32 to index
      %swap3A_44 = arith.constant 0 : index
      %swap3A_45 = tpu.vector_load %arg10[%swap3A, %swap3A_44] {strides = array<i32>} : memref<128x128xf32, #tpu.memory_space<vmem>>, vector<1x16xf32>,
      %swap3A_46 = vector.shape_cast %swap3A_45 : vector<1x16xf32> to vector<16xf32>
      %swap3A_47 = vector.shape_cast %broadcast_in_dim3A_43 : vector<16xf32> to vector<1x16xf32>
      tpu.vector_store %arg10[%swap3A, %swap3A_44], %swap3A_47 {strides = array<i32>} : memref<128x128xf32, #tpu.memory_space<vmem>>, vector<1x16xf32>,
      %broadcast_in_dim3A_48 = arith.constant 0.000000e+00 : f32
      %broadcast_in_dim3A_49 = vector.broadcast %broadcast_in_dim3A_48 : f32 to vector<16xf32>
      %swap3A_50 = arith.index_cast %scan3A_42 : i32 to index
      %swap3A_51 = arith.constant 16 : index
      %swap3A_52 = tpu.vector_load %arg10[%swap3A_50, %swap3A_51] {strides = array<i32>} : memref<128x128xf32, #tpu.memory_space<vmem>>, vector<1x16xf32>,
      %swap3A_53 = vector.shape_cast %swap3A_52 : vector<1x16xf32> to vector<16xf32>
      %swap3A_54 = vector.shape_cast %broadcast_in_dim3A_49 : vector<16xf32> to vector<1x16xf32>
      tpu.vector_store %arg10[%swap3A_50, %swap3A_51], %swap3A_54 {strides = array<i32>} : memref<128x128xf32, #tpu.memory_space<vmem>>, vector<1x16xf32>,
      %broadcast_in_dim3A_55 = arith.constant 0.000000e+00 : f32
      %broadcast_in_dim3A_56 = vector.broadcast %broadcast_in_dim3A_55 : f32 to vector<16xf32>
      %swap3A_57 = arith.index_cast %scan3A_42 : i32 to index
      %swap3A_58 = arith.constant 32 : index
      %swap3A_59 = tpu.vector_load %arg10[%swap3A_57, %swap3A_58] {strides = array<i32>} : memref<128x128xf32, #tpu.memory_space<vmem>>, vector<1x16xf32>,
      %swap3A_60 = vector.shape_cast %swap3A_59 : vector<1x16xf32> to vector<16xf32>
      %swap3A_61 = vector.shape_cast %broadcast_in_dim3A_56 : vector<16xf32> to vector<1x16xf32>
      tpu.vector_store %arg10[%swap3A_57, %swap3A_58], %swap3A_61 {strides = array<i32>} : memref<128x128xf32, #tpu.memory_space<vmem>>, vector<1x16xf32>,
      %broadcast_in_dim3A_62 = arith.constant 0.000000e+00 : f32
      %broadcast_in_dim3A_63 = vector.broadcast %broadcast_in_dim3A_62 : f32 to vector<16xf32>
      %swap3A_64 = arith.index_cast %scan3A_42 : i32 to index
      %swap3A_65 = arith.constant 48 : index
      %swap3A_66 = tpu.vector_load %arg10[%swap3A_64, %swap3A_65] {strides = array<i32>} : memref<128x128xf32, #tpu.memory_space<vmem>>, vector<1x16xf32>,
      %swap3A_67 = vector.shape_cast %swap3A_66 : vector<1x16xf32> to vector<16xf32>
      %swap3A_68 = vector.shape_cast %broadcast_in_dim3A_63 : vector<16xf32> to vector<1x16xf32>
      tpu.vector_store %arg10[%swap3A_64, %swap3A_65], %swap3A_68 {strides = array<i32>} : memref<128x128xf32, #tpu.memory_space<vmem>>, vector<1x16xf32>,
      %broadcast_in_dim3A_69 = arith.constant 0.000000e+00 : f32
      %broadcast_in_dim3A_70 = vector.broadcast %broadcast_in_dim3A_69 : f32 to vector<16xf32>
      %swap3A_71 = arith.index_cast %scan3A_42 : i32 to index
      %swap3A_72 = arith.constant 64 : index
      %swap3A_73 = tpu.vector_load %arg10[%swap3A_71, %swap3A_72] {strides = array<i32>} : memref<128x128xf32, #tpu.memory_space<vmem>>, vector<1x16xf32>,
      %swap3A_74 = vector.shape_cast %swap3A_73 : vector<1x16xf32> to vector<16xf32>
      %swap3A_75 = vector.shape_cast %broadcast_in_dim3A_70 : vector<16xf32> to vector<1x16xf32>
      tpu.vector_store %arg10[%swap3A_71, %swap3A_72], %swap3A_75 {strides = array<i32>} : memref<128x128xf32, #tpu.memory_space<vmem>>, vector<1x16xf32>,
      %broadcast_in_dim3A_76 = arith.constant 0.000000e+00 : f32
      %broadcast_in_dim3A_77 = vector.broadcast %broadcast_in_dim3A_76 : f32 to vector<16xf32>
      %swap3A_78 = arith.index_cast %scan3A_42 : i32 to index
      %swap3A_79 = arith.constant 80 : index
      %swap3A_80 = tpu.vector_load %arg10[%swap3A_78, %swap3A_79] {strides = array<i32>} : memref<128x128xf32, #tpu.memory_space<vmem>>, vector<1x16xf32>,
      %swap3A_81 = vector.shape_cast %swap3A_80 : vector<1x16xf32> to vector<16xf32>
      %swap3A_82 = vector.shape_cast %broadcast_in_dim3A_77 : vector<16xf32> to vector<1x16xf32>
      tpu.vector_store %arg10[%swap3A_78, %swap3A_79], %swap3A_82 {strides = array<i32>} : memref<128x128xf32, #tpu.memory_space<vmem>>, vector<1x16xf32>,
      %broadcast_in_dim3A_83 = arith.constant 0.000000e+00 : f32
      %broadcast_in_dim3A_84 = vector.broadcast %broadcast_in_dim3A_83 : f32 to vector<16xf32>
      %swap3A_85 = arith.index_cast %scan3A_42 : i32 to index
      %swap3A_86 = arith.constant 96 : index
      %swap3A_87 = tpu.vector_load %arg10[%swap3A_85, %swap3A_86] {strides = array<i32>} : memref<128x128xf32, #tpu.memory_space<vmem>>, vector<1x16xf32>,
      %swap3A_88 = vector.shape_cast %swap3A_87 : vector<1x16xf32> to vector<16xf32>
      %swap3A_89 = vector.shape_cast %broadcast_in_dim3A_84 : vector<16xf32> to vector<1x16xf32>
      tpu.vector_store %arg10[%swap3A_85, %swap3A_86], %swap3A_89 {strides = array<i32>} : memref<128x128xf32, #tpu.memory_space<vmem>>, vector<1x16xf32>,
      %broadcast_in_dim3A_90 = arith.constant 0.000000e+00 : f32
      %broadcast_in_dim3A_91 = vector.broadcast %broadcast_in_dim3A_90 : f32 to vector<16xf32>
      %swap3A_92 = arith.index_cast %scan3A_42 : i32 to index
      %swap3A_93 = arith.constant 112 : index
      %swap3A_94 = tpu.vector_load %arg10[%swap3A_92, %swap3A_93] {strides = array<i32>} : memref<128x128xf32, #tpu.memory_space<vmem>>, vector<1x16xf32>,
      %swap3A_95 = vector.shape_cast %swap3A_94 : vector<1x16xf32> to vector<16xf32>
      %swap3A_96 = vector.shape_cast %broadcast_in_dim3A_91 : vector<16xf32> to vector<1x16xf32>
      tpu.vector_store %arg10[%swap3A_92, %swap3A_93], %swap3A_96 {strides = array<i32>} : memref<128x128xf32, #tpu.memory_space<vmem>>, vector<1x16xf32>,
    }
    %scan3A_4 = arith.constant 128 : i32
    %scan3A_5 = arith.constant 0 : i32
    %scan3A_6 = arith.constant 0 : i32
    %scan3A_7 = arith.constant 80 : i32
    %scan3A_8 = arith.addi %scan3A_6, %scan3A_7 : i32
    %scan3A_9 = arith.constant 1 : i32
    scf.for %scan3A_42 = %scan3A_6 to %scan3A_8 step %scan3A_9  : i32 {
      %broadcast_in_dim3A = arith.constant 0.000000e+00 : f32
      %broadcast_in_dim3A_43 = vector.broadcast %broadcast_in_dim3A : f32 to vector<16xf32>
      %swap3A = arith.index_cast %scan3A_42 : i32 to index
      %swap3A_44 = arith.constant 64 : index
      %swap3A_45 = tpu.vector_load %arg9[%swap3A, %swap3A_44] {strides = array<i32>} : memref<80x128xf32, #tpu.memory_space<vmem>>, vector<1x16xf32>,
      %swap3A_46 = vector.shape_cast %swap3A_45 : vector<1x16xf32> to vector<16xf32>
      %swap3A_47 = vector.shape_cast %broadcast_in_dim3A_43 : vector<16xf32> to vector<1x16xf32>
      tpu.vector_store %arg9[%swap3A, %swap3A_44], %swap3A_47 {strides = array<i32>} : memref<80x128xf32, #tpu.memory_space<vmem>>, vector<1x16xf32>,
      %broadcast_in_dim3A_48 = arith.constant 0.000000e+00 : f32
      %broadcast_in_dim3A_49 = vector.broadcast %broadcast_in_dim3A_48 : f32 to vector<16xf32>
      %swap3A_50 = arith.index_cast %scan3A_42 : i32 to index
      %swap3A_51 = arith.constant 80 : index
      %swap3A_52 = tpu.vector_load %arg9[%swap3A_50, %swap3A_51] {strides = array<i32>} : memref<80x128xf32, #tpu.memory_space<vmem>>, vector<1x16xf32>,
      %swap3A_53 = vector.shape_cast %swap3A_52 : vector<1x16xf32> to vector<16xf32>
      %swap3A_54 = vector.shape_cast %broadcast_in_dim3A_49 : vector<16xf32> to vector<1x16xf32>
      tpu.vector_store %arg9[%swap3A_50, %swap3A_51], %swap3A_54 {strides = array<i32>} : memref<80x128xf32, #tpu.memory_space<vmem>>, vector<1x16xf32>,
      %broadcast_in_dim3A_55 = arith.constant 0.000000e+00 : f32
      %broadcast_in_dim3A_56 = vector.broadcast %broadcast_in_dim3A_55 : f32 to vector<16xf32>
      %swap3A_57 = arith.index_cast %scan3A_42 : i32 to index
      %swap3A_58 = arith.constant 96 : index
      %swap3A_59 = tpu.vector_load %arg9[%swap3A_57, %swap3A_58] {strides = array<i32>} : memref<80x128xf32, #tpu.memory_space<vmem>>, vector<1x16xf32>,
      %swap3A_60 = vector.shape_cast %swap3A_59 : vector<1x16xf32> to vector<16xf32>
      %swap3A_61 = vector.shape_cast %broadcast_in_dim3A_56 : vector<16xf32> to vector<1x16xf32>
      tpu.vector_store %arg9[%swap3A_57, %swap3A_58], %swap3A_61 {strides = array<i32>} : memref<80x128xf32, #tpu.memory_space<vmem>>, vector<1x16xf32>,
      %broadcast_in_dim3A_62 = arith.constant 0.000000e+00 : f32
      %broadcast_in_dim3A_63 = vector.broadcast %broadcast_in_dim3A_62 : f32 to vector<16xf32>
      %swap3A_64 = arith.index_cast %scan3A_42 : i32 to index
      %swap3A_65 = arith.constant 112 : index
      %swap3A_66 = tpu.vector_load %arg9[%swap3A_64, %swap3A_65] {strides = array<i32>} : memref<80x128xf32, #tpu.memory_space<vmem>>, vector<1x16xf32>,
      %swap3A_67 = vector.shape_cast %swap3A_66 : vector<1x16xf32> to vector<16xf32>
      %swap3A_68 = vector.shape_cast %broadcast_in_dim3A_63 : vector<16xf32> to vector<1x16xf32>
      tpu.vector_store %arg9[%swap3A_64, %swap3A_65], %swap3A_68 {strides = array<i32>} : memref<80x128xf32, #tpu.memory_space<vmem>>, vector<1x16xf32>,
    }
    %scan3A_10 = arith.constant 80 : i32
    %mul3A = arith.constant 640 : i32
    %mul3A_11 = arith.muli %arg1, %mul3A : i32
    %add3A = arith.constant 0 : i32
    %add3A_12 = arith.addi %mul3A_11, %add3A : i32
    "tpu.region"() ({
      %run_scoped3A = tpu.sem_alloc : memref<!tpu.dma_semaphore, #tpu.memory_space<semaphore_mem>>
      %dma_start3A = arith.constant 0 : i32
      %dma_start3A_42 = tpu.memref_slice %arg11[%add3A_12, %dma_start3A] : memref<10240x128xf32, #tpu.memory_space<vmem_shared>> -> memref<128x128xf32, #tpu.memory_space<vmem_shared>>
      %dma_start3A_43 = arith.constant 0 : i32
      %dma_start3A_44 = tpu.memref_slice %arg11[%add3A_12, %dma_start3A_43] : memref<10240x128xf32, #tpu.memory_space<vmem_shared>> -> memref<128x128xf32, #tpu.memory_space<vmem_shared>>
      tpu.enqueue_dma source(%arg10 : memref<128x128xf32, #tpu.memory_space<vmem>>) target(%dma_start3A_44 : memref<128x128xf32, #tpu.memory_space<vmem_shared>>) target_semaphore(%run_scoped3A : memref<!tpu.dma_semaphore, #tpu.memory_space<semaphore_mem>>)
      %dma_wait3A = arith.constant 0 : i32
      %dma_wait3A_45 = tpu.memref_slice %arg11[%add3A_12, %dma_wait3A] : memref<10240x128xf32, #tpu.memory_space<vmem_shared>> -> memref<128x128xf32, #tpu.memory_space<vmem_shared>>
      %dma_wait3A_46 = arith.constant 0 : i32
      %dma_wait3A_47 = tpu.memref_slice %arg11[%add3A_12, %dma_wait3A_46] : memref<10240x128xf32, #tpu.memory_space<vmem_shared>> -> memref<128x128xf32, #tpu.memory_space<vmem_shared>>
      tpu.wait_dma2 semaphore(%run_scoped3A : memref<!tpu.dma_semaphore, #tpu.memory_space<semaphore_mem>>) src(%arg10 : memref<128x128xf32, #tpu.memory_space<vmem>>) dst(%dma_wait3A_47 : memref<128x128xf32, #tpu.memory_space<vmem_shared>>)
      tpu.yield
    }) : () -> ()
    %mul3A_13 = arith.constant 640 : i32
    %mul3A_14 = arith.muli %arg1, %mul3A_13 : i32
    %add3A_15 = arith.constant 128 : i32
    %add3A_16 = arith.addi %mul3A_14, %add3A_15 : i32
    "tpu.region"() ({
      %run_scoped3A = tpu.sem_alloc : memref<!tpu.dma_semaphore, #tpu.memory_space<semaphore_mem>>
      %dma_start3A = arith.constant 0 : i32
      %dma_start3A_42 = tpu.memref_slice %arg11[%add3A_16, %dma_start3A] : memref<10240x128xf32, #tpu.memory_space<vmem_shared>> -> memref<128x128xf32, #tpu.memory_space<vmem_shared>>
      %dma_start3A_43 = arith.constant 0 : i32
      %dma_start3A_44 = tpu.memref_slice %arg11[%add3A_16, %dma_start3A_43] : memref<10240x128xf32, #tpu.memory_space<vmem_shared>> -> memref<128x128xf32, #tpu.memory_space<vmem_shared>>
      tpu.enqueue_dma source(%arg10 : memref<128x128xf32, #tpu.memory_space<vmem>>) target(%dma_start3A_44 : memref<128x128xf32, #tpu.memory_space<vmem_shared>>) target_semaphore(%run_scoped3A : memref<!tpu.dma_semaphore, #tpu.memory_space<semaphore_mem>>)
      %dma_wait3A = arith.constant 0 : i32
      %dma_wait3A_45 = tpu.memref_slice %arg11[%add3A_16, %dma_wait3A] : memref<10240x128xf32, #tpu.memory_space<vmem_shared>> -> memref<128x128xf32, #tpu.memory_space<vmem_shared>>
      %dma_wait3A_46 = arith.constant 0 : i32
      %dma_wait3A_47 = tpu.memref_slice %arg11[%add3A_16, %dma_wait3A_46] : memref<10240x128xf32, #tpu.memory_space<vmem_shared>> -> memref<128x128xf32, #tpu.memory_space<vmem_shared>>
      tpu.wait_dma2 semaphore(%run_scoped3A : memref<!tpu.dma_semaphore, #tpu.memory_space<semaphore_mem>>) src(%arg10 : memref<128x128xf32, #tpu.memory_space<vmem>>) dst(%dma_wait3A_47 : memref<128x128xf32, #tpu.memory_space<vmem_shared>>)
      tpu.yield
    }) : () -> ()
    %mul3A_17 = arith.constant 640 : i32
    %mul3A_18 = arith.muli %arg1, %mul3A_17 : i32
    %add3A_19 = arith.constant 256 : i32
    %add3A_20 = arith.addi %mul3A_18, %add3A_19 : i32
    "tpu.region"() ({
      %run_scoped3A = tpu.sem_alloc : memref<!tpu.dma_semaphore, #tpu.memory_space<semaphore_mem>>
      %dma_start3A = arith.constant 0 : i32
      %dma_start3A_42 = tpu.memref_slice %arg11[%add3A_20, %dma_start3A] : memref<10240x128xf32, #tpu.memory_space<vmem_shared>> -> memref<128x128xf32, #tpu.memory_space<vmem_shared>>
      %dma_start3A_43 = arith.constant 0 : i32
      %dma_start3A_44 = tpu.memref_slice %arg11[%add3A_20, %dma_start3A_43] : memref<10240x128xf32, #tpu.memory_space<vmem_shared>> -> memref<128x128xf32, #tpu.memory_space<vmem_shared>>
      tpu.enqueue_dma source(%arg10 : memref<128x128xf32, #tpu.memory_space<vmem>>) target(%dma_start3A_44 : memref<128x128xf32, #tpu.memory_space<vmem_shared>>) target_semaphore(%run_scoped3A : memref<!tpu.dma_semaphore, #tpu.memory_space<semaphore_mem>>)
      %dma_wait3A = arith.constant 0 : i32
      %dma_wait3A_45 = tpu.memref_slice %arg11[%add3A_20, %dma_wait3A] : memref<10240x128xf32, #tpu.memory_space<vmem_shared>> -> memref<128x128xf32, #tpu.memory_space<vmem_shared>>
      %dma_wait3A_46 = arith.constant 0 : i32
      %dma_wait3A_47 = tpu.memref_slice %arg11[%add3A_20, %dma_wait3A_46] : memref<10240x128xf32, #tpu.memory_space<vmem_shared>> -> memref<128x128xf32, #tpu.memory_space<vmem_shared>>
      tpu.wait_dma2 semaphore(%run_scoped3A : memref<!tpu.dma_semaphore, #tpu.memory_space<semaphore_mem>>) src(%arg10 : memref<128x128xf32, #tpu.memory_space<vmem>>) dst(%dma_wait3A_47 : memref<128x128xf32, #tpu.memory_space<vmem_shared>>)
      tpu.yield
    }) : () -> ()
    %mul3A_21 = arith.constant 640 : i32
    %mul3A_22 = arith.muli %arg1, %mul3A_21 : i32
    %add3A_23 = arith.constant 384 : i32
    %add3A_24 = arith.addi %mul3A_22, %add3A_23 : i32
    "tpu.region"() ({
      %run_scoped3A = tpu.sem_alloc : memref<!tpu.dma_semaphore, #tpu.memory_space<semaphore_mem>>
      %dma_start3A = arith.constant 0 : i32
      %dma_start3A_42 = tpu.memref_slice %arg11[%add3A_24, %dma_start3A] : memref<10240x128xf32, #tpu.memory_space<vmem_shared>> -> memref<128x128xf32, #tpu.memory_space<vmem_shared>>
      %dma_start3A_43 = arith.constant 0 : i32
      %dma_start3A_44 = tpu.memref_slice %arg11[%add3A_24, %dma_start3A_43] : memref<10240x128xf32, #tpu.memory_space<vmem_shared>> -> memref<128x128xf32, #tpu.memory_space<vmem_shared>>
      tpu.enqueue_dma source(%arg10 : memref<128x128xf32, #tpu.memory_space<vmem>>) target(%dma_start3A_44 : memref<128x128xf32, #tpu.memory_space<vmem_shared>>) target_semaphore(%run_scoped3A : memref<!tpu.dma_semaphore, #tpu.memory_space<semaphore_mem>>)
      %dma_wait3A = arith.constant 0 : i32
      %dma_wait3A_45 = tpu.memref_slice %arg11[%add3A_24, %dma_wait3A] : memref<10240x128xf32, #tpu.memory_space<vmem_shared>> -> memref<128x128xf32, #tpu.memory_space<vmem_shared>>
      %dma_wait3A_46 = arith.constant 0 : i32
      %dma_wait3A_47 = tpu.memref_slice %arg11[%add3A_24, %dma_wait3A_46] : memref<10240x128xf32, #tpu.memory_space<vmem_shared>> -> memref<128x128xf32, #tpu.memory_space<vmem_shared>>
      tpu.wait_dma2 semaphore(%run_scoped3A : memref<!tpu.dma_semaphore, #tpu.memory_space<semaphore_mem>>) src(%arg10 : memref<128x128xf32, #tpu.memory_space<vmem>>) dst(%dma_wait3A_47 : memref<128x128xf32, #tpu.memory_space<vmem_shared>>)
      tpu.yield
    }) : () -> ()
    %mul3A_25 = arith.constant 640 : i32
    %mul3A_26 = arith.muli %arg1, %mul3A_25 : i32
    %add3A_27 = arith.constant 512 : i32
    %add3A_28 = arith.addi %mul3A_26, %add3A_27 : i32
    "tpu.region"() ({
      %run_scoped3A = tpu.sem_alloc : memref<!tpu.dma_semaphore, #tpu.memory_space<semaphore_mem>>
      %dma_start3A = arith.constant 0 : i32
      %dma_start3A_42 = tpu.memref_slice %arg11[%add3A_28, %dma_start3A] : memref<10240x128xf32, #tpu.memory_space<vmem_shared>> -> memref<128x128xf32, #tpu.memory_space<vmem_shared>>
      %dma_start3A_43 = arith.constant 0 : i32
      %dma_start3A_44 = tpu.memref_slice %arg11[%add3A_28, %dma_start3A_43] : memref<10240x128xf32, #tpu.memory_space<vmem_shared>> -> memref<128x128xf32, #tpu.memory_space<vmem_shared>>
      tpu.enqueue_dma source(%arg10 : memref<128x128xf32, #tpu.memory_space<vmem>>) target(%dma_start3A_44 : memref<128x128xf32, #tpu.memory_space<vmem_shared>>) target_semaphore(%run_scoped3A : memref<!tpu.dma_semaphore, #tpu.memory_space<semaphore_mem>>)
      %dma_wait3A = arith.constant 0 : i32
      %dma_wait3A_45 = tpu.memref_slice %arg11[%add3A_28, %dma_wait3A] : memref<10240x128xf32, #tpu.memory_space<vmem_shared>> -> memref<128x128xf32, #tpu.memory_space<vmem_shared>>
      %dma_wait3A_46 = arith.constant 0 : i32
      %dma_wait3A_47 = tpu.memref_slice %arg11[%add3A_28, %dma_wait3A_46] : memref<10240x128xf32, #tpu.memory_space<vmem_shared>> -> memref<128x128xf32, #tpu.memory_space<vmem_shared>>
      tpu.wait_dma2 semaphore(%run_scoped3A : memref<!tpu.dma_semaphore, #tpu.memory_space<semaphore_mem>>) src(%arg10 : memref<128x128xf32, #tpu.memory_space<vmem>>) dst(%dma_wait3A_47 : memref<128x128xf32, #tpu.memory_space<vmem_shared>>)
      tpu.yield
    }) : () -> ()
    %barrier3A = arith.constant 0 : index
    tpu.barrier barrier_id(%barrier3A)
    %mul3A_29 = arith.constant 20000 : i32
    %mul3A_30 = arith.muli %arg1, %mul3A_29 : i32
    %scan3A_31 = arith.constant 0 : i32
    %scan3A_32 = arith.constant 0 : i32
    %scan3A_33 = arith.constant 250 : i32
    %scan3A_34 = arith.addi %scan3A_32, %scan3A_33 : i32
    %scan3A_35 = arith.constant 1 : i32
    scf.for %scan3A_42 = %scan3A_32 to %scan3A_34 step %scan3A_35  : i32 {
      %mul3A_43 = arith.constant 80 : i32
      %mul3A_44 = arith.muli %scan3A_42, %mul3A_43 : i32
      %add3A_45 = arith.addi %mul3A_30, %mul3A_44 : i32
      %add3A_46 = arith.constant 2 : i32
      %add3A_47 = arith.addi %add3A_46, %arg0 : i32
      %mul3A_48 = arith.constant 128 : i32
      %mul3A_49 = arith.muli %add3A_47, %mul3A_48 : i32
      "tpu.region"() ({
        %run_scoped3A = tpu.sem_alloc : memref<!tpu.dma_semaphore, #tpu.memory_space<semaphore_mem>>
        %dma_start3A = tpu.memref_slice %arg4[%add3A_45] : memref<320000xi32, #tpu.memory_space<hbm>> -> memref<80xi32, #tpu.memory_space<hbm>>
        %dma_start3A_56 = tpu.memref_slice %arg4[%add3A_45] : memref<320000xi32, #tpu.memory_space<hbm>> -> memref<80xi32, #tpu.memory_space<hbm>>
        tpu.enqueue_dma source(%dma_start3A_56 : memref<80xi32, #tpu.memory_space<hbm>>) target(%arg6 : memref<80xi32, #tpu.memory_space<vmem>>) target_semaphore(%run_scoped3A : memref<!tpu.dma_semaphore, #tpu.memory_space<semaphore_mem>>)
        %dma_wait3A = tpu.memref_slice %arg4[%add3A_45] : memref<320000xi32, #tpu.memory_space<hbm>> -> memref<80xi32, #tpu.memory_space<hbm>>
        %dma_wait3A_57 = tpu.memref_slice %arg4[%add3A_45] : memref<320000xi32, #tpu.memory_space<hbm>> -> memref<80xi32, #tpu.memory_space<hbm>>
        tpu.wait_dma2 semaphore(%run_scoped3A : memref<!tpu.dma_semaphore, #tpu.memory_space<semaphore_mem>>) src(%dma_wait3A_57 : memref<80xi32, #tpu.memory_space<hbm>>) dst(%arg6 : memref<80xi32, #tpu.memory_space<vmem>>)
        tpu.yield
      }) : () -> ()
      "tpu.region"() ({
        %run_scoped3A = tpu.sem_alloc : memref<!tpu.dma_semaphore, #tpu.memory_space<semaphore_mem>>
        %dma_start3A = tpu.memref_slice %arg2[%add3A_45, %mul3A_49] : memref<320000x512xf32, #tpu.memory_space<hbm>> -> memref<80x128xf32, #tpu.memory_space<hbm>>
        %dma_start3A_56 = tpu.memref_slice %arg2[%add3A_45, %mul3A_49] : memref<320000x512xf32, #tpu.memory_space<hbm>> -> memref<80x128xf32, #tpu.memory_space<hbm>>
        tpu.enqueue_dma source(%dma_start3A_56 : memref<80x128xf32, #tpu.memory_space<hbm>>) target(%arg7 : memref<80x128xf32, #tpu.memory_space<vmem>>) target_semaphore(%run_scoped3A : memref<!tpu.dma_semaphore, #tpu.memory_space<semaphore_mem>>)
        %dma_wait3A = tpu.memref_slice %arg2[%add3A_45, %mul3A_49] : memref<320000x512xf32, #tpu.memory_space<hbm>> -> memref<80x128xf32, #tpu.memory_space<hbm>>
        %dma_wait3A_57 = tpu.memref_slice %arg2[%add3A_45, %mul3A_49] : memref<320000x512xf32, #tpu.memory_space<hbm>> -> memref<80x128xf32, #tpu.memory_space<hbm>>
        tpu.wait_dma2 semaphore(%run_scoped3A : memref<!tpu.dma_semaphore, #tpu.memory_space<semaphore_mem>>) src(%dma_wait3A_57 : memref<80x128xf32, #tpu.memory_space<hbm>>) dst(%arg7 : memref<80x128xf32, #tpu.memory_space<vmem>>)
        tpu.yield
      }) : () -> ()
      "tpu.region"() ({
        %run_scoped3A = tpu.sem_alloc : memref<!tpu.dma_semaphore, #tpu.memory_space<semaphore_mem>>
        %dma_start3A = tpu.memref_slice %arg3[%add3A_45, %mul3A_49] : memref<320000x512xf32, #tpu.memory_space<hbm>> -> memref<80x128xf32, #tpu.memory_space<hbm>>
        %dma_start3A_56 = tpu.memref_slice %arg3[%add3A_45, %mul3A_49] : memref<320000x512xf32, #tpu.memory_space<hbm>> -> memref<80x128xf32, #tpu.memory_space<hbm>>
        tpu.enqueue_dma source(%dma_start3A_56 : memref<80x128xf32, #tpu.memory_space<hbm>>) target(%arg8 : memref<80x128xf32, #tpu.memory_space<vmem>>) target_semaphore(%run_scoped3A : memref<!tpu.dma_semaphore, #tpu.memory_space<semaphore_mem>>)
        %dma_wait3A = tpu.memref_slice %arg3[%add3A_45, %mul3A_49] : memref<320000x512xf32, #tpu.memory_space<hbm>> -> memref<80x128xf32, #tpu.memory_space<hbm>>
        %dma_wait3A_57 = tpu.memref_slice %arg3[%add3A_45, %mul3A_49] : memref<320000x512xf32, #tpu.memory_space<hbm>> -> memref<80x128xf32, #tpu.memory_space<hbm>>
        tpu.wait_dma2 semaphore(%run_scoped3A : memref<!tpu.dma_semaphore, #tpu.memory_space<semaphore_mem>>) src(%dma_wait3A_57 : memref<80x128xf32, #tpu.memory_space<hbm>>) dst(%arg8 : memref<80x128xf32, #tpu.memory_space<vmem>>)
        tpu.yield
      }) : () -> ()
      %scan3A_50 = arith.constant 0 : i32
      %scan3A_51 = arith.constant 0 : i32
      %scan3A_52 = arith.constant 80 : i32
      %scan3A_53 = arith.addi %scan3A_51, %scan3A_52 : i32
      %scan3A_54 = arith.constant 1 : i32
      scf.for %scan3A_56 = %scan3A_51 to %scan3A_53 step %scan3A_54  : i32 {
        %get3A = arith.index_cast %scan3A_56 : i32 to index
        %get3A_57 = arith.constant 0 : index
        %get3A_58 = tpu.vector_load %arg7[%get3A, %get3A_57] {strides = array<i32>} : memref<80x128xf32, #tpu.memory_space<vmem>>, vector<1x16xf32>,
        %get3A_59 = vector.shape_cast %get3A_58 : vector<1x16xf32> to vector<16xf32>
        %get3A_60 = arith.index_cast %scan3A_56 : i32 to index
        %get3A_61 = arith.constant 0 : index
        %get3A_62 = tpu.vector_load %arg8[%get3A_60, %get3A_61] {strides = array<i32>} : memref<80x128xf32, #tpu.memory_space<vmem>>, vector<1x16xf32>,
        %get3A_63 = vector.shape_cast %get3A_62 : vector<1x16xf32> to vector<16xf32>
        %add3A_64 = arith.addf %get3A_59, %get3A_63 : vector<16xf32>
        %get3A_65 = arith.index_cast %scan3A_56 : i32 to index
        %get3A_66 = arith.constant 64 : index
        %get3A_67 = tpu.vector_load %arg7[%get3A_65, %get3A_66] {strides = array<i32>} : memref<80x128xf32, #tpu.memory_space<vmem>>, vector<1x16xf32>,
        %get3A_68 = vector.shape_cast %get3A_67 : vector<1x16xf32> to vector<16xf32>
        %get3A_69 = arith.index_cast %scan3A_56 : i32 to index
        %get3A_70 = arith.constant 64 : index
        %get3A_71 = tpu.vector_load %arg8[%get3A_69, %get3A_70] {strides = array<i32>} : memref<80x128xf32, #tpu.memory_space<vmem>>, vector<1x16xf32>,
        %get3A_72 = vector.shape_cast %get3A_71 : vector<1x16xf32> to vector<16xf32>
        %add3A_73 = arith.addf %get3A_68, %get3A_72 : vector<16xf32>
        %neg3A = arith.constant 0.000000e+00 : f32
        %neg3A_74 = vector.broadcast %neg3A : f32 to vector<16xf32>
        %neg3A_75 = arith.subf %neg3A_74, %add3A_64 : vector<16xf32>
        %exp3A = math.exp %neg3A_75 : vector<16xf32>
        %add3A_76 = arith.constant 1.000000e+00 : f32
        %add3A_77 = vector.broadcast %add3A_76 : f32 to vector<16xf32>
        %add3A_78 = arith.addf %add3A_77, %exp3A : vector<16xf32>
        %div3A = arith.constant 1.000000e+00 : f32
        %div3A_79 = vector.broadcast %div3A : f32 to vector<16xf32>
        %div3A_80 = arith.divf %div3A_79, %add3A_78 : vector<16xf32>
        %abs3A = math.absf %add3A_73 : vector<16xf32>
        %neg3A_81 = arith.constant 0.000000e+00 : f32
        %neg3A_82 = vector.broadcast %neg3A_81 : f32 to vector<16xf32>
        %neg3A_83 = arith.subf %neg3A_82, %abs3A : vector<16xf32>
        %exp3A_84 = math.exp %neg3A_83 : vector<16xf32>
        %broadcast_in_dim3A = arith.constant -0.0172080602 : f32
        %broadcast_in_dim3A_85 = vector.broadcast %broadcast_in_dim3A : f32 to vector<16xf32>
        %mul3A_86 = arith.mulf %broadcast_in_dim3A_85, %exp3A_84 : vector<16xf32>
        %add3A_87 = arith.constant 0.0817268118 : f32
        %add3A_88 = vector.broadcast %add3A_87 : f32 to vector<16xf32>
        %add3A_89 = arith.addf %mul3A_86, %add3A_88 : vector<16xf32>
        %mul3A_90 = arith.mulf %add3A_89, %exp3A_84 : vector<16xf32>
        %add3A_91 = arith.constant -0.188782677 : f32
        %add3A_92 = vector.broadcast %add3A_91 : f32 to vector<16xf32>
        %add3A_93 = arith.addf %mul3A_90, %add3A_92 : vector<16xf32>
        %mul3A_94 = arith.mulf %add3A_93, %exp3A_84 : vector<16xf32>
        %add3A_95 = arith.constant 0.314590544 : f32
        %add3A_96 = vector.broadcast %add3A_95 : f32 to vector<16xf32>
        %add3A_97 = arith.addf %mul3A_94, %add3A_96 : vector<16xf32>
        %mul3A_98 = arith.mulf %add3A_97, %exp3A_84 : vector<16xf32>
        %add3A_99 = arith.constant -0.496977925 : f32
        %add3A_100 = vector.broadcast %add3A_99 : f32 to vector<16xf32>
        %add3A_101 = arith.addf %mul3A_98, %add3A_100 : vector<16xf32>
        %mul3A_102 = arith.mulf %add3A_101, %exp3A_84 : vector<16xf32>
        %add3A_103 = arith.constant 0.999792456 : f32
        %add3A_104 = vector.broadcast %add3A_103 : f32 to vector<16xf32>
        %add3A_105 = arith.addf %mul3A_102, %add3A_104 : vector<16xf32>
        %mul3A_106 = arith.mulf %add3A_105, %exp3A_84 : vector<16xf32>
        %add3A_107 = arith.constant 3.50755204E-6 : f32
        %add3A_108 = vector.broadcast %add3A_107 : f32 to vector<16xf32>
        %add3A_109 = arith.addf %mul3A_106, %add3A_108 : vector<16xf32>
        %max3A = arith.constant 0.000000e+00 : f32
        %max3A_110 = vector.broadcast %max3A : f32 to vector<16xf32>
        %max3A_111 = arith.maximumf %add3A_73, %max3A_110 : vector<16xf32>
        %add3A_112 = arith.addf %max3A_111, %add3A_109 : vector<16xf32>
        %mul3A_113 = arith.mulf %div3A_80, %add3A_112 : vector<16xf32>
        %swap3A = arith.index_cast %scan3A_56 : i32 to index
        %swap3A_114 = arith.constant 0 : index
        %swap3A_115 = tpu.vector_load %arg9[%swap3A, %swap3A_114] {strides = array<i32>} : memref<80x128xf32, #tpu.memory_space<vmem>>, vector<1x16xf32>,
        %swap3A_116 = vector.shape_cast %swap3A_115 : vector<1x16xf32> to vector<16xf32>
        %swap3A_117 = vector.shape_cast %mul3A_113 : vector<16xf32> to vector<1x16xf32>
        tpu.vector_store %arg9[%swap3A, %swap3A_114], %swap3A_117 {strides = array<i32>} : memref<80x128xf32, #tpu.memory_space<vmem>>, vector<1x16xf32>,
        %get3A_118 = arith.index_cast %scan3A_56 : i32 to index
        %get3A_119 = arith.constant 16 : index
        %get3A_120 = tpu.vector_load %arg7[%get3A_118, %get3A_119] {strides = array<i32>} : memref<80x128xf32, #tpu.memory_space<vmem>>, vector<1x16xf32>,
        %get3A_121 = vector.shape_cast %get3A_120 : vector<1x16xf32> to vector<16xf32>
        %get3A_122 = arith.index_cast %scan3A_56 : i32 to index
        %get3A_123 = arith.constant 16 : index
        %get3A_124 = tpu.vector_load %arg8[%get3A_122, %get3A_123] {strides = array<i32>} : memref<80x128xf32, #tpu.memory_space<vmem>>, vector<1x16xf32>,
        %get3A_125 = vector.shape_cast %get3A_124 : vector<1x16xf32> to vector<16xf32>
        %add3A_126 = arith.addf %get3A_121, %get3A_125 : vector<16xf32>
        %get3A_127 = arith.index_cast %scan3A_56 : i32 to index
        %get3A_128 = arith.constant 80 : index
        %get3A_129 = tpu.vector_load %arg7[%get3A_127, %get3A_128] {strides = array<i32>} : memref<80x128xf32, #tpu.memory_space<vmem>>, vector<1x16xf32>,
        %get3A_130 = vector.shape_cast %get3A_129 : vector<1x16xf32> to vector<16xf32>
        %get3A_131 = arith.index_cast %scan3A_56 : i32 to index
        %get3A_132 = arith.constant 80 : index
        %get3A_133 = tpu.vector_load %arg8[%get3A_131, %get3A_132] {strides = array<i32>} : memref<80x128xf32, #tpu.memory_space<vmem>>, vector<1x16xf32>,
        %get3A_134 = vector.shape_cast %get3A_133 : vector<1x16xf32> to vector<16xf32>
        %add3A_135 = arith.addf %get3A_130, %get3A_134 : vector<16xf32>
        %neg3A_136 = arith.constant 0.000000e+00 : f32
        %neg3A_137 = vector.broadcast %neg3A_136 : f32 to vector<16xf32>
        %neg3A_138 = arith.subf %neg3A_137, %add3A_126 : vector<16xf32>
        %exp3A_139 = math.exp %neg3A_138 : vector<16xf32>
        %add3A_140 = arith.constant 1.000000e+00 : f32
        %add3A_141 = vector.broadcast %add3A_140 : f32 to vector<16xf32>
        %add3A_142 = arith.addf %add3A_141, %exp3A_139 : vector<16xf32>
        %div3A_143 = arith.constant 1.000000e+00 : f32
        %div3A_144 = vector.broadcast %div3A_143 : f32 to vector<16xf32>
        %div3A_145 = arith.divf %div3A_144, %add3A_142 : vector<16xf32>
        %abs3A_146 = math.absf %add3A_135 : vector<16xf32>
        %neg3A_147 = arith.constant 0.000000e+00 : f32
        %neg3A_148 = vector.broadcast %neg3A_147 : f32 to vector<16xf32>
        %neg3A_149 = arith.subf %neg3A_148, %abs3A_146 : vector<16xf32>
        %exp3A_150 = math.exp %neg3A_149 : vector<16xf32>
        %broadcast_in_dim3A_151 = arith.constant -0.0172080602 : f32
        %broadcast_in_dim3A_152 = vector.broadcast %broadcast_in_dim3A_151 : f32 to vector<16xf32>
        %mul3A_153 = arith.mulf %broadcast_in_dim3A_152, %exp3A_150 : vector<16xf32>
        %add3A_154 = arith.constant 0.0817268118 : f32
        %add3A_155 = vector.broadcast %add3A_154 : f32 to vector<16xf32>
        %add3A_156 = arith.addf %mul3A_153, %add3A_155 : vector<16xf32>
        %mul3A_157 = arith.mulf %add3A_156, %exp3A_150 : vector<16xf32>
        %add3A_158 = arith.constant -0.188782677 : f32
        %add3A_159 = vector.broadcast %add3A_158 : f32 to vector<16xf32>
        %add3A_160 = arith.addf %mul3A_157, %add3A_159 : vector<16xf32>
        %mul3A_161 = arith.mulf %add3A_160, %exp3A_150 : vector<16xf32>
        %add3A_162 = arith.constant 0.314590544 : f32
        %add3A_163 = vector.broadcast %add3A_162 : f32 to vector<16xf32>
        %add3A_164 = arith.addf %mul3A_161, %add3A_163 : vector<16xf32>
        %mul3A_165 = arith.mulf %add3A_164, %exp3A_150 : vector<16xf32>
        %add3A_166 = arith.constant -0.496977925 : f32
        %add3A_167 = vector.broadcast %add3A_166 : f32 to vector<16xf32>
        %add3A_168 = arith.addf %mul3A_165, %add3A_167 : vector<16xf32>
        %mul3A_169 = arith.mulf %add3A_168, %exp3A_150 : vector<16xf32>
        %add3A_170 = arith.constant 0.999792456 : f32
        %add3A_171 = vector.broadcast %add3A_170 : f32 to vector<16xf32>
        %add3A_172 = arith.addf %mul3A_169, %add3A_171 : vector<16xf32>
        %mul3A_173 = arith.mulf %add3A_172, %exp3A_150 : vector<16xf32>
        %add3A_174 = arith.constant 3.50755204E-6 : f32
        %add3A_175 = vector.broadcast %add3A_174 : f32 to vector<16xf32>
        %add3A_176 = arith.addf %mul3A_173, %add3A_175 : vector<16xf32>
        %max3A_177 = arith.constant 0.000000e+00 : f32
        %max3A_178 = vector.broadcast %max3A_177 : f32 to vector<16xf32>
        %max3A_179 = arith.maximumf %add3A_135, %max3A_178 : vector<16xf32>
        %add3A_180 = arith.addf %max3A_179, %add3A_176 : vector<16xf32>
        %mul3A_181 = arith.mulf %div3A_145, %add3A_180 : vector<16xf32>
        %swap3A_182 = arith.index_cast %scan3A_56 : i32 to index
        %swap3A_183 = arith.constant 16 : index
        %swap3A_184 = tpu.vector_load %arg9[%swap3A_182, %swap3A_183] {strides = array<i32>} : memref<80x128xf32, #tpu.memory_space<vmem>>, vector<1x16xf32>,
        %swap3A_185 = vector.shape_cast %swap3A_184 : vector<1x16xf32> to vector<16xf32>
        %swap3A_186 = vector.shape_cast %mul3A_181 : vector<16xf32> to vector<1x16xf32>
        tpu.vector_store %arg9[%swap3A_182, %swap3A_183], %swap3A_186 {strides = array<i32>} : memref<80x128xf32, #tpu.memory_space<vmem>>, vector<1x16xf32>,
        %get3A_187 = arith.index_cast %scan3A_56 : i32 to index
        %get3A_188 = arith.constant 32 : index
        %get3A_189 = tpu.vector_load %arg7[%get3A_187, %get3A_188] {strides = array<i32>} : memref<80x128xf32, #tpu.memory_space<vmem>>, vector<1x16xf32>,
        %get3A_190 = vector.shape_cast %get3A_189 : vector<1x16xf32> to vector<16xf32>
        %get3A_191 = arith.index_cast %scan3A_56 : i32 to index
        %get3A_192 = arith.constant 32 : index
        %get3A_193 = tpu.vector_load %arg8[%get3A_191, %get3A_192] {strides = array<i32>} : memref<80x128xf32, #tpu.memory_space<vmem>>, vector<1x16xf32>,
        %get3A_194 = vector.shape_cast %get3A_193 : vector<1x16xf32> to vector<16xf32>
        %add3A_195 = arith.addf %get3A_190, %get3A_194 : vector<16xf32>
        %get3A_196 = arith.index_cast %scan3A_56 : i32 to index
        %get3A_197 = arith.constant 96 : index
        %get3A_198 = tpu.vector_load %arg7[%get3A_196, %get3A_197] {strides = array<i32>} : memref<80x128xf32, #tpu.memory_space<vmem>>, vector<1x16xf32>,
        %get3A_199 = vector.shape_cast %get3A_198 : vector<1x16xf32> to vector<16xf32>
        %get3A_200 = arith.index_cast %scan3A_56 : i32 to index
        %get3A_201 = arith.constant 96 : index
        %get3A_202 = tpu.vector_load %arg8[%get3A_200, %get3A_201] {strides = array<i32>} : memref<80x128xf32, #tpu.memory_space<vmem>>, vector<1x16xf32>,
        %get3A_203 = vector.shape_cast %get3A_202 : vector<1x16xf32> to vector<16xf32>
        %add3A_204 = arith.addf %get3A_199, %get3A_203 : vector<16xf32>
        %neg3A_205 = arith.constant 0.000000e+00 : f32
        %neg3A_206 = vector.broadcast %neg3A_205 : f32 to vector<16xf32>
        %neg3A_207 = arith.subf %neg3A_206, %add3A_195 : vector<16xf32>
        %exp3A_208 = math.exp %neg3A_207 : vector<16xf32>
        %add3A_209 = arith.constant 1.000000e+00 : f32
        %add3A_210 = vector.broadcast %add3A_209 : f32 to vector<16xf32>
        %add3A_211 = arith.addf %add3A_210, %exp3A_208 : vector<16xf32>
        %div3A_212 = arith.constant 1.000000e+00 : f32
        %div3A_213 = vector.broadcast %div3A_212 : f32 to vector<16xf32>
        %div3A_214 = arith.divf %div3A_213, %add3A_211 : vector<16xf32>
        %abs3A_215 = math.absf %add3A_204 : vector<16xf32>
        %neg3A_216 = arith.constant 0.000000e+00 : f32
        %neg3A_217 = vector.broadcast %neg3A_216 : f32 to vector<16xf32>
        %neg3A_218 = arith.subf %neg3A_217, %abs3A_215 : vector<16xf32>
        %exp3A_219 = math.exp %neg3A_218 : vector<16xf32>
        %broadcast_in_dim3A_220 = arith.constant -0.0172080602 : f32
        %broadcast_in_dim3A_221 = vector.broadcast %broadcast_in_dim3A_220 : f32 to vector<16xf32>
        %mul3A_222 = arith.mulf %broadcast_in_dim3A_221, %exp3A_219 : vector<16xf32>
        %add3A_223 = arith.constant 0.0817268118 : f32
        %add3A_224 = vector.broadcast %add3A_223 : f32 to vector<16xf32>
        %add3A_225 = arith.addf %mul3A_222, %add3A_224 : vector<16xf32>
        %mul3A_226 = arith.mulf %add3A_225, %exp3A_219 : vector<16xf32>
        %add3A_227 = arith.constant -0.188782677 : f32
        %add3A_228 = vector.broadcast %add3A_227 : f32 to vector<16xf32>
        %add3A_229 = arith.addf %mul3A_226, %add3A_228 : vector<16xf32>
        %mul3A_230 = arith.mulf %add3A_229, %exp3A_219 : vector<16xf32>
        %add3A_231 = arith.constant 0.314590544 : f32
        %add3A_232 = vector.broadcast %add3A_231 : f32 to vector<16xf32>
        %add3A_233 = arith.addf %mul3A_230, %add3A_232 : vector<16xf32>
        %mul3A_234 = arith.mulf %add3A_233, %exp3A_219 : vector<16xf32>
        %add3A_235 = arith.constant -0.496977925 : f32
        %add3A_236 = vector.broadcast %add3A_235 : f32 to vector<16xf32>
        %add3A_237 = arith.addf %mul3A_234, %add3A_236 : vector<16xf32>
        %mul3A_238 = arith.mulf %add3A_237, %exp3A_219 : vector<16xf32>
        %add3A_239 = arith.constant 0.999792456 : f32
        %add3A_240 = vector.broadcast %add3A_239 : f32 to vector<16xf32>
        %add3A_241 = arith.addf %mul3A_238, %add3A_240 : vector<16xf32>
        %mul3A_242 = arith.mulf %add3A_241, %exp3A_219 : vector<16xf32>
        %add3A_243 = arith.constant 3.50755204E-6 : f32
        %add3A_244 = vector.broadcast %add3A_243 : f32 to vector<16xf32>
        %add3A_245 = arith.addf %mul3A_242, %add3A_244 : vector<16xf32>
        %max3A_246 = arith.constant 0.000000e+00 : f32
        %max3A_247 = vector.broadcast %max3A_246 : f32 to vector<16xf32>
        %max3A_248 = arith.maximumf %add3A_204, %max3A_247 : vector<16xf32>
        %add3A_249 = arith.addf %max3A_248, %add3A_245 : vector<16xf32>
        %mul3A_250 = arith.mulf %div3A_214, %add3A_249 : vector<16xf32>
        %swap3A_251 = arith.index_cast %scan3A_56 : i32 to index
        %swap3A_252 = arith.constant 32 : index
        %swap3A_253 = tpu.vector_load %arg9[%swap3A_251, %swap3A_252] {strides = array<i32>} : memref<80x128xf32, #tpu.memory_space<vmem>>, vector<1x16xf32>,
        %swap3A_254 = vector.shape_cast %swap3A_253 : vector<1x16xf32> to vector<16xf32>
        %swap3A_255 = vector.shape_cast %mul3A_250 : vector<16xf32> to vector<1x16xf32>
        tpu.vector_store %arg9[%swap3A_251, %swap3A_252], %swap3A_255 {strides = array<i32>} : memref<80x128xf32, #tpu.memory_space<vmem>>, vector<1x16xf32>,
        %get3A_256 = arith.index_cast %scan3A_56 : i32 to index
        %get3A_257 = arith.constant 48 : index
        %get3A_258 = tpu.vector_load %arg7[%get3A_256, %get3A_257] {strides = array<i32>} : memref<80x128xf32, #tpu.memory_space<vmem>>, vector<1x16xf32>,
        %get3A_259 = vector.shape_cast %get3A_258 : vector<1x16xf32> to vector<16xf32>
        %get3A_260 = arith.index_cast %scan3A_56 : i32 to index
        %get3A_261 = arith.constant 48 : index
        %get3A_262 = tpu.vector_load %arg8[%get3A_260, %get3A_261] {strides = array<i32>} : memref<80x128xf32, #tpu.memory_space<vmem>>, vector<1x16xf32>,
        %get3A_263 = vector.shape_cast %get3A_262 : vector<1x16xf32> to vector<16xf32>
        %add3A_264 = arith.addf %get3A_259, %get3A_263 : vector<16xf32>
        %get3A_265 = arith.index_cast %scan3A_56 : i32 to index
        %get3A_266 = arith.constant 112 : index
        %get3A_267 = tpu.vector_load %arg7[%get3A_265, %get3A_266] {strides = array<i32>} : memref<80x128xf32, #tpu.memory_space<vmem>>, vector<1x16xf32>,
        %get3A_268 = vector.shape_cast %get3A_267 : vector<1x16xf32> to vector<16xf32>
        %get3A_269 = arith.index_cast %scan3A_56 : i32 to index
        %get3A_270 = arith.constant 112 : index
        %get3A_271 = tpu.vector_load %arg8[%get3A_269, %get3A_270] {strides = array<i32>} : memref<80x128xf32, #tpu.memory_space<vmem>>, vector<1x16xf32>,
        %get3A_272 = vector.shape_cast %get3A_271 : vector<1x16xf32> to vector<16xf32>
        %add3A_273 = arith.addf %get3A_268, %get3A_272 : vector<16xf32>
        %neg3A_274 = arith.constant 0.000000e+00 : f32
        %neg3A_275 = vector.broadcast %neg3A_274 : f32 to vector<16xf32>
        %neg3A_276 = arith.subf %neg3A_275, %add3A_264 : vector<16xf32>
        %exp3A_277 = math.exp %neg3A_276 : vector<16xf32>
        %add3A_278 = arith.constant 1.000000e+00 : f32
        %add3A_279 = vector.broadcast %add3A_278 : f32 to vector<16xf32>
        %add3A_280 = arith.addf %add3A_279, %exp3A_277 : vector<16xf32>
        %div3A_281 = arith.constant 1.000000e+00 : f32
        %div3A_282 = vector.broadcast %div3A_281 : f32 to vector<16xf32>
        %div3A_283 = arith.divf %div3A_282, %add3A_280 : vector<16xf32>
        %abs3A_284 = math.absf %add3A_273 : vector<16xf32>
        %neg3A_285 = arith.constant 0.000000e+00 : f32
        %neg3A_286 = vector.broadcast %neg3A_285 : f32 to vector<16xf32>
        %neg3A_287 = arith.subf %neg3A_286, %abs3A_284 : vector<16xf32>
        %exp3A_288 = math.exp %neg3A_287 : vector<16xf32>
        %broadcast_in_dim3A_289 = arith.constant -0.0172080602 : f32
        %broadcast_in_dim3A_290 = vector.broadcast %broadcast_in_dim3A_289 : f32 to vector<16xf32>
        %mul3A_291 = arith.mulf %broadcast_in_dim3A_290, %exp3A_288 : vector<16xf32>
        %add3A_292 = arith.constant 0.0817268118 : f32
        %add3A_293 = vector.broadcast %add3A_292 : f32 to vector<16xf32>
        %add3A_294 = arith.addf %mul3A_291, %add3A_293 : vector<16xf32>
        %mul3A_295 = arith.mulf %add3A_294, %exp3A_288 : vector<16xf32>
        %add3A_296 = arith.constant -0.188782677 : f32
        %add3A_297 = vector.broadcast %add3A_296 : f32 to vector<16xf32>
        %add3A_298 = arith.addf %mul3A_295, %add3A_297 : vector<16xf32>
        %mul3A_299 = arith.mulf %add3A_298, %exp3A_288 : vector<16xf32>
        %add3A_300 = arith.constant 0.314590544 : f32
        %add3A_301 = vector.broadcast %add3A_300 : f32 to vector<16xf32>
        %add3A_302 = arith.addf %mul3A_299, %add3A_301 : vector<16xf32>
        %mul3A_303 = arith.mulf %add3A_302, %exp3A_288 : vector<16xf32>
        %add3A_304 = arith.constant -0.496977925 : f32
        %add3A_305 = vector.broadcast %add3A_304 : f32 to vector<16xf32>
        %add3A_306 = arith.addf %mul3A_303, %add3A_305 : vector<16xf32>
        %mul3A_307 = arith.mulf %add3A_306, %exp3A_288 : vector<16xf32>
        %add3A_308 = arith.constant 0.999792456 : f32
        %add3A_309 = vector.broadcast %add3A_308 : f32 to vector<16xf32>
        %add3A_310 = arith.addf %mul3A_307, %add3A_309 : vector<16xf32>
        %mul3A_311 = arith.mulf %add3A_310, %exp3A_288 : vector<16xf32>
        %add3A_312 = arith.constant 3.50755204E-6 : f32
        %add3A_313 = vector.broadcast %add3A_312 : f32 to vector<16xf32>
        %add3A_314 = arith.addf %mul3A_311, %add3A_313 : vector<16xf32>
        %max3A_315 = arith.constant 0.000000e+00 : f32
        %max3A_316 = vector.broadcast %max3A_315 : f32 to vector<16xf32>
        %max3A_317 = arith.maximumf %add3A_273, %max3A_316 : vector<16xf32>
        %add3A_318 = arith.addf %max3A_317, %add3A_314 : vector<16xf32>
        %mul3A_319 = arith.mulf %div3A_283, %add3A_318 : vector<16xf32>
        %swap3A_320 = arith.index_cast %scan3A_56 : i32 to index
        %swap3A_321 = arith.constant 48 : index
        %swap3A_322 = tpu.vector_load %arg9[%swap3A_320, %swap3A_321] {strides = array<i32>} : memref<80x128xf32, #tpu.memory_space<vmem>>, vector<1x16xf32>,
        %swap3A_323 = vector.shape_cast %swap3A_322 : vector<1x16xf32> to vector<16xf32>
        %swap3A_324 = vector.shape_cast %mul3A_319 : vector<16xf32> to vector<1x16xf32>
        tpu.vector_store %arg9[%swap3A_320, %swap3A_321], %swap3A_324 {strides = array<i32>} : memref<80x128xf32, #tpu.memory_space<vmem>>, vector<1x16xf32>,
      }
      %scan3A_55 = arith.constant 80 : i32
      "tpu.region"() ({
        %run_scoped3A = tpu.sem_alloc : memref<!tpu.dma_semaphore, #tpu.memory_space<semaphore_mem>>
        %dma_start3A = arith.constant 0 : i32
        %dma_start3A_56 = arith.constant 0 : i32
        %dma_start3A_57 = tpu.memref_slice %arg11[%dma_start3A, %dma_start3A_56] : memref<10240x128xf32, #tpu.memory_space<vmem_shared>> -> memref<10240x128xf32, #tpu.memory_space<vmem_shared>>
        tpu.enqueue_indirect_dma source(%arg9 : memref<80x128xf32, #tpu.memory_space<vmem>>) target(%dma_start3A_57 : memref<10240x128xf32, #tpu.memory_space<vmem_shared>>) offsets(%arg6 : memref<80xi32, #tpu.memory_space<vmem>>) semaphore(%run_scoped3A : memref<!tpu.dma_semaphore, #tpu.memory_space<semaphore_mem>>) {add = true}
        %dma_wait3A = arith.constant 0 : i32
        %dma_wait3A_58 = arith.constant 0 : i32
        %dma_wait3A_59 = tpu.memref_slice %arg11[%dma_wait3A, %dma_wait3A_58] : memref<10240x128xf32, #tpu.memory_space<vmem_shared>> -> memref<10240x128xf32, #tpu.memory_space<vmem_shared>>
        tpu.wait_indirect_dma semaphore(%run_scoped3A : memref<!tpu.dma_semaphore, #tpu.memory_space<semaphore_mem>>) src(%arg9 : memref<80x128xf32, #tpu.memory_space<vmem>>) dst(%dma_wait3A_59 : memref<10240x128xf32, #tpu.memory_space<vmem_shared>>)
        tpu.yield
      }) : () -> ()
    }
    %scan3A_36 = arith.constant 250 : i32
    %barrier3A_37 = arith.constant 0 : index
    tpu.barrier barrier_id(%barrier3A_37)
    %mul3A_38 = arith.constant 640 : i32
    %mul3A_39 = arith.muli %arg1, %mul3A_38 : i32
    %mul3A_40 = arith.constant 640 : i32
    %mul3A_41 = arith.muli %arg1, %mul3A_40 : i32
    "tpu.region"() ({
      %run_scoped3A = tpu.sem_alloc : memref<!tpu.dma_semaphore, #tpu.memory_space<semaphore_mem>>
      %dma_start3A = arith.constant 0 : i32
      %dma_start3A_42 = tpu.memref_slice %arg5[%arg0, %mul3A_41, %dma_start3A] : memref<2x10240x128xf32, #tpu.memory_space<hbm>> -> memref<1x640x128xf32, #tpu.memory_space<hbm>>
      %dma_start3A_43 = tpu.memref_squeeze %dma_start3A_42 : memref<1x640x128xf32, #tpu.memory_space<hbm>> -> memref<640x128xf32, #tpu.memory_space<hbm>>
      %dma_start3A_44 = arith.constant 0 : i32
      %dma_start3A_45 = tpu.memref_slice %arg11[%mul3A_39, %dma_start3A_44] : memref<10240x128xf32, #tpu.memory_space<vmem_shared>> -> memref<640x128xf32, #tpu.memory_space<vmem_shared>>
      tpu.enqueue_dma source(%dma_start3A_45 : memref<640x128xf32, #tpu.memory_space<vmem_shared>>) target(%dma_start3A_43 : memref<640x128xf32, #tpu.memory_space<hbm>>) target_semaphore(%run_scoped3A : memref<!tpu.dma_semaphore, #tpu.memory_space<semaphore_mem>>)
      %dma_wait3A = arith.constant 0 : i32
      %dma_wait3A_46 = tpu.memref_slice %arg5[%arg0, %mul3A_41, %dma_wait3A] : memref<2x10240x128xf32, #tpu.memory_space<hbm>> -> memref<1x640x128xf32, #tpu.memory_space<hbm>>
      %dma_wait3A_47 = tpu.memref_squeeze %dma_wait3A_46 : memref<1x640x128xf32, #tpu.memory_space<hbm>> -> memref<640x128xf32, #tpu.memory_space<hbm>>
      %dma_wait3A_48 = arith.constant 0 : i32
      %dma_wait3A_49 = tpu.memref_slice %arg11[%mul3A_39, %dma_wait3A_48] : memref<10240x128xf32, #tpu.memory_space<vmem_shared>> -> memref<640x128xf32, #tpu.memory_space<vmem_shared>>
      tpu.wait_dma2 semaphore(%run_scoped3A : memref<!tpu.dma_semaphore, #tpu.memory_space<semaphore_mem>>) src(%dma_wait3A_49 : memref<640x128xf32, #tpu.memory_space<vmem_shared>>) dst(%dma_wait3A_47 : memref<640x128xf32, #tpu.memory_space<hbm>>)
      tpu.yield
    }) : () -> ()
    return
  }
}

#map = affine_map<(d0, d1) -> (0, 0)>
#map1 = affine_map<(d0, d1) -> (0)>
#map2 = affine_map<(d0, d1) -> (0, 0, 0)>
module attributes {stable_mosaic.version = 14 : i64} {
  func.func @sc_layer(%arg0: i32, %arg1: i32, %arg2: memref<320000x512xf32, #tpu.memory_space<hbm>>, %arg3: memref<320000x512xf32, #tpu.memory_space<hbm>>, %arg4: memref<320000xi32, #tpu.memory_space<hbm>>, %arg5: memref<2x10240x128xf32, #tpu.memory_space<hbm>>, %arg6: memref<80xi32, #tpu.memory_space<vmem>>, %arg7: memref<80x128xf32, #tpu.memory_space<vmem>>, %arg8: memref<80x128xf32, #tpu.memory_space<vmem>>, %arg9: memref<80x128xf32, #tpu.memory_space<vmem>>, %arg10: memref<128x128xf32, #tpu.memory_space<vmem>>, %arg11: memref<10240x128xf32, #tpu.memory_space<vmem_shared>>) attributes {dimension_semantics = [#tpu.dimension_semantics<core_parallel>, #tpu.dimension_semantics<subcore_parallel>], iteration_bounds = array<i64: 2, 16>, scalar_prefetch = 0 : i64, scratch_operands = 6 : i64, tpu.core_type = #tpu.core_type<sc_vector_subcore>, window_params = [{transform_indices = #map}, {transform_indices = #map}, {transform_indices = #map1}, {transform_indices = #map2}]} {
    %scan3A = arith.constant 0 : i32
    %scan3A_0 = arith.constant 0 : i32
    %scan3A_1 = arith.constant 128 : i32
    %scan3A_2 = arith.addi %scan3A_0, %scan3A_1 : i32
    %scan3A_3 = arith.constant 1 : i32
    scf.for %scan3A_42 = %scan3A_0 to %scan3A_2 step %scan3A_3  : i32 {
      %broadcast_in_dim3A = arith.constant 0.000000e+00 : f32
      %broadcast_in_dim3A_43 = vector.broadcast %broadcast_in_dim3A : f32 to vector<16xf32>
      %swap3A = arith.index_cast %scan3A_42 : i32 to index
      %swap3A_44 = arith.constant 0 : index
      %swap3A_45 = tpu.vector_load %arg10[%swap3A, %swap3A_44] {strides = array<i32>} : memref<128x128xf32, #tpu.memory_space<vmem>>, vector<1x16xf32>,
      %swap3A_46 = vector.shape_cast %swap3A_45 : vector<1x16xf32> to vector<16xf32>
      %swap3A_47 = vector.shape_cast %broadcast_in_dim3A_43 : vector<16xf32> to vector<1x16xf32>
      tpu.vector_store %arg10[%swap3A, %swap3A_44], %swap3A_47 {strides = array<i32>} : memref<128x128xf32, #tpu.memory_space<vmem>>, vector<1x16xf32>,
      %broadcast_in_dim3A_48 = arith.constant 0.000000e+00 : f32
      %broadcast_in_dim3A_49 = vector.broadcast %broadcast_in_dim3A_48 : f32 to vector<16xf32>
      %swap3A_50 = arith.index_cast %scan3A_42 : i32 to index
      %swap3A_51 = arith.constant 16 : index
      %swap3A_52 = tpu.vector_load %arg10[%swap3A_50, %swap3A_51] {strides = array<i32>} : memref<128x128xf32, #tpu.memory_space<vmem>>, vector<1x16xf32>,
      %swap3A_53 = vector.shape_cast %swap3A_52 : vector<1x16xf32> to vector<16xf32>
      %swap3A_54 = vector.shape_cast %broadcast_in_dim3A_49 : vector<16xf32> to vector<1x16xf32>
      tpu.vector_store %arg10[%swap3A_50, %swap3A_51], %swap3A_54 {strides = array<i32>} : memref<128x128xf32, #tpu.memory_space<vmem>>, vector<1x16xf32>,
      %broadcast_in_dim3A_55 = arith.constant 0.000000e+00 : f32
      %broadcast_in_dim3A_56 = vector.broadcast %broadcast_in_dim3A_55 : f32 to vector<16xf32>
      %swap3A_57 = arith.index_cast %scan3A_42 : i32 to index
      %swap3A_58 = arith.constant 32 : index
      %swap3A_59 = tpu.vector_load %arg10[%swap3A_57, %swap3A_58] {strides = array<i32>} : memref<128x128xf32, #tpu.memory_space<vmem>>, vector<1x16xf32>,
      %swap3A_60 = vector.shape_cast %swap3A_59 : vector<1x16xf32> to vector<16xf32>
      %swap3A_61 = vector.shape_cast %broadcast_in_dim3A_56 : vector<16xf32> to vector<1x16xf32>
      tpu.vector_store %arg10[%swap3A_57, %swap3A_58], %swap3A_61 {strides = array<i32>} : memref<128x128xf32, #tpu.memory_space<vmem>>, vector<1x16xf32>,
      %broadcast_in_dim3A_62 = arith.constant 0.000000e+00 : f32
      %broadcast_in_dim3A_63 = vector.broadcast %broadcast_in_dim3A_62 : f32 to vector<16xf32>
      %swap3A_64 = arith.index_cast %scan3A_42 : i32 to index
      %swap3A_65 = arith.constant 48 : index
      %swap3A_66 = tpu.vector_load %arg10[%swap3A_64, %swap3A_65] {strides = array<i32>} : memref<128x128xf32, #tpu.memory_space<vmem>>, vector<1x16xf32>,
      %swap3A_67 = vector.shape_cast %swap3A_66 : vector<1x16xf32> to vector<16xf32>
      %swap3A_68 = vector.shape_cast %broadcast_in_dim3A_63 : vector<16xf32> to vector<1x16xf32>
      tpu.vector_store %arg10[%swap3A_64, %swap3A_65], %swap3A_68 {strides = array<i32>} : memref<128x128xf32, #tpu.memory_space<vmem>>, vector<1x16xf32>,
      %broadcast_in_dim3A_69 = arith.constant 0.000000e+00 : f32
      %broadcast_in_dim3A_70 = vector.broadcast %broadcast_in_dim3A_69 : f32 to vector<16xf32>
      %swap3A_71 = arith.index_cast %scan3A_42 : i32 to index
      %swap3A_72 = arith.constant 64 : index
      %swap3A_73 = tpu.vector_load %arg10[%swap3A_71, %swap3A_72] {strides = array<i32>} : memref<128x128xf32, #tpu.memory_space<vmem>>, vector<1x16xf32>,
      %swap3A_74 = vector.shape_cast %swap3A_73 : vector<1x16xf32> to vector<16xf32>
      %swap3A_75 = vector.shape_cast %broadcast_in_dim3A_70 : vector<16xf32> to vector<1x16xf32>
      tpu.vector_store %arg10[%swap3A_71, %swap3A_72], %swap3A_75 {strides = array<i32>} : memref<128x128xf32, #tpu.memory_space<vmem>>, vector<1x16xf32>,
      %broadcast_in_dim3A_76 = arith.constant 0.000000e+00 : f32
      %broadcast_in_dim3A_77 = vector.broadcast %broadcast_in_dim3A_76 : f32 to vector<16xf32>
      %swap3A_78 = arith.index_cast %scan3A_42 : i32 to index
      %swap3A_79 = arith.constant 80 : index
      %swap3A_80 = tpu.vector_load %arg10[%swap3A_78, %swap3A_79] {strides = array<i32>} : memref<128x128xf32, #tpu.memory_space<vmem>>, vector<1x16xf32>,
      %swap3A_81 = vector.shape_cast %swap3A_80 : vector<1x16xf32> to vector<16xf32>
      %swap3A_82 = vector.shape_cast %broadcast_in_dim3A_77 : vector<16xf32> to vector<1x16xf32>
      tpu.vector_store %arg10[%swap3A_78, %swap3A_79], %swap3A_82 {strides = array<i32>} : memref<128x128xf32, #tpu.memory_space<vmem>>, vector<1x16xf32>,
      %broadcast_in_dim3A_83 = arith.constant 0.000000e+00 : f32
      %broadcast_in_dim3A_84 = vector.broadcast %broadcast_in_dim3A_83 : f32 to vector<16xf32>
      %swap3A_85 = arith.index_cast %scan3A_42 : i32 to index
      %swap3A_86 = arith.constant 96 : index
      %swap3A_87 = tpu.vector_load %arg10[%swap3A_85, %swap3A_86] {strides = array<i32>} : memref<128x128xf32, #tpu.memory_space<vmem>>, vector<1x16xf32>,
      %swap3A_88 = vector.shape_cast %swap3A_87 : vector<1x16xf32> to vector<16xf32>
      %swap3A_89 = vector.shape_cast %broadcast_in_dim3A_84 : vector<16xf32> to vector<1x16xf32>
      tpu.vector_store %arg10[%swap3A_85, %swap3A_86], %swap3A_89 {strides = array<i32>} : memref<128x128xf32, #tpu.memory_space<vmem>>, vector<1x16xf32>,
      %broadcast_in_dim3A_90 = arith.constant 0.000000e+00 : f32
      %broadcast_in_dim3A_91 = vector.broadcast %broadcast_in_dim3A_90 : f32 to vector<16xf32>
      %swap3A_92 = arith.index_cast %scan3A_42 : i32 to index
      %swap3A_93 = arith.constant 112 : index
      %swap3A_94 = tpu.vector_load %arg10[%swap3A_92, %swap3A_93] {strides = array<i32>} : memref<128x128xf32, #tpu.memory_space<vmem>>, vector<1x16xf32>,
      %swap3A_95 = vector.shape_cast %swap3A_94 : vector<1x16xf32> to vector<16xf32>
      %swap3A_96 = vector.shape_cast %broadcast_in_dim3A_91 : vector<16xf32> to vector<1x16xf32>
      tpu.vector_store %arg10[%swap3A_92, %swap3A_93], %swap3A_96 {strides = array<i32>} : memref<128x128xf32, #tpu.memory_space<vmem>>, vector<1x16xf32>,
    }
    %scan3A_4 = arith.constant 128 : i32
    %scan3A_5 = arith.constant 0 : i32
    %scan3A_6 = arith.constant 0 : i32
    %scan3A_7 = arith.constant 80 : i32
    %scan3A_8 = arith.addi %scan3A_6, %scan3A_7 : i32
    %scan3A_9 = arith.constant 1 : i32
    scf.for %scan3A_42 = %scan3A_6 to %scan3A_8 step %scan3A_9  : i32 {
      %broadcast_in_dim3A = arith.constant 0.000000e+00 : f32
      %broadcast_in_dim3A_43 = vector.broadcast %broadcast_in_dim3A : f32 to vector<16xf32>
      %swap3A = arith.index_cast %scan3A_42 : i32 to index
      %swap3A_44 = arith.constant 64 : index
      %swap3A_45 = tpu.vector_load %arg9[%swap3A, %swap3A_44] {strides = array<i32>} : memref<80x128xf32, #tpu.memory_space<vmem>>, vector<1x16xf32>,
      %swap3A_46 = vector.shape_cast %swap3A_45 : vector<1x16xf32> to vector<16xf32>
      %swap3A_47 = vector.shape_cast %broadcast_in_dim3A_43 : vector<16xf32> to vector<1x16xf32>
      tpu.vector_store %arg9[%swap3A, %swap3A_44], %swap3A_47 {strides = array<i32>} : memref<80x128xf32, #tpu.memory_space<vmem>>, vector<1x16xf32>,
      %broadcast_in_dim3A_48 = arith.constant 0.000000e+00 : f32
      %broadcast_in_dim3A_49 = vector.broadcast %broadcast_in_dim3A_48 : f32 to vector<16xf32>
      %swap3A_50 = arith.index_cast %scan3A_42 : i32 to index
      %swap3A_51 = arith.constant 80 : index
      %swap3A_52 = tpu.vector_load %arg9[%swap3A_50, %swap3A_51] {strides = array<i32>} : memref<80x128xf32, #tpu.memory_space<vmem>>, vector<1x16xf32>,
      %swap3A_53 = vector.shape_cast %swap3A_52 : vector<1x16xf32> to vector<16xf32>
      %swap3A_54 = vector.shape_cast %broadcast_in_dim3A_49 : vector<16xf32> to vector<1x16xf32>
      tpu.vector_store %arg9[%swap3A_50, %swap3A_51], %swap3A_54 {strides = array<i32>} : memref<80x128xf32, #tpu.memory_space<vmem>>, vector<1x16xf32>,
      %broadcast_in_dim3A_55 = arith.constant 0.000000e+00 : f32
      %broadcast_in_dim3A_56 = vector.broadcast %broadcast_in_dim3A_55 : f32 to vector<16xf32>
      %swap3A_57 = arith.index_cast %scan3A_42 : i32 to index
      %swap3A_58 = arith.constant 96 : index
      %swap3A_59 = tpu.vector_load %arg9[%swap3A_57, %swap3A_58] {strides = array<i32>} : memref<80x128xf32, #tpu.memory_space<vmem>>, vector<1x16xf32>,
      %swap3A_60 = vector.shape_cast %swap3A_59 : vector<1x16xf32> to vector<16xf32>
      %swap3A_61 = vector.shape_cast %broadcast_in_dim3A_56 : vector<16xf32> to vector<1x16xf32>
      tpu.vector_store %arg9[%swap3A_57, %swap3A_58], %swap3A_61 {strides = array<i32>} : memref<80x128xf32, #tpu.memory_space<vmem>>, vector<1x16xf32>,
      %broadcast_in_dim3A_62 = arith.constant 0.000000e+00 : f32
      %broadcast_in_dim3A_63 = vector.broadcast %broadcast_in_dim3A_62 : f32 to vector<16xf32>
      %swap3A_64 = arith.index_cast %scan3A_42 : i32 to index
      %swap3A_65 = arith.constant 112 : index
      %swap3A_66 = tpu.vector_load %arg9[%swap3A_64, %swap3A_65] {strides = array<i32>} : memref<80x128xf32, #tpu.memory_space<vmem>>, vector<1x16xf32>,
      %swap3A_67 = vector.shape_cast %swap3A_66 : vector<1x16xf32> to vector<16xf32>
      %swap3A_68 = vector.shape_cast %broadcast_in_dim3A_63 : vector<16xf32> to vector<1x16xf32>
      tpu.vector_store %arg9[%swap3A_64, %swap3A_65], %swap3A_68 {strides = array<i32>} : memref<80x128xf32, #tpu.memory_space<vmem>>, vector<1x16xf32>,
    }
    %scan3A_10 = arith.constant 80 : i32
    %mul3A = arith.constant 640 : i32
    %mul3A_11 = arith.muli %arg1, %mul3A : i32
    %add3A = arith.constant 0 : i32
    %add3A_12 = arith.addi %mul3A_11, %add3A : i32
    "tpu.region"() ({
      %run_scoped3A = tpu.sem_alloc : memref<!tpu.dma_semaphore, #tpu.memory_space<semaphore_mem>>
      %dma_start3A = arith.constant 0 : i32
      %dma_start3A_42 = tpu.memref_slice %arg11[%add3A_12, %dma_start3A] : memref<10240x128xf32, #tpu.memory_space<vmem_shared>> -> memref<128x128xf32, #tpu.memory_space<vmem_shared>>
      %dma_start3A_43 = arith.constant 0 : i32
      %dma_start3A_44 = tpu.memref_slice %arg11[%add3A_12, %dma_start3A_43] : memref<10240x128xf32, #tpu.memory_space<vmem_shared>> -> memref<128x128xf32, #tpu.memory_space<vmem_shared>>
      tpu.enqueue_dma source(%arg10 : memref<128x128xf32, #tpu.memory_space<vmem>>) target(%dma_start3A_44 : memref<128x128xf32, #tpu.memory_space<vmem_shared>>) target_semaphore(%run_scoped3A : memref<!tpu.dma_semaphore, #tpu.memory_space<semaphore_mem>>)
      %dma_wait3A = arith.constant 0 : i32
      %dma_wait3A_45 = tpu.memref_slice %arg11[%add3A_12, %dma_wait3A] : memref<10240x128xf32, #tpu.memory_space<vmem_shared>> -> memref<128x128xf32, #tpu.memory_space<vmem_shared>>
      %dma_wait3A_46 = arith.constant 0 : i32
      %dma_wait3A_47 = tpu.memref_slice %arg11[%add3A_12, %dma_wait3A_46] : memref<10240x128xf32, #tpu.memory_space<vmem_shared>> -> memref<128x128xf32, #tpu.memory_space<vmem_shared>>
      tpu.wait_dma2 semaphore(%run_scoped3A : memref<!tpu.dma_semaphore, #tpu.memory_space<semaphore_mem>>) src(%arg10 : memref<128x128xf32, #tpu.memory_space<vmem>>) dst(%dma_wait3A_47 : memref<128x128xf32, #tpu.memory_space<vmem_shared>>)
      tpu.yield
    }) : () -> ()
    %mul3A_13 = arith.constant 640 : i32
    %mul3A_14 = arith.muli %arg1, %mul3A_13 : i32
    %add3A_15 = arith.constant 128 : i32
    %add3A_16 = arith.addi %mul3A_14, %add3A_15 : i32
    "tpu.region"() ({
      %run_scoped3A = tpu.sem_alloc : memref<!tpu.dma_semaphore, #tpu.memory_space<semaphore_mem>>
      %dma_start3A = arith.constant 0 : i32
      %dma_start3A_42 = tpu.memref_slice %arg11[%add3A_16, %dma_start3A] : memref<10240x128xf32, #tpu.memory_space<vmem_shared>> -> memref<128x128xf32, #tpu.memory_space<vmem_shared>>
      %dma_start3A_43 = arith.constant 0 : i32
      %dma_start3A_44 = tpu.memref_slice %arg11[%add3A_16, %dma_start3A_43] : memref<10240x128xf32, #tpu.memory_space<vmem_shared>> -> memref<128x128xf32, #tpu.memory_space<vmem_shared>>
      tpu.enqueue_dma source(%arg10 : memref<128x128xf32, #tpu.memory_space<vmem>>) target(%dma_start3A_44 : memref<128x128xf32, #tpu.memory_space<vmem_shared>>) target_semaphore(%run_scoped3A : memref<!tpu.dma_semaphore, #tpu.memory_space<semaphore_mem>>)
      %dma_wait3A = arith.constant 0 : i32
      %dma_wait3A_45 = tpu.memref_slice %arg11[%add3A_16, %dma_wait3A] : memref<10240x128xf32, #tpu.memory_space<vmem_shared>> -> memref<128x128xf32, #tpu.memory_space<vmem_shared>>
      %dma_wait3A_46 = arith.constant 0 : i32
      %dma_wait3A_47 = tpu.memref_slice %arg11[%add3A_16, %dma_wait3A_46] : memref<10240x128xf32, #tpu.memory_space<vmem_shared>> -> memref<128x128xf32, #tpu.memory_space<vmem_shared>>
      tpu.wait_dma2 semaphore(%run_scoped3A : memref<!tpu.dma_semaphore, #tpu.memory_space<semaphore_mem>>) src(%arg10 : memref<128x128xf32, #tpu.memory_space<vmem>>) dst(%dma_wait3A_47 : memref<128x128xf32, #tpu.memory_space<vmem_shared>>)
      tpu.yield
    }) : () -> ()
    %mul3A_17 = arith.constant 640 : i32
    %mul3A_18 = arith.muli %arg1, %mul3A_17 : i32
    %add3A_19 = arith.constant 256 : i32
    %add3A_20 = arith.addi %mul3A_18, %add3A_19 : i32
    "tpu.region"() ({
      %run_scoped3A = tpu.sem_alloc : memref<!tpu.dma_semaphore, #tpu.memory_space<semaphore_mem>>
      %dma_start3A = arith.constant 0 : i32
      %dma_start3A_42 = tpu.memref_slice %arg11[%add3A_20, %dma_start3A] : memref<10240x128xf32, #tpu.memory_space<vmem_shared>> -> memref<128x128xf32, #tpu.memory_space<vmem_shared>>
      %dma_start3A_43 = arith.constant 0 : i32
      %dma_start3A_44 = tpu.memref_slice %arg11[%add3A_20, %dma_start3A_43] : memref<10240x128xf32, #tpu.memory_space<vmem_shared>> -> memref<128x128xf32, #tpu.memory_space<vmem_shared>>
      tpu.enqueue_dma source(%arg10 : memref<128x128xf32, #tpu.memory_space<vmem>>) target(%dma_start3A_44 : memref<128x128xf32, #tpu.memory_space<vmem_shared>>) target_semaphore(%run_scoped3A : memref<!tpu.dma_semaphore, #tpu.memory_space<semaphore_mem>>)
      %dma_wait3A = arith.constant 0 : i32
      %dma_wait3A_45 = tpu.memref_slice %arg11[%add3A_20, %dma_wait3A] : memref<10240x128xf32, #tpu.memory_space<vmem_shared>> -> memref<128x128xf32, #tpu.memory_space<vmem_shared>>
      %dma_wait3A_46 = arith.constant 0 : i32
      %dma_wait3A_47 = tpu.memref_slice %arg11[%add3A_20, %dma_wait3A_46] : memref<10240x128xf32, #tpu.memory_space<vmem_shared>> -> memref<128x128xf32, #tpu.memory_space<vmem_shared>>
      tpu.wait_dma2 semaphore(%run_scoped3A : memref<!tpu.dma_semaphore, #tpu.memory_space<semaphore_mem>>) src(%arg10 : memref<128x128xf32, #tpu.memory_space<vmem>>) dst(%dma_wait3A_47 : memref<128x128xf32, #tpu.memory_space<vmem_shared>>)
      tpu.yield
    }) : () -> ()
    %mul3A_21 = arith.constant 640 : i32
    %mul3A_22 = arith.muli %arg1, %mul3A_21 : i32
    %add3A_23 = arith.constant 384 : i32
    %add3A_24 = arith.addi %mul3A_22, %add3A_23 : i32
    "tpu.region"() ({
      %run_scoped3A = tpu.sem_alloc : memref<!tpu.dma_semaphore, #tpu.memory_space<semaphore_mem>>
      %dma_start3A = arith.constant 0 : i32
      %dma_start3A_42 = tpu.memref_slice %arg11[%add3A_24, %dma_start3A] : memref<10240x128xf32, #tpu.memory_space<vmem_shared>> -> memref<128x128xf32, #tpu.memory_space<vmem_shared>>
      %dma_start3A_43 = arith.constant 0 : i32
      %dma_start3A_44 = tpu.memref_slice %arg11[%add3A_24, %dma_start3A_43] : memref<10240x128xf32, #tpu.memory_space<vmem_shared>> -> memref<128x128xf32, #tpu.memory_space<vmem_shared>>
      tpu.enqueue_dma source(%arg10 : memref<128x128xf32, #tpu.memory_space<vmem>>) target(%dma_start3A_44 : memref<128x128xf32, #tpu.memory_space<vmem_shared>>) target_semaphore(%run_scoped3A : memref<!tpu.dma_semaphore, #tpu.memory_space<semaphore_mem>>)
      %dma_wait3A = arith.constant 0 : i32
      %dma_wait3A_45 = tpu.memref_slice %arg11[%add3A_24, %dma_wait3A] : memref<10240x128xf32, #tpu.memory_space<vmem_shared>> -> memref<128x128xf32, #tpu.memory_space<vmem_shared>>
      %dma_wait3A_46 = arith.constant 0 : i32
      %dma_wait3A_47 = tpu.memref_slice %arg11[%add3A_24, %dma_wait3A_46] : memref<10240x128xf32, #tpu.memory_space<vmem_shared>> -> memref<128x128xf32, #tpu.memory_space<vmem_shared>>
      tpu.wait_dma2 semaphore(%run_scoped3A : memref<!tpu.dma_semaphore, #tpu.memory_space<semaphore_mem>>) src(%arg10 : memref<128x128xf32, #tpu.memory_space<vmem>>) dst(%dma_wait3A_47 : memref<128x128xf32, #tpu.memory_space<vmem_shared>>)
      tpu.yield
    }) : () -> ()
    %mul3A_25 = arith.constant 640 : i32
    %mul3A_26 = arith.muli %arg1, %mul3A_25 : i32
    %add3A_27 = arith.constant 512 : i32
    %add3A_28 = arith.addi %mul3A_26, %add3A_27 : i32
    "tpu.region"() ({
      %run_scoped3A = tpu.sem_alloc : memref<!tpu.dma_semaphore, #tpu.memory_space<semaphore_mem>>
      %dma_start3A = arith.constant 0 : i32
      %dma_start3A_42 = tpu.memref_slice %arg11[%add3A_28, %dma_start3A] : memref<10240x128xf32, #tpu.memory_space<vmem_shared>> -> memref<128x128xf32, #tpu.memory_space<vmem_shared>>
      %dma_start3A_43 = arith.constant 0 : i32
      %dma_start3A_44 = tpu.memref_slice %arg11[%add3A_28, %dma_start3A_43] : memref<10240x128xf32, #tpu.memory_space<vmem_shared>> -> memref<128x128xf32, #tpu.memory_space<vmem_shared>>
      tpu.enqueue_dma source(%arg10 : memref<128x128xf32, #tpu.memory_space<vmem>>) target(%dma_start3A_44 : memref<128x128xf32, #tpu.memory_space<vmem_shared>>) target_semaphore(%run_scoped3A : memref<!tpu.dma_semaphore, #tpu.memory_space<semaphore_mem>>)
      %dma_wait3A = arith.constant 0 : i32
      %dma_wait3A_45 = tpu.memref_slice %arg11[%add3A_28, %dma_wait3A] : memref<10240x128xf32, #tpu.memory_space<vmem_shared>> -> memref<128x128xf32, #tpu.memory_space<vmem_shared>>
      %dma_wait3A_46 = arith.constant 0 : i32
      %dma_wait3A_47 = tpu.memref_slice %arg11[%add3A_28, %dma_wait3A_46] : memref<10240x128xf32, #tpu.memory_space<vmem_shared>> -> memref<128x128xf32, #tpu.memory_space<vmem_shared>>
      tpu.wait_dma2 semaphore(%run_scoped3A : memref<!tpu.dma_semaphore, #tpu.memory_space<semaphore_mem>>) src(%arg10 : memref<128x128xf32, #tpu.memory_space<vmem>>) dst(%dma_wait3A_47 : memref<128x128xf32, #tpu.memory_space<vmem_shared>>)
      tpu.yield
    }) : () -> ()
    %barrier3A = arith.constant 0 : index
    tpu.barrier barrier_id(%barrier3A)
    %mul3A_29 = arith.constant 20000 : i32
    %mul3A_30 = arith.muli %arg1, %mul3A_29 : i32
    %scan3A_31 = arith.constant 0 : i32
    %scan3A_32 = arith.constant 0 : i32
    %scan3A_33 = arith.constant 250 : i32
    %scan3A_34 = arith.addi %scan3A_32, %scan3A_33 : i32
    %scan3A_35 = arith.constant 1 : i32
    scf.for %scan3A_42 = %scan3A_32 to %scan3A_34 step %scan3A_35  : i32 {
      %mul3A_43 = arith.constant 80 : i32
      %mul3A_44 = arith.muli %scan3A_42, %mul3A_43 : i32
      %add3A_45 = arith.addi %mul3A_30, %mul3A_44 : i32
      %add3A_46 = arith.constant 0 : i32
      %add3A_47 = arith.addi %add3A_46, %arg0 : i32
      %mul3A_48 = arith.constant 128 : i32
      %mul3A_49 = arith.muli %add3A_47, %mul3A_48 : i32
      "tpu.region"() ({
        %run_scoped3A = tpu.sem_alloc : memref<!tpu.dma_semaphore, #tpu.memory_space<semaphore_mem>>
        %dma_start3A = tpu.memref_slice %arg4[%add3A_45] : memref<320000xi32, #tpu.memory_space<hbm>> -> memref<80xi32, #tpu.memory_space<hbm>>
        %dma_start3A_56 = tpu.memref_slice %arg4[%add3A_45] : memref<320000xi32, #tpu.memory_space<hbm>> -> memref<80xi32, #tpu.memory_space<hbm>>
        tpu.enqueue_dma source(%dma_start3A_56 : memref<80xi32, #tpu.memory_space<hbm>>) target(%arg6 : memref<80xi32, #tpu.memory_space<vmem>>) target_semaphore(%run_scoped3A : memref<!tpu.dma_semaphore, #tpu.memory_space<semaphore_mem>>)
        %dma_wait3A = tpu.memref_slice %arg4[%add3A_45] : memref<320000xi32, #tpu.memory_space<hbm>> -> memref<80xi32, #tpu.memory_space<hbm>>
        %dma_wait3A_57 = tpu.memref_slice %arg4[%add3A_45] : memref<320000xi32, #tpu.memory_space<hbm>> -> memref<80xi32, #tpu.memory_space<hbm>>
        tpu.wait_dma2 semaphore(%run_scoped3A : memref<!tpu.dma_semaphore, #tpu.memory_space<semaphore_mem>>) src(%dma_wait3A_57 : memref<80xi32, #tpu.memory_space<hbm>>) dst(%arg6 : memref<80xi32, #tpu.memory_space<vmem>>)
        tpu.yield
      }) : () -> ()
      "tpu.region"() ({
        %run_scoped3A = tpu.sem_alloc : memref<!tpu.dma_semaphore, #tpu.memory_space<semaphore_mem>>
        %dma_start3A = tpu.memref_slice %arg2[%add3A_45, %mul3A_49] : memref<320000x512xf32, #tpu.memory_space<hbm>> -> memref<80x128xf32, #tpu.memory_space<hbm>>
        %dma_start3A_56 = tpu.memref_slice %arg2[%add3A_45, %mul3A_49] : memref<320000x512xf32, #tpu.memory_space<hbm>> -> memref<80x128xf32, #tpu.memory_space<hbm>>
        tpu.enqueue_dma source(%dma_start3A_56 : memref<80x128xf32, #tpu.memory_space<hbm>>) target(%arg7 : memref<80x128xf32, #tpu.memory_space<vmem>>) target_semaphore(%run_scoped3A : memref<!tpu.dma_semaphore, #tpu.memory_space<semaphore_mem>>)
        %dma_wait3A = tpu.memref_slice %arg2[%add3A_45, %mul3A_49] : memref<320000x512xf32, #tpu.memory_space<hbm>> -> memref<80x128xf32, #tpu.memory_space<hbm>>
        %dma_wait3A_57 = tpu.memref_slice %arg2[%add3A_45, %mul3A_49] : memref<320000x512xf32, #tpu.memory_space<hbm>> -> memref<80x128xf32, #tpu.memory_space<hbm>>
        tpu.wait_dma2 semaphore(%run_scoped3A : memref<!tpu.dma_semaphore, #tpu.memory_space<semaphore_mem>>) src(%dma_wait3A_57 : memref<80x128xf32, #tpu.memory_space<hbm>>) dst(%arg7 : memref<80x128xf32, #tpu.memory_space<vmem>>)
        tpu.yield
      }) : () -> ()
      "tpu.region"() ({
        %run_scoped3A = tpu.sem_alloc : memref<!tpu.dma_semaphore, #tpu.memory_space<semaphore_mem>>
        %dma_start3A = tpu.memref_slice %arg3[%add3A_45, %mul3A_49] : memref<320000x512xf32, #tpu.memory_space<hbm>> -> memref<80x128xf32, #tpu.memory_space<hbm>>
        %dma_start3A_56 = tpu.memref_slice %arg3[%add3A_45, %mul3A_49] : memref<320000x512xf32, #tpu.memory_space<hbm>> -> memref<80x128xf32, #tpu.memory_space<hbm>>
        tpu.enqueue_dma source(%dma_start3A_56 : memref<80x128xf32, #tpu.memory_space<hbm>>) target(%arg8 : memref<80x128xf32, #tpu.memory_space<vmem>>) target_semaphore(%run_scoped3A : memref<!tpu.dma_semaphore, #tpu.memory_space<semaphore_mem>>)
        %dma_wait3A = tpu.memref_slice %arg3[%add3A_45, %mul3A_49] : memref<320000x512xf32, #tpu.memory_space<hbm>> -> memref<80x128xf32, #tpu.memory_space<hbm>>
        %dma_wait3A_57 = tpu.memref_slice %arg3[%add3A_45, %mul3A_49] : memref<320000x512xf32, #tpu.memory_space<hbm>> -> memref<80x128xf32, #tpu.memory_space<hbm>>
        tpu.wait_dma2 semaphore(%run_scoped3A : memref<!tpu.dma_semaphore, #tpu.memory_space<semaphore_mem>>) src(%dma_wait3A_57 : memref<80x128xf32, #tpu.memory_space<hbm>>) dst(%arg8 : memref<80x128xf32, #tpu.memory_space<vmem>>)
        tpu.yield
      }) : () -> ()
      %scan3A_50 = arith.constant 0 : i32
      %scan3A_51 = arith.constant 0 : i32
      %scan3A_52 = arith.constant 80 : i32
      %scan3A_53 = arith.addi %scan3A_51, %scan3A_52 : i32
      %scan3A_54 = arith.constant 1 : i32
      scf.for %scan3A_56 = %scan3A_51 to %scan3A_53 step %scan3A_54  : i32 {
        %get3A = arith.index_cast %scan3A_56 : i32 to index
        %get3A_57 = arith.constant 0 : index
        %get3A_58 = tpu.vector_load %arg7[%get3A, %get3A_57] {strides = array<i32>} : memref<80x128xf32, #tpu.memory_space<vmem>>, vector<1x16xf32>,
        %get3A_59 = vector.shape_cast %get3A_58 : vector<1x16xf32> to vector<16xf32>
        %get3A_60 = arith.index_cast %scan3A_56 : i32 to index
        %get3A_61 = arith.constant 0 : index
        %get3A_62 = tpu.vector_load %arg8[%get3A_60, %get3A_61] {strides = array<i32>} : memref<80x128xf32, #tpu.memory_space<vmem>>, vector<1x16xf32>,
        %get3A_63 = vector.shape_cast %get3A_62 : vector<1x16xf32> to vector<16xf32>
        %add3A_64 = arith.addf %get3A_59, %get3A_63 : vector<16xf32>
        %get3A_65 = arith.index_cast %scan3A_56 : i32 to index
        %get3A_66 = arith.constant 64 : index
        %get3A_67 = tpu.vector_load %arg7[%get3A_65, %get3A_66] {strides = array<i32>} : memref<80x128xf32, #tpu.memory_space<vmem>>, vector<1x16xf32>,
        %get3A_68 = vector.shape_cast %get3A_67 : vector<1x16xf32> to vector<16xf32>
        %get3A_69 = arith.index_cast %scan3A_56 : i32 to index
        %get3A_70 = arith.constant 64 : index
        %get3A_71 = tpu.vector_load %arg8[%get3A_69, %get3A_70] {strides = array<i32>} : memref<80x128xf32, #tpu.memory_space<vmem>>, vector<1x16xf32>,
        %get3A_72 = vector.shape_cast %get3A_71 : vector<1x16xf32> to vector<16xf32>
        %add3A_73 = arith.addf %get3A_68, %get3A_72 : vector<16xf32>
        %neg3A = arith.constant 0.000000e+00 : f32
        %neg3A_74 = vector.broadcast %neg3A : f32 to vector<16xf32>
        %neg3A_75 = arith.subf %neg3A_74, %add3A_64 : vector<16xf32>
        %exp3A = math.exp %neg3A_75 : vector<16xf32>
        %add3A_76 = arith.constant 1.000000e+00 : f32
        %add3A_77 = vector.broadcast %add3A_76 : f32 to vector<16xf32>
        %add3A_78 = arith.addf %add3A_77, %exp3A : vector<16xf32>
        %div3A = arith.constant 1.000000e+00 : f32
        %div3A_79 = vector.broadcast %div3A : f32 to vector<16xf32>
        %div3A_80 = arith.divf %div3A_79, %add3A_78 : vector<16xf32>
        %abs3A = math.absf %add3A_73 : vector<16xf32>
        %neg3A_81 = arith.constant 0.000000e+00 : f32
        %neg3A_82 = vector.broadcast %neg3A_81 : f32 to vector<16xf32>
        %neg3A_83 = arith.subf %neg3A_82, %abs3A : vector<16xf32>
        %exp3A_84 = math.exp %neg3A_83 : vector<16xf32>
        %broadcast_in_dim3A = arith.constant -0.0172080602 : f32
        %broadcast_in_dim3A_85 = vector.broadcast %broadcast_in_dim3A : f32 to vector<16xf32>
        %mul3A_86 = arith.mulf %broadcast_in_dim3A_85, %exp3A_84 : vector<16xf32>
        %add3A_87 = arith.constant 0.0817268118 : f32
        %add3A_88 = vector.broadcast %add3A_87 : f32 to vector<16xf32>
        %add3A_89 = arith.addf %mul3A_86, %add3A_88 : vector<16xf32>
        %mul3A_90 = arith.mulf %add3A_89, %exp3A_84 : vector<16xf32>
        %add3A_91 = arith.constant -0.188782677 : f32
        %add3A_92 = vector.broadcast %add3A_91 : f32 to vector<16xf32>
        %add3A_93 = arith.addf %mul3A_90, %add3A_92 : vector<16xf32>
        %mul3A_94 = arith.mulf %add3A_93, %exp3A_84 : vector<16xf32>
        %add3A_95 = arith.constant 0.314590544 : f32
        %add3A_96 = vector.broadcast %add3A_95 : f32 to vector<16xf32>
        %add3A_97 = arith.addf %mul3A_94, %add3A_96 : vector<16xf32>
        %mul3A_98 = arith.mulf %add3A_97, %exp3A_84 : vector<16xf32>
        %add3A_99 = arith.constant -0.496977925 : f32
        %add3A_100 = vector.broadcast %add3A_99 : f32 to vector<16xf32>
        %add3A_101 = arith.addf %mul3A_98, %add3A_100 : vector<16xf32>
        %mul3A_102 = arith.mulf %add3A_101, %exp3A_84 : vector<16xf32>
        %add3A_103 = arith.constant 0.999792456 : f32
        %add3A_104 = vector.broadcast %add3A_103 : f32 to vector<16xf32>
        %add3A_105 = arith.addf %mul3A_102, %add3A_104 : vector<16xf32>
        %mul3A_106 = arith.mulf %add3A_105, %exp3A_84 : vector<16xf32>
        %add3A_107 = arith.constant 3.50755204E-6 : f32
        %add3A_108 = vector.broadcast %add3A_107 : f32 to vector<16xf32>
        %add3A_109 = arith.addf %mul3A_106, %add3A_108 : vector<16xf32>
        %max3A = arith.constant 0.000000e+00 : f32
        %max3A_110 = vector.broadcast %max3A : f32 to vector<16xf32>
        %max3A_111 = arith.maximumf %add3A_73, %max3A_110 : vector<16xf32>
        %add3A_112 = arith.addf %max3A_111, %add3A_109 : vector<16xf32>
        %mul3A_113 = arith.mulf %div3A_80, %add3A_112 : vector<16xf32>
        %swap3A = arith.index_cast %scan3A_56 : i32 to index
        %swap3A_114 = arith.constant 0 : index
        %swap3A_115 = tpu.vector_load %arg9[%swap3A, %swap3A_114] {strides = array<i32>} : memref<80x128xf32, #tpu.memory_space<vmem>>, vector<1x16xf32>,
        %swap3A_116 = vector.shape_cast %swap3A_115 : vector<1x16xf32> to vector<16xf32>
        %swap3A_117 = vector.shape_cast %mul3A_113 : vector<16xf32> to vector<1x16xf32>
        tpu.vector_store %arg9[%swap3A, %swap3A_114], %swap3A_117 {strides = array<i32>} : memref<80x128xf32, #tpu.memory_space<vmem>>, vector<1x16xf32>,
        %get3A_118 = arith.index_cast %scan3A_56 : i32 to index
        %get3A_119 = arith.constant 16 : index
        %get3A_120 = tpu.vector_load %arg7[%get3A_118, %get3A_119] {strides = array<i32>} : memref<80x128xf32, #tpu.memory_space<vmem>>, vector<1x16xf32>,
        %get3A_121 = vector.shape_cast %get3A_120 : vector<1x16xf32> to vector<16xf32>
        %get3A_122 = arith.index_cast %scan3A_56 : i32 to index
        %get3A_123 = arith.constant 16 : index
        %get3A_124 = tpu.vector_load %arg8[%get3A_122, %get3A_123] {strides = array<i32>} : memref<80x128xf32, #tpu.memory_space<vmem>>, vector<1x16xf32>,
        %get3A_125 = vector.shape_cast %get3A_124 : vector<1x16xf32> to vector<16xf32>
        %add3A_126 = arith.addf %get3A_121, %get3A_125 : vector<16xf32>
        %get3A_127 = arith.index_cast %scan3A_56 : i32 to index
        %get3A_128 = arith.constant 80 : index
        %get3A_129 = tpu.vector_load %arg7[%get3A_127, %get3A_128] {strides = array<i32>} : memref<80x128xf32, #tpu.memory_space<vmem>>, vector<1x16xf32>,
        %get3A_130 = vector.shape_cast %get3A_129 : vector<1x16xf32> to vector<16xf32>
        %get3A_131 = arith.index_cast %scan3A_56 : i32 to index
        %get3A_132 = arith.constant 80 : index
        %get3A_133 = tpu.vector_load %arg8[%get3A_131, %get3A_132] {strides = array<i32>} : memref<80x128xf32, #tpu.memory_space<vmem>>, vector<1x16xf32>,
        %get3A_134 = vector.shape_cast %get3A_133 : vector<1x16xf32> to vector<16xf32>
        %add3A_135 = arith.addf %get3A_130, %get3A_134 : vector<16xf32>
        %neg3A_136 = arith.constant 0.000000e+00 : f32
        %neg3A_137 = vector.broadcast %neg3A_136 : f32 to vector<16xf32>
        %neg3A_138 = arith.subf %neg3A_137, %add3A_126 : vector<16xf32>
        %exp3A_139 = math.exp %neg3A_138 : vector<16xf32>
        %add3A_140 = arith.constant 1.000000e+00 : f32
        %add3A_141 = vector.broadcast %add3A_140 : f32 to vector<16xf32>
        %add3A_142 = arith.addf %add3A_141, %exp3A_139 : vector<16xf32>
        %div3A_143 = arith.constant 1.000000e+00 : f32
        %div3A_144 = vector.broadcast %div3A_143 : f32 to vector<16xf32>
        %div3A_145 = arith.divf %div3A_144, %add3A_142 : vector<16xf32>
        %abs3A_146 = math.absf %add3A_135 : vector<16xf32>
        %neg3A_147 = arith.constant 0.000000e+00 : f32
        %neg3A_148 = vector.broadcast %neg3A_147 : f32 to vector<16xf32>
        %neg3A_149 = arith.subf %neg3A_148, %abs3A_146 : vector<16xf32>
        %exp3A_150 = math.exp %neg3A_149 : vector<16xf32>
        %broadcast_in_dim3A_151 = arith.constant -0.0172080602 : f32
        %broadcast_in_dim3A_152 = vector.broadcast %broadcast_in_dim3A_151 : f32 to vector<16xf32>
        %mul3A_153 = arith.mulf %broadcast_in_dim3A_152, %exp3A_150 : vector<16xf32>
        %add3A_154 = arith.constant 0.0817268118 : f32
        %add3A_155 = vector.broadcast %add3A_154 : f32 to vector<16xf32>
        %add3A_156 = arith.addf %mul3A_153, %add3A_155 : vector<16xf32>
        %mul3A_157 = arith.mulf %add3A_156, %exp3A_150 : vector<16xf32>
        %add3A_158 = arith.constant -0.188782677 : f32
        %add3A_159 = vector.broadcast %add3A_158 : f32 to vector<16xf32>
        %add3A_160 = arith.addf %mul3A_157, %add3A_159 : vector<16xf32>
        %mul3A_161 = arith.mulf %add3A_160, %exp3A_150 : vector<16xf32>
        %add3A_162 = arith.constant 0.314590544 : f32
        %add3A_163 = vector.broadcast %add3A_162 : f32 to vector<16xf32>
        %add3A_164 = arith.addf %mul3A_161, %add3A_163 : vector<16xf32>
        %mul3A_165 = arith.mulf %add3A_164, %exp3A_150 : vector<16xf32>
        %add3A_166 = arith.constant -0.496977925 : f32
        %add3A_167 = vector.broadcast %add3A_166 : f32 to vector<16xf32>
        %add3A_168 = arith.addf %mul3A_165, %add3A_167 : vector<16xf32>
        %mul3A_169 = arith.mulf %add3A_168, %exp3A_150 : vector<16xf32>
        %add3A_170 = arith.constant 0.999792456 : f32
        %add3A_171 = vector.broadcast %add3A_170 : f32 to vector<16xf32>
        %add3A_172 = arith.addf %mul3A_169, %add3A_171 : vector<16xf32>
        %mul3A_173 = arith.mulf %add3A_172, %exp3A_150 : vector<16xf32>
        %add3A_174 = arith.constant 3.50755204E-6 : f32
        %add3A_175 = vector.broadcast %add3A_174 : f32 to vector<16xf32>
        %add3A_176 = arith.addf %mul3A_173, %add3A_175 : vector<16xf32>
        %max3A_177 = arith.constant 0.000000e+00 : f32
        %max3A_178 = vector.broadcast %max3A_177 : f32 to vector<16xf32>
        %max3A_179 = arith.maximumf %add3A_135, %max3A_178 : vector<16xf32>
        %add3A_180 = arith.addf %max3A_179, %add3A_176 : vector<16xf32>
        %mul3A_181 = arith.mulf %div3A_145, %add3A_180 : vector<16xf32>
        %swap3A_182 = arith.index_cast %scan3A_56 : i32 to index
        %swap3A_183 = arith.constant 16 : index
        %swap3A_184 = tpu.vector_load %arg9[%swap3A_182, %swap3A_183] {strides = array<i32>} : memref<80x128xf32, #tpu.memory_space<vmem>>, vector<1x16xf32>,
        %swap3A_185 = vector.shape_cast %swap3A_184 : vector<1x16xf32> to vector<16xf32>
        %swap3A_186 = vector.shape_cast %mul3A_181 : vector<16xf32> to vector<1x16xf32>
        tpu.vector_store %arg9[%swap3A_182, %swap3A_183], %swap3A_186 {strides = array<i32>} : memref<80x128xf32, #tpu.memory_space<vmem>>, vector<1x16xf32>,
        %get3A_187 = arith.index_cast %scan3A_56 : i32 to index
        %get3A_188 = arith.constant 32 : index
        %get3A_189 = tpu.vector_load %arg7[%get3A_187, %get3A_188] {strides = array<i32>} : memref<80x128xf32, #tpu.memory_space<vmem>>, vector<1x16xf32>,
        %get3A_190 = vector.shape_cast %get3A_189 : vector<1x16xf32> to vector<16xf32>
        %get3A_191 = arith.index_cast %scan3A_56 : i32 to index
        %get3A_192 = arith.constant 32 : index
        %get3A_193 = tpu.vector_load %arg8[%get3A_191, %get3A_192] {strides = array<i32>} : memref<80x128xf32, #tpu.memory_space<vmem>>, vector<1x16xf32>,
        %get3A_194 = vector.shape_cast %get3A_193 : vector<1x16xf32> to vector<16xf32>
        %add3A_195 = arith.addf %get3A_190, %get3A_194 : vector<16xf32>
        %get3A_196 = arith.index_cast %scan3A_56 : i32 to index
        %get3A_197 = arith.constant 96 : index
        %get3A_198 = tpu.vector_load %arg7[%get3A_196, %get3A_197] {strides = array<i32>} : memref<80x128xf32, #tpu.memory_space<vmem>>, vector<1x16xf32>,
        %get3A_199 = vector.shape_cast %get3A_198 : vector<1x16xf32> to vector<16xf32>
        %get3A_200 = arith.index_cast %scan3A_56 : i32 to index
        %get3A_201 = arith.constant 96 : index
        %get3A_202 = tpu.vector_load %arg8[%get3A_200, %get3A_201] {strides = array<i32>} : memref<80x128xf32, #tpu.memory_space<vmem>>, vector<1x16xf32>,
        %get3A_203 = vector.shape_cast %get3A_202 : vector<1x16xf32> to vector<16xf32>
        %add3A_204 = arith.addf %get3A_199, %get3A_203 : vector<16xf32>
        %neg3A_205 = arith.constant 0.000000e+00 : f32
        %neg3A_206 = vector.broadcast %neg3A_205 : f32 to vector<16xf32>
        %neg3A_207 = arith.subf %neg3A_206, %add3A_195 : vector<16xf32>
        %exp3A_208 = math.exp %neg3A_207 : vector<16xf32>
        %add3A_209 = arith.constant 1.000000e+00 : f32
        %add3A_210 = vector.broadcast %add3A_209 : f32 to vector<16xf32>
        %add3A_211 = arith.addf %add3A_210, %exp3A_208 : vector<16xf32>
        %div3A_212 = arith.constant 1.000000e+00 : f32
        %div3A_213 = vector.broadcast %div3A_212 : f32 to vector<16xf32>
        %div3A_214 = arith.divf %div3A_213, %add3A_211 : vector<16xf32>
        %abs3A_215 = math.absf %add3A_204 : vector<16xf32>
        %neg3A_216 = arith.constant 0.000000e+00 : f32
        %neg3A_217 = vector.broadcast %neg3A_216 : f32 to vector<16xf32>
        %neg3A_218 = arith.subf %neg3A_217, %abs3A_215 : vector<16xf32>
        %exp3A_219 = math.exp %neg3A_218 : vector<16xf32>
        %broadcast_in_dim3A_220 = arith.constant -0.0172080602 : f32
        %broadcast_in_dim3A_221 = vector.broadcast %broadcast_in_dim3A_220 : f32 to vector<16xf32>
        %mul3A_222 = arith.mulf %broadcast_in_dim3A_221, %exp3A_219 : vector<16xf32>
        %add3A_223 = arith.constant 0.0817268118 : f32
        %add3A_224 = vector.broadcast %add3A_223 : f32 to vector<16xf32>
        %add3A_225 = arith.addf %mul3A_222, %add3A_224 : vector<16xf32>
        %mul3A_226 = arith.mulf %add3A_225, %exp3A_219 : vector<16xf32>
        %add3A_227 = arith.constant -0.188782677 : f32
        %add3A_228 = vector.broadcast %add3A_227 : f32 to vector<16xf32>
        %add3A_229 = arith.addf %mul3A_226, %add3A_228 : vector<16xf32>
        %mul3A_230 = arith.mulf %add3A_229, %exp3A_219 : vector<16xf32>
        %add3A_231 = arith.constant 0.314590544 : f32
        %add3A_232 = vector.broadcast %add3A_231 : f32 to vector<16xf32>
        %add3A_233 = arith.addf %mul3A_230, %add3A_232 : vector<16xf32>
        %mul3A_234 = arith.mulf %add3A_233, %exp3A_219 : vector<16xf32>
        %add3A_235 = arith.constant -0.496977925 : f32
        %add3A_236 = vector.broadcast %add3A_235 : f32 to vector<16xf32>
        %add3A_237 = arith.addf %mul3A_234, %add3A_236 : vector<16xf32>
        %mul3A_238 = arith.mulf %add3A_237, %exp3A_219 : vector<16xf32>
        %add3A_239 = arith.constant 0.999792456 : f32
        %add3A_240 = vector.broadcast %add3A_239 : f32 to vector<16xf32>
        %add3A_241 = arith.addf %mul3A_238, %add3A_240 : vector<16xf32>
        %mul3A_242 = arith.mulf %add3A_241, %exp3A_219 : vector<16xf32>
        %add3A_243 = arith.constant 3.50755204E-6 : f32
        %add3A_244 = vector.broadcast %add3A_243 : f32 to vector<16xf32>
        %add3A_245 = arith.addf %mul3A_242, %add3A_244 : vector<16xf32>
        %max3A_246 = arith.constant 0.000000e+00 : f32
        %max3A_247 = vector.broadcast %max3A_246 : f32 to vector<16xf32>
        %max3A_248 = arith.maximumf %add3A_204, %max3A_247 : vector<16xf32>
        %add3A_249 = arith.addf %max3A_248, %add3A_245 : vector<16xf32>
        %mul3A_250 = arith.mulf %div3A_214, %add3A_249 : vector<16xf32>
        %swap3A_251 = arith.index_cast %scan3A_56 : i32 to index
        %swap3A_252 = arith.constant 32 : index
        %swap3A_253 = tpu.vector_load %arg9[%swap3A_251, %swap3A_252] {strides = array<i32>} : memref<80x128xf32, #tpu.memory_space<vmem>>, vector<1x16xf32>,
        %swap3A_254 = vector.shape_cast %swap3A_253 : vector<1x16xf32> to vector<16xf32>
        %swap3A_255 = vector.shape_cast %mul3A_250 : vector<16xf32> to vector<1x16xf32>
        tpu.vector_store %arg9[%swap3A_251, %swap3A_252], %swap3A_255 {strides = array<i32>} : memref<80x128xf32, #tpu.memory_space<vmem>>, vector<1x16xf32>,
        %get3A_256 = arith.index_cast %scan3A_56 : i32 to index
        %get3A_257 = arith.constant 48 : index
        %get3A_258 = tpu.vector_load %arg7[%get3A_256, %get3A_257] {strides = array<i32>} : memref<80x128xf32, #tpu.memory_space<vmem>>, vector<1x16xf32>,
        %get3A_259 = vector.shape_cast %get3A_258 : vector<1x16xf32> to vector<16xf32>
        %get3A_260 = arith.index_cast %scan3A_56 : i32 to index
        %get3A_261 = arith.constant 48 : index
        %get3A_262 = tpu.vector_load %arg8[%get3A_260, %get3A_261] {strides = array<i32>} : memref<80x128xf32, #tpu.memory_space<vmem>>, vector<1x16xf32>,
        %get3A_263 = vector.shape_cast %get3A_262 : vector<1x16xf32> to vector<16xf32>
        %add3A_264 = arith.addf %get3A_259, %get3A_263 : vector<16xf32>
        %get3A_265 = arith.index_cast %scan3A_56 : i32 to index
        %get3A_266 = arith.constant 112 : index
        %get3A_267 = tpu.vector_load %arg7[%get3A_265, %get3A_266] {strides = array<i32>} : memref<80x128xf32, #tpu.memory_space<vmem>>, vector<1x16xf32>,
        %get3A_268 = vector.shape_cast %get3A_267 : vector<1x16xf32> to vector<16xf32>
        %get3A_269 = arith.index_cast %scan3A_56 : i32 to index
        %get3A_270 = arith.constant 112 : index
        %get3A_271 = tpu.vector_load %arg8[%get3A_269, %get3A_270] {strides = array<i32>} : memref<80x128xf32, #tpu.memory_space<vmem>>, vector<1x16xf32>,
        %get3A_272 = vector.shape_cast %get3A_271 : vector<1x16xf32> to vector<16xf32>
        %add3A_273 = arith.addf %get3A_268, %get3A_272 : vector<16xf32>
        %neg3A_274 = arith.constant 0.000000e+00 : f32
        %neg3A_275 = vector.broadcast %neg3A_274 : f32 to vector<16xf32>
        %neg3A_276 = arith.subf %neg3A_275, %add3A_264 : vector<16xf32>
        %exp3A_277 = math.exp %neg3A_276 : vector<16xf32>
        %add3A_278 = arith.constant 1.000000e+00 : f32
        %add3A_279 = vector.broadcast %add3A_278 : f32 to vector<16xf32>
        %add3A_280 = arith.addf %add3A_279, %exp3A_277 : vector<16xf32>
        %div3A_281 = arith.constant 1.000000e+00 : f32
        %div3A_282 = vector.broadcast %div3A_281 : f32 to vector<16xf32>
        %div3A_283 = arith.divf %div3A_282, %add3A_280 : vector<16xf32>
        %abs3A_284 = math.absf %add3A_273 : vector<16xf32>
        %neg3A_285 = arith.constant 0.000000e+00 : f32
        %neg3A_286 = vector.broadcast %neg3A_285 : f32 to vector<16xf32>
        %neg3A_287 = arith.subf %neg3A_286, %abs3A_284 : vector<16xf32>
        %exp3A_288 = math.exp %neg3A_287 : vector<16xf32>
        %broadcast_in_dim3A_289 = arith.constant -0.0172080602 : f32
        %broadcast_in_dim3A_290 = vector.broadcast %broadcast_in_dim3A_289 : f32 to vector<16xf32>
        %mul3A_291 = arith.mulf %broadcast_in_dim3A_290, %exp3A_288 : vector<16xf32>
        %add3A_292 = arith.constant 0.0817268118 : f32
        %add3A_293 = vector.broadcast %add3A_292 : f32 to vector<16xf32>
        %add3A_294 = arith.addf %mul3A_291, %add3A_293 : vector<16xf32>
        %mul3A_295 = arith.mulf %add3A_294, %exp3A_288 : vector<16xf32>
        %add3A_296 = arith.constant -0.188782677 : f32
        %add3A_297 = vector.broadcast %add3A_296 : f32 to vector<16xf32>
        %add3A_298 = arith.addf %mul3A_295, %add3A_297 : vector<16xf32>
        %mul3A_299 = arith.mulf %add3A_298, %exp3A_288 : vector<16xf32>
        %add3A_300 = arith.constant 0.314590544 : f32
        %add3A_301 = vector.broadcast %add3A_300 : f32 to vector<16xf32>
        %add3A_302 = arith.addf %mul3A_299, %add3A_301 : vector<16xf32>
        %mul3A_303 = arith.mulf %add3A_302, %exp3A_288 : vector<16xf32>
        %add3A_304 = arith.constant -0.496977925 : f32
        %add3A_305 = vector.broadcast %add3A_304 : f32 to vector<16xf32>
        %add3A_306 = arith.addf %mul3A_303, %add3A_305 : vector<16xf32>
        %mul3A_307 = arith.mulf %add3A_306, %exp3A_288 : vector<16xf32>
        %add3A_308 = arith.constant 0.999792456 : f32
        %add3A_309 = vector.broadcast %add3A_308 : f32 to vector<16xf32>
        %add3A_310 = arith.addf %mul3A_307, %add3A_309 : vector<16xf32>
        %mul3A_311 = arith.mulf %add3A_310, %exp3A_288 : vector<16xf32>
        %add3A_312 = arith.constant 3.50755204E-6 : f32
        %add3A_313 = vector.broadcast %add3A_312 : f32 to vector<16xf32>
        %add3A_314 = arith.addf %mul3A_311, %add3A_313 : vector<16xf32>
        %max3A_315 = arith.constant 0.000000e+00 : f32
        %max3A_316 = vector.broadcast %max3A_315 : f32 to vector<16xf32>
        %max3A_317 = arith.maximumf %add3A_273, %max3A_316 : vector<16xf32>
        %add3A_318 = arith.addf %max3A_317, %add3A_314 : vector<16xf32>
        %mul3A_319 = arith.mulf %div3A_283, %add3A_318 : vector<16xf32>
        %swap3A_320 = arith.index_cast %scan3A_56 : i32 to index
        %swap3A_321 = arith.constant 48 : index
        %swap3A_322 = tpu.vector_load %arg9[%swap3A_320, %swap3A_321] {strides = array<i32>} : memref<80x128xf32, #tpu.memory_space<vmem>>, vector<1x16xf32>,
        %swap3A_323 = vector.shape_cast %swap3A_322 : vector<1x16xf32> to vector<16xf32>
        %swap3A_324 = vector.shape_cast %mul3A_319 : vector<16xf32> to vector<1x16xf32>
        tpu.vector_store %arg9[%swap3A_320, %swap3A_321], %swap3A_324 {strides = array<i32>} : memref<80x128xf32, #tpu.memory_space<vmem>>, vector<1x16xf32>,
      }
      %scan3A_55 = arith.constant 80 : i32
      "tpu.region"() ({
        %run_scoped3A = tpu.sem_alloc : memref<!tpu.dma_semaphore, #tpu.memory_space<semaphore_mem>>
        %dma_start3A = arith.constant 0 : i32
        %dma_start3A_56 = arith.constant 0 : i32
        %dma_start3A_57 = tpu.memref_slice %arg11[%dma_start3A, %dma_start3A_56] : memref<10240x128xf32, #tpu.memory_space<vmem_shared>> -> memref<10240x128xf32, #tpu.memory_space<vmem_shared>>
        tpu.enqueue_indirect_dma source(%arg9 : memref<80x128xf32, #tpu.memory_space<vmem>>) target(%dma_start3A_57 : memref<10240x128xf32, #tpu.memory_space<vmem_shared>>) offsets(%arg6 : memref<80xi32, #tpu.memory_space<vmem>>) semaphore(%run_scoped3A : memref<!tpu.dma_semaphore, #tpu.memory_space<semaphore_mem>>) {add = true}
        %dma_wait3A = arith.constant 0 : i32
        %dma_wait3A_58 = arith.constant 0 : i32
        %dma_wait3A_59 = tpu.memref_slice %arg11[%dma_wait3A, %dma_wait3A_58] : memref<10240x128xf32, #tpu.memory_space<vmem_shared>> -> memref<10240x128xf32, #tpu.memory_space<vmem_shared>>
        tpu.wait_indirect_dma semaphore(%run_scoped3A : memref<!tpu.dma_semaphore, #tpu.memory_space<semaphore_mem>>) src(%arg9 : memref<80x128xf32, #tpu.memory_space<vmem>>) dst(%dma_wait3A_59 : memref<10240x128xf32, #tpu.memory_space<vmem_shared>>)
        tpu.yield
      }) : () -> ()
    }
    %scan3A_36 = arith.constant 250 : i32
    %barrier3A_37 = arith.constant 0 : index
    tpu.barrier barrier_id(%barrier3A_37)
    %mul3A_38 = arith.constant 640 : i32
    %mul3A_39 = arith.muli %arg1, %mul3A_38 : i32
    %mul3A_40 = arith.constant 640 : i32
    %mul3A_41 = arith.muli %arg1, %mul3A_40 : i32
    "tpu.region"() ({
      %run_scoped3A = tpu.sem_alloc : memref<!tpu.dma_semaphore, #tpu.memory_space<semaphore_mem>>
      %dma_start3A = arith.constant 0 : i32
      %dma_start3A_42 = tpu.memref_slice %arg5[%arg0, %mul3A_41, %dma_start3A] : memref<2x10240x128xf32, #tpu.memory_space<hbm>> -> memref<1x640x128xf32, #tpu.memory_space<hbm>>
      %dma_start3A_43 = tpu.memref_squeeze %dma_start3A_42 : memref<1x640x128xf32, #tpu.memory_space<hbm>> -> memref<640x128xf32, #tpu.memory_space<hbm>>
      %dma_start3A_44 = arith.constant 0 : i32
      %dma_start3A_45 = tpu.memref_slice %arg11[%mul3A_39, %dma_start3A_44] : memref<10240x128xf32, #tpu.memory_space<vmem_shared>> -> memref<640x128xf32, #tpu.memory_space<vmem_shared>>
      tpu.enqueue_dma source(%dma_start3A_45 : memref<640x128xf32, #tpu.memory_space<vmem_shared>>) target(%dma_start3A_43 : memref<640x128xf32, #tpu.memory_space<hbm>>) target_semaphore(%run_scoped3A : memref<!tpu.dma_semaphore, #tpu.memory_space<semaphore_mem>>)
      %dma_wait3A = arith.constant 0 : i32
      %dma_wait3A_46 = tpu.memref_slice %arg5[%arg0, %mul3A_41, %dma_wait3A] : memref<2x10240x128xf32, #tpu.memory_space<hbm>> -> memref<1x640x128xf32, #tpu.memory_space<hbm>>
      %dma_wait3A_47 = tpu.memref_squeeze %dma_wait3A_46 : memref<1x640x128xf32, #tpu.memory_space<hbm>> -> memref<640x128xf32, #tpu.memory_space<hbm>>
      %dma_wait3A_48 = arith.constant 0 : i32
      %dma_wait3A_49 = tpu.memref_slice %arg11[%mul3A_39, %dma_wait3A_48] : memref<10240x128xf32, #tpu.memory_space<vmem_shared>> -> memref<640x128xf32, #tpu.memory_space<vmem_shared>>
      tpu.wait_dma2 semaphore(%run_scoped3A : memref<!tpu.dma_semaphore, #tpu.memory_space<semaphore_mem>>) src(%dma_wait3A_49 : memref<640x128xf32, #tpu.memory_space<vmem_shared>>) dst(%dma_wait3A_47 : memref<640x128xf32, #tpu.memory_space<hbm>>)
      tpu.yield
    }) : () -> ()
    return
  }
}

module attributes {stable_mosaic.version = 14 : i64} {
  func.func @_node_tables_body(%arg0: i32, %arg1: memref<1000x128xf32, #tpu.memory_space<vmem>>, %arg2: memref<128x256xf32, #tpu.memory_space<vmem>>, %arg3: memref<128x256xf32, #tpu.memory_space<vmem>>, %arg4: memref<1000x256xf32, #tpu.memory_space<vmem>>, %arg5: memref<1000x256xf32, #tpu.memory_space<vmem>>) attributes {dimension_semantics = [#tpu.dimension_semantics<arbitrary>], iteration_bounds = array<i64: 10>, scalar_prefetch = 0 : i64, scratch_operands = 0 : i64, tpu.core_type = #tpu.core_type<tc>, window_params = [{transform_indices = @transform_0, window_bounds = array<i64: 1000, 128>}, {pipeline_mode = #tpu.pipeline_mode<synchronous>, transform_indices = @transform_1, window_bounds = array<i64: 128, 256>}, {pipeline_mode = #tpu.pipeline_mode<synchronous>, transform_indices = @transform_2, window_bounds = array<i64: 128, 256>}, {transform_indices = @transform_3, window_bounds = array<i64: 1000, 256>}, {transform_indices = @transform_4, window_bounds = array<i64: 1000, 256>}]} {
    %get3A = arith.constant 0 : index
    %get3A_0 = arith.constant 0 : index
    %get3A_1 = vector.load %arg1[%get3A, %get3A_0] : memref<1000x128xf32, #tpu.memory_space<vmem>>, vector<1000x128xf32>
    %get3A_2 = arith.constant 0 : index
    %get3A_3 = arith.constant 0 : index
    %get3A_4 = vector.load %arg2[%get3A_2, %get3A_3] : memref<128x256xf32, #tpu.memory_space<vmem>>, vector<128x256xf32>
    %dot_general3A = arith.constant dense<0.000000e+00> : vector<1000x256xf32>
    %dot_general3A_5 = tpu.matmul %get3A_1, %get3A_4, %dot_general3A {dimension_numbers = #tpu.dot_dimension_numbers<[1], [0], [0], [1], [0, 0, 1, 1], [], []>, transpose_lhs_hint = false} : vector<1000x128xf32>, vector<128x256xf32>, vector<1000x256xf32> -> vector<1000x256xf32>
    %swap3A = arith.constant 0 : index
    %swap3A_6 = arith.constant 0 : index
    %swap3A_7 = vector.load %arg4[%swap3A, %swap3A_6] : memref<1000x256xf32, #tpu.memory_space<vmem>>, vector<1000x256xf32>
    tpu.vector_store %arg4[%swap3A, %swap3A_6], %dot_general3A_5 {strides = array<i32>} : memref<1000x256xf32, #tpu.memory_space<vmem>>, vector<1000x256xf32>,
    %get3A_8 = arith.constant 0 : index
    %get3A_9 = arith.constant 0 : index
    %get3A_10 = vector.load %arg3[%get3A_8, %get3A_9] : memref<128x256xf32, #tpu.memory_space<vmem>>, vector<128x256xf32>
    %dot_general3A_11 = arith.constant dense<0.000000e+00> : vector<1000x256xf32>
    %dot_general3A_12 = tpu.matmul %get3A_1, %get3A_10, %dot_general3A_11 {dimension_numbers = #tpu.dot_dimension_numbers<[1], [0], [0], [1], [0, 0, 1, 1], [], []>, transpose_lhs_hint = false} : vector<1000x128xf32>, vector<128x256xf32>, vector<1000x256xf32> -> vector<1000x256xf32>
    %swap3A_13 = arith.constant 0 : index
    %swap3A_14 = arith.constant 0 : index
    %swap3A_15 = vector.load %arg5[%swap3A_13, %swap3A_14] : memref<1000x256xf32, #tpu.memory_space<vmem>>, vector<1000x256xf32>
    tpu.vector_store %arg5[%swap3A_13, %swap3A_14], %dot_general3A_12 {strides = array<i32>} : memref<1000x256xf32, #tpu.memory_space<vmem>>, vector<1000x256xf32>,
    return
  }
  func.func @transform_0(%arg0: i32) -> (i32, i32) {
    %c0_i32 = arith.constant 0 : i32
    %c0_i32_0 = arith.constant 0 : i32
    return %arg0, %c0_i32 : i32, i32
  }
  func.func @transform_1(%arg0: i32) -> (i32, i32) {
    %c0_i32 = arith.constant 0 : i32
    %c0_i32_0 = arith.constant 0 : i32
    %c0_i32_1 = arith.constant 0 : i32
    return %c0_i32, %c0_i32_0 : i32, i32
  }
  func.func @transform_2(%arg0: i32) -> (i32, i32) {
    %c0_i32 = arith.constant 0 : i32
    %c0_i32_0 = arith.constant 0 : i32
    %c0_i32_1 = arith.constant 0 : i32
    return %c0_i32, %c0_i32_0 : i32, i32
  }
  func.func @transform_3(%arg0: i32) -> (i32, i32) {
    %c0_i32 = arith.constant 0 : i32
    %c0_i32_0 = arith.constant 0 : i32
    return %arg0, %c0_i32 : i32, i32
  }
  func.func @transform_4(%arg0: i32) -> (i32, i32) {
    %c0_i32 = arith.constant 0 : i32
    %c0_i32_0 = arith.constant 0 : i32
    return %arg0, %c0_i32 : i32, i32
  }
}

module attributes {stable_mosaic.version = 14 : i64} {
  func.func @_edge_tables_body(%arg0: i32, %arg1: memref<2000x16xf32, #tpu.memory_space<vmem>>, %arg2: memref<16x256xf32, #tpu.memory_space<vmem>>, %arg3: memref<1x256xf32, #tpu.memory_space<vmem>>, %arg4: memref<2000x256xf32, #tpu.memory_space<vmem>>) attributes {dimension_semantics = [#tpu.dimension_semantics<arbitrary>], iteration_bounds = array<i64: 160>, scalar_prefetch = 0 : i64, scratch_operands = 0 : i64, tpu.core_type = #tpu.core_type<tc>, window_params = [{transform_indices = @transform_0, window_bounds = array<i64: 2000, 16>}, {pipeline_mode = #tpu.pipeline_mode<synchronous>, transform_indices = @transform_1, window_bounds = array<i64: 16, 256>}, {pipeline_mode = #tpu.pipeline_mode<synchronous>, transform_indices = @transform_2, window_bounds = array<i64: 1, 256>}, {transform_indices = @transform_3, window_bounds = array<i64: 2000, 256>}]} {
    %get3A = arith.constant 0 : index
    %get3A_0 = arith.constant 0 : index
    %get3A_1 = vector.load %arg1[%get3A, %get3A_0] : memref<2000x16xf32, #tpu.memory_space<vmem>>, vector<2000x16xf32>
    %get3A_2 = arith.constant 0 : index
    %get3A_3 = arith.constant 0 : index
    %get3A_4 = vector.load %arg2[%get3A_2, %get3A_3] : memref<16x256xf32, #tpu.memory_space<vmem>>, vector<16x256xf32>
    %dot_general3A = arith.constant dense<0.000000e+00> : vector<2000x256xf32>
    %dot_general3A_5 = tpu.matmul %get3A_1, %get3A_4, %dot_general3A {dimension_numbers = #tpu.dot_dimension_numbers<[1], [0], [0], [1], [0, 0, 1, 1], [], []>, transpose_lhs_hint = false} : vector<2000x16xf32>, vector<16x256xf32>, vector<2000x256xf32> -> vector<2000x256xf32>
    %get3A_6 = arith.constant 0 : index
    %get3A_7 = arith.constant 0 : index
    %get3A_8 = vector.load %arg3[%get3A_6, %get3A_7] : memref<1x256xf32, #tpu.memory_space<vmem>>, vector<1x256xf32>
    %add3A = vector.broadcast %get3A_8 : vector<1x256xf32> to vector<2000x256xf32>
    %add3A_9 = arith.addf %dot_general3A_5, %add3A : vector<2000x256xf32>
    %swap3A = arith.constant 0 : index
    %swap3A_10 = arith.constant 0 : index
    %swap3A_11 = vector.load %arg4[%swap3A, %swap3A_10] : memref<2000x256xf32, #tpu.memory_space<vmem>>, vector<2000x256xf32>
    tpu.vector_store %arg4[%swap3A, %swap3A_10], %add3A_9 {strides = array<i32>} : memref<2000x256xf32, #tpu.memory_space<vmem>>, vector<2000x256xf32>,
    return
  }
  func.func @transform_0(%arg0: i32) -> (i32, i32) {
    %c0_i32 = arith.constant 0 : i32
    %c0_i32_0 = arith.constant 0 : i32
    return %arg0, %c0_i32 : i32, i32
  }
  func.func @transform_1(%arg0: i32) -> (i32, i32) {
    %c0_i32 = arith.constant 0 : i32
    %c0_i32_0 = arith.constant 0 : i32
    %c0_i32_1 = arith.constant 0 : i32
    return %c0_i32, %c0_i32_0 : i32, i32
  }
  func.func @transform_2(%arg0: i32) -> (i32, i32) {
    %c0_i32 = arith.constant 0 : i32
    %c0_i32_0 = arith.constant 0 : i32
    %c0_i32_1 = arith.constant 0 : i32
    return %c0_i32, %c0_i32_0 : i32, i32
  }
  func.func @transform_3(%arg0: i32) -> (i32, i32) {
    %c0_i32 = arith.constant 0 : i32
    %c0_i32_0 = arith.constant 0 : i32
    return %arg0, %c0_i32 : i32, i32
  }
}

module attributes {stable_mosaic.version = 14 : i64} {
  func.func @_edge_tables_body(%arg0: i32, %arg1: memref<2000x16xf32, #tpu.memory_space<vmem>>, %arg2: memref<16x512xf32, #tpu.memory_space<vmem>>, %arg3: memref<1x512xf32, #tpu.memory_space<vmem>>, %arg4: memref<2000x512xf32, #tpu.memory_space<vmem>>) attributes {dimension_semantics = [#tpu.dimension_semantics<arbitrary>], iteration_bounds = array<i64: 160>, scalar_prefetch = 0 : i64, scratch_operands = 0 : i64, tpu.core_type = #tpu.core_type<tc>, window_params = [{transform_indices = @transform_0, window_bounds = array<i64: 2000, 16>}, {pipeline_mode = #tpu.pipeline_mode<synchronous>, transform_indices = @transform_1, window_bounds = array<i64: 16, 512>}, {pipeline_mode = #tpu.pipeline_mode<synchronous>, transform_indices = @transform_2, window_bounds = array<i64: 1, 512>}, {transform_indices = @transform_3, window_bounds = array<i64: 2000, 512>}]} {
    %get3A = arith.constant 0 : index
    %get3A_0 = arith.constant 0 : index
    %get3A_1 = vector.load %arg1[%get3A, %get3A_0] : memref<2000x16xf32, #tpu.memory_space<vmem>>, vector<2000x16xf32>
    %get3A_2 = arith.constant 0 : index
    %get3A_3 = arith.constant 0 : index
    %get3A_4 = vector.load %arg2[%get3A_2, %get3A_3] : memref<16x512xf32, #tpu.memory_space<vmem>>, vector<16x512xf32>
    %dot_general3A = arith.constant dense<0.000000e+00> : vector<2000x512xf32>
    %dot_general3A_5 = tpu.matmul %get3A_1, %get3A_4, %dot_general3A {dimension_numbers = #tpu.dot_dimension_numbers<[1], [0], [0], [1], [0, 0, 1, 1], [], []>, transpose_lhs_hint = false} : vector<2000x16xf32>, vector<16x512xf32>, vector<2000x512xf32> -> vector<2000x512xf32>
    %get3A_6 = arith.constant 0 : index
    %get3A_7 = arith.constant 0 : index
    %get3A_8 = vector.load %arg3[%get3A_6, %get3A_7] : memref<1x512xf32, #tpu.memory_space<vmem>>, vector<1x512xf32>
    %add3A = vector.broadcast %get3A_8 : vector<1x512xf32> to vector<2000x512xf32>
    %add3A_9 = arith.addf %dot_general3A_5, %add3A : vector<2000x512xf32>
    %swap3A = arith.constant 0 : index
    %swap3A_10 = arith.constant 0 : index
    %swap3A_11 = vector.load %arg4[%swap3A, %swap3A_10] : memref<2000x512xf32, #tpu.memory_space<vmem>>, vector<2000x512xf32>
    tpu.vector_store %arg4[%swap3A, %swap3A_10], %add3A_9 {strides = array<i32>} : memref<2000x512xf32, #tpu.memory_space<vmem>>, vector<2000x512xf32>,
    return
  }
  func.func @transform_0(%arg0: i32) -> (i32, i32) {
    %c0_i32 = arith.constant 0 : i32
    %c0_i32_0 = arith.constant 0 : i32
    return %arg0, %c0_i32 : i32, i32
  }
  func.func @transform_1(%arg0: i32) -> (i32, i32) {
    %c0_i32 = arith.constant 0 : i32
    %c0_i32_0 = arith.constant 0 : i32
    %c0_i32_1 = arith.constant 0 : i32
    return %c0_i32, %c0_i32_0 : i32, i32
  }
  func.func @transform_2(%arg0: i32) -> (i32, i32) {
    %c0_i32 = arith.constant 0 : i32
    %c0_i32_0 = arith.constant 0 : i32
    %c0_i32_1 = arith.constant 0 : i32
    return %c0_i32, %c0_i32_0 : i32, i32
  }
  func.func @transform_3(%arg0: i32) -> (i32, i32) {
    %c0_i32 = arith.constant 0 : i32
    %c0_i32_0 = arith.constant 0 : i32
    return %arg0, %c0_i32 : i32, i32
  }
}

module attributes {stable_mosaic.version = 14 : i64} {
  func.func @_lin_body(%arg0: i32, %arg1: memref<1000x128xf32, #tpu.memory_space<vmem>>, %arg2: memref<1000x64xf32, #tpu.memory_space<vmem>>, %arg3: memref<1000x64xf32, #tpu.memory_space<vmem>>, %arg4: memref<128x256xf32, #tpu.memory_space<vmem>>, %arg5: memref<1x256xf32, #tpu.memory_space<vmem>>, %arg6: memref<1000x256xf32, #tpu.memory_space<vmem>>) attributes {dimension_semantics = [#tpu.dimension_semantics<arbitrary>], iteration_bounds = array<i64: 10>, scalar_prefetch = 0 : i64, scratch_operands = 0 : i64, tpu.core_type = #tpu.core_type<tc>, window_params = [{transform_indices = @transform_0, window_bounds = array<i64: 1000, 128>}, {transform_indices = @transform_1, window_bounds = array<i64: 1000, 64>}, {transform_indices = @transform_2, window_bounds = array<i64: 1000, 64>}, {pipeline_mode = #tpu.pipeline_mode<synchronous>, transform_indices = @transform_3, window_bounds = array<i64: 128, 256>}, {pipeline_mode = #tpu.pipeline_mode<synchronous>, transform_indices = @transform_4, window_bounds = array<i64: 1, 256>}, {transform_indices = @transform_5, window_bounds = array<i64: 1000, 256>}]} {
    %get3A = arith.constant 0 : index
    %get3A_0 = arith.constant 0 : index
    %get3A_1 = vector.load %arg1[%get3A, %get3A_0] : memref<1000x128xf32, #tpu.memory_space<vmem>>, vector<1000x128xf32>
    %get3A_2 = arith.constant 0 : index
    %get3A_3 = arith.constant 0 : index
    %get3A_4 = vector.load %arg2[%get3A_2, %get3A_3] : memref<1000x64xf32, #tpu.memory_space<vmem>>, vector<1000x64xf32>
    %get3A_5 = arith.constant 0 : index
    %get3A_6 = arith.constant 0 : index
    %get3A_7 = vector.load %arg3[%get3A_5, %get3A_6] : memref<1000x64xf32, #tpu.memory_space<vmem>>, vector<1000x64xf32>
    %concatenate3A = tpu.concatenate %get3A_4, %get3A_7 in 1 : vector<1000x64xf32>, vector<1000x64xf32> -> vector<1000x128xf32>
    %add3A = arith.addf %get3A_1, %concatenate3A : vector<1000x128xf32>
    %max3A = arith.constant 0.000000e+00 : f32
    %max3A_8 = vector.broadcast %max3A : f32 to vector<1000x128xf32>
    %max3A_9 = arith.maximumf %add3A, %max3A_8 : vector<1000x128xf32>
    %get3A_10 = arith.constant 0 : index
    %get3A_11 = arith.constant 0 : index
    %get3A_12 = vector.load %arg4[%get3A_10, %get3A_11] : memref<128x256xf32, #tpu.memory_space<vmem>>, vector<128x256xf32>
    %dot_general3A = arith.constant dense<0.000000e+00> : vector<1000x256xf32>
    %dot_general3A_13 = tpu.matmul %max3A_9, %get3A_12, %dot_general3A {dimension_numbers = #tpu.dot_dimension_numbers<[1], [0], [0], [1], [0, 0, 1, 1], [], []>, transpose_lhs_hint = false} : vector<1000x128xf32>, vector<128x256xf32>, vector<1000x256xf32> -> vector<1000x256xf32>
    %get3A_14 = arith.constant 0 : index
    %get3A_15 = arith.constant 0 : index
    %get3A_16 = vector.load %arg5[%get3A_14, %get3A_15] : memref<1x256xf32, #tpu.memory_space<vmem>>, vector<1x256xf32>
    %add3A_17 = vector.broadcast %get3A_16 : vector<1x256xf32> to vector<1000x256xf32>
    %add3A_18 = arith.addf %dot_general3A_13, %add3A_17 : vector<1000x256xf32>
    %swap3A = arith.constant 0 : index
    %swap3A_19 = arith.constant 0 : index
    %swap3A_20 = vector.load %arg6[%swap3A, %swap3A_19] : memref<1000x256xf32, #tpu.memory_space<vmem>>, vector<1000x256xf32>
    tpu.vector_store %arg6[%swap3A, %swap3A_19], %add3A_18 {strides = array<i32>} : memref<1000x256xf32, #tpu.memory_space<vmem>>, vector<1000x256xf32>,
    return
  }
  func.func @transform_0(%arg0: i32) -> (i32, i32) {
    %c0_i32 = arith.constant 0 : i32
    %c0_i32_0 = arith.constant 0 : i32
    return %arg0, %c0_i32 : i32, i32
  }
  func.func @transform_1(%arg0: i32) -> (i32, i32) {
    %c0_i32 = arith.constant 0 : i32
    %c0_i32_0 = arith.constant 0 : i32
    return %arg0, %c0_i32 : i32, i32
  }
  func.func @transform_2(%arg0: i32) -> (i32, i32) {
    %c0_i32 = arith.constant 0 : i32
    %c0_i32_0 = arith.constant 0 : i32
    return %arg0, %c0_i32 : i32, i32
  }
  func.func @transform_3(%arg0: i32) -> (i32, i32) {
    %c0_i32 = arith.constant 0 : i32
    %c0_i32_0 = arith.constant 0 : i32
    %c0_i32_1 = arith.constant 0 : i32
    return %c0_i32, %c0_i32_0 : i32, i32
  }
  func.func @transform_4(%arg0: i32) -> (i32, i32) {
    %c0_i32 = arith.constant 0 : i32
    %c0_i32_0 = arith.constant 0 : i32
    %c0_i32_1 = arith.constant 0 : i32
    return %c0_i32, %c0_i32_0 : i32, i32
  }
  func.func @transform_5(%arg0: i32) -> (i32, i32) {
    %c0_i32 = arith.constant 0 : i32
    %c0_i32_0 = arith.constant 0 : i32
    return %arg0, %c0_i32 : i32, i32
  }
}

module attributes {stable_mosaic.version = 14 : i64} {
  func.func @_node_tables_body(%arg0: i32, %arg1: memref<1000x256xf32, #tpu.memory_space<vmem>>, %arg2: memref<256x512xf32, #tpu.memory_space<vmem>>, %arg3: memref<256x512xf32, #tpu.memory_space<vmem>>, %arg4: memref<1000x512xf32, #tpu.memory_space<vmem>>, %arg5: memref<1000x512xf32, #tpu.memory_space<vmem>>) attributes {dimension_semantics = [#tpu.dimension_semantics<arbitrary>], iteration_bounds = array<i64: 10>, scalar_prefetch = 0 : i64, scratch_operands = 0 : i64, tpu.core_type = #tpu.core_type<tc>, window_params = [{transform_indices = @transform_0, window_bounds = array<i64: 1000, 256>}, {pipeline_mode = #tpu.pipeline_mode<synchronous>, transform_indices = @transform_1, window_bounds = array<i64: 256, 512>}, {pipeline_mode = #tpu.pipeline_mode<synchronous>, transform_indices = @transform_2, window_bounds = array<i64: 256, 512>}, {transform_indices = @transform_3, window_bounds = array<i64: 1000, 512>}, {transform_indices = @transform_4, window_bounds = array<i64: 1000, 512>}]} {
    %get3A = arith.constant 0 : index
    %get3A_0 = arith.constant 0 : index
    %get3A_1 = vector.load %arg1[%get3A, %get3A_0] : memref<1000x256xf32, #tpu.memory_space<vmem>>, vector<1000x256xf32>
    %get3A_2 = arith.constant 0 : index
    %get3A_3 = arith.constant 0 : index
    %get3A_4 = vector.load %arg2[%get3A_2, %get3A_3] : memref<256x512xf32, #tpu.memory_space<vmem>>, vector<256x512xf32>
    %dot_general3A = arith.constant dense<0.000000e+00> : vector<1000x512xf32>
    %dot_general3A_5 = tpu.matmul %get3A_1, %get3A_4, %dot_general3A {dimension_numbers = #tpu.dot_dimension_numbers<[1], [0], [0], [1], [0, 0, 1, 1], [], []>, transpose_lhs_hint = false} : vector<1000x256xf32>, vector<256x512xf32>, vector<1000x512xf32> -> vector<1000x512xf32>
    %swap3A = arith.constant 0 : index
    %swap3A_6 = arith.constant 0 : index
    %swap3A_7 = vector.load %arg4[%swap3A, %swap3A_6] : memref<1000x512xf32, #tpu.memory_space<vmem>>, vector<1000x512xf32>
    tpu.vector_store %arg4[%swap3A, %swap3A_6], %dot_general3A_5 {strides = array<i32>} : memref<1000x512xf32, #tpu.memory_space<vmem>>, vector<1000x512xf32>,
    %get3A_8 = arith.constant 0 : index
    %get3A_9 = arith.constant 0 : index
    %get3A_10 = vector.load %arg3[%get3A_8, %get3A_9] : memref<256x512xf32, #tpu.memory_space<vmem>>, vector<256x512xf32>
    %dot_general3A_11 = arith.constant dense<0.000000e+00> : vector<1000x512xf32>
    %dot_general3A_12 = tpu.matmul %get3A_1, %get3A_10, %dot_general3A_11 {dimension_numbers = #tpu.dot_dimension_numbers<[1], [0], [0], [1], [0, 0, 1, 1], [], []>, transpose_lhs_hint = false} : vector<1000x256xf32>, vector<256x512xf32>, vector<1000x512xf32> -> vector<1000x512xf32>
    %swap3A_13 = arith.constant 0 : index
    %swap3A_14 = arith.constant 0 : index
    %swap3A_15 = vector.load %arg5[%swap3A_13, %swap3A_14] : memref<1000x512xf32, #tpu.memory_space<vmem>>, vector<1000x512xf32>
    tpu.vector_store %arg5[%swap3A_13, %swap3A_14], %dot_general3A_12 {strides = array<i32>} : memref<1000x512xf32, #tpu.memory_space<vmem>>, vector<1000x512xf32>,
    return
  }
  func.func @transform_0(%arg0: i32) -> (i32, i32) {
    %c0_i32 = arith.constant 0 : i32
    %c0_i32_0 = arith.constant 0 : i32
    return %arg0, %c0_i32 : i32, i32
  }
  func.func @transform_1(%arg0: i32) -> (i32, i32) {
    %c0_i32 = arith.constant 0 : i32
    %c0_i32_0 = arith.constant 0 : i32
    %c0_i32_1 = arith.constant 0 : i32
    return %c0_i32, %c0_i32_0 : i32, i32
  }
  func.func @transform_2(%arg0: i32) -> (i32, i32) {
    %c0_i32 = arith.constant 0 : i32
    %c0_i32_0 = arith.constant 0 : i32
    %c0_i32_1 = arith.constant 0 : i32
    return %c0_i32, %c0_i32_0 : i32, i32
  }
  func.func @transform_3(%arg0: i32) -> (i32, i32) {
    %c0_i32 = arith.constant 0 : i32
    %c0_i32_0 = arith.constant 0 : i32
    return %arg0, %c0_i32 : i32, i32
  }
  func.func @transform_4(%arg0: i32) -> (i32, i32) {
    %c0_i32 = arith.constant 0 : i32
    %c0_i32_0 = arith.constant 0 : i32
    return %arg0, %c0_i32 : i32, i32
  }
}

module attributes {stable_mosaic.version = 14 : i64} {
  func.func @_node_tables_res_body(%arg0: i32, %arg1: memref<1000x256xf32, #tpu.memory_space<vmem>>, %arg2: memref<1000x64xf32, #tpu.memory_space<vmem>>, %arg3: memref<1000x64xf32, #tpu.memory_space<vmem>>, %arg4: memref<1000x64xf32, #tpu.memory_space<vmem>>, %arg5: memref<1000x64xf32, #tpu.memory_space<vmem>>, %arg6: memref<256x512xf32, #tpu.memory_space<vmem>>, %arg7: memref<256x512xf32, #tpu.memory_space<vmem>>, %arg8: memref<1000x512xf32, #tpu.memory_space<vmem>>, %arg9: memref<1000x512xf32, #tpu.memory_space<vmem>>, %arg10: memref<1000x256xf32, #tpu.memory_space<vmem>>) attributes {dimension_semantics = [#tpu.dimension_semantics<arbitrary>], iteration_bounds = array<i64: 10>, scalar_prefetch = 0 : i64, scratch_operands = 0 : i64, tpu.core_type = #tpu.core_type<tc>, window_params = [{transform_indices = @transform_0, window_bounds = array<i64: 1000, 256>}, {transform_indices = @transform_1, window_bounds = array<i64: 1000, 64>}, {transform_indices = @transform_2, window_bounds = array<i64: 1000, 64>}, {transform_indices = @transform_3, window_bounds = array<i64: 1000, 64>}, {transform_indices = @transform_4, window_bounds = array<i64: 1000, 64>}, {pipeline_mode = #tpu.pipeline_mode<synchronous>, transform_indices = @transform_5, window_bounds = array<i64: 256, 512>}, {pipeline_mode = #tpu.pipeline_mode<synchronous>, transform_indices = @transform_6, window_bounds = array<i64: 256, 512>}, {transform_indices = @transform_7, window_bounds = array<i64: 1000, 512>}, {transform_indices = @transform_8, window_bounds = array<i64: 1000, 512>}, {transform_indices = @transform_9, window_bounds = array<i64: 1000, 256>}]} {
    %get3A = arith.constant 0 : index
    %get3A_0 = arith.constant 0 : index
    %get3A_1 = vector.load %arg1[%get3A, %get3A_0] : memref<1000x256xf32, #tpu.memory_space<vmem>>, vector<1000x256xf32>
    %get3A_2 = arith.constant 0 : index
    %get3A_3 = arith.constant 0 : index
    %get3A_4 = vector.load %arg2[%get3A_2, %get3A_3] : memref<1000x64xf32, #tpu.memory_space<vmem>>, vector<1000x64xf32>
    %get3A_5 = arith.constant 0 : index
    %get3A_6 = arith.constant 0 : index
    %get3A_7 = vector.load %arg3[%get3A_5, %get3A_6] : memref<1000x64xf32, #tpu.memory_space<vmem>>, vector<1000x64xf32>
    %get3A_8 = arith.constant 0 : index
    %get3A_9 = arith.constant 0 : index
    %get3A_10 = vector.load %arg4[%get3A_8, %get3A_9] : memref<1000x64xf32, #tpu.memory_space<vmem>>, vector<1000x64xf32>
    %get3A_11 = arith.constant 0 : index
    %get3A_12 = arith.constant 0 : index
    %get3A_13 = vector.load %arg5[%get3A_11, %get3A_12] : memref<1000x64xf32, #tpu.memory_space<vmem>>, vector<1000x64xf32>
    %concatenate3A = tpu.concatenate %get3A_4, %get3A_7, %get3A_10, %get3A_13 in 1 : vector<1000x64xf32>, vector<1000x64xf32>, vector<1000x64xf32>, vector<1000x64xf32> -> vector<1000x256xf32>
    %add3A = arith.addf %get3A_1, %concatenate3A : vector<1000x256xf32>
    %max3A = arith.constant 0.000000e+00 : f32
    %max3A_14 = vector.broadcast %max3A : f32 to vector<1000x256xf32>
    %max3A_15 = arith.maximumf %add3A, %max3A_14 : vector<1000x256xf32>
    %swap3A = arith.constant 0 : index
    %swap3A_16 = arith.constant 0 : index
    %swap3A_17 = vector.load %arg10[%swap3A, %swap3A_16] : memref<1000x256xf32, #tpu.memory_space<vmem>>, vector<1000x256xf32>
    tpu.vector_store %arg10[%swap3A, %swap3A_16], %max3A_15 {strides = array<i32>} : memref<1000x256xf32, #tpu.memory_space<vmem>>, vector<1000x256xf32>,
    %get3A_18 = arith.constant 0 : index
    %get3A_19 = arith.constant 0 : index
    %get3A_20 = vector.load %arg6[%get3A_18, %get3A_19] : memref<256x512xf32, #tpu.memory_space<vmem>>, vector<256x512xf32>
    %dot_general3A = arith.constant dense<0.000000e+00> : vector<1000x512xf32>
    %dot_general3A_21 = tpu.matmul %max3A_15, %get3A_20, %dot_general3A {dimension_numbers = #tpu.dot_dimension_numbers<[1], [0], [0], [1], [0, 0, 1, 1], [], []>, transpose_lhs_hint = false} : vector<1000x256xf32>, vector<256x512xf32>, vector<1000x512xf32> -> vector<1000x512xf32>
    %swap3A_22 = arith.constant 0 : index
    %swap3A_23 = arith.constant 0 : index
    %swap3A_24 = vector.load %arg8[%swap3A_22, %swap3A_23] : memref<1000x512xf32, #tpu.memory_space<vmem>>, vector<1000x512xf32>
    tpu.vector_store %arg8[%swap3A_22, %swap3A_23], %dot_general3A_21 {strides = array<i32>} : memref<1000x512xf32, #tpu.memory_space<vmem>>, vector<1000x512xf32>,
    %get3A_25 = arith.constant 0 : index
    %get3A_26 = arith.constant 0 : index
    %get3A_27 = vector.load %arg7[%get3A_25, %get3A_26] : memref<256x512xf32, #tpu.memory_space<vmem>>, vector<256x512xf32>
    %dot_general3A_28 = arith.constant dense<0.000000e+00> : vector<1000x512xf32>
    %dot_general3A_29 = tpu.matmul %max3A_15, %get3A_27, %dot_general3A_28 {dimension_numbers = #tpu.dot_dimension_numbers<[1], [0], [0], [1], [0, 0, 1, 1], [], []>, transpose_lhs_hint = false} : vector<1000x256xf32>, vector<256x512xf32>, vector<1000x512xf32> -> vector<1000x512xf32>
    %swap3A_30 = arith.constant 0 : index
    %swap3A_31 = arith.constant 0 : index
    %swap3A_32 = vector.load %arg9[%swap3A_30, %swap3A_31] : memref<1000x512xf32, #tpu.memory_space<vmem>>, vector<1000x512xf32>
    tpu.vector_store %arg9[%swap3A_30, %swap3A_31], %dot_general3A_29 {strides = array<i32>} : memref<1000x512xf32, #tpu.memory_space<vmem>>, vector<1000x512xf32>,
    return
  }
  func.func @transform_0(%arg0: i32) -> (i32, i32) {
    %c0_i32 = arith.constant 0 : i32
    %c0_i32_0 = arith.constant 0 : i32
    return %arg0, %c0_i32 : i32, i32
  }
  func.func @transform_1(%arg0: i32) -> (i32, i32) {
    %c0_i32 = arith.constant 0 : i32
    %c0_i32_0 = arith.constant 0 : i32
    return %arg0, %c0_i32 : i32, i32
  }
  func.func @transform_2(%arg0: i32) -> (i32, i32) {
    %c0_i32 = arith.constant 0 : i32
    %c0_i32_0 = arith.constant 0 : i32
    return %arg0, %c0_i32 : i32, i32
  }
  func.func @transform_3(%arg0: i32) -> (i32, i32) {
    %c0_i32 = arith.constant 0 : i32
    %c0_i32_0 = arith.constant 0 : i32
    return %arg0, %c0_i32 : i32, i32
  }
  func.func @transform_4(%arg0: i32) -> (i32, i32) {
    %c0_i32 = arith.constant 0 : i32
    %c0_i32_0 = arith.constant 0 : i32
    return %arg0, %c0_i32 : i32, i32
  }
  func.func @transform_5(%arg0: i32) -> (i32, i32) {
    %c0_i32 = arith.constant 0 : i32
    %c0_i32_0 = arith.constant 0 : i32
    %c0_i32_1 = arith.constant 0 : i32
    return %c0_i32, %c0_i32_0 : i32, i32
  }
  func.func @transform_6(%arg0: i32) -> (i32, i32) {
    %c0_i32 = arith.constant 0 : i32
    %c0_i32_0 = arith.constant 0 : i32
    %c0_i32_1 = arith.constant 0 : i32
    return %c0_i32, %c0_i32_0 : i32, i32
  }
  func.func @transform_7(%arg0: i32) -> (i32, i32) {
    %c0_i32 = arith.constant 0 : i32
    %c0_i32_0 = arith.constant 0 : i32
    return %arg0, %c0_i32 : i32, i32
  }
  func.func @transform_8(%arg0: i32) -> (i32, i32) {
    %c0_i32 = arith.constant 0 : i32
    %c0_i32_0 = arith.constant 0 : i32
    return %arg0, %c0_i32 : i32, i32
  }
  func.func @transform_9(%arg0: i32) -> (i32, i32) {
    %c0_i32 = arith.constant 0 : i32
    %c0_i32_0 = arith.constant 0 : i32
    return %arg0, %c0_i32 : i32, i32
  }
}

module attributes {stable_mosaic.version = 14 : i64} {
  func.func @_pool_body(%arg0: i32, %arg1: memref<1000x256xf32, #tpu.memory_space<vmem>>, %arg2: memref<1000x64xf32, #tpu.memory_space<vmem>>, %arg3: memref<1000x64xf32, #tpu.memory_space<vmem>>, %arg4: memref<1000x64xf32, #tpu.memory_space<vmem>>, %arg5: memref<1000x64xf32, #tpu.memory_space<vmem>>, %arg6: memref<1x1x1000xi32, #tpu.memory_space<vmem>>, %arg7: memref<16x256xf32, #tpu.memory_space<vmem>>) attributes {dimension_semantics = [#tpu.dimension_semantics<arbitrary>], iteration_bounds = array<i64: 10>, scalar_prefetch = 0 : i64, scratch_operands = 0 : i64, tpu.core_type = #tpu.core_type<tc>, window_params = [{transform_indices = @transform_0, window_bounds = array<i64: 1000, 256>}, {transform_indices = @transform_1, window_bounds = array<i64: 1000, 64>}, {transform_indices = @transform_2, window_bounds = array<i64: 1000, 64>}, {transform_indices = @transform_3, window_bounds = array<i64: 1000, 64>}, {transform_indices = @transform_4, window_bounds = array<i64: 1000, 64>}, {transform_indices = @transform_5, window_bounds = array<i64: 1, 1, 1000>}, {pipeline_mode = #tpu.pipeline_mode<synchronous>, transform_indices = @transform_6, window_bounds = array<i64: 16, 256>}]} {
    %eq3A = arith.constant 0 : i32
    %eq3A_0 = arith.cmpi eq, %arg0, %eq3A : i32
    %convert_element_type3A = arith.extui %eq3A_0 : i1 to i32
    %cond3A = arith.constant 0 : i32
    %cond3A_1 = arith.cmpi ne, %convert_element_type3A, %cond3A : i32
    scf.if %cond3A_1 {
      %broadcast_in_dim3A = arith.constant 0.000000e+00 : f32
      %broadcast_in_dim3A_34 = vector.broadcast %broadcast_in_dim3A : f32 to vector<16x256xf32>
      %swap3A_35 = arith.constant 0 : index
      %swap3A_36 = arith.constant 0 : index
      %swap3A_37 = vector.load %arg7[%swap3A_35, %swap3A_36] : memref<16x256xf32, #tpu.memory_space<vmem>>, vector<16x256xf32>
      tpu.vector_store %arg7[%swap3A_35, %swap3A_36], %broadcast_in_dim3A_34 {strides = array<i32>} : memref<16x256xf32, #tpu.memory_space<vmem>>, vector<16x256xf32>,
    } else {
    }
    %get3A = arith.constant 0 : index
    %get3A_2 = arith.constant 0 : index
    %get3A_3 = vector.load %arg1[%get3A, %get3A_2] : memref<1000x256xf32, #tpu.memory_space<vmem>>, vector<1000x256xf32>
    %get3A_4 = arith.constant 0 : index
    %get3A_5 = arith.constant 0 : index
    %get3A_6 = vector.load %arg2[%get3A_4, %get3A_5] : memref<1000x64xf32, #tpu.memory_space<vmem>>, vector<1000x64xf32>
    %get3A_7 = arith.constant 0 : index
    %get3A_8 = arith.constant 0 : index
    %get3A_9 = vector.load %arg3[%get3A_7, %get3A_8] : memref<1000x64xf32, #tpu.memory_space<vmem>>, vector<1000x64xf32>
    %get3A_10 = arith.constant 0 : index
    %get3A_11 = arith.constant 0 : index
    %get3A_12 = vector.load %arg4[%get3A_10, %get3A_11] : memref<1000x64xf32, #tpu.memory_space<vmem>>, vector<1000x64xf32>
    %get3A_13 = arith.constant 0 : index
    %get3A_14 = arith.constant 0 : index
    %get3A_15 = vector.load %arg5[%get3A_13, %get3A_14] : memref<1000x64xf32, #tpu.memory_space<vmem>>, vector<1000x64xf32>
    %concatenate3A = tpu.concatenate %get3A_6, %get3A_9, %get3A_12, %get3A_15 in 1 : vector<1000x64xf32>, vector<1000x64xf32>, vector<1000x64xf32>, vector<1000x64xf32> -> vector<1000x256xf32>
    %add3A = arith.addf %get3A_3, %concatenate3A : vector<1000x256xf32>
    %max3A = arith.constant 0.000000e+00 : f32
    %max3A_16 = vector.broadcast %max3A : f32 to vector<1000x256xf32>
    %max3A_17 = arith.maximumf %add3A, %max3A_16 : vector<1000x256xf32>
    %get3A_18 = arith.constant 0 : index
    %get3A_19 = arith.constant 0 : index
    %get3A_20 = arith.constant 0 : index
    %get3A_21 = vector.load %arg6[%get3A_18, %get3A_19, %get3A_20] : memref<1x1x1000xi32, #tpu.memory_space<vmem>>, vector<1x1x1000xi32>
    %get3A_22 = vector.shape_cast %get3A_21 : vector<1x1x1000xi32> to vector<1x1000xi32>
    %iota3A = tpu.iota {dimensions = array<i32: 0>} : vector<16x1000xi32>
    %eq3A_23 = vector.broadcast %get3A_22 : vector<1x1000xi32> to vector<16x1000xi32>
    %eq3A_24 = arith.cmpi eq, %eq3A_23, %iota3A : vector<16x1000xi32>
    %convert_element_type3A_25 = arith.extui %eq3A_24 : vector<16x1000xi1> to vector<16x1000xi32>
    %convert_element_type3A_26 = arith.sitofp %convert_element_type3A_25 : vector<16x1000xi32> to vector<16x1000xf32>
    %get3A_27 = arith.constant 0 : index
    %get3A_28 = arith.constant 0 : index
    %get3A_29 = vector.load %arg7[%get3A_27, %get3A_28] : memref<16x256xf32, #tpu.memory_space<vmem>>, vector<16x256xf32>
    %dot_general3A = arith.constant dense<0.000000e+00> : vector<16x256xf32>
    %dot_general3A_30 = tpu.matmul %convert_element_type3A_26, %max3A_17, %dot_general3A {dimension_numbers = #tpu.dot_dimension_numbers<[1], [0], [0], [1], [0, 0, 1, 1], [], []>, transpose_lhs_hint = false} : vector<16x1000xf32>, vector<1000x256xf32>, vector<16x256xf32> -> vector<16x256xf32>
    %add3A_31 = arith.addf %get3A_29, %dot_general3A_30 : vector<16x256xf32>
    %swap3A = arith.constant 0 : index
    %swap3A_32 = arith.constant 0 : index
    %swap3A_33 = vector.load %arg7[%swap3A, %swap3A_32] : memref<16x256xf32, #tpu.memory_space<vmem>>, vector<16x256xf32>
    tpu.vector_store %arg7[%swap3A, %swap3A_32], %add3A_31 {strides = array<i32>} : memref<16x256xf32, #tpu.memory_space<vmem>>, vector<16x256xf32>,
    return
  }
  func.func @transform_0(%arg0: i32) -> (i32, i32) {
    %c0_i32 = arith.constant 0 : i32
    %c0_i32_0 = arith.constant 0 : i32
    return %arg0, %c0_i32 : i32, i32
  }
  func.func @transform_1(%arg0: i32) -> (i32, i32) {
    %c0_i32 = arith.constant 0 : i32
    %c0_i32_0 = arith.constant 0 : i32
    return %arg0, %c0_i32 : i32, i32
  }
  func.func @transform_2(%arg0: i32) -> (i32, i32) {
    %c0_i32 = arith.constant 0 : i32
    %c0_i32_0 = arith.constant 0 : i32
    return %arg0, %c0_i32 : i32, i32
  }
  func.func @transform_3(%arg0: i32) -> (i32, i32) {
    %c0_i32 = arith.constant 0 : i32
    %c0_i32_0 = arith.constant 0 : i32
    return %arg0, %c0_i32 : i32, i32
  }
  func.func @transform_4(%arg0: i32) -> (i32, i32) {
    %c0_i32 = arith.constant 0 : i32
    %c0_i32_0 = arith.constant 0 : i32
    return %arg0, %c0_i32 : i32, i32
  }
  func.func @transform_5(%arg0: i32) -> (i32, i32, i32) {
    %c0_i32 = arith.constant 0 : i32
    %c0_i32_0 = arith.constant 0 : i32
    %c0_i32_1 = arith.constant 0 : i32
    return %arg0, %c0_i32, %c0_i32_0 : i32, i32, i32
  }
  func.func @transform_6(%arg0: i32) -> (i32, i32) {
    %c0_i32 = arith.constant 0 : i32
    %c0_i32_0 = arith.constant 0 : i32
    %c0_i32_1 = arith.constant 0 : i32
    return %c0_i32, %c0_i32_0 : i32, i32
  }
}

module attributes {stable_mosaic.version = 14 : i64} {
  func.func @_probe_body(%arg0: memref<16x256xf32, #tpu.memory_space<vmem>>, %arg1: memref<1x10000xi32, #tpu.memory_space<vmem>>, %arg2: memref<1x256xf32, #tpu.memory_space<vmem>>, %arg3: memref<1xf32, #tpu.memory_space<vmem>>, %arg4: memref<16x1xf32, #tpu.memory_space<vmem>>) attributes {dimension_semantics = [], scalar_prefetch = 0 : i64, scratch_operands = 0 : i64, tpu.core_type = #tpu.core_type<tc>} {
    %get3A = arith.constant 0 : index
    %get3A_0 = arith.constant 0 : index
    %get3A_1 = vector.load %arg1[%get3A, %get3A_0] : memref<1x10000xi32, #tpu.memory_space<vmem>>, vector<1x10000xi32>
    %iota3A = tpu.iota {dimensions = array<i32: 0>} : vector<16x10000xi32>
    %eq3A = vector.broadcast %get3A_1 : vector<1x10000xi32> to vector<16x10000xi32>
    %eq3A_2 = arith.cmpi eq, %eq3A, %iota3A : vector<16x10000xi32>
    %convert_element_type3A = arith.extui %eq3A_2 : vector<16x10000xi1> to vector<16x10000xi32>
    %convert_element_type3A_3 = arith.sitofp %convert_element_type3A : vector<16x10000xi32> to vector<16x10000xf32>
    %reduce_sum3A = arith.constant dense<0.000000e+00> : vector<16xf32>
    %reduce_sum3A_4 = vector.multi_reduction <add>, %convert_element_type3A_3, %reduce_sum3A [1] : vector<16x10000xf32> to vector<16xf32>
    %broadcast_in_dim3A = vector.shape_cast %reduce_sum3A_4 : vector<16xf32> to vector<16x1xf32>
    %get3A_5 = arith.constant 0 : index
    %get3A_6 = arith.constant 0 : index
    %get3A_7 = vector.load %arg0[%get3A_5, %get3A_6] : memref<16x256xf32, #tpu.memory_space<vmem>>, vector<16x256xf32>
    %max3A = arith.constant 1.000000e+00 : f32
    %max3A_8 = vector.broadcast %max3A : f32 to vector<16x1xf32>
    %max3A_9 = arith.maximumf %broadcast_in_dim3A, %max3A_8 : vector<16x1xf32>
    %div3A = vector.broadcast %max3A_9 : vector<16x1xf32> to vector<16x256xf32>
    %div3A_10 = arith.divf %get3A_7, %div3A : vector<16x256xf32>
    %get3A_11 = arith.constant 0 : index
    %get3A_12 = arith.constant 0 : index
    %get3A_13 = vector.load %arg2[%get3A_11, %get3A_12] : memref<1x256xf32, #tpu.memory_space<vmem>>, vector<1x256xf32>
    %mul3A = vector.broadcast %get3A_13 : vector<1x256xf32> to vector<16x256xf32>
    %mul3A_14 = arith.mulf %div3A_10, %mul3A : vector<16x256xf32>
    %reduce_sum3A_15 = arith.constant dense<0.000000e+00> : vector<16xf32>
    %reduce_sum3A_16 = vector.multi_reduction <add>, %mul3A_14, %reduce_sum3A_15 [1] : vector<16x256xf32> to vector<16xf32>
    %broadcast_in_dim3A_17 = vector.shape_cast %reduce_sum3A_16 : vector<16xf32> to vector<16x1xf32>
    %get3A_18 = arith.constant 0 : index
    %get3A_19 = vector.load %arg3[%get3A_18] : memref<1xf32, #tpu.memory_space<vmem>>, vector<1xf32>
    %get3A_20 = vector.extract %get3A_19[0] : f32 from vector<1xf32>
    %add3A = vector.broadcast %get3A_20 : f32 to vector<16x1xf32>
    %add3A_21 = arith.addf %broadcast_in_dim3A_17, %add3A : vector<16x1xf32>
    %swap3A = arith.constant 0 : index
    %swap3A_22 = arith.constant 0 : index
    %swap3A_23 = vector.load %arg4[%swap3A, %swap3A_22] : memref<16x1xf32, #tpu.memory_space<vmem>>, vector<16x1xf32>
    tpu.vector_store %arg4[%swap3A, %swap3A_22], %add3A_21 {strides = array<i32>} : memref<16x1xf32, #tpu.memory_space<vmem>>, vector<16x1xf32>,
    return
  }
}

</mosaic_0001>

<sc_bundles>
// kernel: kernel.16.cloned.1.call-start
scs
__scs_entry_jumppad:
0x0: {  	(pc) =	sbr.rel $0x88, $3  }
0x1: {  	(tag) =	ssettag $0x0;
	lr =	simm.s32 $0x1  }
0x2: {  	[smem:$0x3F8D] =	sst lr;
	_ =	strace $0xD0000000  }
0x3: {  	_ = 	snop  }
0x4: {  	_ = 	snop  }
0x5: {  	_ = 	snop  }
0x6: {  	_ = 	snop  }
0x7: {  	_ = 	snop  }
__scs_overlays_trampoline_lowered:
0x8: {  	[smem:$0x3F9C] =	sst s0  }
0x9: {  	[smem:$0x3F9D] =	sst s1  }
0xa: {  	[smem:$0x3F9E] =	sst s2  }
0xb: {  	[smem:$0x3F9F] =	sst s3  }
0xc: {  	[smem:$0x3FA0] =	sst s4  }
0xd: {  	[smem:$0x3FA1] =	sst s5  }
0xe: {  	[smem:$0x3FA2] =	sst s6  }
0xf: {  	[smem:$0x3FA3] =	sst s7  }
0x10: {  	[smem:$0x3FA4] =	sst s8  }
0x11: {  	[smem:$0x3FA5] =	sst s9;
	s0 =	simm.s32 @!p0 $0x0  }
0x12: {  	s1 =	sld [smem:$0x3F8B];
	s0 =	simm.s32 @p0 $0x1  }
0x13: {  	[smem:$0x3FA6] =	sst s0;
	s0 =	simm.s32 @!p1 $0x0  }
0x14: {  	s2 =	sld [smem:$0x3F8A];
	s0 =	simm.s32 @p1 $0x1  }
0x15: {  	[smem:$0x3FA7] =	sst s0;
	s0 =	simm.s32 @!p2 $0x0  }
0x16: {  	s3 =	sld [smem:$0x3FDB];
	s0 =	simm.s32 @p2 $0x1  }
0x17: {  	s4 =	simm.s32 $0x1BF5;
	[smem:$0x3FA9] =	sst s0  }
0x18: {  	s0 =	sld [smem:$0x3F8C];
	_ =	swait.ge [sflag:s4], $0x0  }
0x19: {  	s7 =	sld [smem:$0x3F8D]  }
0x1a: {  	s8 =	sadd.s32 $0xFFFFE003, lr  }
0x1b: {  	s9 =	sadd.s32 $0xFFFFFEF7, lr;
	s5 =	simm.s32 $0xFFFFFFFF;
	p2 =	slt.u32 s8, $0xFFFFF086  }
0x1c: {  	p1 =	slt.u32 s9, $0xF7A;
	s5 =	simm.s32 @!p2 $0x0  }
0x1d: {  	s5 =	simm.s32 @p1 $0x1;
	p0 =	seq.s32 s7, s2  }
0x1e: {  	s7 =	smul.u32 @!p0 $0xF7A, s2;
	p2 =	seq.s32 @!p0 s5, $0x0  }
0x1f: {  	s9 =	smul.u32 $0xF7A, s1;
	s8 =	simm.s32 @!p0 $0x1BF5;
	p2 =	por !p2, p0  }
0x20: {  	[sflag:s8] =	ssyncset.s32 @!p0 $0xFFFFF086;
	s6 =	sadd.s32 @!p0 s3, s7;
	s7 =	simm.s32 @!p0 $0x108  }
0x21: {  	s3 =	sadd.s32 s3, s9;
	s6 =	sadd.s32 @!p0 $0x88, s6;
	s7 =	simm.s32 @p2 $0x1082  }
0x22: {  	[simem:s7], [sflag:s8] =	dma.local @!p0 [hbm:s6], $0xF7A  }
0x23: {  	s9 =	sor.u32 $0xD0000000, s2;
	s6 =	simm.s32 $0x108;
	_ =	swait.ge @!p0 [sflag:s8], $0x0  }
0x24: {  	s3 =	sadd.s32 $0x88, s3;
	s6 =	simm.s32 @!p1 $0x1082;
	[sflag:s4] =	ssyncset.s32 $0xFFFFF086  }
0x25: {  	[simem:s6], [sflag:s4] =	dma.local [hbm:s3], $0xF7A  }
0x26: {  	[smem:$0x3F8D] =	sst s1;
	(tag) =	ssettag s2;
	_ =	strace s9  }
0x27: {  	s1 =	sld [smem:$0x3F9D]  }
0x28: {  	s2 =	sld [smem:$0x3F9E]  }
0x29: {  	s4 =	sld [smem:$0x3FA0]  }
0x2a: {  	p0 =	seq.s32 s5, $0x0;
	s5 =	sld [smem:$0x3FA1]  }
0x2b: {  	s6 =	sld [smem:$0x3FA2]  }
0x2c: {  	s7 =	sld [smem:$0x3FA3]  }
0x2d: {  	s3 =	simm.s32 $0x108;
	s8 =	sld [smem:$0x3FA4]  }
0x2e: {  	s3 =	simm.s32 @!p0 $0x1082;
	s9 =	sld [smem:$0x3FA5]  }
0x2f: {  	lr =	sadd.s32 s0, s3;
	s0 =	sld [smem:$0x3F9C]  }
0x30: {  	s3 =	sld [smem:$0x3F9F]  }
0x31: {  	[smem:$0x3FA8] =	sst s10  }
0x32: {  	s10 =	sld [smem:$0x3FA6];
	_ =	sdelay $0x3  }
0x33: {  	p0 =	seq.s32 s10, $0x1;
	s10 =	sld [smem:$0x3FA8];
	_ =	sdelay $0x3  }
0x34: {  	[smem:$0x3FA8] =	sst s10  }
0x35: {  	s10 =	sld [smem:$0x3FA7];
	_ =	sdelay $0x3  }
0x36: {  	p1 =	seq.s32 s10, $0x1;
	s10 =	sld [smem:$0x3FA8];
	_ =	sdelay $0x3  }
0x37: {  	[smem:$0x3FA8] =	sst s10  }
0x38: {  	s10 =	sld [smem:$0x3FA9]  }
0x39: {  	_ = 	snop;
	(pc) =	sbr.ind lr, $3  }
0x3a: {  	_ = 	snop  }
0x3b: {  	_ = 	snop  }
0x3c: {  	p2 =	seq.s32 s10, $0x1;
	s10 =	sld [smem:$0x3FA8]  }
0x3d: {  	_ =	shalt  }
0x3e: {  	_ =	shalt  }
0x3f: {  	_ =	shalt  }
0x40: {  	_ =	shalt  }
0x41: {  	_ =	shalt  }
0x42: {  	_ =	shalt  }
0x43: {  	_ =	shalt  }
0x44: {  	_ =	shalt  }
0x45: {  	_ =	shalt  }
0x46: {  	_ =	shalt  }
0x47: {  	_ =	shalt  }
0x48: {  	_ =	shalt  }
0x49: {  	_ =	shalt  }
0x4a: {  	_ =	shalt  }
0x4b: {  	_ =	shalt  }
0x4c: {  	_ =	shalt  }
0x4d: {  	_ =	shalt  }
0x4e: {  	_ =	shalt  }
0x4f: {  	_ =	shalt  }
0x50: {  	_ =	shalt  }
0x51: {  	_ =	shalt  }
0x52: {  	_ =	shalt  }
0x53: {  	_ =	shalt  }
0x54: {  	_ =	shalt  }
0x55: {  	_ =	shalt  }
0x56: {  	_ =	shalt  }
0x57: {  	_ =	shalt  }
0x58: {  	_ =	shalt  }
0x59: {  	_ =	shalt  }
0x5a: {  	_ =	shalt  }
0x5b: {  	_ =	shalt  }
0x5c: {  	_ =	shalt  }
0x5d: {  	_ =	shalt  }
0x5e: {  	_ =	shalt  }
0x5f: {  	_ =	shalt  }
0x60: {  	_ =	shalt  }
0x61: {  	_ =	shalt  }
0x62: {  	_ =	shalt  }
0x63: {  	_ =	shalt  }
0x64: {  	_ =	shalt  }
0x65: {  	_ =	shalt  }
0x66: {  	_ =	shalt  }
0x67: {  	_ =	shalt  }
0x68: {  	_ =	shalt  }
0x69: {  	_ =	shalt  }
0x6a: {  	_ =	shalt  }
0x6b: {  	_ =	shalt  }
0x6c: {  	_ =	shalt  }
0x6d: {  	_ =	shalt  }
0x6e: {  	_ =	shalt  }
0x6f: {  	_ =	shalt  }
0x70: {  	_ =	shalt  }
0x71: {  	_ =	shalt  }
0x72: {  	_ =	shalt  }
0x73: {  	_ =	shalt  }
0x74: {  	_ =	shalt  }
0x75: {  	_ =	shalt  }
0x76: {  	_ =	shalt  }
0x77: {  	_ =	shalt  }
0x78: {  	_ =	shalt  }
0x79: {  	_ =	shalt  }
0x7a: {  	_ =	shalt  }
0x7b: {  	_ =	shalt  }
0x7c: {  	_ =	shalt  }
0x7d: {  	_ =	shalt  }
0x7e: {  	_ =	shalt  }
0x7f: {  	_ =	shalt  }
0x80: {  	_ =	shalt  }
0x81: {  	_ =	shalt  }
0x82: {  	_ =	shalt  }
0x83: {  	_ =	shalt  }
0x84: {  	_ =	shalt  }
0x85: {  	_ =	shalt  }
0x86: {  	_ =	shalt  }
0x87: {  	_ =	shalt  }
.Lfunc_end0:
.L_simem_size_0:
called_computation_lowered:
.L_overlay_start_0:
0x88: {  	s2 =	sld [smem:$0x3FD9]  }
0x89: {  	s3 =	sld [smem:$0x3FFE];
	_ =	sdelay $0x1  }
0x8a: {  	s1 =	srdreg.scid  }
0x8b: {  	s0 =	sand.u32 $0x1, s1  }
0x8c: {  	s16 =	sshll.u32 s0, $0xA;
	s2 =	sadd.s32 s3, s2  }
0x8d: {  	s2 =	sadd.s32 s2, s16  }
0x8e: {  	[smem:$0x3FB4] =	sst s2  }
0x8f: {  	_ = 	snop  }
0x90: {  	(tm) =	ssettm $0x1  }
0x91: {  	s17 =	sld [smem:$0x3FFB];
	_ =	sdelay $0x3  }
0x92: {  	_ =	strace s17  }
0x93: {  	s2 =	sld [smem:$0x3FFC];
	_ =	sdelay $0x3  }
0x94: {  	_ =	strace s2  }
0x95: {  	s2 =	sld [smem:$0x3FFD];
	_ =	sdelay $0x3  }
0x96: {  	_ =	strace s2  }
0x97: {  	_ =	strace $0x8FFFFFFF  }
0x98: {  	s18 =	sld [smem:$0x3FDB];
	_ =	sdelay $0x1  }
0x99: {  	s19 =	simm.s32 $_scs_section_size  }
0x9a: {  	s4 =	simm.s32 $_size__tile_overlayer_lowered;
	s5 =	simm.s32 $_tile_overlayer_lowered  }
0x9b: {  	s22 =	simm.s32 $0x1BFF;
	s21 =	sshll.u32 s5, $0x1;
	s2 =	sadd.s32 s19, s18  }
0x9c: {  	s6 =	simm.s32 $0x0;
	s20 =	sshll.u32 s4, $0x1;
	s4 =	sadd.s32 s21, s2  }
0x9d: {  	[timem:s6], [sflag:s22] =	dma.local [hbm:s4], s20  }
0x9e: {  	_ =	swait.ge [sflag:s22], s20  }
0x9f: {  	s3 =	ssub.s32 $0x0, s20;
	[sflag:s22] =	ssyncset.done $0x0  }
0xa0: {  	[sflag:s22] =	ssyncadd.s32 s3;
	_ =	sdelay $0x1  }
0xa1: {  	s23 =	simm.s32 $0x1B8B  }
0xa2: {  	_ =	swait.ge [sflag:s23], $0x1  }
0xa3: {  	[sflag:s23] =	ssyncset.done $0x0  }
0xa4: {  	s25 =	simm.s32 $0x1B8E;
	s24 =	sld [smem:$0x3FFE];
	[sflag:s23] =	ssyncadd.s32 $0xFFFFFFFF  }
0xa5: {  	s26 =	simm.s32 $execute0_lowered;
	[smem:$0x3FD2] =	sst s25  }
0xa6: {  	s4 =	sshll.u32 s26, $0x1;
	_ =	strace $0x80000046;
	[dreg:$0x1] =	wrdreg $0xFFFFFFFF  }
0xa7: {  	s28 =	simm.s32 $_size_execute0_lowered;
	s2 =	sadd.s32 s2, s4;
	[dreg:$0x0] =	wrdreg $0x0  }
0xa8: {  	s4 =	sshll.u32 s28, $0x1;
	[dreg:$0x2] =	wrdreg s2  }
0xa9: {  	[dreg:$0x3] =	wrdreg s4  }
0xaa: {  	[dreg:$0x4] =	wrdreg $0xC0  }
0xab: {  	_ =	task [dreg:s6], $0x5FFFF  }
0xac: {  	[dreg:$0x1] =	wrdreg $0xFFFFFFFF  }
0xad: {  	[dreg:$0x0] =	wrdreg $0x60  }
0xae: {  	[dreg:$0x2] =	wrdreg s24  }
0xaf: {  	[dreg:$0x3] =	wrdreg $0xB8800  }
0xb0: {  	[dreg:$0x4] =	wrdreg $0x9  }
0xb1: {  	_ =	task.clear_ibuf [dreg:s6], $0x5FFFF;
	_ =	strace $0x90000046  }
0xb2: {  	s29 =	simm.s32 $0x9;
	_ =	strace $0x80000048  }
0xb3: {  	_ =	swait.ge [sflag:s29], $0x1  }
0xb4: {  	[sflag:s29] =	ssyncadd.s32 $0xFFFFFFFF  }
0xb5: {  	_ =	strace $0x90000048  }
0xb6: {  	_ =	sfence  }
0xb7: {  	s30 =	sld [smem:$0x0];
	_ =	sdelay $0x2  }
0xb8: {  	s31 =	sshll.u32 s1, $0xD;
	s1 =	sshrl.u32 s1, $0x2  }
0xb9: {  	s3 =	sand.u32 $0x4000, s31;
	s1 =	sadd.s32 s1, s30  }
0xba: {  	s0 =	sor.u32 s3, s0;
	s1 =	sshll.u32 s1, $0x11  }
0xbb: {  	s0 =	sor.u32 s1, s0  }
0xbc: {  	s0 =	sadd.s32 $0x8F2B, s0  }
0xbd: {  	[sflag:s0] =	ssyncadd.remote.s32 $0x1  }
0xbe: {  	_ =	sfence.sel $0xFFFF  }
0xbf: {  	[dreg:$0x0] =	wrdreg $0xFFFFFFFF;
	(pc) =	sbr.abs _section_cstart, $3  }
0xc0: {  	[dreg:$0x1] =	wrdreg $0xFFFFFFFF  }
0xc1: {  	_ =	task.clear_ibuf [dreg:s6], $0x2FFFF;
	_ =	strace $0x9FFFFFFF  }
0xc2: {  	(tm) =	ssettm $0x7FFFFFFF  }
0xc3: {  	_ =	shalt  }
tec
execute0_lowered:
.L_overlay_start_1:
0x0: {  	(tag) =	ssettag $0x1  }
0x1: {  	s7 =	rddreg [dreg:$0x0]  }
0x2: {  	s1 =	rddreg [dreg:$0x1]  }
0x3: {  	s0 =	rddreg [dreg:$0x2];
	s3 =	simm.s32 $0x0  }
0x4: {  	s2 =	srdreg.scid;
	s16 =	simm.s32 $0x7880;
	s17 =	simm.s32 $0x1  }
0x5: {  	s18 =	simm.s32 $0x400;
	s19 =	simm.s32 $0x800;
	s20 =	simm.s32 $0x80  }
0x6: {  	s21 =	simm.s32 $0x2880;
	s22 =	simm.s32 $0x50;
	s23 =	simm.s32 $0x5080  }
0x7: {  	s24 =	simm.s32 $0x0;
	[smem:$0x7FF] =	sst s3;
	s13 =	sand.u32 $0x1, s2  }
0x8: {  	s2 =	stileid.u32;
	s4 =	sadd.s32 $0xF6A200, s7;
	s8 =	smul.u32 $0x140000, s13  }
0x9: {  	s5 =	sadd.s32 $0x509E00, s7;
	s6 =	sadd.s32 $0xA400, s7;
	s9 =	smul.u32 $0x14000, s2  }
0xa: {  	_ =	strace $0x80000047;
	s10 =	smul.u32 $0x50000, s2;
	s30 =	ssub.s32 $0x2, s13  }
0xb: {  	s12 =	smul.u32 $0x4E20, s2;
	s13 =	sshll.u32 s13, $0x7;
	s8 =	sadd.s32 s9, s8  }
0xc: {  	s31 =	sshrl.u32 s30, $0x1;
	s10 =	sshrl.u32 s10, $0x2;
	s8 =	sshrl.u32 s8, $0x3  }
0xd: {  	s15 =	ssub.s32 s30, s31;
	s14 =	sadd.s32 s8, s7;
	s7 =	sadd.s32 s10, s1  }
0xe: {  	s15 =	smax.u32 s15, $0x1;
	s8 =	sadd.s32 $0x4000, s7;
	s9 =	sadd.s32 $0x8000, s7  }
0xf: {  	v0 =	vimm.f32 $0.0e+00;
	s10 =	sadd.s32 $0xC000, s7;
	s11 =	sadd.s32 $0x10000, s7;
	s14 =	sadd.s32 $0xECDE00, s14  }
.LBB2_1:
0x10: {  	s25 =	simm.s32 $0x0;
	s26 =	simm.s32 $0x200  }
.LBB2_2:
0x11: {  	p0 =	sne.s32 s26, $0xFE00;
	[tilespmem:s25+$0x78F0] =	vst v0  }
0x12: {  	[tilespmem:s25+$0x7880] =	vst v0  }
0x13: {  	[tilespmem:s25+$0x7890] =	vst v0  }
.Ltmp0:
0x14: {  	[tilespmem:s25+$0x78A0] =	vst v0;
	(pc) =	sbr.rel @p0 .LBB2_2-.Ltmp0, $4  }
0x15: {  	[tilespmem:s25+$0x78B0] =	vst v0  }
0x16: {  	[tilespmem:s25+$0x78C0] =	vst v0  }
0x17: {  	[tilespmem:s25+$0x78D0] =	vst v0  }
0x18: {  	[tilespmem:s25+$0x78E0] =	vst v0;
	s25 =	sshra.s32 s26, $0x2;
	s26 =	sadd.s32 $0x200, s26  }
0x19: {  	[tilespmem:s25+$0x78F0] =	vst v0  }
0x1a: {  	[tilespmem:s25+$0x7880] =	vst v0  }
0x1b: {  	[tilespmem:s25+$0x7890] =	vst v0  }
0x1c: {  	[tilespmem:s25+$0x78A0] =	vst v0  }
0x1d: {  	[tilespmem:s25+$0x78B0] =	vst v0  }
0x1e: {  	[tilespmem:s25+$0x78C0] =	vst v0  }
0x1f: {  	[tilespmem:s25+$0x78D0] =	vst v0  }
0x20: {  	[tilespmem:s25+$0x78E0] =	vst v0;
	s26 =	simm.s32 $0x200;
	s25 =	simm.s32 $0x0  }
.LBB2_4:
0x21: {  	p0 =	sne.s32 s26, $0x9E00;
	[tilespmem:s25+$0x50F0] =	vst v0;
	s28 =	smov.u32 s26;
	s26 =	sadd.s32 $0x200, s26  }
.Ltmp1:
0x22: {  	[tilespmem:s25+$0x50E0] =	vst v0;
	(pc) =	sbr.rel @p0 .LBB2_4-.Ltmp1, $3  }
0x23: {  	[tilespmem:s25+$0x50C0] =	vst v0  }
0x24: {  	[tilespmem:s25+$0x50D0] =	vst v0;
	_ =	sdelay $0x1  }
0x25: {  	s25 =	sshra.s32 s28, $0x2  }
0x26: {  	[tilespmem:s25+$0x50F0] =	vst v0  }
0x27: {  	[tilespmem:s25+$0x50E0] =	vst v0  }
0x28: {  	[tilespmem:s25+$0x50C0] =	vst v0  }
0x29: {  	[tilespmem:s25+$0x50D0] =	vst v0  }
0x2a: {  	[spmem:s7] =	stream.linear.scatter [tilespmem:s16], [sflag:$0x1], $0x4000, $0x38;
	[tilespmem:$0x1F880] =	vst v63  }
0x2b: {  	_ =	swait.ge [sflag:s17], $0x4000  }
0x2c: {  	[sflag:s17] =	ssyncset.done $0x0  }
0x2d: {  	[sflag:s17] =	ssyncadd.s32 $0xFFFFC000  }
0x2e: {  	[spmem:s8] =	stream.linear.scatter [tilespmem:s16], [sflag:$0x1], $0x4000, $0x38;
	[tilespmem:$0x1F880] =	vst v63  }
0x2f: {  	_ =	swait.ge [sflag:s17], $0x4000  }
0x30: {  	[sflag:s17] =	ssyncset.done $0x0  }
0x31: {  	[sflag:s17] =	ssyncadd.s32 $0xFFFFC000  }
0x32: {  	[spmem:s9] =	stream.linear.scatter [tilespmem:s16], [sflag:$0x1], $0x4000, $0x38;
	[tilespmem:$0x1F880] =	vst v63  }
0x33: {  	_ =	swait.ge [sflag:s17], $0x4000  }
0x34: {  	[sflag:s17] =	ssyncset.done $0x0  }
0x35: {  	[sflag:s17] =	ssyncadd.s32 $0xFFFFC000  }
0x36: {  	[spmem:s10] =	stream.linear.scatter [tilespmem:s16], [sflag:$0x1], $0x4000, $0x38;
	[tilespmem:$0x1F880] =	vst v63  }
0x37: {  	_ =	swait.ge [sflag:s17], $0x4000  }
0x38: {  	[sflag:s17] =	ssyncset.done $0x0  }
0x39: {  	[sflag:s17] =	ssyncadd.s32 $0xFFFFC000  }
0x3a: {  	[spmem:s11] =	stream.linear.scatter [tilespmem:s16], [sflag:$0x1], $0x4000, $0x38;
	[tilespmem:$0x1F880] =	vst v63  }
0x3b: {  	_ =	swait.ge [sflag:s17], $0x4000  }
0x3c: {  	[sflag:s17] =	ssyncset.done $0x0  }
0x3d: {  	[sflag:s17] =	ssyncadd.s32 $0xFFFFC000  }
0x3e: {  	s25 =	simm.s32 $0x0;
	s26 =	simm.s32 $0x0;
	[bflag:$0x0] =	sbarrier.arrive $0xFFFF  }
.LBB2_6:
0x3f: {  	s28 =	smul.u32 $0x50, s26;
	_ =	sdelay $0x1  }
0x40: {  	s28 =	sadd.s32 s12, s28  }
0x41: {  	s29 =	sshrl.u32 s28, $0x3  }
0x42: {  	s29 =	sadd.s32 s6, s29  }
0x43: {  	[tilespmem:s25], [sflag:$0x1] =	stream.linear.gather [hbm4b:s29+s25], $0x50, $0x38;
	[tilespmem:$0x1F880] =	vst v63  }
0x44: {  	s28 =	sshll.u32 s28, $0x5;
	_ =	swait.ge [sflag:s17], $0x50  }
0x45: {  	s28 =	sor.u32 s13, s28;
	[sflag:s17] =	ssyncset.done $0x0  }
0x46: {  	s29 =	sadd.s32 s4, s28;
	[sflag:s17] =	ssyncadd.s32 $0xFFFFFFB0  }
0x47: {  	[tilespmem:s20], [sflag:$0x1] =	stream.strided.gather [hbm4b:s29+s18], $0x2800, s19, s18, $0x38;
	[tilespmem:$0x1F880] =	vst v63  }
0x48: {  	_ =	swait.ge [sflag:s17], $0x2800  }
0x49: {  	[sflag:s17] =	ssyncset.done $0x0  }
0x4a: {  	s28 =	sadd.s32 s5, s28;
	[sflag:s17] =	ssyncadd.s32 $0xFFFFD800  }
0x4b: {  	[tilespmem:s21], [sflag:$0x1] =	stream.strided.gather [hbm4b:s28+s18], $0x2800, s19, s18, $0x38;
	[tilespmem:$0x1F880] =	vst v63  }
0x4c: {  	_ =	swait.ge [sflag:s17], $0x2800  }
0x4d: {  	[sflag:s17] =	ssyncset.done $0x0  }
0x4e: {  	s29 =	simm.s32 $0x0;
	[sflag:s17] =	ssyncadd.s32 $0xFFFFD800  }
0x4f: {  	v1 =	vld [tilespmem:s29+$0xF0]  }
0x50: {  	v2 =	vld [tilespmem:s29+$0x28F0]  }
0x51: {  	v3 =	vld [tilespmem:s29+$0xC0]  }
0x52: {  	v4 =	vld [tilespmem:s29+$0x28C0]  }
0x53: {  	v5 =	vld [tilespmem:s29+$0xD0]  }
0x54: {  	v6 =	vld [tilespmem:s29+$0x28D0]  }
0x55: {  	v7 =	vld [tilespmem:s29+$0xE0]  }
0x56: {  	v8 =	vld [tilespmem:s29+$0x80];
	v1 =	vadd.f32 v2, v1  }
0x57: {  	v2 =	vld [tilespmem:s29+$0x28E0]  }
0x58: {  	v3 =	vadd.f32 v4, v3;
	v4 =	vld [tilespmem:s29+$0x2880];
	v9 =	vand.u32 $0x7FFFFFFF, v1  }
0x59: {  	v9 =	vsub.f32 $0.0e+00, v9;
	_ =	sdelay $0x1  }
0x5a: {  	v10 =	vld [tilespmem:s29+$0x90];
	v5 =	vadd.f32 v6, v5;
	v11 =	vand.u32 $0x7FFFFFFF, v3;
	v9 =	vmul.f32 $1.442695020e+00, v9  }
0x5b: {  	v6 =	vld [tilespmem:s29+$0x2890];
	v11 =	vsub.f32 $0.0e+00, v11;
	v2 =	vadd.f32 v2, v7  }
0x5c: {  	v12 =	vld [tilespmem:s29+$0xA0];
	v13 =	vand.u32 $0x7FFFFFFF, v5;
	v4 =	vadd.f32 v4, v8;
	(erf) = vpow2.f32 v9  }
0x5d: {  	v7 =	vld [tilespmem:s29+$0x28A0];
	v9 =	vmul.f32 $1.442695020e+00, v11;
	v11 =	vsub.f32 $0.0e+00, v13;
	v8 =	vand.u32 $0x7FFFFFFF, v2  }
0x5e: {  	v13 =	vld [tilespmem:s29+$0xB0];
	v8 =	vsub.f32 $0.0e+00, v8  }
0x5f: {  	v11 =	vmul.f32 $1.442695020e+00, v11;
	(erf) = vpow2.f32 v9;
	v9 =	vld [tilespmem:s29+$0x28B0]  }
0x60: {  	v6 =	vadd.f32 v6, v10;
	v4 =	vsub.f32 $0.0e+00, v4;
	v8 =	vmul.f32 $1.442695020e+00, v8  }
0x61: {  	(erf) = vpow2.f32 v11  }
0x62: {  	v6 =	vsub.f32 $0.0e+00, v6;
	v4 =	vmul.f32 $1.442695020e+00, v4;
	(erf) = vpow2.f32 v8  }
0x63: {  	v7 =	vadd.f32 v7, v12  }
0x64: {  	v6 =	vmul.f32 $1.442695020e+00, v6;
	(erf) = vpow2.f32 v4;
	v4 =	vadd.f32 v9, v13  }
0x65: {  	v7 =	vsub.f32 $0.0e+00, v7  }
0x66: {  	v8 =	vpop (erf);
	(erf) = vpow2.f32 v6;
	v4 =	vsub.f32 $0.0e+00, v4  }
0x67: {  	v7 =	vmul.f32 $1.442695020e+00, v7;
	v6 =	vmul.f32 $1.720806020e-02, v8  }
0x68: {  	v4 =	vmul.f32 $1.442695020e+00, v4  }
0x69: {  	v10 =	vpop (erf);
	(erf) = vpow2.f32 v7;
	v6 =	vsub.f32 $8.172681180e-02, v6  }
0x6a: {  	v7 =	vmul.f32 $1.720806020e-02, v10;
	v11 =	vpop (erf);
	(erf) = vpow2.f32 v4  }
0x6b: {  	v6 =	vmul.f32 v6, v8;
	v12 =	vpop (erf)  }
0x6c: {  	v4 =	vsub.f32 $8.172681180e-02, v7;
	v7 =	vmul.f32 $1.720806020e-02, v11;
	v9 =	vmul.f32 $1.720806020e-02, v12  }
0x6d: {  	v14 =	vmax.f32 v3, $0.0e+00;
	v6 =	vadd.f32 $-1.887826770e-01, v6  }
0x6e: {  	v13 =	vpop (erf);
	v4 =	vmul.f32 v4, v10;
	v7 =	vsub.f32 $8.172681180e-02, v7;
	v9 =	vsub.f32 $8.172681180e-02, v9  }
0x6f: {  	v18 =	vmax.f32 v5, $0.0e+00;
	v3 =	vadd.f32 $1.000000000e+00, v13;
	v6 =	vmul.f32 v6, v8;
	v13 =	vpop (erf)  }
0x70: {  	s28 =	simm.s32 $0x80;
	v4 =	vadd.f32 $-1.887826770e-01, v4;
	v7 =	vmul.f32 v7, v11;
	v13 =	vadd.f32 $1.000000000e+00, v13  }
0x71: {  	v15 =	vld [tilespmem:s28+$0x28F0];
	(erf) = vrcp.f32 v3;
	v3 =	vadd.f32 $3.145905440e-01, v6;
	v6 =	vmul.f32 v9, v12  }
0x72: {  	v17 =	vld [tilespmem:s28+$0x28C0];
	v4 =	vmul.f32 v4, v10;
	v7 =	vadd.f32 $-1.887826770e-01, v7;
	v9 =	vpop (erf);
	(erf) = vrcp.f32 v13  }
0x73: {  	v13 =	vld [tilespmem:s28+$0xF0];
	v9 =	vadd.f32 $1.000000000e+00, v9;
	v3 =	vmul.f32 v3, v8;
	v6 =	vadd.f32 $-1.887826770e-01, v6;
	v16 =	vpop (erf)  }
0x74: {  	v5 =	vld [tilespmem:s28+$0xD0];
	v4 =	vadd.f32 $3.145905440e-01, v4;
	v7 =	vmul.f32 v7, v11;
	v16 =	vadd.f32 $1.000000000e+00, v16  }
0x75: {  	(erf) = vrcp.f32 v9;
	v9 =	vld [tilespmem:s28+$0xC0];
	v3 =	vadd.f32 $-4.969779250e-01, v3;
	v6 =	vmul.f32 v6, v12  }
0x76: {  	v20 =	vmax.f32 v2, $0.0e+00;
	v2 =	vld [tilespmem:s28+$0xE0];
	v4 =	vmul.f32 v4, v10;
	v7 =	vadd.f32 $3.145905440e-01, v7  }
0x77: {  	(erf) = vrcp.f32 v16;
	v16 =	vld [tilespmem:s28+$0x28D0];
	v3 =	vmul.f32 v3, v8;
	v6 =	vadd.f32 $3.145905440e-01, v6  }
0x78: {  	v19 =	vadd.f32 $-4.969779250e-01, v4;
	v4 =	vadd.f32 v15, v13;
	v13 =	vld [tilespmem:s28+$0x28E0]  }
0x79: {  	v21 =	vld [tilespmem:s28+$0x2880];
	v7 =	vmul.f32 v7, v11;
	v3 =	vadd.f32 $9.997924560e-01, v3;
	v6 =	vmul.f32 v6, v12  }
0x7a: {  	v15 =	vmul.f32 v19, v10;
	v19 =	vld [tilespmem:s28+$0x80];
	v17 =	vadd.f32 v17, v9;
	v9 =	vand.u32 $0x7FFFFFFF, v4  }
0x7b: {  	v7 =	vadd.f32 $-4.969779250e-01, v7;
	v3 =	vmul.f32 v3, v8;
	v8 =	vsub.f32 $0.0e+00, v9  }
0x7c: {  	v24 =	vld [tilespmem:s28+$0x90];
	v6 =	vadd.f32 $-4.969779250e-01, v6;
	v5 =	vadd.f32 v16, v5;
	v23 =	vand.u32 $0x7FFFFFFF, v17  }
0x7d: {  	v57 =	vld [tilespmem:s28+$0x2890];
	v1 =	vmax.f32 v1, $0.0e+00;
	v13 =	vadd.f32 v13, v2;
	v16 =	vsub.f32 $0.0e+00, v23  }
0x7e: {  	v22 =	vpop (erf);
	v3 =	vadd.f32 $3.507552040e-06, v3;
	v25 =	vmul.f32 $1.442695020e+00, v8;
	v26 =	vand.u32 $0x7FFFFFFF, v5  }
0x7f: {  	v27 =	vld [tilespmem:s28+$0xA0];
	v9 =	vpop (erf);
	v6 =	vmul.f32 v6, v12;
	v19 =	vadd.f32 v21, v19;
	v2 =	vmul.f32 $1.442695020e+00, v16  }
0x80: {  	v8 =	vpop (erf);
	v1 =	vadd.f32 v3, v1;
	v3 =	vsub.f32 $0.0e+00, v26;
	v16 =	vld [tilespmem:s28+$0x28A0];
	(erf) = vpow2.f32 v25  }
0x81: {  	v59 =	vand.u32 $0x7FFFFFFF, v13;
	v6 =	vadd.f32 $9.997924560e-01, v6;
	v58 =	vpop (erf);
	(erf) = vpow2.f32 v2  }
0x82: {  	v60 =	vld [tilespmem:s28+$0xB0];
	v25 =	vmul.f32 v1, v58;
	v1 =	vmul.f32 $1.442695020e+00, v3;
	v3 =	vsub.f32 $0.0e+00, v59  }
0x83: {  	v61 =	vld [tilespmem:s28+$0x28B0];
	v7 =	vmul.f32 v7, v11;
	v2 =	vsub.f32 $0.0e+00, v19;
	v19 =	vadd.f32 v57, v24  }
0x84: {  	v3 =	vmul.f32 $1.442695020e+00, v3;
	(erf) = vpow2.f32 v1;
	v1 =	vadd.f32 $9.997924560e-01, v15  }
0x85: {  	v12 =	vmul.f32 v6, v12;
	v15 =	vsub.f32 $0.0e+00, v19;
	v16 =	vadd.f32 v16, v27  }
0x86: {  	v2 =	vmul.f32 $1.442695020e+00, v2;
	(erf) = vpow2.f32 v3  }
0x87: {  	v3 =	vadd.f32 $9.997924560e-01, v7;
	v7 =	vmul.f32 $1.442695020e+00, v15;
	v15 =	vsub.f32 $0.0e+00, v16  }
0x88: {  	v1 =	vmul.f32 v1, v10;
	(erf) = vpow2.f32 v2;
	v16 =	vadd.f32 v61, v60  }
0x89: {  	v2 =	vmax.f32 v17, $0.0e+00;
	v3 =	vmul.f32 v3, v11;
	v11 =	vmul.f32 $1.442695020e+00, v15;
	v10 =	vpop (erf)  }
0x8a: {  	(erf) = vpow2.f32 v7;
	v7 =	vsub.f32 $0.0e+00, v16;
	v15 =	vmul.f32 $1.720806020e-02, v10;
	v6 =	vpop (erf)  }
0x8b: {  	(erf) = vpow2.f32 v11;
	v11 =	vadd.f32 $3.507552040e-06, v1;
	v17 =	vmul.f32 $1.720806020e-02, v6  }
0x8c: {  	v19 =	vmul.f32 $1.442695020e+00, v7;
	v1 =	vmax.f32 v13, $0.0e+00;
	v13 =	vadd.f32 $3.507552040e-06, v12  }
0x8d: {  	v15 =	vsub.f32 $8.172681180e-02, v15;
	v12 =	vsub.f32 $8.172681180e-02, v17  }
0x8e: {  	v16 =	vadd.f32 $3.507552040e-06, v3;
	v7 =	vpop (erf);
	(erf) = vpow2.f32 v19  }
0x8f: {  	v14 =	vadd.f32 v11, v14;
	v15 =	vmul.f32 v15, v10;
	v12 =	vmul.f32 v12, v6  }
0x90: {  	v3 =	vmax.f32 v5, $0.0e+00;
	v11 =	vadd.f32 v16, v18;
	v17 =	vmul.f32 $1.720806020e-02, v7;
	v5 =	vpop (erf)  }
0x91: {  	v16 =	vmul.f32 $1.720806020e-02, v5;
	v15 =	vadd.f32 $-1.887826770e-01, v15;
	v18 =	vpop (erf);
	v12 =	vadd.f32 $-1.887826770e-01, v12  }
0x92: {  	v17 =	vsub.f32 $8.172681180e-02, v17;
	v18 =	vadd.f32 $1.000000000e+00, v18  }
0x93: {  	v19 =	vmul.f32 v14, v22;
	v14 =	vpop (erf);
	v16 =	vsub.f32 $8.172681180e-02, v16;
	v15 =	vmul.f32 v15, v10  }
0x94: {  	v62 =	vadd.f32 $1.000000000e+00, v14;
	v17 =	vmul.f32 v17, v7;
	(erf) = vrcp.f32 v18  }
0x95: {  	[tilespmem:s29+$0x50B0] =	vst v25;
	v14 =	vmul.f32 v12, v6;
	v18 =	vmul.f32 v16, v5;
	v63 =	vadd.f32 $3.145905440e-01, v15;
	v12 =	vpop (erf)  }
0x96: {  	s30 =	simm.s32 $0x100;
	[tilespmem:s29+$0x5080] =	vst v19;
	v15 =	vadd.f32 $-1.887826770e-01, v17;
	(erf) = vrcp.f32 v62;
	v16 =	vadd.f32 $1.000000000e+00, v12  }
0x97: {  	s31 =	simm.s32 $0x600;
	v13 =	vadd.f32 v13, v20;
	v18 =	vadd.f32 $-1.887826770e-01, v18;
	v17 =	vmul.f32 v63, v10;
	v12 =	vld [tilespmem:s30+$0xF0]  }
.LBB2_7:
0x98: {  	p0 =	sne.s32 s31, $0x9E00;
	v19 =	vld [tilespmem:s30+$0x28F0];
	v14 =	vadd.f32 $3.145905440e-01, v14;
	v15 =	vmul.f32 v15, v7;
	(erf) = vrcp.f32 v16;
	v16 =	vpop (erf)  }
0x99: {  	v20 =	vld [tilespmem:s30+$0xC0];
	v18 =	vmul.f32 v18, v5;
	v16 =	vadd.f32 $1.000000000e+00, v16;
	v17 =	vadd.f32 $-4.969779250e-01, v17  }
0x9a: {  	v9 =	vmul.f32 v11, v9;
	v21 =	vld [tilespmem:s30+$0x28C0];
	v14 =	vmul.f32 v14, v6;
	v15 =	vadd.f32 $3.145905440e-01, v15  }
0x9b: {  	v11 =	vld [tilespmem:s30+$0xD0];
	v18 =	vadd.f32 $3.145905440e-01, v18;
	v22 =	vmul.f32 v17, v10;
	(erf) = vrcp.f32 v16  }
0x9c: {  	v8 =	vmul.f32 v13, v8;
	v16 =	vld [tilespmem:s30+$0x28D0];
	v14 =	vadd.f32 $-4.969779250e-01, v14;
	v15 =	vmul.f32 v15, v7;
	[tilespmem:s29+$0x5090] =	vst v9  }
0x9d: {  	v13 =	vld [tilespmem:s30+$0xE0];
	v12 =	vadd.f32 v19, v12;
	v18 =	vmul.f32 v18, v5;
	v23 =	vadd.f32 $9.997924560e-01, v22;
	v17 =	vpop (erf)  }
0x9e: {  	v19 =	vld [tilespmem:s30+$0x28E0];
	v14 =	vmul.f32 v14, v6;
	v15 =	vadd.f32 $-4.969779250e-01, v15;
	[tilespmem:s29+$0x50A0] =	vst v8;
	s29 =	smov.u32 s28;
	s28 =	smov.u32 s30  }
0x9f: {  	v22 =	vld [tilespmem:s28+$0x80];
	v20 =	vadd.f32 v21, v20;
	v26 =	vand.u32 $0x7FFFFFFF, v12;
	v10 =	vmul.f32 v23, v10;
	v9 =	vpop (erf)  }
0xa0: {  	v18 =	vadd.f32 $-4.969779250e-01, v18;
	v21 =	vld [tilespmem:s28+$0x2880];
	v23 =	vsub.f32 $0.0e+00, v26;
	v15 =	vmul.f32 v15, v7  }
0xa1: {  	v24 =	vand.u32 $0x7FFFFFFF, v20;
	v25 =	vld [tilespmem:s28+$0x90];
	v11 =	vadd.f32 v16, v11;
	v10 =	vadd.f32 $3.507552040e-06, v10;
	v8 =	vpop (erf)  }
0xa2: {  	v26 =	vmax.f32 v4, $0.0e+00;
	v4 =	vmovc v12;
	v16 =	vsub.f32 $0.0e+00, v24;
	v24 =	vld [tilespmem:s28+$0x2890];
	v28 =	vmul.f32 $1.442695020e+00, v23  }
0xa3: {  	v12 =	vand.u32 $0x7FFFFFFF, v11;
	v27 =	vld [tilespmem:s28+$0xA0];
	v13 =	vadd.f32 v19, v13;
	v10 =	vadd.f32 v10, v26  }
0xa4: {  	v16 =	vmul.f32 $1.442695020e+00, v16;
	v12 =	vsub.f32 $0.0e+00, v12;
	v19 =	vld [tilespmem:s28+$0x28A0];
	(erf) = vpow2.f32 v28;
	v23 =	vpop (erf)  }
0xa5: {  	v21 =	vadd.f32 v21, v22;
	v22 =	vand.u32 $0x7FFFFFFF, v13;
	v10 =	vmul.f32 v10, v23  }
0xa6: {  	v12 =	vmul.f32 $1.442695020e+00, v12;
	v22 =	vsub.f32 $0.0e+00, v22;
	v23 =	vld [tilespmem:s28+$0xB0];
	(erf) = vpow2.f32 v16  }
0xa7: {  	v18 =	vmul.f32 v18, v5;
	v16 =	vsub.f32 $0.0e+00, v21;
	v21 =	vadd.f32 v24, v25;
	v24 =	vld [tilespmem:s28+$0x28B0];
	[tilespmem:s29+$0x50B0] =	vst v10  }
0xa8: {  	v10 =	vmul.f32 $1.442695020e+00, v22;
	(erf) = vpow2.f32 v12;
	v12 =	vadd.f32 $9.997924560e-01, v14  }
0xa9: {  	v14 =	vmul.f32 $1.442695020e+00, v16;
	v16 =	vsub.f32 $0.0e+00, v21;
	v19 =	vadd.f32 v19, v27  }
0xaa: {  	v21 =	vadd.f32 $9.997924560e-01, v15;
	v15 =	vadd.f32 $9.997924560e-01, v18;
	(erf) = vpow2.f32 v10  }
0xab: {  	v16 =	vmul.f32 $1.442695020e+00, v16;
	v18 =	vsub.f32 $0.0e+00, v19;
	(erf) = vpow2.f32 v14  }
0xac: {  	v12 =	vmul.f32 v12, v6;
	v7 =	vmul.f32 v21, v7;
	v14 =	vadd.f32 v24, v23  }
0xad: {  	v19 =	vmax.f32 v20, $0.0e+00;
	v18 =	vmul.f32 $1.442695020e+00, v18;
	(erf) = vpow2.f32 v16;
	v10 =	vpop (erf)  }
0xae: {  	v5 =	vmul.f32 v15, v5;
	v14 =	vsub.f32 $0.0e+00, v14;
	v16 =	vmul.f32 $1.720806020e-02, v10  }
0xaf: {  	v12 =	vadd.f32 $3.507552040e-06, v12;
	v15 =	vadd.f32 $3.507552040e-06, v7;
	v6 =	vpop (erf);
	(erf) = vpow2.f32 v18  }
0xb0: {  	v18 =	vmul.f32 $1.720806020e-02, v6;
	v14 =	vmul.f32 $1.442695020e+00, v14;
	v16 =	vsub.f32 $8.172681180e-02, v16  }
0xb1: {  	v20 =	vmax.f32 v11, $0.0e+00;
	v21 =	vmax.f32 v13, $0.0e+00;
	v13 =	vadd.f32 $3.507552040e-06, v5;
	v7 =	vpop (erf)  }
0xb2: {  	v18 =	vsub.f32 $8.172681180e-02, v18;
	v16 =	vmul.f32 v16, v10;
	(erf) = vpow2.f32 v14  }
0xb3: {  	v22 =	vadd.f32 v12, v2;
	v11 =	vadd.f32 v15, v3;
	v14 =	vmul.f32 $1.720806020e-02, v7;
	v5 =	vpop (erf)  }
0xb4: {  	v12 =	vmul.f32 v18, v6;
	v15 =	vmul.f32 $1.720806020e-02, v5;
	v16 =	vadd.f32 $-1.887826770e-01, v16;
	v3 =	vpop (erf)  }
0xb5: {  	v2 =	vmovc v19;
	v17 =	vmul.f32 v22, v17;
	v14 =	vsub.f32 $8.172681180e-02, v14;
	v18 =	vadd.f32 $1.000000000e+00, v3;
	v3 =	vmovc v20  }
.Ltmp2:
0xb6: {  	v23 =	vadd.f32 $-1.887826770e-01, v12;
	v15 =	vsub.f32 $8.172681180e-02, v15;
	v16 =	vmul.f32 v16, v10;
	v19 =	vpop (erf);
	(pc) =	sbr.rel @p0 .LBB2_7-.Ltmp2, $4  }
0xb7: {  	v20 =	vmul.f32 v14, v7;
	v19 =	vadd.f32 $1.000000000e+00, v19;
	(erf) = vrcp.f32 v18;
	[tilespmem:s29+$0x5080] =	vst v17  }
0xb8: {  	v14 =	vmul.f32 v23, v6;
	v17 =	vmul.f32 v15, v5;
	v22 =	vadd.f32 $3.145905440e-01, v16;
	v12 =	vpop (erf)  }
0xb9: {  	s30 =	sshra.s32 s31, $0x2;
	v15 =	vadd.f32 $-1.887826770e-01, v20;
	v16 =	vadd.f32 $1.000000000e+00, v12;
	(erf) = vrcp.f32 v19  }
0xba: {  	s31 =	sadd.s32 $0x200, s31;
	v13 =	vadd.f32 v13, v1;
	v1 =	vmovc v21;
	v12 =	vld [tilespmem:s30+$0xF0];
	v18 =	vadd.f32 $-1.887826770e-01, v17;
	v17 =	vmul.f32 v22, v10  }
0xbb: {  	v19 =	vld [tilespmem:s30+$0x28F0]  }
0xbc: {  	v20 =	vld [tilespmem:s30+$0xC0]  }
0xbd: {  	v21 =	vld [tilespmem:s30+$0x28C0];
	v9 =	vmul.f32 v11, v9  }
0xbe: {  	v46 =	vld [tilespmem:s30+$0xD0]  }
0xbf: {  	v22 =	vld [tilespmem:s30+$0x28D0];
	[tilespmem:s29+$0x5090] =	vst v9  }
0xc0: {  	v47 =	vadd.f32 $3.145905440e-01, v14;
	v48 =	vmul.f32 v15, v7;
	(erf) = vrcp.f32 v16;
	v49 =	vpop (erf);
	v50 =	vld [tilespmem:s30+$0xE0]  }
0xc1: {  	v18 =	vmul.f32 v18, v5;
	v15 =	vadd.f32 $1.000000000e+00, v49;
	v17 =	vadd.f32 $-4.969779250e-01, v17;
	v23 =	vld [tilespmem:s30+$0x28E0]  }
0xc2: {  	v8 =	vmul.f32 v13, v8;
	v24 =	vmul.f32 v47, v6;
	v14 =	vadd.f32 $3.145905440e-01, v48  }
0xc3: {  	v51 =	vadd.f32 $3.145905440e-01, v18;
	v17 =	vmul.f32 v17, v10;
	v9 =	vadd.f32 v19, v12  }
0xc4: {  	(erf) = vrcp.f32 v15;
	[tilespmem:s29+$0x50A0] =	vst v8;
	v52 =	vmul.f32 v14, v7;
	v53 =	vadd.f32 v21, v20  }
0xc5: {  	v54 =	vld [tilespmem:s30+$0x80];
	v24 =	vadd.f32 $-4.969779250e-01, v24;
	v11 =	vadd.f32 v22, v46;
	v55 =	vand.u32 $0x7FFFFFFF, v9  }
0xc6: {  	v56 =	vld [tilespmem:s30+$0x2880];
	v20 =	vand.u32 $0x7FFFFFFF, v53;
	v57 =	vsub.f32 $0.0e+00, v55;
	v8 =	vadd.f32 v23, v50  }
0xc7: {  	v59 =	vld [tilespmem:s30+$0x90];
	v13 =	vmul.f32 v51, v5;
	v60 =	vand.u32 $0x7FFFFFFF, v11;
	v20 =	vsub.f32 $0.0e+00, v20  }
0xc8: {  	v61 =	vld [tilespmem:s30+$0x2890];
	v21 =	vsub.f32 $0.0e+00, v60;
	v19 =	vmul.f32 $1.442695020e+00, v57;
	v23 =	vand.u32 $0x7FFFFFFF, v8  }
0xc9: {  	v63 =	vld [tilespmem:s30+$0xA0];
	v34 =	vmul.f32 v24, v6;
	v20 =	vmul.f32 $1.442695020e+00, v20;
	v23 =	vsub.f32 $0.0e+00, v23  }
0xca: {  	v25 =	vld [tilespmem:s30+$0x28A0];
	v58 =	vadd.f32 $9.997924560e-01, v17;
	v28 =	vmul.f32 $1.442695020e+00, v21;
	(erf) = vpow2.f32 v19  }
0xcb: {  	v4 =	vmax.f32 v4, $0.0e+00;
	v31 =	vld [tilespmem:s30+$0xB0];
	(erf) = vpow2.f32 v20;
	v29 =	vmul.f32 $1.442695020e+00, v23  }
0xcc: {  	v33 =	vld [tilespmem:s30+$0x28B0];
	v30 =	vpop (erf);
	v12 =	vadd.f32 $-4.969779250e-01, v52;
	v62 =	vmul.f32 v58, v10;
	(erf) = vpow2.f32 v28  }
0xcd: {  	v32 =	vpop (erf);
	v13 =	vadd.f32 $-4.969779250e-01, v13;
	v15 =	vadd.f32 v56, v54;
	(erf) = vpow2.f32 v29  }
0xce: {  	v14 =	vmax.f32 v53, $0.0e+00;
	v10 =	vadd.f32 $3.507552040e-06, v62;
	v17 =	vadd.f32 v61, v59  }
0xcf: {  	v11 =	vmax.f32 v11, $0.0e+00;
	v16 =	vadd.f32 v25, v63;
	v15 =	vsub.f32 $0.0e+00, v15  }
0xd0: {  	v12 =	vmul.f32 v12, v7;
	v4 =	vadd.f32 v10, v4;
	v17 =	vsub.f32 $0.0e+00, v17  }
0xd1: {  	v35 =	vpop (erf);
	v16 =	vsub.f32 $0.0e+00, v16;
	v10 =	vadd.f32 v33, v31;
	v15 =	vmul.f32 $1.442695020e+00, v15  }
0xd2: {  	v9 =	vmax.f32 v9, $0.0e+00;
	v13 =	vmul.f32 v13, v5;
	v36 =	vpop (erf);
	v17 =	vmul.f32 $1.442695020e+00, v17  }
0xd3: {  	v38 =	vmul.f32 $1.442695020e+00, v16;
	v10 =	vsub.f32 $0.0e+00, v10;
	(erf) = vpow2.f32 v15;
	v39 =	vpop (erf)  }
0xd4: {  	v12 =	vadd.f32 $9.997924560e-01, v12;
	(erf) = vpow2.f32 v17;
	v40 =	vmul.f32 $1.720806020e-02, v39;
	v41 =	vpop (erf)  }
0xd5: {  	v13 =	vadd.f32 $9.997924560e-01, v13;
	v10 =	vmul.f32 $1.442695020e+00, v10;
	v42 =	vmul.f32 $1.720806020e-02, v41;
	v43 =	vpop (erf)  }
0xd6: {  	(erf) = vpow2.f32 v38;
	v17 =	vsub.f32 $8.172681180e-02, v40;
	v44 =	vmul.f32 $1.720806020e-02, v43;
	v45 =	vpop (erf)  }
0xd7: {  	v46 =	vmul.f32 v12, v7;
	v47 =	vsub.f32 $8.172681180e-02, v42;
	v48 =	vmul.f32 $1.720806020e-02, v45  }
0xd8: {  	(erf) = vpow2.f32 v10;
	v17 =	vmul.f32 v17, v39;
	v49 =	vsub.f32 $8.172681180e-02, v44  }
0xd9: {  	v4 =	vmul.f32 v4, v36;
	v12 =	vmul.f32 v47, v41;
	v15 =	vsub.f32 $8.172681180e-02, v48  }
0xda: {  	v20 =	vadd.f32 $9.997924560e-01, v34;
	v51 =	vadd.f32 $-1.887826770e-01, v17;
	v10 =	vmul.f32 v49, v43  }
0xdb: {  	v50 =	vmul.f32 v13, v5;
	v12 =	vadd.f32 $-1.887826770e-01, v12;
	v15 =	vmul.f32 v15, v45  }
0xdc: {  	v37 =	vmul.f32 v20, v6;
	v52 =	vpop (erf);
	v13 =	vmul.f32 v51, v39;
	v10 =	vadd.f32 $-1.887826770e-01, v10  }
0xdd: {  	v53 =	vpop (erf);
	v17 =	vadd.f32 $1.000000000e+00, v52;
	v12 =	vmul.f32 v12, v41;
	v15 =	vadd.f32 $-1.887826770e-01, v15  }
0xde: {  	v22 =	vadd.f32 $1.000000000e+00, v53;
	v13 =	vadd.f32 $3.145905440e-01, v13;
	v10 =	vmul.f32 v10, v43  }
0xdf: {  	(erf) = vrcp.f32 v17;
	v54 =	vpop (erf);
	v12 =	vadd.f32 $3.145905440e-01, v12;
	v15 =	vmul.f32 v15, v45  }
0xe0: {  	v17 =	vadd.f32 $1.000000000e+00, v54;
	v13 =	vmul.f32 v13, v39;
	v10 =	vadd.f32 $3.145905440e-01, v10  }
0xe1: {  	(erf) = vrcp.f32 v22;
	v55 =	vpop (erf);
	v12 =	vmul.f32 v12, v41;
	v15 =	vadd.f32 $3.145905440e-01, v15  }
0xe2: {  	v22 =	vadd.f32 $1.000000000e+00, v55;
	v13 =	vadd.f32 $-4.969779250e-01, v13;
	v10 =	vmul.f32 v10, v43  }
0xe3: {  	(erf) = vrcp.f32 v17;
	v12 =	vadd.f32 $-4.969779250e-01, v12;
	v15 =	vmul.f32 v15, v45  }
0xe4: {  	(erf) = vrcp.f32 v22;
	v13 =	vmul.f32 v13, v39;
	v10 =	vadd.f32 $-4.969779250e-01, v10  }
0xe5: {  	v6 =	vadd.f32 $3.507552040e-06, v37;
	v12 =	vmul.f32 v12, v41;
	v15 =	vadd.f32 $-4.969779250e-01, v15  }
0xe6: {  	v7 =	vadd.f32 $3.507552040e-06, v46;
	v13 =	vadd.f32 $9.997924560e-01, v13;
	v10 =	vmul.f32 v10, v43  }
0xe7: {  	v2 =	vadd.f32 v6, v2;
	v56 =	vmul.f32 v15, v45;
	v12 =	vadd.f32 $9.997924560e-01, v12  }
0xe8: {  	v5 =	vadd.f32 $3.507552040e-06, v50;
	v57 =	vmul.f32 v13, v39;
	v10 =	vadd.f32 $9.997924560e-01, v10  }
0xe9: {  	v2 =	vmul.f32 v2, v30;
	v6 =	vadd.f32 $9.997924560e-01, v56;
	v12 =	vmul.f32 v12, v41  }
0xea: {  	v3 =	vadd.f32 v7, v3;
	v58 =	vpop (erf);
	v7 =	vadd.f32 $3.507552040e-06, v57;
	v10 =	vmul.f32 v10, v43  }
0xeb: {  	v1 =	vadd.f32 v5, v1;
	v59 =	vpop (erf);
	v6 =	vmul.f32 v6, v45;
	v12 =	vadd.f32 $3.507552040e-06, v12  }
0xec: {  	[tilespmem:s28+$0x50B0] =	vst v4;
	v3 =	vmul.f32 v3, v32;
	v60 =	vpop (erf);
	v7 =	vadd.f32 v7, v9;
	v61 =	vadd.f32 $3.507552040e-06, v10  }
0xed: {  	v1 =	vmul.f32 v1, v35;
	[tilespmem:s28+$0x5080] =	vst v2;
	v2 =	vpop (erf);
	v6 =	vadd.f32 $3.507552040e-06, v6;
	v62 =	vadd.f32 v12, v14  }
0xee: {  	v8 =	vmax.f32 v8, $0.0e+00;
	[tilespmem:s28+$0x5090] =	vst v3;
	v2 =	vmul.f32 v7, v2;
	v3 =	vadd.f32 v61, v11  }
0xef: {  	[tilespmem:s28+$0x50A0] =	vst v1;
	v1 =	vmul.f32 v62, v58;
	v63 =	vadd.f32 v6, v8  }
0xf0: {  	[tilespmem:s30+$0x50B0] =	vst v2;
	v2 =	vmul.f32 v3, v59  }
0xf1: {  	s26 =	sadd.s32 $0x1, s26;
	[tilespmem:s30+$0x5080] =	vst v1;
	v1 =	vmul.f32 v63, v60  }
0xf2: {  	p0 =	sne.s32 s26, $0xFA;
	[tilespmem:s30+$0x5090] =	vst v2  }
.Ltmp3:
0xf3: {  	[tilespmem:s30+$0x50A0] =	vst v1;
	(pc) =	sbr.rel @p0 .LBB2_6-.Ltmp3, $4  }
0xf4: {  	[spmem:s1] =	stream.indirect.scatter.add.f32 [tilespmem:s23], [sflag:$0x1], $0x80, s3, s22, $0xb8;
	[tilespmem:$0x1F880] =	vst v63  }
0xf5: {  	_ =	swait.ge [sflag:s17], $0x2800  }
0xf6: {  	[sflag:s17] =	ssyncset.done $0x0  }
0xf7: {  	[sflag:s17] =	ssyncadd.s32 $0xFFFFD800  }
0xf8: {  	s24 =	sadd.s32 $0x1, s24  }
0xf9: {  	s25 =	sshll.u32 s2, $0x6;
	[bflag:$0x0] =	sbarrier.arrive $0xFFFF;
	p0 =	sne.s32 s24, s15  }
.Ltmp4:
0xfa: {  	s26 =	sshrl.u32 s7, $0x3;
	s25 =	sor.u32 $0x1C01, s25;
	(pc) =	sbr.rel @p0 .LBB2_1-.Ltmp4, $4  }
0xfb: {  	[hbm:s14], [sflag:s25] =	dma.local [spmem:s26], $0x2800  }
0xfc: {  	_ =	swait.ge [sflag:s17], $0x2800  }
0xfd: {  	[sflag:s17] =	ssyncset.done $0x0  }
0xfe: {  	[sflag:s17] =	ssyncadd.s32 $0xFFFFD800  }
0xff: {  	_ =	sfence.sel $0x180000  }
0x100: {  	[bflag:$0x0] =	sbarrier.arrive $0xFFFF  }
0x101: {  	p0 =	sne.s32 s2, $0x0;
	_ =	strace $0x90000047  }
0x102: {  	s0 =	sadd.s32 @!p0 $0x100000, s0;
	[bflag:$0x2] =	sbarrier.arrive $0xFFFF  }
0x103: {  	[sflag:s0] =	ssyncadd.tile.s32 @!p0 $0x1;
	_ =	shalt  }
.Lfunc_end2:
_tile_overlayer_lowered:
.L_overlay_start_2:
0x104: {  	(tag) =	ssettag $0x2  }
0x105: {  	s0 =	rddreg [dreg:$0x0];
	s2 =	stileid.u32  }
0x106: {  	s1 =	rddreg [dreg:$0x1];
	p0 =	sne.s32 s2, $0x0  }
0x107: {  	s3 =	rddreg [dreg:$0x2];
	[bflag:$0x3] =	sbarrier.arrive $0xFFFF;
	s2 =	simm.s32 @!p0 $0x1C01  }
0x108: {  	[timem:s3], [sflag:s2] =	dma.local @!p0 [hbm:s0], s1  }
0x109: {  	s0 =	simm.s32 @!p0 $0x1  }
0x10a: {  	_ =	swait.ge @!p0 [sflag:s0], s1  }
0x10b: {  	s1 =	ssub.s32 @!p0 $0x0, s1;
	[sflag:s0] =	ssyncset.done @!p0 $0x0  }
0x10c: {  	[sflag:s0] =	ssyncadd.s32 @!p0 s1  }
0x10d: {  	[bflag:$0x3] =	sbarrier.arrive $0xFFFF  }
0x10e: {  	_ =	shalt  }

// kernel: kernel.19.cloned.1.call-start
scs
__scs_entry_jumppad:
0x0: {  	(pc) =	sbr.rel $0x88, $3  }
0x1: {  	(tag) =	ssettag $0x0;
	lr =	simm.s32 $0x1  }
0x2: {  	[smem:$0x3F8D] =	sst lr;
	_ =	strace $0xD0000000  }
0x3: {  	_ = 	snop  }
0x4: {  	_ = 	snop  }
0x5: {  	_ = 	snop  }
0x6: {  	_ = 	snop  }
0x7: {  	_ = 	snop  }
__scs_overlays_trampoline_lowered:
0x8: {  	[smem:$0x3F9C] =	sst s0  }
0x9: {  	[smem:$0x3F9D] =	sst s1  }
0xa: {  	[smem:$0x3F9E] =	sst s2  }
0xb: {  	[smem:$0x3F9F] =	sst s3  }
0xc: {  	[smem:$0x3FA0] =	sst s4  }
0xd: {  	[smem:$0x3FA1] =	sst s5  }
0xe: {  	[smem:$0x3FA2] =	sst s6  }
0xf: {  	[smem:$0x3FA3] =	sst s7  }
0x10: {  	[smem:$0x3FA4] =	sst s8  }
0x11: {  	[smem:$0x3FA5] =	sst s9;
	s0 =	simm.s32 @!p0 $0x0  }
0x12: {  	s1 =	sld [smem:$0x3F8B];
	s0 =	simm.s32 @p0 $0x1  }
0x13: {  	[smem:$0x3FA6] =	sst s0;
	s0 =	simm.s32 @!p1 $0x0  }
0x14: {  	s2 =	sld [smem:$0x3F8A];
	s0 =	simm.s32 @p1 $0x1  }
0x15: {  	[smem:$0x3FA7] =	sst s0;
	s0 =	simm.s32 @!p2 $0x0  }
0x16: {  	s3 =	sld [smem:$0x3FDB];
	s0 =	simm.s32 @p2 $0x1  }
0x17: {  	s4 =	simm.s32 $0x1BF5;
	[smem:$0x3FA9] =	sst s0  }
0x18: {  	s0 =	sld [smem:$0x3F8C];
	_ =	swait.ge [sflag:s4], $0x0  }
0x19: {  	s7 =	sld [smem:$0x3F8D]  }
0x1a: {  	s8 =	sadd.s32 $0xFFFFE003, lr  }
0x1b: {  	s9 =	sadd.s32 $0xFFFFFEF7, lr;
	s5 =	simm.s32 $0xFFFFFFFF;
	p2 =	slt.u32 s8, $0xFFFFF086  }
0x1c: {  	p1 =	slt.u32 s9, $0xF7A;
	s5 =	simm.s32 @!p2 $0x0  }
0x1d: {  	s5 =	simm.s32 @p1 $0x1;
	p0 =	seq.s32 s7, s2  }
0x1e: {  	s7 =	smul.u32 @!p0 $0xF7A, s2;
	p2 =	seq.s32 @!p0 s5, $0x0  }
0x1f: {  	s9 =	smul.u32 $0xF7A, s1;
	s8 =	simm.s32 @!p0 $0x1BF5;
	p2 =	por !p2, p0  }
0x20: {  	[sflag:s8] =	ssyncset.s32 @!p0 $0xFFFFF086;
	s6 =	sadd.s32 @!p0 s3, s7;
	s7 =	simm.s32 @!p0 $0x108  }
0x21: {  	s3 =	sadd.s32 s3, s9;
	s6 =	sadd.s32 @!p0 $0x88, s6;
	s7 =	simm.s32 @p2 $0x1082  }
0x22: {  	[simem:s7], [sflag:s8] =	dma.local @!p0 [hbm:s6], $0xF7A  }
0x23: {  	s9 =	sor.u32 $0xD0000000, s2;
	s6 =	simm.s32 $0x108;
	_ =	swait.ge @!p0 [sflag:s8], $0x0  }
0x24: {  	s3 =	sadd.s32 $0x88, s3;
	s6 =	simm.s32 @!p1 $0x1082;
	[sflag:s4] =	ssyncset.s32 $0xFFFFF086  }
0x25: {  	[simem:s6], [sflag:s4] =	dma.local [hbm:s3], $0xF7A  }
0x26: {  	[smem:$0x3F8D] =	sst s1;
	(tag) =	ssettag s2;
	_ =	strace s9  }
0x27: {  	s1 =	sld [smem:$0x3F9D]  }
0x28: {  	s2 =	sld [smem:$0x3F9E]  }
0x29: {  	s4 =	sld [smem:$0x3FA0]  }
0x2a: {  	p0 =	seq.s32 s5, $0x0;
	s5 =	sld [smem:$0x3FA1]  }
0x2b: {  	s6 =	sld [smem:$0x3FA2]  }
0x2c: {  	s7 =	sld [smem:$0x3FA3]  }
0x2d: {  	s3 =	simm.s32 $0x108;
	s8 =	sld [smem:$0x3FA4]  }
0x2e: {  	s3 =	simm.s32 @!p0 $0x1082;
	s9 =	sld [smem:$0x3FA5]  }
0x2f: {  	lr =	sadd.s32 s0, s3;
	s0 =	sld [smem:$0x3F9C]  }
0x30: {  	s3 =	sld [smem:$0x3F9F]  }
0x31: {  	[smem:$0x3FA8] =	sst s10  }
0x32: {  	s10 =	sld [smem:$0x3FA6];
	_ =	sdelay $0x3  }
0x33: {  	p0 =	seq.s32 s10, $0x1;
	s10 =	sld [smem:$0x3FA8];
	_ =	sdelay $0x3  }
0x34: {  	[smem:$0x3FA8] =	sst s10  }
0x35: {  	s10 =	sld [smem:$0x3FA7];
	_ =	sdelay $0x3  }
0x36: {  	p1 =	seq.s32 s10, $0x1;
	s10 =	sld [smem:$0x3FA8];
	_ =	sdelay $0x3  }
0x37: {  	[smem:$0x3FA8] =	sst s10  }
0x38: {  	s10 =	sld [smem:$0x3FA9]  }
0x39: {  	_ = 	snop;
	(pc) =	sbr.ind lr, $3  }
0x3a: {  	_ = 	snop  }
0x3b: {  	_ = 	snop  }
0x3c: {  	p2 =	seq.s32 s10, $0x1;
	s10 =	sld [smem:$0x3FA8]  }
0x3d: {  	_ =	shalt  }
0x3e: {  	_ =	shalt  }
0x3f: {  	_ =	shalt  }
0x40: {  	_ =	shalt  }
0x41: {  	_ =	shalt  }
0x42: {  	_ =	shalt  }
0x43: {  	_ =	shalt  }
0x44: {  	_ =	shalt  }
0x45: {  	_ =	shalt  }
0x46: {  	_ =	shalt  }
0x47: {  	_ =	shalt  }
0x48: {  	_ =	shalt  }
0x49: {  	_ =	shalt  }
0x4a: {  	_ =	shalt  }
0x4b: {  	_ =	shalt  }
0x4c: {  	_ =	shalt  }
0x4d: {  	_ =	shalt  }
0x4e: {  	_ =	shalt  }
0x4f: {  	_ =	shalt  }
0x50: {  	_ =	shalt  }
0x51: {  	_ =	shalt  }
0x52: {  	_ =	shalt  }
0x53: {  	_ =	shalt  }
0x54: {  	_ =	shalt  }
0x55: {  	_ =	shalt  }
0x56: {  	_ =	shalt  }
0x57: {  	_ =	shalt  }
0x58: {  	_ =	shalt  }
0x59: {  	_ =	shalt  }
0x5a: {  	_ =	shalt  }
0x5b: {  	_ =	shalt  }
0x5c: {  	_ =	shalt  }
0x5d: {  	_ =	shalt  }
0x5e: {  	_ =	shalt  }
0x5f: {  	_ =	shalt  }
0x60: {  	_ =	shalt  }
0x61: {  	_ =	shalt  }
0x62: {  	_ =	shalt  }
0x63: {  	_ =	shalt  }
0x64: {  	_ =	shalt  }
0x65: {  	_ =	shalt  }
0x66: {  	_ =	shalt  }
0x67: {  	_ =	shalt  }
0x68: {  	_ =	shalt  }
0x69: {  	_ =	shalt  }
0x6a: {  	_ =	shalt  }
0x6b: {  	_ =	shalt  }
0x6c: {  	_ =	shalt  }
0x6d: {  	_ =	shalt  }
0x6e: {  	_ =	shalt  }
0x6f: {  	_ =	shalt  }
0x70: {  	_ =	shalt  }
0x71: {  	_ =	shalt  }
0x72: {  	_ =	shalt  }
0x73: {  	_ =	shalt  }
0x74: {  	_ =	shalt  }
0x75: {  	_ =	shalt  }
0x76: {  	_ =	shalt  }
0x77: {  	_ =	shalt  }
0x78: {  	_ =	shalt  }
0x79: {  	_ =	shalt  }
0x7a: {  	_ =	shalt  }
0x7b: {  	_ =	shalt  }
0x7c: {  	_ =	shalt  }
0x7d: {  	_ =	shalt  }
0x7e: {  	_ =	shalt  }
0x7f: {  	_ =	shalt  }
0x80: {  	_ =	shalt  }
0x81: {  	_ =	shalt  }
0x82: {  	_ =	shalt  }
0x83: {  	_ =	shalt  }
0x84: {  	_ =	shalt  }
0x85: {  	_ =	shalt  }
0x86: {  	_ =	shalt  }
0x87: {  	_ =	shalt  }
.Lfunc_end0:
.L_simem_size_0:
called_computation.1_lowered:
.L_overlay_start_0:
0x88: {  	s2 =	sld [smem:$0x3FD9]  }
0x89: {  	s3 =	sld [smem:$0x3FFE];
	_ =	sdelay $0x1  }
0x8a: {  	s1 =	srdreg.scid  }
0x8b: {  	s0 =	sand.u32 $0x1, s1  }
0x8c: {  	s17 =	sshll.u32 s0, $0xA;
	s2 =	sadd.s32 s3, s2  }
0x8d: {  	s2 =	sadd.s32 s2, s17  }
0x8e: {  	[smem:$0x3FB4] =	sst s2  }
0x8f: {  	_ = 	snop  }
0x90: {  	(tm) =	ssettm $0x1  }
0x91: {  	s18 =	sld [smem:$0x3FFB];
	_ =	sdelay $0x3  }
0x92: {  	_ =	strace s18  }
0x93: {  	s2 =	sld [smem:$0x3FFC];
	_ =	sdelay $0x3  }
0x94: {  	_ =	strace s2  }
0x95: {  	s2 =	sld [smem:$0x3FFD];
	_ =	sdelay $0x3  }
0x96: {  	_ =	strace s2  }
0x97: {  	_ =	strace $0x8FFFFFFF  }
0x98: {  	s19 =	sld [smem:$0x3FDB];
	_ =	sdelay $0x1  }
0x99: {  	s20 =	simm.s32 $_scs_section_size  }
0x9a: {  	s4 =	simm.s32 $_size__tile_overlayer_lowered;
	s5 =	simm.s32 $_tile_overlayer_lowered  }
0x9b: {  	s6 =	simm.s32 $0x1BFF;
	s21 =	sshll.u32 s5, $0x1;
	s3 =	sadd.s32 s20, s19  }
0x9c: {  	s22 =	simm.s32 $0x0;
	s4 =	sshll.u32 s4, $0x1;
	s5 =	sadd.s32 s21, s3  }
0x9d: {  	[timem:s22], [sflag:s6] =	dma.local [hbm:s5], s4  }
0x9e: {  	_ =	swait.ge [sflag:s6], s4  }
0x9f: {  	s4 =	ssub.s32 $0x0, s4;
	[sflag:s6] =	ssyncset.done $0x0  }
0xa0: {  	[sflag:s6] =	ssyncadd.s32 s4;
	_ =	sdelay $0x1  }
0xa1: {  	s23 =	simm.s32 $0x1B8B  }
0xa2: {  	_ =	swait.ge [sflag:s23], $0x1  }
0xa3: {  	[sflag:s23] =	ssyncset.done $0x0  }
0xa4: {  	[sflag:s23] =	ssyncadd.s32 $0xFFFFFFFF  }
0xa5: {  	s4 =	sld [smem:$0x0]  }
0xa6: {  	s5 =	sand.u32 $0xFFFFFFFE, s1  }
0xa7: {  	p0 =	sne.s32 s1, s5  }
0xa8: {  	s5 =	sshll.u32 @p0 s5, $0xE  }
0xa9: {  	s5 =	sadd.s32 @p0 $0x11B8D, s5;
	s6 =	sshll.u32 @p0 s4, $0x11  }
0xaa: {  	s5 =	sor.u32 @p0 s6, s5  }
0xab: {  	[sflag:s5] =	ssyncadd.remote.s32 @p0 $0x1;
	_ =	sdelay $0x1  }
0xac: {  	s5 =	simm.s32 @p0 $0x1B8D  }
0xad: {  	_ =	swait.eq @p0 [sflag:s5], $0x1  }
0xae: {  	[sflag:s5] =	ssyncadd.s32 @p0 $0xFFFFFFFF  }
0xaf: {  	s6 =	sshll.u32 @!p0 s1, $0xE  }
0xb0: {  	s6 =	sor.u32 @!p0 $0x4000, s6;
	s5 =	simm.s32 @!p0 $0x1B8D  }
0xb1: {  	s4 =	sshll.u32 @!p0 s4, $0x11;
	s6 =	sadd.s32 @!p0 $0x11B8D, s6;
	_ =	swait.eq @!p0 [sflag:s5], $0x1  }
0xb2: {  	s4 =	sor.u32 @!p0 s4, s6;
	[sflag:s5] =	ssyncadd.s32 @!p0 $0xFFFFFFFF  }
0xb3: {  	s25 =	simm.s32 $0x1B8E;
	s24 =	sld [smem:$0x3FFE];
	[sflag:s4] =	ssyncadd.remote.s32 @!p0 $0x1  }
0xb4: {  	s26 =	simm.s32 $execute0_lowered;
	[smem:$0x3FD2] =	sst s25  }
0xb5: {  	s5 =	sshll.u32 s26, $0x1;
	_ =	strace $0x8000004C;
	[dreg:$0x1] =	wrdreg $0xFFFFFFFF  }
0xb6: {  	s28 =	simm.s32 $_size_execute0_lowered;
	s3 =	sadd.s32 s3, s5;
	[dreg:$0x0] =	wrdreg $0x0  }
0xb7: {  	s5 =	sshll.u32 s28, $0x1;
	[dreg:$0x2] =	wrdreg s3  }
0xb8: {  	[dreg:$0x3] =	wrdreg s5  }
0xb9: {  	[dreg:$0x4] =	wrdreg $0xC0  }
0xba: {  	_ =	task [dreg:s22], $0x5FFFF  }
0xbb: {  	[dreg:$0x1] =	wrdreg $0xFFFFFFFF  }
0xbc: {  	[dreg:$0x0] =	wrdreg $0x60  }
0xbd: {  	[dreg:$0x2] =	wrdreg s24  }
0xbe: {  	[dreg:$0x3] =	wrdreg $0xB8800  }
0xbf: {  	[dreg:$0x4] =	wrdreg $0x9  }
0xc0: {  	_ =	task.clear_ibuf [dreg:s22], $0x5FFFF;
	_ =	strace $0x9000004C  }
0xc1: {  	s29 =	simm.s32 $0x9;
	_ =	strace $0x8000004E  }
0xc2: {  	_ =	swait.ge [sflag:s29], $0x1  }
0xc3: {  	[sflag:s29] =	ssyncadd.s32 $0xFFFFFFFF  }
0xc4: {  	_ =	strace $0x9000004E  }
0xc5: {  	_ =	sfence  }
0xc6: {  	s30 =	sld [smem:$0x0];
	_ =	sdelay $0x2  }
0xc7: {  	s31 =	sshll.u32 s1, $0xD;
	s1 =	sshrl.u32 s1, $0x2  }
0xc8: {  	s4 =	sand.u32 $0x4000, s31;
	s1 =	sadd.s32 s1, s30  }
0xc9: {  	s0 =	sor.u32 s4, s0;
	s1 =	sshll.u32 s1, $0x11  }
0xca: {  	s0 =	sor.u32 s1, s0  }
0xcb: {  	s0 =	sadd.s32 $0x8F2B, s0  }
0xcc: {  	[sflag:s0] =	ssyncadd.remote.s32 $0x1  }
0xcd: {  	_ =	sfence.sel $0xFFFF  }
0xce: {  	[dreg:$0x0] =	wrdreg $0xFFFFFFFF;
	(pc) =	sbr.abs _section_cstart, $3  }
0xcf: {  	[dreg:$0x1] =	wrdreg $0xFFFFFFFF  }
0xd0: {  	_ =	task.clear_ibuf [dreg:s22], $0x2FFFF;
	_ =	strace $0x9FFFFFFF  }
0xd1: {  	(tm) =	ssettm $0x7FFFFFFF  }
tec
execute0_lowered:
.L_overlay_start_1:
0x0: {  	(tag) =	ssettag $0x1  }
0x1: {  	s7 =	rddreg [dreg:$0x0]  }
0x2: {  	s1 =	rddreg [dreg:$0x1]  }
0x3: {  	s0 =	rddreg [dreg:$0x2];
	s3 =	simm.s32 $0x0  }
0x4: {  	s2 =	srdreg.scid;
	s16 =	simm.s32 $0x7880;
	s17 =	simm.s32 $0x1  }
0x5: {  	s18 =	simm.s32 $0x400;
	s19 =	simm.s32 $0x1000;
	s20 =	simm.s32 $0x80  }
0x6: {  	s21 =	simm.s32 $0x2880;
	s22 =	simm.s32 $0x50;
	s23 =	simm.s32 $0x5080  }
0x7: {  	s24 =	simm.s32 $0x0;
	[smem:$0x7FF] =	sst s3;
	s13 =	sand.u32 $0x1, s2  }
0x8: {  	s2 =	stileid.u32;
	s4 =	sadd.s32 $0x403E200, s7;
	s8 =	smul.u32 $0x140000, s13  }
0x9: {  	s5 =	sadd.s32 $0x192E200, s7;
	s6 =	sadd.s32 $0xA400, s7;
	s9 =	smul.u32 $0x14000, s2  }
0xa: {  	_ =	strace $0x8000004D;
	s10 =	smul.u32 $0x50000, s2;
	s30 =	ssub.s32 $0x2, s13  }
0xb: {  	s12 =	smul.u32 $0x4E20, s2;
	s13 =	sshll.u32 s13, $0x7;
	s8 =	sadd.s32 s9, s8  }
0xc: {  	s31 =	sshrl.u32 s30, $0x1;
	s10 =	sshrl.u32 s10, $0x2;
	s8 =	sshrl.u32 s8, $0x3  }
0xd: {  	s15 =	ssub.s32 s30, s31;
	s14 =	sadd.s32 s8, s7;
	s7 =	sadd.s32 s10, s1  }
0xe: {  	s15 =	smax.u32 s15, $0x1;
	s8 =	sadd.s32 $0x4000, s7;
	s9 =	sadd.s32 $0x8000, s7  }
0xf: {  	v0 =	vimm.f32 $0.0e+00;
	s10 =	sadd.s32 $0xC000, s7;
	s11 =	sadd.s32 $0x10000, s7;
	s14 =	sadd.s32 $0x2D06200, s14  }
.LBB2_1:
0x10: {  	s25 =	simm.s32 $0x0;
	s26 =	simm.s32 $0x200  }
.LBB2_2:
0x11: {  	p0 =	sne.s32 s26, $0xFE00;
	[tilespmem:s25+$0x78F0] =	vst v0  }
0x12: {  	[tilespmem:s25+$0x7880] =	vst v0  }
0x13: {  	[tilespmem:s25+$0x7890] =	vst v0  }
.Ltmp0:
0x14: {  	[tilespmem:s25+$0x78A0] =	vst v0;
	(pc) =	sbr.rel @p0 .LBB2_2-.Ltmp0, $4  }
0x15: {  	[tilespmem:s25+$0x78B0] =	vst v0  }
0x16: {  	[tilespmem:s25+$0x78C0] =	vst v0  }
0x17: {  	[tilespmem:s25+$0x78D0] =	vst v0  }
0x18: {  	[tilespmem:s25+$0x78E0] =	vst v0;
	s25 =	sshra.s32 s26, $0x2;
	s26 =	sadd.s32 $0x200, s26  }
0x19: {  	[tilespmem:s25+$0x78F0] =	vst v0  }
0x1a: {  	[tilespmem:s25+$0x7880] =	vst v0  }
0x1b: {  	[tilespmem:s25+$0x7890] =	vst v0  }
0x1c: {  	[tilespmem:s25+$0x78A0] =	vst v0  }
0x1d: {  	[tilespmem:s25+$0x78B0] =	vst v0  }
0x1e: {  	[tilespmem:s25+$0x78C0] =	vst v0  }
0x1f: {  	[tilespmem:s25+$0x78D0] =	vst v0  }
0x20: {  	[tilespmem:s25+$0x78E0] =	vst v0;
	s26 =	simm.s32 $0x200;
	s25 =	simm.s32 $0x0  }
.LBB2_4:
0x21: {  	p0 =	sne.s32 s26, $0x9E00;
	[tilespmem:s25+$0x50F0] =	vst v0;
	s28 =	smov.u32 s26;
	s26 =	sadd.s32 $0x200, s26  }
.Ltmp1:
0x22: {  	[tilespmem:s25+$0x50E0] =	vst v0;
	(pc) =	sbr.rel @p0 .LBB2_4-.Ltmp1, $3  }
0x23: {  	[tilespmem:s25+$0x50C0] =	vst v0  }
0x24: {  	[tilespmem:s25+$0x50D0] =	vst v0;
	_ =	sdelay $0x1  }
0x25: {  	s25 =	sshra.s32 s28, $0x2  }
0x26: {  	[tilespmem:s25+$0x50F0] =	vst v0  }
0x27: {  	[tilespmem:s25+$0x50E0] =	vst v0  }
0x28: {  	[tilespmem:s25+$0x50C0] =	vst v0  }
0x29: {  	[tilespmem:s25+$0x50D0] =	vst v0  }
0x2a: {  	[spmem:s7] =	stream.linear.scatter [tilespmem:s16], [sflag:$0x1], $0x4000, $0x38;
	[tilespmem:$0x1F880] =	vst v63  }
0x2b: {  	_ =	swait.ge [sflag:s17], $0x4000  }
0x2c: {  	[sflag:s17] =	ssyncset.done $0x0  }
0x2d: {  	[sflag:s17] =	ssyncadd.s32 $0xFFFFC000  }
0x2e: {  	[spmem:s8] =	stream.linear.scatter [tilespmem:s16], [sflag:$0x1], $0x4000, $0x38;
	[tilespmem:$0x1F880] =	vst v63  }
0x2f: {  	_ =	swait.ge [sflag:s17], $0x4000  }
0x30: {  	[sflag:s17] =	ssyncset.done $0x0  }
0x31: {  	[sflag:s17] =	ssyncadd.s32 $0xFFFFC000  }
0x32: {  	[spmem:s9] =	stream.linear.scatter [tilespmem:s16], [sflag:$0x1], $0x4000, $0x38;
	[tilespmem:$0x1F880] =	vst v63  }
0x33: {  	_ =	swait.ge [sflag:s17], $0x4000  }
0x34: {  	[sflag:s17] =	ssyncset.done $0x0  }
0x35: {  	[sflag:s17] =	ssyncadd.s32 $0xFFFFC000  }
0x36: {  	[spmem:s10] =	stream.linear.scatter [tilespmem:s16], [sflag:$0x1], $0x4000, $0x38;
	[tilespmem:$0x1F880] =	vst v63  }
0x37: {  	_ =	swait.ge [sflag:s17], $0x4000  }
0x38: {  	[sflag:s17] =	ssyncset.done $0x0  }
0x39: {  	[sflag:s17] =	ssyncadd.s32 $0xFFFFC000  }
0x3a: {  	[spmem:s11] =	stream.linear.scatter [tilespmem:s16], [sflag:$0x1], $0x4000, $0x38;
	[tilespmem:$0x1F880] =	vst v63  }
0x3b: {  	_ =	swait.ge [sflag:s17], $0x4000  }
0x3c: {  	[sflag:s17] =	ssyncset.done $0x0  }
0x3d: {  	[sflag:s17] =	ssyncadd.s32 $0xFFFFC000  }
0x3e: {  	s25 =	simm.s32 $0x0;
	s26 =	simm.s32 $0x0;
	[bflag:$0x0] =	sbarrier.arrive $0xFFFF  }
.LBB2_6:
0x3f: {  	s28 =	smul.u32 $0x50, s26;
	_ =	sdelay $0x1  }
0x40: {  	s28 =	sadd.s32 s12, s28  }
0x41: {  	s29 =	sshrl.u32 s28, $0x3  }
0x42: {  	s29 =	sadd.s32 s6, s29  }
0x43: {  	[tilespmem:s25], [sflag:$0x1] =	stream.linear.gather [hbm4b:s29+s25], $0x50, $0x38;
	[tilespmem:$0x1F880] =	vst v63  }
0x44: {  	s28 =	sshll.u32 s28, $0x6;
	_ =	swait.ge [sflag:s17], $0x50  }
0x45: {  	s28 =	sor.u32 s13, s28;
	[sflag:s17] =	ssyncset.done $0x0  }
0x46: {  	s29 =	sadd.s32 s4, s28;
	[sflag:s17] =	ssyncadd.s32 $0xFFFFFFB0  }
0x47: {  	[tilespmem:s20], [sflag:$0x1] =	stream.strided.gather [hbm4b:s29+s18], $0x2800, s19, s18, $0x38;
	[tilespmem:$0x1F880] =	vst v63  }
0x48: {  	_ =	swait.ge [sflag:s17], $0x2800  }
0x49: {  	[sflag:s17] =	ssyncset.done $0x0  }
0x4a: {  	s28 =	sadd.s32 s5, s28;
	[sflag:s17] =	ssyncadd.s32 $0xFFFFD800  }
0x4b: {  	[tilespmem:s21], [sflag:$0x1] =	stream.strided.gather [hbm4b:s28+s18], $0x2800, s19, s18, $0x38;
	[tilespmem:$0x1F880] =	vst v63  }
0x4c: {  	_ =	swait.ge [sflag:s17], $0x2800  }
0x4d: {  	[sflag:s17] =	ssyncset.done $0x0  }
0x4e: {  	s29 =	simm.s32 $0x0;
	[sflag:s17] =	ssyncadd.s32 $0xFFFFD800  }
0x4f: {  	v1 =	vld [tilespmem:s29+$0xF0]  }
0x50: {  	v2 =	vld [tilespmem:s29+$0x28F0]  }
0x51: {  	v3 =	vld [tilespmem:s29+$0xC0]  }
0x52: {  	v4 =	vld [tilespmem:s29+$0x28C0]  }
0x53: {  	v5 =	vld [tilespmem:s29+$0xD0]  }
0x54: {  	v6 =	vld [tilespmem:s29+$0x28D0]  }
0x55: {  	v7 =	vld [tilespmem:s29+$0xE0]  }
0x56: {  	v8 =	vld [tilespmem:s29+$0x80];
	v1 =	vadd.f32 v2, v1  }
0x57: {  	v2 =	vld [tilespmem:s29+$0x28E0]  }
0x58: {  	v3 =	vadd.f32 v4, v3;
	v4 =	vld [tilespmem:s29+$0x2880];
	v9 =	vand.u32 $0x7FFFFFFF, v1  }
0x59: {  	v9 =	vsub.f32 $0.0e+00, v9;
	_ =	sdelay $0x1  }
0x5a: {  	v10 =	vld [tilespmem:s29+$0x90];
	v5 =	vadd.f32 v6, v5;
	v11 =	vand.u32 $0x7FFFFFFF, v3;
	v9 =	vmul.f32 $1.442695020e+00, v9  }
0x5b: {  	v6 =	vld [tilespmem:s29+$0x2890];
	v11 =	vsub.f32 $0.0e+00, v11;
	v2 =	vadd.f32 v2, v7  }
0x5c: {  	v12 =	vld [tilespmem:s29+$0xA0];
	v13 =	vand.u32 $0x7FFFFFFF, v5;
	v4 =	vadd.f32 v4, v8;
	(erf) = vpow2.f32 v9  }
0x5d: {  	v7 =	vld [tilespmem:s29+$0x28A0];
	v9 =	vmul.f32 $1.442695020e+00, v11;
	v11 =	vsub.f32 $0.0e+00, v13;
	v8 =	vand.u32 $0x7FFFFFFF, v2  }
0x5e: {  	v13 =	vld [tilespmem:s29+$0xB0];
	v8 =	vsub.f32 $0.0e+00, v8  }
0x5f: {  	v11 =	vmul.f32 $1.442695020e+00, v11;
	(erf) = vpow2.f32 v9;
	v9 =	vld [tilespmem:s29+$0x28B0]  }
0x60: {  	v6 =	vadd.f32 v6, v10;
	v4 =	vsub.f32 $0.0e+00, v4;
	v8 =	vmul.f32 $1.442695020e+00, v8  }
0x61: {  	(erf) = vpow2.f32 v11  }
0x62: {  	v6 =	vsub.f32 $0.0e+00, v6;
	v4 =	vmul.f32 $1.442695020e+00, v4;
	(erf) = vpow2.f32 v8  }
0x63: {  	v7 =	vadd.f32 v7, v12  }
0x64: {  	v6 =	vmul.f32 $1.442695020e+00, v6;
	(erf) = vpow2.f32 v4;
	v4 =	vadd.f32 v9, v13  }
0x65: {  	v7 =	vsub.f32 $0.0e+00, v7  }
0x66: {  	v8 =	vpop (erf);
	(erf) = vpow2.f32 v6;
	v4 =	vsub.f32 $0.0e+00, v4  }
0x67: {  	v7 =	vmul.f32 $1.442695020e+00, v7;
	v6 =	vmul.f32 $1.720806020e-02, v8  }
0x68: {  	v4 =	vmul.f32 $1.442695020e+00, v4  }
0x69: {  	v10 =	vpop (erf);
	(erf) = vpow2.f32 v7;
	v6 =	vsub.f32 $8.172681180e-02, v6  }
0x6a: {  	v7 =	vmul.f32 $1.720806020e-02, v10;
	v11 =	vpop (erf);
	(erf) = vpow2.f32 v4  }
0x6b: {  	v6 =	vmul.f32 v6, v8;
	v12 =	vpop (erf)  }
0x6c: {  	v4 =	vsub.f32 $8.172681180e-02, v7;
	v7 =	vmul.f32 $1.720806020e-02, v11;
	v9 =	vmul.f32 $1.720806020e-02, v12  }
0x6d: {  	v14 =	vmax.f32 v3, $0.0e+00;
	v6 =	vadd.f32 $-1.887826770e-01, v6  }
0x6e: {  	v13 =	vpop (erf);
	v4 =	vmul.f32 v4, v10;
	v7 =	vsub.f32 $8.172681180e-02, v7;
	v9 =	vsub.f32 $8.172681180e-02, v9  }
0x6f: {  	v18 =	vmax.f32 v5, $0.0e+00;
	v3 =	vadd.f32 $1.000000000e+00, v13;
	v6 =	vmul.f32 v6, v8;
	v13 =	vpop (erf)  }
0x70: {  	s28 =	simm.s32 $0x80;
	v4 =	vadd.f32 $-1.887826770e-01, v4;
	v7 =	vmul.f32 v7, v11;
	v13 =	vadd.f32 $1.000000000e+00, v13  }
0x71: {  	v15 =	vld [tilespmem:s28+$0x28F0];
	(erf) = vrcp.f32 v3;
	v3 =	vadd.f32 $3.145905440e-01, v6;
	v6 =	vmul.f32 v9, v12  }
0x72: {  	v17 =	vld [tilespmem:s28+$0x28C0];
	v4 =	vmul.f32 v4, v10;
	v7 =	vadd.f32 $-1.887826770e-01, v7;
	v9 =	vpop (erf);
	(erf) = vrcp.f32 v13  }
0x73: {  	v13 =	vld [tilespmem:s28+$0xF0];
	v9 =	vadd.f32 $1.000000000e+00, v9;
	v3 =	vmul.f32 v3, v8;
	v6 =	vadd.f32 $-1.887826770e-01, v6;
	v16 =	vpop (erf)  }
0x74: {  	v5 =	vld [tilespmem:s28+$0xD0];
	v4 =	vadd.f32 $3.145905440e-01, v4;
	v7 =	vmul.f32 v7, v11;
	v16 =	vadd.f32 $1.000000000e+00, v16  }
0x75: {  	(erf) = vrcp.f32 v9;
	v9 =	vld [tilespmem:s28+$0xC0];
	v3 =	vadd.f32 $-4.969779250e-01, v3;
	v6 =	vmul.f32 v6, v12  }
0x76: {  	v20 =	vmax.f32 v2, $0.0e+00;
	v2 =	vld [tilespmem:s28+$0xE0];
	v4 =	vmul.f32 v4, v10;
	v7 =	vadd.f32 $3.145905440e-01, v7  }
0x77: {  	(erf) = vrcp.f32 v16;
	v16 =	vld [tilespmem:s28+$0x28D0];
	v3 =	vmul.f32 v3, v8;
	v6 =	vadd.f32 $3.145905440e-01, v6  }
0x78: {  	v19 =	vadd.f32 $-4.969779250e-01, v4;
	v4 =	vadd.f32 v15, v13;
	v13 =	vld [tilespmem:s28+$0x28E0]  }
0x79: {  	v21 =	vld [tilespmem:s28+$0x2880];
	v7 =	vmul.f32 v7, v11;
	v3 =	vadd.f32 $9.997924560e-01, v3;
	v6 =	vmul.f32 v6, v12  }
0x7a: {  	v15 =	vmul.f32 v19, v10;
	v19 =	vld [tilespmem:s28+$0x80];
	v17 =	vadd.f32 v17, v9;
	v9 =	vand.u32 $0x7FFFFFFF, v4  }
0x7b: {  	v7 =	vadd.f32 $-4.969779250e-01, v7;
	v3 =	vmul.f32 v3, v8;
	v8 =	vsub.f32 $0.0e+00, v9  }
0x7c: {  	v24 =	vld [tilespmem:s28+$0x90];
	v6 =	vadd.f32 $-4.969779250e-01, v6;
	v5 =	vadd.f32 v16, v5;
	v23 =	vand.u32 $0x7FFFFFFF, v17  }
0x7d: {  	v57 =	vld [tilespmem:s28+$0x2890];
	v1 =	vmax.f32 v1, $0.0e+00;
	v13 =	vadd.f32 v13, v2;
	v16 =	vsub.f32 $0.0e+00, v23  }
0x7e: {  	v22 =	vpop (erf);
	v3 =	vadd.f32 $3.507552040e-06, v3;
	v25 =	vmul.f32 $1.442695020e+00, v8;
	v26 =	vand.u32 $0x7FFFFFFF, v5  }
0x7f: {  	v27 =	vld [tilespmem:s28+$0xA0];
	v9 =	vpop (erf);
	v6 =	vmul.f32 v6, v12;
	v19 =	vadd.f32 v21, v19;
	v2 =	vmul.f32 $1.442695020e+00, v16  }
0x80: {  	v8 =	vpop (erf);
	v1 =	vadd.f32 v3, v1;
	v3 =	vsub.f32 $0.0e+00, v26;
	v16 =	vld [tilespmem:s28+$0x28A0];
	(erf) = vpow2.f32 v25  }
0x81: {  	v59 =	vand.u32 $0x7FFFFFFF, v13;
	v6 =	vadd.f32 $9.997924560e-01, v6;
	v58 =	vpop (erf);
	(erf) = vpow2.f32 v2  }
0x82: {  	v60 =	vld [tilespmem:s28+$0xB0];
	v25 =	vmul.f32 v1, v58;
	v1 =	vmul.f32 $1.442695020e+00, v3;
	v3 =	vsub.f32 $0.0e+00, v59  }
0x83: {  	v61 =	vld [tilespmem:s28+$0x28B0];
	v7 =	vmul.f32 v7, v11;
	v2 =	vsub.f32 $0.0e+00, v19;
	v19 =	vadd.f32 v57, v24  }
0x84: {  	v3 =	vmul.f32 $1.442695020e+00, v3;
	(erf) = vpow2.f32 v1;
	v1 =	vadd.f32 $9.997924560e-01, v15  }
0x85: {  	v12 =	vmul.f32 v6, v12;
	v15 =	vsub.f32 $0.0e+00, v19;
	v16 =	vadd.f32 v16, v27  }
0x86: {  	v2 =	vmul.f32 $1.442695020e+00, v2;
	(erf) = vpow2.f32 v3  }
0x87: {  	v3 =	vadd.f32 $9.997924560e-01, v7;
	v7 =	vmul.f32 $1.442695020e+00, v15;
	v15 =	vsub.f32 $0.0e+00, v16  }
0x88: {  	v1 =	vmul.f32 v1, v10;
	(erf) = vpow2.f32 v2;
	v16 =	vadd.f32 v61, v60  }
0x89: {  	v2 =	vmax.f32 v17, $0.0e+00;
	v3 =	vmul.f32 v3, v11;
	v11 =	vmul.f32 $1.442695020e+00, v15;
	v10 =	vpop (erf)  }
0x8a: {  	(erf) = vpow2.f32 v7;
	v7 =	vsub.f32 $0.0e+00, v16;
	v15 =	vmul.f32 $1.720806020e-02, v10;
	v6 =	vpop (erf)  }
0x8b: {  	(erf) = vpow2.f32 v11;
	v11 =	vadd.f32 $3.507552040e-06, v1;
	v17 =	vmul.f32 $1.720806020e-02, v6  }
0x8c: {  	v19 =	vmul.f32 $1.442695020e+00, v7;
	v1 =	vmax.f32 v13, $0.0e+00;
	v13 =	vadd.f32 $3.507552040e-06, v12  }
0x8d: {  	v15 =	vsub.f32 $8.172681180e-02, v15;
	v12 =	vsub.f32 $8.172681180e-02, v17  }
0x8e: {  	v16 =	vadd.f32 $3.507552040e-06, v3;
	v7 =	vpop (erf);
	(erf) = vpow2.f32 v19  }
0x8f: {  	v14 =	vadd.f32 v11, v14;
	v15 =	vmul.f32 v15, v10;
	v12 =	vmul.f32 v12, v6  }
0x90: {  	v3 =	vmax.f32 v5, $0.0e+00;
	v11 =	vadd.f32 v16, v18;
	v17 =	vmul.f32 $1.720806020e-02, v7;
	v5 =	vpop (erf)  }
0x91: {  	v16 =	vmul.f32 $1.720806020e-02, v5;
	v15 =	vadd.f32 $-1.887826770e-01, v15;
	v18 =	vpop (erf);
	v12 =	vadd.f32 $-1.887826770e-01, v12  }
0x92: {  	v17 =	vsub.f32 $8.172681180e-02, v17;
	v18 =	vadd.f32 $1.000000000e+00, v18  }
0x93: {  	v19 =	vmul.f32 v14, v22;
	v14 =	vpop (erf);
	v16 =	vsub.f32 $8.172681180e-02, v16;
	v15 =	vmul.f32 v15, v10  }
0x94: {  	v62 =	vadd.f32 $1.000000000e+00, v14;
	v17 =	vmul.f32 v17, v7;
	(erf) = vrcp.f32 v18  }
0x95: {  	[tilespmem:s29+$0x50B0] =	vst v25;
	v14 =	vmul.f32 v12, v6;
	v18 =	vmul.f32 v16, v5;
	v63 =	vadd.f32 $3.145905440e-01, v15;
	v12 =	vpop (erf)  }
0x96: {  	s30 =	simm.s32 $0x100;
	[tilespmem:s29+$0x5080] =	vst v19;
	v15 =	vadd.f32 $-1.887826770e-01, v17;
	(erf) = vrcp.f32 v62;
	v16 =	vadd.f32 $1.000000000e+00, v12  }
0x97: {  	s31 =	simm.s32 $0x600;
	v13 =	vadd.f32 v13, v20;
	v18 =	vadd.f32 $-1.887826770e-01, v18;
	v17 =	vmul.f32 v63, v10;
	v12 =	vld [tilespmem:s30+$0xF0]  }
.LBB2_7:
0x98: {  	p0 =	sne.s32 s31, $0x9E00;
	v19 =	vld [tilespmem:s30+$0x28F0];
	v14 =	vadd.f32 $3.145905440e-01, v14;
	v15 =	vmul.f32 v15, v7;
	(erf) = vrcp.f32 v16;
	v16 =	vpop (erf)  }
0x99: {  	v20 =	vld [tilespmem:s30+$0xC0];
	v18 =	vmul.f32 v18, v5;
	v16 =	vadd.f32 $1.000000000e+00, v16;
	v17 =	vadd.f32 $-4.969779250e-01, v17  }
0x9a: {  	v9 =	vmul.f32 v11, v9;
	v21 =	vld [tilespmem:s30+$0x28C0];
	v14 =	vmul.f32 v14, v6;
	v15 =	vadd.f32 $3.145905440e-01, v15  }
0x9b: {  	v11 =	vld [tilespmem:s30+$0xD0];
	v18 =	vadd.f32 $3.145905440e-01, v18;
	v22 =	vmul.f32 v17, v10;
	(erf) = vrcp.f32 v16  }
0x9c: {  	v8 =	vmul.f32 v13, v8;
	v16 =	vld [tilespmem:s30+$0x28D0];
	v14 =	vadd.f32 $-4.969779250e-01, v14;
	v15 =	vmul.f32 v15, v7;
	[tilespmem:s29+$0x5090] =	vst v9  }
0x9d: {  	v13 =	vld [tilespmem:s30+$0xE0];
	v12 =	vadd.f32 v19, v12;
	v18 =	vmul.f32 v18, v5;
	v23 =	vadd.f32 $9.997924560e-01, v22;
	v17 =	vpop (erf)  }
0x9e: {  	v19 =	vld [tilespmem:s30+$0x28E0];
	v14 =	vmul.f32 v14, v6;
	v15 =	vadd.f32 $-4.969779250e-01, v15;
	[tilespmem:s29+$0x50A0] =	vst v8;
	s29 =	smov.u32 s28;
	s28 =	smov.u32 s30  }
0x9f: {  	v22 =	vld [tilespmem:s28+$0x80];
	v20 =	vadd.f32 v21, v20;
	v26 =	vand.u32 $0x7FFFFFFF, v12;
	v10 =	vmul.f32 v23, v10;
	v9 =	vpop (erf)  }
0xa0: {  	v18 =	vadd.f32 $-4.969779250e-01, v18;
	v21 =	vld [tilespmem:s28+$0x2880];
	v23 =	vsub.f32 $0.0e+00, v26;
	v15 =	vmul.f32 v15, v7  }
0xa1: {  	v24 =	vand.u32 $0x7FFFFFFF, v20;
	v25 =	vld [tilespmem:s28+$0x90];
	v11 =	vadd.f32 v16, v11;
	v10 =	vadd.f32 $3.507552040e-06, v10;
	v8 =	vpop (erf)  }
0xa2: {  	v26 =	vmax.f32 v4, $0.0e+00;
	v4 =	vmovc v12;
	v16 =	vsub.f32 $0.0e+00, v24;
	v24 =	vld [tilespmem:s28+$0x2890];
	v28 =	vmul.f32 $1.442695020e+00, v23  }
0xa3: {  	v12 =	vand.u32 $0x7FFFFFFF, v11;
	v27 =	vld [tilespmem:s28+$0xA0];
	v13 =	vadd.f32 v19, v13;
	v10 =	vadd.f32 v10, v26  }
0xa4: {  	v16 =	vmul.f32 $1.442695020e+00, v16;
	v12 =	vsub.f32 $0.0e+00, v12;
	v19 =	vld [tilespmem:s28+$0x28A0];
	(erf) = vpow2.f32 v28;
	v23 =	vpop (erf)  }
0xa5: {  	v21 =	vadd.f32 v21, v22;
	v22 =	vand.u32 $0x7FFFFFFF, v13;
	v10 =	vmul.f32 v10, v23  }
0xa6: {  	v12 =	vmul.f32 $1.442695020e+00, v12;
	v22 =	vsub.f32 $0.0e+00, v22;
	v23 =	vld [tilespmem:s28+$0xB0];
	(erf) = vpow2.f32 v16  }
0xa7: {  	v18 =	vmul.f32 v18, v5;
	v16 =	vsub.f32 $0.0e+00, v21;
	v21 =	vadd.f32 v24, v25;
	v24 =	vld [tilespmem:s28+$0x28B0];
	[tilespmem:s29+$0x50B0] =	vst v10  }
0xa8: {  	v10 =	vmul.f32 $1.442695020e+00, v22;
	(erf) = vpow2.f32 v12;
	v12 =	vadd.f32 $9.997924560e-01, v14  }
0xa9: {  	v14 =	vmul.f32 $1.442695020e+00, v16;
	v16 =	vsub.f32 $0.0e+00, v21;
	v19 =	vadd.f32 v19, v27  }
0xaa: {  	v21 =	vadd.f32 $9.997924560e-01, v15;
	v15 =	vadd.f32 $9.997924560e-01, v18;
	(erf) = vpow2.f32 v10  }
0xab: {  	v16 =	vmul.f32 $1.442695020e+00, v16;
	v18 =	vsub.f32 $0.0e+00, v19;
	(erf) = vpow2.f32 v14  }
0xac: {  	v12 =	vmul.f32 v12, v6;
	v7 =	vmul.f32 v21, v7;
	v14 =	vadd.f32 v24, v23  }
0xad: {  	v19 =	vmax.f32 v20, $0.0e+00;
	v18 =	vmul.f32 $1.442695020e+00, v18;
	(erf) = vpow2.f32 v16;
	v10 =	vpop (erf)  }
0xae: {  	v5 =	vmul.f32 v15, v5;
	v14 =	vsub.f32 $0.0e+00, v14;
	v16 =	vmul.f32 $1.720806020e-02, v10  }
0xaf: {  	v12 =	vadd.f32 $3.507552040e-06, v12;
	v15 =	vadd.f32 $3.507552040e-06, v7;
	v6 =	vpop (erf);
	(erf) = vpow2.f32 v18  }
0xb0: {  	v18 =	vmul.f32 $1.720806020e-02, v6;
	v14 =	vmul.f32 $1.442695020e+00, v14;
	v16 =	vsub.f32 $8.172681180e-02, v16  }
0xb1: {  	v20 =	vmax.f32 v11, $0.0e+00;
	v21 =	vmax.f32 v13, $0.0e+00;
	v13 =	vadd.f32 $3.507552040e-06, v5;
	v7 =	vpop (erf)  }
0xb2: {  	v18 =	vsub.f32 $8.172681180e-02, v18;
	v16 =	vmul.f32 v16, v10;
	(erf) = vpow2.f32 v14  }
0xb3: {  	v22 =	vadd.f32 v12, v2;
	v11 =	vadd.f32 v15, v3;
	v14 =	vmul.f32 $1.720806020e-02, v7;
	v5 =	vpop (erf)  }
0xb4: {  	v12 =	vmul.f32 v18, v6;
	v15 =	vmul.f32 $1.720806020e-02, v5;
	v16 =	vadd.f32 $-1.887826770e-01, v16;
	v3 =	vpop (erf)  }
0xb5: {  	v2 =	vmovc v19;
	v17 =	vmul.f32 v22, v17;
	v14 =	vsub.f32 $8.172681180e-02, v14;
	v18 =	vadd.f32 $1.000000000e+00, v3;
	v3 =	vmovc v20  }
.Ltmp2:
0xb6: {  	v23 =	vadd.f32 $-1.887826770e-01, v12;
	v15 =	vsub.f32 $8.172681180e-02, v15;
	v16 =	vmul.f32 v16, v10;
	v19 =	vpop (erf);
	(pc) =	sbr.rel @p0 .LBB2_7-.Ltmp2, $4  }
0xb7: {  	v20 =	vmul.f32 v14, v7;
	v19 =	vadd.f32 $1.000000000e+00, v19;
	(erf) = vrcp.f32 v18;
	[tilespmem:s29+$0x5080] =	vst v17  }
0xb8: {  	v14 =	vmul.f32 v23, v6;
	v17 =	vmul.f32 v15, v5;
	v22 =	vadd.f32 $3.145905440e-01, v16;
	v12 =	vpop (erf)  }
0xb9: {  	s30 =	sshra.s32 s31, $0x2;
	v15 =	vadd.f32 $-1.887826770e-01, v20;
	v16 =	vadd.f32 $1.000000000e+00, v12;
	(erf) = vrcp.f32 v19  }
0xba: {  	s31 =	sadd.s32 $0x200, s31;
	v13 =	vadd.f32 v13, v1;
	v1 =	vmovc v21;
	v12 =	vld [tilespmem:s30+$0xF0];
	v18 =	vadd.f32 $-1.887826770e-01, v17;
	v17 =	vmul.f32 v22, v10  }
0xbb: {  	v19 =	vld [tilespmem:s30+$0x28F0]  }
0xbc: {  	v20 =	vld [tilespmem:s30+$0xC0]  }
0xbd: {  	v21 =	vld [tilespmem:s30+$0x28C0];
	v9 =	vmul.f32 v11, v9  }
0xbe: {  	v46 =	vld [tilespmem:s30+$0xD0]  }
0xbf: {  	v22 =	vld [tilespmem:s30+$0x28D0];
	[tilespmem:s29+$0x5090] =	vst v9  }
0xc0: {  	v47 =	vadd.f32 $3.145905440e-01, v14;
	v48 =	vmul.f32 v15, v7;
	(erf) = vrcp.f32 v16;
	v49 =	vpop (erf);
	v50 =	vld [tilespmem:s30+$0xE0]  }
0xc1: {  	v18 =	vmul.f32 v18, v5;
	v15 =	vadd.f32 $1.000000000e+00, v49;
	v17 =	vadd.f32 $-4.969779250e-01, v17;
	v23 =	vld [tilespmem:s30+$0x28E0]  }
0xc2: {  	v8 =	vmul.f32 v13, v8;
	v24 =	vmul.f32 v47, v6;
	v14 =	vadd.f32 $3.145905440e-01, v48  }
0xc3: {  	v51 =	vadd.f32 $3.145905440e-01, v18;
	v17 =	vmul.f32 v17, v10;
	v9 =	vadd.f32 v19, v12  }
0xc4: {  	(erf) = vrcp.f32 v15;
	[tilespmem:s29+$0x50A0] =	vst v8;
	v52 =	vmul.f32 v14, v7;
	v53 =	vadd.f32 v21, v20  }
0xc5: {  	v54 =	vld [tilespmem:s30+$0x80];
	v24 =	vadd.f32 $-4.969779250e-01, v24;
	v11 =	vadd.f32 v22, v46;
	v55 =	vand.u32 $0x7FFFFFFF, v9  }
0xc6: {  	v56 =	vld [tilespmem:s30+$0x2880];
	v20 =	vand.u32 $0x7FFFFFFF, v53;
	v57 =	vsub.f32 $0.0e+00, v55;
	v8 =	vadd.f32 v23, v50  }
0xc7: {  	v59 =	vld [tilespmem:s30+$0x90];
	v13 =	vmul.f32 v51, v5;
	v60 =	vand.u32 $0x7FFFFFFF, v11;
	v20 =	vsub.f32 $0.0e+00, v20  }
0xc8: {  	v61 =	vld [tilespmem:s30+$0x2890];
	v21 =	vsub.f32 $0.0e+00, v60;
	v19 =	vmul.f32 $1.442695020e+00, v57;
	v23 =	vand.u32 $0x7FFFFFFF, v8  }
0xc9: {  	v63 =	vld [tilespmem:s30+$0xA0];
	v34 =	vmul.f32 v24, v6;
	v20 =	vmul.f32 $1.442695020e+00, v20;
	v23 =	vsub.f32 $0.0e+00, v23  }
0xca: {  	v25 =	vld [tilespmem:s30+$0x28A0];
	v58 =	vadd.f32 $9.997924560e-01, v17;
	v28 =	vmul.f32 $1.442695020e+00, v21;
	(erf) = vpow2.f32 v19  }
0xcb: {  	v4 =	vmax.f32 v4, $0.0e+00;
	v31 =	vld [tilespmem:s30+$0xB0];
	(erf) = vpow2.f32 v20;
	v29 =	vmul.f32 $1.442695020e+00, v23  }
0xcc: {  	v33 =	vld [tilespmem:s30+$0x28B0];
	v30 =	vpop (erf);
	v12 =	vadd.f32 $-4.969779250e-01, v52;
	v62 =	vmul.f32 v58, v10;
	(erf) = vpow2.f32 v28  }
0xcd: {  	v32 =	vpop (erf);
	v13 =	vadd.f32 $-4.969779250e-01, v13;
	v15 =	vadd.f32 v56, v54;
	(erf) = vpow2.f32 v29  }
0xce: {  	v14 =	vmax.f32 v53, $0.0e+00;
	v10 =	vadd.f32 $3.507552040e-06, v62;
	v17 =	vadd.f32 v61, v59  }
0xcf: {  	v11 =	vmax.f32 v11, $0.0e+00;
	v16 =	vadd.f32 v25, v63;
	v15 =	vsub.f32 $0.0e+00, v15  }
0xd0: {  	v12 =	vmul.f32 v12, v7;
	v4 =	vadd.f32 v10, v4;
	v17 =	vsub.f32 $0.0e+00, v17  }
0xd1: {  	v35 =	vpop (erf);
	v16 =	vsub.f32 $0.0e+00, v16;
	v10 =	vadd.f32 v33, v31;
	v15 =	vmul.f32 $1.442695020e+00, v15  }
0xd2: {  	v9 =	vmax.f32 v9, $0.0e+00;
	v13 =	vmul.f32 v13, v5;
	v36 =	vpop (erf);
	v17 =	vmul.f32 $1.442695020e+00, v17  }
0xd3: {  	v38 =	vmul.f32 $1.442695020e+00, v16;
	v10 =	vsub.f32 $0.0e+00, v10;
	(erf) = vpow2.f32 v15;
	v39 =	vpop (erf)  }
0xd4: {  	v12 =	vadd.f32 $9.997924560e-01, v12;
	(erf) = vpow2.f32 v17;
	v40 =	vmul.f32 $1.720806020e-02, v39;
	v41 =	vpop (erf)  }
0xd5: {  	v13 =	vadd.f32 $9.997924560e-01, v13;
	v10 =	vmul.f32 $1.442695020e+00, v10;
	v42 =	vmul.f32 $1.720806020e-02, v41;
	v43 =	vpop (erf)  }
0xd6: {  	(erf) = vpow2.f32 v38;
	v17 =	vsub.f32 $8.172681180e-02, v40;
	v44 =	vmul.f32 $1.720806020e-02, v43;
	v45 =	vpop (erf)  }
0xd7: {  	v46 =	vmul.f32 v12, v7;
	v47 =	vsub.f32 $8.172681180e-02, v42;
	v48 =	vmul.f32 $1.720806020e-02, v45  }
0xd8: {  	(erf) = vpow2.f32 v10;
	v17 =	vmul.f32 v17, v39;
	v49 =	vsub.f32 $8.172681180e-02, v44  }
0xd9: {  	v4 =	vmul.f32 v4, v36;
	v12 =	vmul.f32 v47, v41;
	v15 =	vsub.f32 $8.172681180e-02, v48  }
0xda: {  	v20 =	vadd.f32 $9.997924560e-01, v34;
	v51 =	vadd.f32 $-1.887826770e-01, v17;
	v10 =	vmul.f32 v49, v43  }
0xdb: {  	v50 =	vmul.f32 v13, v5;
	v12 =	vadd.f32 $-1.887826770e-01, v12;
	v15 =	vmul.f32 v15, v45  }
0xdc: {  	v37 =	vmul.f32 v20, v6;
	v52 =	vpop (erf);
	v13 =	vmul.f32 v51, v39;
	v10 =	vadd.f32 $-1.887826770e-01, v10  }
0xdd: {  	v53 =	vpop (erf);
	v17 =	vadd.f32 $1.000000000e+00, v52;
	v12 =	vmul.f32 v12, v41;
	v15 =	vadd.f32 $-1.887826770e-01, v15  }
0xde: {  	v22 =	vadd.f32 $1.000000000e+00, v53;
	v13 =	vadd.f32 $3.145905440e-01, v13;
	v10 =	vmul.f32 v10, v43  }
0xdf: {  	(erf) = vrcp.f32 v17;
	v54 =	vpop (erf);
	v12 =	vadd.f32 $3.145905440e-01, v12;
	v15 =	vmul.f32 v15, v45  }
0xe0: {  	v17 =	vadd.f32 $1.000000000e+00, v54;
	v13 =	vmul.f32 v13, v39;
	v10 =	vadd.f32 $3.145905440e-01, v10  }
0xe1: {  	(erf) = vrcp.f32 v22;
	v55 =	vpop (erf);
	v12 =	vmul.f32 v12, v41;
	v15 =	vadd.f32 $3.145905440e-01, v15  }
0xe2: {  	v22 =	vadd.f32 $1.000000000e+00, v55;
	v13 =	vadd.f32 $-4.969779250e-01, v13;
	v10 =	vmul.f32 v10, v43  }
0xe3: {  	(erf) = vrcp.f32 v17;
	v12 =	vadd.f32 $-4.969779250e-01, v12;
	v15 =	vmul.f32 v15, v45  }
0xe4: {  	(erf) = vrcp.f32 v22;
	v13 =	vmul.f32 v13, v39;
	v10 =	vadd.f32 $-4.969779250e-01, v10  }
0xe5: {  	v6 =	vadd.f32 $3.507552040e-06, v37;
	v12 =	vmul.f32 v12, v41;
	v15 =	vadd.f32 $-4.969779250e-01, v15  }
0xe6: {  	v7 =	vadd.f32 $3.507552040e-06, v46;
	v13 =	vadd.f32 $9.997924560e-01, v13;
	v10 =	vmul.f32 v10, v43  }
0xe7: {  	v2 =	vadd.f32 v6, v2;
	v56 =	vmul.f32 v15, v45;
	v12 =	vadd.f32 $9.997924560e-01, v12  }
0xe8: {  	v5 =	vadd.f32 $3.507552040e-06, v50;
	v57 =	vmul.f32 v13, v39;
	v10 =	vadd.f32 $9.997924560e-01, v10  }
0xe9: {  	v2 =	vmul.f32 v2, v30;
	v6 =	vadd.f32 $9.997924560e-01, v56;
	v12 =	vmul.f32 v12, v41  }
0xea: {  	v3 =	vadd.f32 v7, v3;
	v58 =	vpop (erf);
	v7 =	vadd.f32 $3.507552040e-06, v57;
	v10 =	vmul.f32 v10, v43  }
0xeb: {  	v1 =	vadd.f32 v5, v1;
	v59 =	vpop (erf);
	v6 =	vmul.f32 v6, v45;
	v12 =	vadd.f32 $3.507552040e-06, v12  }
0xec: {  	[tilespmem:s28+$0x50B0] =	vst v4;
	v3 =	vmul.f32 v3, v32;
	v60 =	vpop (erf);
	v7 =	vadd.f32 v7, v9;
	v61 =	vadd.f32 $3.507552040e-06, v10  }
0xed: {  	v1 =	vmul.f32 v1, v35;
	[tilespmem:s28+$0x5080] =	vst v2;
	v2 =	vpop (erf);
	v6 =	vadd.f32 $3.507552040e-06, v6;
	v62 =	vadd.f32 v12, v14  }
0xee: {  	v8 =	vmax.f32 v8, $0.0e+00;
	[tilespmem:s28+$0x5090] =	vst v3;
	v2 =	vmul.f32 v7, v2;
	v3 =	vadd.f32 v61, v11  }
0xef: {  	[tilespmem:s28+$0x50A0] =	vst v1;
	v1 =	vmul.f32 v62, v58;
	v63 =	vadd.f32 v6, v8  }
0xf0: {  	[tilespmem:s30+$0x50B0] =	vst v2;
	v2 =	vmul.f32 v3, v59  }
0xf1: {  	s26 =	sadd.s32 $0x1, s26;
	[tilespmem:s30+$0x5080] =	vst v1;
	v1 =	vmul.f32 v63, v60  }
0xf2: {  	p0 =	sne.s32 s26, $0xFA;
	[tilespmem:s30+$0x5090] =	vst v2  }
.Ltmp3:
0xf3: {  	[tilespmem:s30+$0x50A0] =	vst v1;
	(pc) =	sbr.rel @p0 .LBB2_6-.Ltmp3, $4  }
0xf4: {  	[spmem:s1] =	stream.indirect.scatter.add.f32 [tilespmem:s23], [sflag:$0x1], $0x80, s3, s22, $0xb8;
	[tilespmem:$0x1F880] =	vst v63  }
0xf5: {  	_ =	swait.ge [sflag:s17], $0x2800  }
0xf6: {  	[sflag:s17] =	ssyncset.done $0x0  }
0xf7: {  	[sflag:s17] =	ssyncadd.s32 $0xFFFFD800  }
0xf8: {  	s24 =	sadd.s32 $0x1, s24  }
0xf9: {  	s25 =	sshll.u32 s2, $0x6;
	[bflag:$0x0] =	sbarrier.arrive $0xFFFF;
	p0 =	sne.s32 s24, s15  }
.Ltmp4:
0xfa: {  	s26 =	sshrl.u32 s7, $0x3;
	s25 =	sor.u32 $0x1C01, s25;
	(pc) =	sbr.rel @p0 .LBB2_1-.Ltmp4, $4  }
0xfb: {  	[hbm:s14], [sflag:s25] =	dma.local [spmem:s26], $0x2800  }
0xfc: {  	_ =	swait.ge [sflag:s17], $0x2800  }
0xfd: {  	[sflag:s17] =	ssyncset.done $0x0  }
0xfe: {  	[sflag:s17] =	ssyncadd.s32 $0xFFFFD800  }
0xff: {  	_ =	sfence.sel $0x180000  }
0x100: {  	[bflag:$0x0] =	sbarrier.arrive $0xFFFF  }
0x101: {  	p0 =	sne.s32 s2, $0x0;
	_ =	strace $0x9000004D  }
0x102: {  	s0 =	sadd.s32 @!p0 $0x100000, s0;
	[bflag:$0x2] =	sbarrier.arrive $0xFFFF  }
0x103: {  	[sflag:s0] =	ssyncadd.tile.s32 @!p0 $0x1;
	_ =	shalt  }
.Lfunc_end2:
_tile_overlayer_lowered:
.L_overlay_start_2:
0x104: {  	(tag) =	ssettag $0x2  }
0x105: {  	s0 =	rddreg [dreg:$0x0];
	s2 =	stileid.u32  }
0x106: {  	s1 =	rddreg [dreg:$0x1];
	p0 =	sne.s32 s2, $0x0  }
0x107: {  	s3 =	rddreg [dreg:$0x2];
	[bflag:$0x3] =	sbarrier.arrive $0xFFFF;
	s2 =	simm.s32 @!p0 $0x1C01  }
0x108: {  	[timem:s3], [sflag:s2] =	dma.local @!p0 [hbm:s0], s1  }
0x109: {  	s0 =	simm.s32 @!p0 $0x1  }
0x10a: {  	_ =	swait.ge @!p0 [sflag:s0], s1  }
0x10b: {  	s1 =	ssub.s32 @!p0 $0x0, s1;
	[sflag:s0] =	ssyncset.done @!p0 $0x0  }
0x10c: {  	[sflag:s0] =	ssyncadd.s32 @!p0 s1  }
0x10d: {  	[bflag:$0x3] =	sbarrier.arrive $0xFFFF  }
0x10e: {  	_ =	shalt  }

// kernel: kernel.22.cloned.1.call-start
scs
__scs_entry_jumppad:
0x0: {  	(pc) =	sbr.rel $0x88, $3  }
0x1: {  	(tag) =	ssettag $0x0;
	lr =	simm.s32 $0x1  }
0x2: {  	[smem:$0x3F8D] =	sst lr;
	_ =	strace $0xD0000000  }
0x3: {  	_ = 	snop  }
0x4: {  	_ = 	snop  }
0x5: {  	_ = 	snop  }
0x6: {  	_ = 	snop  }
0x7: {  	_ = 	snop  }
__scs_overlays_trampoline_lowered:
0x8: {  	[smem:$0x3F9C] =	sst s0  }
0x9: {  	[smem:$0x3F9D] =	sst s1  }
0xa: {  	[smem:$0x3F9E] =	sst s2  }
0xb: {  	[smem:$0x3F9F] =	sst s3  }
0xc: {  	[smem:$0x3FA0] =	sst s4  }
0xd: {  	[smem:$0x3FA1] =	sst s5  }
0xe: {  	[smem:$0x3FA2] =	sst s6  }
0xf: {  	[smem:$0x3FA3] =	sst s7  }
0x10: {  	[smem:$0x3FA4] =	sst s8  }
0x11: {  	[smem:$0x3FA5] =	sst s9;
	s0 =	simm.s32 @!p0 $0x0  }
0x12: {  	s1 =	sld [smem:$0x3F8B];
	s0 =	simm.s32 @p0 $0x1  }
0x13: {  	[smem:$0x3FA6] =	sst s0;
	s0 =	simm.s32 @!p1 $0x0  }
0x14: {  	s2 =	sld [smem:$0x3F8A];
	s0 =	simm.s32 @p1 $0x1  }
0x15: {  	[smem:$0x3FA7] =	sst s0;
	s0 =	simm.s32 @!p2 $0x0  }
0x16: {  	s3 =	sld [smem:$0x3FDB];
	s0 =	simm.s32 @p2 $0x1  }
0x17: {  	s4 =	simm.s32 $0x1BF5;
	[smem:$0x3FA9] =	sst s0  }
0x18: {  	s0 =	sld [smem:$0x3F8C];
	_ =	swait.ge [sflag:s4], $0x0  }
0x19: {  	s7 =	sld [smem:$0x3F8D]  }
0x1a: {  	s8 =	sadd.s32 $0xFFFFE003, lr  }
0x1b: {  	s9 =	sadd.s32 $0xFFFFFEF7, lr;
	s5 =	simm.s32 $0xFFFFFFFF;
	p2 =	slt.u32 s8, $0xFFFFF086  }
0x1c: {  	p1 =	slt.u32 s9, $0xF7A;
	s5 =	simm.s32 @!p2 $0x0  }
0x1d: {  	s5 =	simm.s32 @p1 $0x1;
	p0 =	seq.s32 s7, s2  }
0x1e: {  	s7 =	smul.u32 @!p0 $0xF7A, s2;
	p2 =	seq.s32 @!p0 s5, $0x0  }
0x1f: {  	s9 =	smul.u32 $0xF7A, s1;
	s8 =	simm.s32 @!p0 $0x1BF5;
	p2 =	por !p2, p0  }
0x20: {  	[sflag:s8] =	ssyncset.s32 @!p0 $0xFFFFF086;
	s6 =	sadd.s32 @!p0 s3, s7;
	s7 =	simm.s32 @!p0 $0x108  }
0x21: {  	s3 =	sadd.s32 s3, s9;
	s6 =	sadd.s32 @!p0 $0x88, s6;
	s7 =	simm.s32 @p2 $0x1082  }
0x22: {  	[simem:s7], [sflag:s8] =	dma.local @!p0 [hbm:s6], $0xF7A  }
0x23: {  	s9 =	sor.u32 $0xD0000000, s2;
	s6 =	simm.s32 $0x108;
	_ =	swait.ge @!p0 [sflag:s8], $0x0  }
0x24: {  	s3 =	sadd.s32 $0x88, s3;
	s6 =	simm.s32 @!p1 $0x1082;
	[sflag:s4] =	ssyncset.s32 $0xFFFFF086  }
0x25: {  	[simem:s6], [sflag:s4] =	dma.local [hbm:s3], $0xF7A  }
0x26: {  	[smem:$0x3F8D] =	sst s1;
	(tag) =	ssettag s2;
	_ =	strace s9  }
0x27: {  	s1 =	sld [smem:$0x3F9D]  }
0x28: {  	s2 =	sld [smem:$0x3F9E]  }
0x29: {  	s4 =	sld [smem:$0x3FA0]  }
0x2a: {  	p0 =	seq.s32 s5, $0x0;
	s5 =	sld [smem:$0x3FA1]  }
0x2b: {  	s6 =	sld [smem:$0x3FA2]  }
0x2c: {  	s7 =	sld [smem:$0x3FA3]  }
0x2d: {  	s3 =	simm.s32 $0x108;
	s8 =	sld [smem:$0x3FA4]  }
0x2e: {  	s3 =	simm.s32 @!p0 $0x1082;
	s9 =	sld [smem:$0x3FA5]  }
0x2f: {  	lr =	sadd.s32 s0, s3;
	s0 =	sld [smem:$0x3F9C]  }
0x30: {  	s3 =	sld [smem:$0x3F9F]  }
0x31: {  	[smem:$0x3FA8] =	sst s10  }
0x32: {  	s10 =	sld [smem:$0x3FA6];
	_ =	sdelay $0x3  }
0x33: {  	p0 =	seq.s32 s10, $0x1;
	s10 =	sld [smem:$0x3FA8];
	_ =	sdelay $0x3  }
0x34: {  	[smem:$0x3FA8] =	sst s10  }
0x35: {  	s10 =	sld [smem:$0x3FA7];
	_ =	sdelay $0x3  }
0x36: {  	p1 =	seq.s32 s10, $0x1;
	s10 =	sld [smem:$0x3FA8];
	_ =	sdelay $0x3  }
0x37: {  	[smem:$0x3FA8] =	sst s10  }
0x38: {  	s10 =	sld [smem:$0x3FA9]  }
0x39: {  	_ = 	snop;
	(pc) =	sbr.ind lr, $3  }
0x3a: {  	_ = 	snop  }
0x3b: {  	_ = 	snop  }
0x3c: {  	p2 =	seq.s32 s10, $0x1;
	s10 =	sld [smem:$0x3FA8]  }
0x3d: {  	_ =	shalt  }
0x3e: {  	_ =	shalt  }
0x3f: {  	_ =	shalt  }
0x40: {  	_ =	shalt  }
0x41: {  	_ =	shalt  }
0x42: {  	_ =	shalt  }
0x43: {  	_ =	shalt  }
0x44: {  	_ =	shalt  }
0x45: {  	_ =	shalt  }
0x46: {  	_ =	shalt  }
0x47: {  	_ =	shalt  }
0x48: {  	_ =	shalt  }
0x49: {  	_ =	shalt  }
0x4a: {  	_ =	shalt  }
0x4b: {  	_ =	shalt  }
0x4c: {  	_ =	shalt  }
0x4d: {  	_ =	shalt  }
0x4e: {  	_ =	shalt  }
0x4f: {  	_ =	shalt  }
0x50: {  	_ =	shalt  }
0x51: {  	_ =	shalt  }
0x52: {  	_ =	shalt  }
0x53: {  	_ =	shalt  }
0x54: {  	_ =	shalt  }
0x55: {  	_ =	shalt  }
0x56: {  	_ =	shalt  }
0x57: {  	_ =	shalt  }
0x58: {  	_ =	shalt  }
0x59: {  	_ =	shalt  }
0x5a: {  	_ =	shalt  }
0x5b: {  	_ =	shalt  }
0x5c: {  	_ =	shalt  }
0x5d: {  	_ =	shalt  }
0x5e: {  	_ =	shalt  }
0x5f: {  	_ =	shalt  }
0x60: {  	_ =	shalt  }
0x61: {  	_ =	shalt  }
0x62: {  	_ =	shalt  }
0x63: {  	_ =	shalt  }
0x64: {  	_ =	shalt  }
0x65: {  	_ =	shalt  }
0x66: {  	_ =	shalt  }
0x67: {  	_ =	shalt  }
0x68: {  	_ =	shalt  }
0x69: {  	_ =	shalt  }
0x6a: {  	_ =	shalt  }
0x6b: {  	_ =	shalt  }
0x6c: {  	_ =	shalt  }
0x6d: {  	_ =	shalt  }
0x6e: {  	_ =	shalt  }
0x6f: {  	_ =	shalt  }
0x70: {  	_ =	shalt  }
0x71: {  	_ =	shalt  }
0x72: {  	_ =	shalt  }
0x73: {  	_ =	shalt  }
0x74: {  	_ =	shalt  }
0x75: {  	_ =	shalt  }
0x76: {  	_ =	shalt  }
0x77: {  	_ =	shalt  }
0x78: {  	_ =	shalt  }
0x79: {  	_ =	shalt  }
0x7a: {  	_ =	shalt  }
0x7b: {  	_ =	shalt  }
0x7c: {  	_ =	shalt  }
0x7d: {  	_ =	shalt  }
0x7e: {  	_ =	shalt  }
0x7f: {  	_ =	shalt  }
0x80: {  	_ =	shalt  }
0x81: {  	_ =	shalt  }
0x82: {  	_ =	shalt  }
0x83: {  	_ =	shalt  }
0x84: {  	_ =	shalt  }
0x85: {  	_ =	shalt  }
0x86: {  	_ =	shalt  }
0x87: {  	_ =	shalt  }
.Lfunc_end0:
.L_simem_size_0:
called_computation.2_lowered:
.L_overlay_start_0:
0x88: {  	s2 =	sld [smem:$0x3FD9]  }
0x89: {  	s3 =	sld [smem:$0x3FFE];
	_ =	sdelay $0x1  }
0x8a: {  	s1 =	srdreg.scid  }
0x8b: {  	s0 =	sand.u32 $0x1, s1  }
0x8c: {  	s16 =	sshll.u32 s0, $0xA;
	s2 =	sadd.s32 s3, s2  }
0x8d: {  	s2 =	sadd.s32 s2, s16  }
0x8e: {  	[smem:$0x3FB4] =	sst s2  }
0x8f: {  	_ = 	snop  }
0x90: {  	(tm) =	ssettm $0x1  }
0x91: {  	s17 =	sld [smem:$0x3FFB];
	_ =	sdelay $0x3  }
0x92: {  	_ =	strace s17  }
0x93: {  	s2 =	sld [smem:$0x3FFC];
	_ =	sdelay $0x3  }
0x94: {  	_ =	strace s2  }
0x95: {  	s2 =	sld [smem:$0x3FFD];
	_ =	sdelay $0x3  }
0x96: {  	_ =	strace s2  }
0x97: {  	_ =	strace $0x8FFFFFFF  }
0x98: {  	s18 =	sld [smem:$0x3FDB];
	_ =	sdelay $0x1  }
0x99: {  	s19 =	simm.s32 $_scs_section_size  }
0x9a: {  	s4 =	simm.s32 $_size__tile_overlayer_lowered;
	s5 =	simm.s32 $_tile_overlayer_lowered  }
0x9b: {  	s22 =	simm.s32 $0x1BFF;
	s21 =	sshll.u32 s5, $0x1;
	s2 =	sadd.s32 s19, s18  }
0x9c: {  	s6 =	simm.s32 $0x0;
	s20 =	sshll.u32 s4, $0x1;
	s4 =	sadd.s32 s21, s2  }
0x9d: {  	[timem:s6], [sflag:s22] =	dma.local [hbm:s4], s20  }
0x9e: {  	_ =	swait.ge [sflag:s22], s20  }
0x9f: {  	s3 =	ssub.s32 $0x0, s20;
	[sflag:s22] =	ssyncset.done $0x0  }
0xa0: {  	[sflag:s22] =	ssyncadd.s32 s3;
	_ =	sdelay $0x1  }
0xa1: {  	s23 =	simm.s32 $0x1B8B  }
0xa2: {  	_ =	swait.ge [sflag:s23], $0x1  }
0xa3: {  	[sflag:s23] =	ssyncset.done $0x0  }
0xa4: {  	s25 =	simm.s32 $0x1B8E;
	s24 =	sld [smem:$0x3FFE];
	[sflag:s23] =	ssyncadd.s32 $0xFFFFFFFF  }
0xa5: {  	s26 =	simm.s32 $execute0_lowered;
	[smem:$0x3FD2] =	sst s25  }
0xa6: {  	s4 =	sshll.u32 s26, $0x1;
	_ =	strace $0x80000049;
	[dreg:$0x1] =	wrdreg $0xFFFFFFFF  }
0xa7: {  	s28 =	simm.s32 $_size_execute0_lowered;
	s2 =	sadd.s32 s2, s4;
	[dreg:$0x0] =	wrdreg $0x0  }
0xa8: {  	s4 =	sshll.u32 s28, $0x1;
	[dreg:$0x2] =	wrdreg s2  }
0xa9: {  	[dreg:$0x3] =	wrdreg s4  }
0xaa: {  	[dreg:$0x4] =	wrdreg $0xC0  }
0xab: {  	_ =	task [dreg:s6], $0x5FFFF  }
0xac: {  	[dreg:$0x1] =	wrdreg $0xFFFFFFFF  }
0xad: {  	[dreg:$0x0] =	wrdreg $0x60  }
0xae: {  	[dreg:$0x2] =	wrdreg s24  }
0xaf: {  	[dreg:$0x3] =	wrdreg $0xB8800  }
0xb0: {  	[dreg:$0x4] =	wrdreg $0xA  }
0xb1: {  	_ =	task.clear_ibuf [dreg:s6], $0x5FFFF;
	_ =	strace $0x90000049  }
0xb2: {  	s29 =	simm.s32 $0xA;
	_ =	strace $0x8000004B  }
0xb3: {  	_ =	swait.ge [sflag:s29], $0x1  }
0xb4: {  	[sflag:s29] =	ssyncadd.s32 $0xFFFFFFFF  }
0xb5: {  	_ =	strace $0x9000004B  }
0xb6: {  	_ =	sfence  }
0xb7: {  	s30 =	sld [smem:$0x0];
	_ =	sdelay $0x2  }
0xb8: {  	s31 =	sshll.u32 s1, $0xD;
	s1 =	sshrl.u32 s1, $0x2  }
0xb9: {  	s3 =	sand.u32 $0x4000, s31;
	s1 =	sadd.s32 s1, s30  }
0xba: {  	s0 =	sor.u32 s3, s0;
	s1 =	sshll.u32 s1, $0x11  }
0xbb: {  	s0 =	sor.u32 s1, s0  }
0xbc: {  	s0 =	sadd.s32 $0x8F2B, s0  }
0xbd: {  	[sflag:s0] =	ssyncadd.remote.s32 $0x1  }
0xbe: {  	_ =	sfence.sel $0xFFFF  }
0xbf: {  	[dreg:$0x0] =	wrdreg $0xFFFFFFFF;
	(pc) =	sbr.abs _section_cstart, $3  }
0xc0: {  	[dreg:$0x1] =	wrdreg $0xFFFFFFFF  }
0xc1: {  	_ =	task.clear_ibuf [dreg:s6], $0x2FFFF;
	_ =	strace $0x9FFFFFFF  }
0xc2: {  	(tm) =	ssettm $0x7FFFFFFF  }
0xc3: {  	_ =	shalt  }
tec
execute0_lowered:
.L_overlay_start_1:
0x0: {  	(tag) =	ssettag $0x1  }
0x1: {  	s7 =	rddreg [dreg:$0x0]  }
0x2: {  	s1 =	rddreg [dreg:$0x1]  }
0x3: {  	s0 =	rddreg [dreg:$0x2];
	s2 =	simm.s32 $0x0;
	s3 =	srdreg.scid  }
0x4: {  	s16 =	simm.s32 $0x7880;
	s17 =	simm.s32 $0x1;
	s18 =	simm.s32 $0x400  }
0x5: {  	s19 =	simm.s32 $0x1000;
	s20 =	simm.s32 $0x80;
	s21 =	simm.s32 $0x2880  }
0x6: {  	s22 =	simm.s32 $0x50;
	s23 =	simm.s32 $0x5080;
	s13 =	sand.u32 $0x1, s3  }
0x7: {  	s24 =	simm.s32 $0x0;
	s3 =	stileid.u32;
	s8 =	smul.u32 $0x140000, s13  }
0x8: {  	[smem:$0x7FF] =	sst s2;
	s4 =	sadd.s32 $0x403E200, s7;
	s9 =	smul.u32 $0x14000, s3  }
0x9: {  	s5 =	sadd.s32 $0x192E200, s7;
	s6 =	sadd.s32 $0xA400, s7;
	s10 =	smul.u32 $0x50000, s3  }
0xa: {  	_ =	strace $0x8000004A;
	s31 =	ssub.s32 $0x2, s13;
	s12 =	smul.u32 $0x4E20, s3  }
0xb: {  	s13 =	sshll.u32 s13, $0x7;
	s11 =	sshrl.u32 s31, $0x1;
	s8 =	sadd.s32 s9, s8  }
0xc: {  	s13 =	sor.u32 $0x100, s13;
	s10 =	sshrl.u32 s10, $0x2;
	s8 =	sshrl.u32 s8, $0x3  }
0xd: {  	s15 =	ssub.s32 s31, s11;
	s14 =	sadd.s32 s8, s7;
	s7 =	sadd.s32 s10, s1  }
0xe: {  	s15 =	smax.u32 s15, $0x1;
	s8 =	sadd.s32 $0x4000, s7;
	s9 =	sadd.s32 $0x8000, s7  }
0xf: {  	v0 =	vimm.f32 $0.0e+00;
	s10 =	sadd.s32 $0xC000, s7;
	s11 =	sadd.s32 $0x10000, s7;
	s14 =	sadd.s32 $0x2CB6200, s14  }
.LBB2_1:
0x10: {  	s25 =	simm.s32 $0x0;
	s26 =	simm.s32 $0x200  }
.LBB2_2:
0x11: {  	p0 =	sne.s32 s26, $0xFE00;
	[tilespmem:s25+$0x78F0] =	vst v0  }
0x12: {  	[tilespmem:s25+$0x7880] =	vst v0  }
0x13: {  	[tilespmem:s25+$0x7890] =	vst v0  }
.Ltmp0:
0x14: {  	[tilespmem:s25+$0x78A0] =	vst v0;
	(pc) =	sbr.rel @p0 .LBB2_2-.Ltmp0, $4  }
0x15: {  	[tilespmem:s25+$0x78B0] =	vst v0  }
0x16: {  	[tilespmem:s25+$0x78C0] =	vst v0  }
0x17: {  	[tilespmem:s25+$0x78D0] =	vst v0  }
0x18: {  	[tilespmem:s25+$0x78E0] =	vst v0;
	s25 =	sshra.s32 s26, $0x2;
	s26 =	sadd.s32 $0x200, s26  }
0x19: {  	[tilespmem:s25+$0x78F0] =	vst v0  }
0x1a: {  	[tilespmem:s25+$0x7880] =	vst v0  }
0x1b: {  	[tilespmem:s25+$0x7890] =	vst v0  }
0x1c: {  	[tilespmem:s25+$0x78A0] =	vst v0  }
0x1d: {  	[tilespmem:s25+$0x78B0] =	vst v0  }
0x1e: {  	[tilespmem:s25+$0x78C0] =	vst v0  }
0x1f: {  	[tilespmem:s25+$0x78D0] =	vst v0  }
0x20: {  	[tilespmem:s25+$0x78E0] =	vst v0;
	s26 =	simm.s32 $0x200;
	s25 =	simm.s32 $0x0  }
.LBB2_4:
0x21: {  	p0 =	sne.s32 s26, $0x9E00;
	[tilespmem:s25+$0x50F0] =	vst v0;
	s28 =	smov.u32 s26;
	s26 =	sadd.s32 $0x200, s26  }
.Ltmp1:
0x22: {  	[tilespmem:s25+$0x50E0] =	vst v0;
	(pc) =	sbr.rel @p0 .LBB2_4-.Ltmp1, $3  }
0x23: {  	[tilespmem:s25+$0x50C0] =	vst v0  }
0x24: {  	[tilespmem:s25+$0x50D0] =	vst v0;
	_ =	sdelay $0x1  }
0x25: {  	s25 =	sshra.s32 s28, $0x2  }
0x26: {  	[tilespmem:s25+$0x50F0] =	vst v0  }
0x27: {  	[tilespmem:s25+$0x50E0] =	vst v0  }
0x28: {  	[tilespmem:s25+$0x50C0] =	vst v0  }
0x29: {  	[tilespmem:s25+$0x50D0] =	vst v0  }
0x2a: {  	[spmem:s7] =	stream.linear.scatter [tilespmem:s16], [sflag:$0x1], $0x4000, $0x38;
	[tilespmem:$0x1F880] =	vst v63  }
0x2b: {  	_ =	swait.ge [sflag:s17], $0x4000  }
0x2c: {  	[sflag:s17] =	ssyncset.done $0x0  }
0x2d: {  	[sflag:s17] =	ssyncadd.s32 $0xFFFFC000  }
0x2e: {  	[spmem:s8] =	stream.linear.scatter [tilespmem:s16], [sflag:$0x1], $0x4000, $0x38;
	[tilespmem:$0x1F880] =	vst v63  }
0x2f: {  	_ =	swait.ge [sflag:s17], $0x4000  }
0x30: {  	[sflag:s17] =	ssyncset.done $0x0  }
0x31: {  	[sflag:s17] =	ssyncadd.s32 $0xFFFFC000  }
0x32: {  	[spmem:s9] =	stream.linear.scatter [tilespmem:s16], [sflag:$0x1], $0x4000, $0x38;
	[tilespmem:$0x1F880] =	vst v63  }
0x33: {  	_ =	swait.ge [sflag:s17], $0x4000  }
0x34: {  	[sflag:s17] =	ssyncset.done $0x0  }
0x35: {  	[sflag:s17] =	ssyncadd.s32 $0xFFFFC000  }
0x36: {  	[spmem:s10] =	stream.linear.scatter [tilespmem:s16], [sflag:$0x1], $0x4000, $0x38;
	[tilespmem:$0x1F880] =	vst v63  }
0x37: {  	_ =	swait.ge [sflag:s17], $0x4000  }
0x38: {  	[sflag:s17] =	ssyncset.done $0x0  }
0x39: {  	[sflag:s17] =	ssyncadd.s32 $0xFFFFC000  }
0x3a: {  	[spmem:s11] =	stream.linear.scatter [tilespmem:s16], [sflag:$0x1], $0x4000, $0x38;
	[tilespmem:$0x1F880] =	vst v63  }
0x3b: {  	_ =	swait.ge [sflag:s17], $0x4000  }
0x3c: {  	[sflag:s17] =	ssyncset.done $0x0  }
0x3d: {  	[sflag:s17] =	ssyncadd.s32 $0xFFFFC000  }
0x3e: {  	s25 =	simm.s32 $0x0;
	s26 =	simm.s32 $0x0;
	[bflag:$0x0] =	sbarrier.arrive $0xFFFF  }
.LBB2_6:
0x3f: {  	s28 =	smul.u32 $0x50, s26;
	_ =	sdelay $0x1  }
0x40: {  	s28 =	sadd.s32 s12, s28  }
0x41: {  	s29 =	sshrl.u32 s28, $0x3  }
0x42: {  	s29 =	sadd.s32 s6, s29  }
0x43: {  	[tilespmem:s25], [sflag:$0x1] =	stream.linear.gather [hbm4b:s29+s25], $0x50, $0x38;
	[tilespmem:$0x1F880] =	vst v63  }
0x44: {  	s28 =	sshll.u32 s28, $0x6;
	_ =	swait.ge [sflag:s17], $0x50  }
0x45: {  	s28 =	sor.u32 s13, s28;
	[sflag:s17] =	ssyncset.done $0x0  }
0x46: {  	s29 =	sadd.s32 s4, s28;
	[sflag:s17] =	ssyncadd.s32 $0xFFFFFFB0  }
0x47: {  	[tilespmem:s20], [sflag:$0x1] =	stream.strided.gather [hbm4b:s29+s18], $0x2800, s19, s18, $0x38;
	[tilespmem:$0x1F880] =	vst v63  }
0x48: {  	_ =	swait.ge [sflag:s17], $0x2800  }
0x49: {  	[sflag:s17] =	ssyncset.done $0x0  }
0x4a: {  	s28 =	sadd.s32 s5, s28;
	[sflag:s17] =	ssyncadd.s32 $0xFFFFD800  }
0x4b: {  	[tilespmem:s21], [sflag:$0x1] =	stream.strided.gather [hbm4b:s28+s18], $0x2800, s19, s18, $0x38;
	[tilespmem:$0x1F880] =	vst v63  }
0x4c: {  	_ =	swait.ge [sflag:s17], $0x2800  }
0x4d: {  	[sflag:s17] =	ssyncset.done $0x0  }
0x4e: {  	s29 =	simm.s32 $0x0;
	[sflag:s17] =	ssyncadd.s32 $0xFFFFD800  }
0x4f: {  	v1 =	vld [tilespmem:s29+$0xF0]  }
0x50: {  	v2 =	vld [tilespmem:s29+$0x28F0]  }
0x51: {  	v3 =	vld [tilespmem:s29+$0xC0]  }
0x52: {  	v4 =	vld [tilespmem:s29+$0x28C0]  }
0x53: {  	v5 =	vld [tilespmem:s29+$0xD0]  }
0x54: {  	v6 =	vld [tilespmem:s29+$0x28D0]  }
0x55: {  	v7 =	vld [tilespmem:s29+$0xE0]  }
0x56: {  	v8 =	vld [tilespmem:s29+$0x80];
	v1 =	vadd.f32 v2, v1  }
0x57: {  	v2 =	vld [tilespmem:s29+$0x28E0]  }
0x58: {  	v3 =	vadd.f32 v4, v3;
	v4 =	vld [tilespmem:s29+$0x2880];
	v9 =	vand.u32 $0x7FFFFFFF, v1  }
0x59: {  	v9 =	vsub.f32 $0.0e+00, v9;
	_ =	sdelay $0x1  }
0x5a: {  	v10 =	vld [tilespmem:s29+$0x90];
	v5 =	vadd.f32 v6, v5;
	v11 =	vand.u32 $0x7FFFFFFF, v3;
	v9 =	vmul.f32 $1.442695020e+00, v9  }
0x5b: {  	v6 =	vld [tilespmem:s29+$0x2890];
	v11 =	vsub.f32 $0.0e+00, v11;
	v2 =	vadd.f32 v2, v7  }
0x5c: {  	v12 =	vld [tilespmem:s29+$0xA0];
	v13 =	vand.u32 $0x7FFFFFFF, v5;
	v4 =	vadd.f32 v4, v8;
	(erf) = vpow2.f32 v9  }
0x5d: {  	v7 =	vld [tilespmem:s29+$0x28A0];
	v9 =	vmul.f32 $1.442695020e+00, v11;
	v11 =	vsub.f32 $0.0e+00, v13;
	v8 =	vand.u32 $0x7FFFFFFF, v2  }
0x5e: {  	v13 =	vld [tilespmem:s29+$0xB0];
	v8 =	vsub.f32 $0.0e+00, v8  }
0x5f: {  	v11 =	vmul.f32 $1.442695020e+00, v11;
	(erf) = vpow2.f32 v9;
	v9 =	vld [tilespmem:s29+$0x28B0]  }
0x60: {  	v6 =	vadd.f32 v6, v10;
	v4 =	vsub.f32 $0.0e+00, v4;
	v8 =	vmul.f32 $1.442695020e+00, v8  }
0x61: {  	(erf) = vpow2.f32 v11  }
0x62: {  	v6 =	vsub.f32 $0.0e+00, v6;
	v4 =	vmul.f32 $1.442695020e+00, v4;
	(erf) = vpow2.f32 v8  }
0x63: {  	v7 =	vadd.f32 v7, v12  }
0x64: {  	v6 =	vmul.f32 $1.442695020e+00, v6;
	(erf) = vpow2.f32 v4;
	v4 =	vadd.f32 v9, v13  }
0x65: {  	v7 =	vsub.f32 $0.0e+00, v7  }
0x66: {  	v8 =	vpop (erf);
	(erf) = vpow2.f32 v6;
	v4 =	vsub.f32 $0.0e+00, v4  }
0x67: {  	v7 =	vmul.f32 $1.442695020e+00, v7;
	v6 =	vmul.f32 $1.720806020e-02, v8  }
0x68: {  	v4 =	vmul.f32 $1.442695020e+00, v4  }
0x69: {  	v10 =	vpop (erf);
	(erf) = vpow2.f32 v7;
	v6 =	vsub.f32 $8.172681180e-02, v6  }
0x6a: {  	v7 =	vmul.f32 $1.720806020e-02, v10;
	v11 =	vpop (erf);
	(erf) = vpow2.f32 v4  }
0x6b: {  	v6 =	vmul.f32 v6, v8;
	v12 =	vpop (erf)  }
0x6c: {  	v4 =	vsub.f32 $8.172681180e-02, v7;
	v7 =	vmul.f32 $1.720806020e-02, v11;
	v9 =	vmul.f32 $1.720806020e-02, v12  }
0x6d: {  	v14 =	vmax.f32 v3, $0.0e+00;
	v6 =	vadd.f32 $-1.887826770e-01, v6  }
0x6e: {  	v13 =	vpop (erf);
	v4 =	vmul.f32 v4, v10;
	v7 =	vsub.f32 $8.172681180e-02, v7;
	v9 =	vsub.f32 $8.172681180e-02, v9  }
0x6f: {  	v18 =	vmax.f32 v5, $0.0e+00;
	v3 =	vadd.f32 $1.000000000e+00, v13;
	v6 =	vmul.f32 v6, v8;
	v13 =	vpop (erf)  }
0x70: {  	s28 =	simm.s32 $0x80;
	v4 =	vadd.f32 $-1.887826770e-01, v4;
	v7 =	vmul.f32 v7, v11;
	v13 =	vadd.f32 $1.000000000e+00, v13  }
0x71: {  	v15 =	vld [tilespmem:s28+$0x28F0];
	(erf) = vrcp.f32 v3;
	v3 =	vadd.f32 $3.145905440e-01, v6;
	v6 =	vmul.f32 v9, v12  }
0x72: {  	v17 =	vld [tilespmem:s28+$0x28C0];
	v4 =	vmul.f32 v4, v10;
	v7 =	vadd.f32 $-1.887826770e-01, v7;
	v9 =	vpop (erf);
	(erf) = vrcp.f32 v13  }
0x73: {  	v13 =	vld [tilespmem:s28+$0xF0];
	v9 =	vadd.f32 $1.000000000e+00, v9;
	v3 =	vmul.f32 v3, v8;
	v6 =	vadd.f32 $-1.887826770e-01, v6;
	v16 =	vpop (erf)  }
0x74: {  	v5 =	vld [tilespmem:s28+$0xD0];
	v4 =	vadd.f32 $3.145905440e-01, v4;
	v7 =	vmul.f32 v7, v11;
	v16 =	vadd.f32 $1.000000000e+00, v16  }
0x75: {  	(erf) = vrcp.f32 v9;
	v9 =	vld [tilespmem:s28+$0xC0];
	v3 =	vadd.f32 $-4.969779250e-01, v3;
	v6 =	vmul.f32 v6, v12  }
0x76: {  	v20 =	vmax.f32 v2, $0.0e+00;
	v2 =	vld [tilespmem:s28+$0xE0];
	v4 =	vmul.f32 v4, v10;
	v7 =	vadd.f32 $3.145905440e-01, v7  }
0x77: {  	(erf) = vrcp.f32 v16;
	v16 =	vld [tilespmem:s28+$0x28D0];
	v3 =	vmul.f32 v3, v8;
	v6 =	vadd.f32 $3.145905440e-01, v6  }
0x78: {  	v19 =	vadd.f32 $-4.969779250e-01, v4;
	v4 =	vadd.f32 v15, v13;
	v13 =	vld [tilespmem:s28+$0x28E0]  }
0x79: {  	v21 =	vld [tilespmem:s28+$0x2880];
	v7 =	vmul.f32 v7, v11;
	v3 =	vadd.f32 $9.997924560e-01, v3;
	v6 =	vmul.f32 v6, v12  }
0x7a: {  	v15 =	vmul.f32 v19, v10;
	v19 =	vld [tilespmem:s28+$0x80];
	v17 =	vadd.f32 v17, v9;
	v9 =	vand.u32 $0x7FFFFFFF, v4  }
0x7b: {  	v7 =	vadd.f32 $-4.969779250e-01, v7;
	v3 =	vmul.f32 v3, v8;
	v8 =	vsub.f32 $0.0e+00, v9  }
0x7c: {  	v24 =	vld [tilespmem:s28+$0x90];
	v6 =	vadd.f32 $-4.969779250e-01, v6;
	v5 =	vadd.f32 v16, v5;
	v23 =	vand.u32 $0x7FFFFFFF, v17  }
0x7d: {  	v57 =	vld [tilespmem:s28+$0x2890];
	v1 =	vmax.f32 v1, $0.0e+00;
	v13 =	vadd.f32 v13, v2;
	v16 =	vsub.f32 $0.0e+00, v23  }
0x7e: {  	v22 =	vpop (erf);
	v3 =	vadd.f32 $3.507552040e-06, v3;
	v25 =	vmul.f32 $1.442695020e+00, v8;
	v26 =	vand.u32 $0x7FFFFFFF, v5  }
0x7f: {  	v27 =	vld [tilespmem:s28+$0xA0];
	v9 =	vpop (erf);
	v6 =	vmul.f32 v6, v12;
	v19 =	vadd.f32 v21, v19;
	v2 =	vmul.f32 $1.442695020e+00, v16  }
0x80: {  	v8 =	vpop (erf);
	v1 =	vadd.f32 v3, v1;
	v3 =	vsub.f32 $0.0e+00, v26;
	v16 =	vld [tilespmem:s28+$0x28A0];
	(erf) = vpow2.f32 v25  }
0x81: {  	v59 =	vand.u32 $0x7FFFFFFF, v13;
	v6 =	vadd.f32 $9.997924560e-01, v6;
	v58 =	vpop (erf);
	(erf) = vpow2.f32 v2  }
0x82: {  	v60 =	vld [tilespmem:s28+$0xB0];
	v25 =	vmul.f32 v1, v58;
	v1 =	vmul.f32 $1.442695020e+00, v3;
	v3 =	vsub.f32 $0.0e+00, v59  }
0x83: {  	v61 =	vld [tilespmem:s28+$0x28B0];
	v7 =	vmul.f32 v7, v11;
	v2 =	vsub.f32 $0.0e+00, v19;
	v19 =	vadd.f32 v57, v24  }
0x84: {  	v3 =	vmul.f32 $1.442695020e+00, v3;
	(erf) = vpow2.f32 v1;
	v1 =	vadd.f32 $9.997924560e-01, v15  }
0x85: {  	v12 =	vmul.f32 v6, v12;
	v15 =	vsub.f32 $0.0e+00, v19;
	v16 =	vadd.f32 v16, v27  }
0x86: {  	v2 =	vmul.f32 $1.442695020e+00, v2;
	(erf) = vpow2.f32 v3  }
0x87: {  	v3 =	vadd.f32 $9.997924560e-01, v7;
	v7 =	vmul.f32 $1.442695020e+00, v15;
	v15 =	vsub.f32 $0.0e+00, v16  }
0x88: {  	v1 =	vmul.f32 v1, v10;
	(erf) = vpow2.f32 v2;
	v16 =	vadd.f32 v61, v60  }
0x89: {  	v2 =	vmax.f32 v17, $0.0e+00;
	v3 =	vmul.f32 v3, v11;
	v11 =	vmul.f32 $1.442695020e+00, v15;
	v10 =	vpop (erf)  }
0x8a: {  	(erf) = vpow2.f32 v7;
	v7 =	vsub.f32 $0.0e+00, v16;
	v15 =	vmul.f32 $1.720806020e-02, v10;
	v6 =	vpop (erf)  }
0x8b: {  	(erf) = vpow2.f32 v11;
	v11 =	vadd.f32 $3.507552040e-06, v1;
	v17 =	vmul.f32 $1.720806020e-02, v6  }
0x8c: {  	v19 =	vmul.f32 $1.442695020e+00, v7;
	v1 =	vmax.f32 v13, $0.0e+00;
	v13 =	vadd.f32 $3.507552040e-06, v12  }
0x8d: {  	v15 =	vsub.f32 $8.172681180e-02, v15;
	v12 =	vsub.f32 $8.172681180e-02, v17  }
0x8e: {  	v16 =	vadd.f32 $3.507552040e-06, v3;
	v7 =	vpop (erf);
	(erf) = vpow2.f32 v19  }
0x8f: {  	v14 =	vadd.f32 v11, v14;
	v15 =	vmul.f32 v15, v10;
	v12 =	vmul.f32 v12, v6  }
0x90: {  	v3 =	vmax.f32 v5, $0.0e+00;
	v11 =	vadd.f32 v16, v18;
	v17 =	vmul.f32 $1.720806020e-02, v7;
	v5 =	vpop (erf)  }
0x91: {  	v16 =	vmul.f32 $1.720806020e-02, v5;
	v15 =	vadd.f32 $-1.887826770e-01, v15;
	v18 =	vpop (erf);
	v12 =	vadd.f32 $-1.887826770e-01, v12  }
0x92: {  	v17 =	vsub.f32 $8.172681180e-02, v17;
	v18 =	vadd.f32 $1.000000000e+00, v18  }
0x93: {  	v19 =	vmul.f32 v14, v22;
	v14 =	vpop (erf);
	v16 =	vsub.f32 $8.172681180e-02, v16;
	v15 =	vmul.f32 v15, v10  }
0x94: {  	v62 =	vadd.f32 $1.000000000e+00, v14;
	v17 =	vmul.f32 v17, v7;
	(erf) = vrcp.f32 v18  }
0x95: {  	[tilespmem:s29+$0x50B0] =	vst v25;
	v14 =	vmul.f32 v12, v6;
	v18 =	vmul.f32 v16, v5;
	v63 =	vadd.f32 $3.145905440e-01, v15;
	v12 =	vpop (erf)  }
0x96: {  	s30 =	simm.s32 $0x100;
	[tilespmem:s29+$0x5080] =	vst v19;
	v15 =	vadd.f32 $-1.887826770e-01, v17;
	(erf) = vrcp.f32 v62;
	v16 =	vadd.f32 $1.000000000e+00, v12  }
0x97: {  	s31 =	simm.s32 $0x600;
	v13 =	vadd.f32 v13, v20;
	v18 =	vadd.f32 $-1.887826770e-01, v18;
	v17 =	vmul.f32 v63, v10;
	v12 =	vld [tilespmem:s30+$0xF0]  }
.LBB2_7:
0x98: {  	p0 =	sne.s32 s31, $0x9E00;
	v19 =	vld [tilespmem:s30+$0x28F0];
	v14 =	vadd.f32 $3.145905440e-01, v14;
	v15 =	vmul.f32 v15, v7;
	(erf) = vrcp.f32 v16;
	v16 =	vpop (erf)  }
0x99: {  	v20 =	vld [tilespmem:s30+$0xC0];
	v18 =	vmul.f32 v18, v5;
	v16 =	vadd.f32 $1.000000000e+00, v16;
	v17 =	vadd.f32 $-4.969779250e-01, v17  }
0x9a: {  	v9 =	vmul.f32 v11, v9;
	v21 =	vld [tilespmem:s30+$0x28C0];
	v14 =	vmul.f32 v14, v6;
	v15 =	vadd.f32 $3.145905440e-01, v15  }
0x9b: {  	v11 =	vld [tilespmem:s30+$0xD0];
	v18 =	vadd.f32 $3.145905440e-01, v18;
	v22 =	vmul.f32 v17, v10;
	(erf) = vrcp.f32 v16  }
0x9c: {  	v8 =	vmul.f32 v13, v8;
	v16 =	vld [tilespmem:s30+$0x28D0];
	v14 =	vadd.f32 $-4.969779250e-01, v14;
	v15 =	vmul.f32 v15, v7;
	[tilespmem:s29+$0x5090] =	vst v9  }
0x9d: {  	v13 =	vld [tilespmem:s30+$0xE0];
	v12 =	vadd.f32 v19, v12;
	v18 =	vmul.f32 v18, v5;
	v23 =	vadd.f32 $9.997924560e-01, v22;
	v17 =	vpop (erf)  }
0x9e: {  	v19 =	vld [tilespmem:s30+$0x28E0];
	v14 =	vmul.f32 v14, v6;
	v15 =	vadd.f32 $-4.969779250e-01, v15;
	[tilespmem:s29+$0x50A0] =	vst v8;
	s29 =	smov.u32 s28;
	s28 =	smov.u32 s30  }
0x9f: {  	v22 =	vld [tilespmem:s28+$0x80];
	v20 =	vadd.f32 v21, v20;
	v26 =	vand.u32 $0x7FFFFFFF, v12;
	v10 =	vmul.f32 v23, v10;
	v9 =	vpop (erf)  }
0xa0: {  	v18 =	vadd.f32 $-4.969779250e-01, v18;
	v21 =	vld [tilespmem:s28+$0x2880];
	v23 =	vsub.f32 $0.0e+00, v26;
	v15 =	vmul.f32 v15, v7  }
0xa1: {  	v24 =	vand.u32 $0x7FFFFFFF, v20;
	v25 =	vld [tilespmem:s28+$0x90];
	v11 =	vadd.f32 v16, v11;
	v10 =	vadd.f32 $3.507552040e-06, v10;
	v8 =	vpop (erf)  }
0xa2: {  	v26 =	vmax.f32 v4, $0.0e+00;
	v4 =	vmovc v12;
	v16 =	vsub.f32 $0.0e+00, v24;
	v24 =	vld [tilespmem:s28+$0x2890];
	v28 =	vmul.f32 $1.442695020e+00, v23  }
0xa3: {  	v12 =	vand.u32 $0x7FFFFFFF, v11;
	v27 =	vld [tilespmem:s28+$0xA0];
	v13 =	vadd.f32 v19, v13;
	v10 =	vadd.f32 v10, v26  }
0xa4: {  	v16 =	vmul.f32 $1.442695020e+00, v16;
	v12 =	vsub.f32 $0.0e+00, v12;
	v19 =	vld [tilespmem:s28+$0x28A0];
	(erf) = vpow2.f32 v28;
	v23 =	vpop (erf)  }
0xa5: {  	v21 =	vadd.f32 v21, v22;
	v22 =	vand.u32 $0x7FFFFFFF, v13;
	v10 =	vmul.f32 v10, v23  }
0xa6: {  	v12 =	vmul.f32 $1.442695020e+00, v12;
	v22 =	vsub.f32 $0.0e+00, v22;
	v23 =	vld [tilespmem:s28+$0xB0];
	(erf) = vpow2.f32 v16  }
0xa7: {  	v18 =	vmul.f32 v18, v5;
	v16 =	vsub.f32 $0.0e+00, v21;
	v21 =	vadd.f32 v24, v25;
	v24 =	vld [tilespmem:s28+$0x28B0];
	[tilespmem:s29+$0x50B0] =	vst v10  }
0xa8: {  	v10 =	vmul.f32 $1.442695020e+00, v22;
	(erf) = vpow2.f32 v12;
	v12 =	vadd.f32 $9.997924560e-01, v14  }
0xa9: {  	v14 =	vmul.f32 $1.442695020e+00, v16;
	v16 =	vsub.f32 $0.0e+00, v21;
	v19 =	vadd.f32 v19, v27  }
0xaa: {  	v21 =	vadd.f32 $9.997924560e-01, v15;
	v15 =	vadd.f32 $9.997924560e-01, v18;
	(erf) = vpow2.f32 v10  }
0xab: {  	v16 =	vmul.f32 $1.442695020e+00, v16;
	v18 =	vsub.f32 $0.0e+00, v19;
	(erf) = vpow2.f32 v14  }
0xac: {  	v12 =	vmul.f32 v12, v6;
	v7 =	vmul.f32 v21, v7;
	v14 =	vadd.f32 v24, v23  }
0xad: {  	v19 =	vmax.f32 v20, $0.0e+00;
	v18 =	vmul.f32 $1.442695020e+00, v18;
	(erf) = vpow2.f32 v16;
	v10 =	vpop (erf)  }
0xae: {  	v5 =	vmul.f32 v15, v5;
	v14 =	vsub.f32 $0.0e+00, v14;
	v16 =	vmul.f32 $1.720806020e-02, v10  }
0xaf: {  	v12 =	vadd.f32 $3.507552040e-06, v12;
	v15 =	vadd.f32 $3.507552040e-06, v7;
	v6 =	vpop (erf);
	(erf) = vpow2.f32 v18  }
0xb0: {  	v18 =	vmul.f32 $1.720806020e-02, v6;
	v14 =	vmul.f32 $1.442695020e+00, v14;
	v16 =	vsub.f32 $8.172681180e-02, v16  }
0xb1: {  	v20 =	vmax.f32 v11, $0.0e+00;
	v21 =	vmax.f32 v13, $0.0e+00;
	v13 =	vadd.f32 $3.507552040e-06, v5;
	v7 =	vpop (erf)  }
0xb2: {  	v18 =	vsub.f32 $8.172681180e-02, v18;
	v16 =	vmul.f32 v16, v10;
	(erf) = vpow2.f32 v14  }
0xb3: {  	v22 =	vadd.f32 v12, v2;
	v11 =	vadd.f32 v15, v3;
	v14 =	vmul.f32 $1.720806020e-02, v7;
	v5 =	vpop (erf)  }
0xb4: {  	v12 =	vmul.f32 v18, v6;
	v15 =	vmul.f32 $1.720806020e-02, v5;
	v16 =	vadd.f32 $-1.887826770e-01, v16;
	v3 =	vpop (erf)  }
0xb5: {  	v2 =	vmovc v19;
	v17 =	vmul.f32 v22, v17;
	v14 =	vsub.f32 $8.172681180e-02, v14;
	v18 =	vadd.f32 $1.000000000e+00, v3;
	v3 =	vmovc v20  }
.Ltmp2:
0xb6: {  	v23 =	vadd.f32 $-1.887826770e-01, v12;
	v15 =	vsub.f32 $8.172681180e-02, v15;
	v16 =	vmul.f32 v16, v10;
	v19 =	vpop (erf);
	(pc) =	sbr.rel @p0 .LBB2_7-.Ltmp2, $4  }
0xb7: {  	v20 =	vmul.f32 v14, v7;
	v19 =	vadd.f32 $1.000000000e+00, v19;
	(erf) = vrcp.f32 v18;
	[tilespmem:s29+$0x5080] =	vst v17  }
0xb8: {  	v14 =	vmul.f32 v23, v6;
	v17 =	vmul.f32 v15, v5;
	v22 =	vadd.f32 $3.145905440e-01, v16;
	v12 =	vpop (erf)  }
0xb9: {  	s30 =	sshra.s32 s31, $0x2;
	v15 =	vadd.f32 $-1.887826770e-01, v20;
	v16 =	vadd.f32 $1.000000000e+00, v12;
	(erf) = vrcp.f32 v19  }
0xba: {  	s31 =	sadd.s32 $0x200, s31;
	v13 =	vadd.f32 v13, v1;
	v1 =	vmovc v21;
	v12 =	vld [tilespmem:s30+$0xF0];
	v18 =	vadd.f32 $-1.887826770e-01, v17;
	v17 =	vmul.f32 v22, v10  }
0xbb: {  	v19 =	vld [tilespmem:s30+$0x28F0]  }
0xbc: {  	v20 =	vld [tilespmem:s30+$0xC0]  }
0xbd: {  	v21 =	vld [tilespmem:s30+$0x28C0];
	v9 =	vmul.f32 v11, v9  }
0xbe: {  	v46 =	vld [tilespmem:s30+$0xD0]  }
0xbf: {  	v22 =	vld [tilespmem:s30+$0x28D0];
	[tilespmem:s29+$0x5090] =	vst v9  }
0xc0: {  	v47 =	vadd.f32 $3.145905440e-01, v14;
	v48 =	vmul.f32 v15, v7;
	(erf) = vrcp.f32 v16;
	v49 =	vpop (erf);
	v50 =	vld [tilespmem:s30+$0xE0]  }
0xc1: {  	v18 =	vmul.f32 v18, v5;
	v15 =	vadd.f32 $1.000000000e+00, v49;
	v17 =	vadd.f32 $-4.969779250e-01, v17;
	v23 =	vld [tilespmem:s30+$0x28E0]  }
0xc2: {  	v8 =	vmul.f32 v13, v8;
	v24 =	vmul.f32 v47, v6;
	v14 =	vadd.f32 $3.145905440e-01, v48  }
0xc3: {  	v51 =	vadd.f32 $3.145905440e-01, v18;
	v17 =	vmul.f32 v17, v10;
	v9 =	vadd.f32 v19, v12  }
0xc4: {  	(erf) = vrcp.f32 v15;
	[tilespmem:s29+$0x50A0] =	vst v8;
	v52 =	vmul.f32 v14, v7;
	v53 =	vadd.f32 v21, v20  }
0xc5: {  	v54 =	vld [tilespmem:s30+$0x80];
	v24 =	vadd.f32 $-4.969779250e-01, v24;
	v11 =	vadd.f32 v22, v46;
	v55 =	vand.u32 $0x7FFFFFFF, v9  }
0xc6: {  	v56 =	vld [tilespmem:s30+$0x2880];
	v20 =	vand.u32 $0x7FFFFFFF, v53;
	v57 =	vsub.f32 $0.0e+00, v55;
	v8 =	vadd.f32 v23, v50  }
0xc7: {  	v59 =	vld [tilespmem:s30+$0x90];
	v13 =	vmul.f32 v51, v5;
	v60 =	vand.u32 $0x7FFFFFFF, v11;
	v20 =	vsub.f32 $0.0e+00, v20  }
0xc8: {  	v61 =	vld [tilespmem:s30+$0x2890];
	v21 =	vsub.f32 $0.0e+00, v60;
	v19 =	vmul.f32 $1.442695020e+00, v57;
	v23 =	vand.u32 $0x7FFFFFFF, v8  }
0xc9: {  	v63 =	vld [tilespmem:s30+$0xA0];
	v34 =	vmul.f32 v24, v6;
	v20 =	vmul.f32 $1.442695020e+00, v20;
	v23 =	vsub.f32 $0.0e+00, v23  }
0xca: {  	v25 =	vld [tilespmem:s30+$0x28A0];
	v58 =	vadd.f32 $9.997924560e-01, v17;
	v28 =	vmul.f32 $1.442695020e+00, v21;
	(erf) = vpow2.f32 v19  }
0xcb: {  	v4 =	vmax.f32 v4, $0.0e+00;
	v31 =	vld [tilespmem:s30+$0xB0];
	(erf) = vpow2.f32 v20;
	v29 =	vmul.f32 $1.442695020e+00, v23  }
0xcc: {  	v33 =	vld [tilespmem:s30+$0x28B0];
	v30 =	vpop (erf);
	v12 =	vadd.f32 $-4.969779250e-01, v52;
	v62 =	vmul.f32 v58, v10;
	(erf) = vpow2.f32 v28  }
0xcd: {  	v32 =	vpop (erf);
	v13 =	vadd.f32 $-4.969779250e-01, v13;
	v15 =	vadd.f32 v56, v54;
	(erf) = vpow2.f32 v29  }
0xce: {  	v14 =	vmax.f32 v53, $0.0e+00;
	v10 =	vadd.f32 $3.507552040e-06, v62;
	v17 =	vadd.f32 v61, v59  }
0xcf: {  	v11 =	vmax.f32 v11, $0.0e+00;
	v16 =	vadd.f32 v25, v63;
	v15 =	vsub.f32 $0.0e+00, v15  }
0xd0: {  	v12 =	vmul.f32 v12, v7;
	v4 =	vadd.f32 v10, v4;
	v17 =	vsub.f32 $0.0e+00, v17  }
0xd1: {  	v35 =	vpop (erf);
	v16 =	vsub.f32 $0.0e+00, v16;
	v10 =	vadd.f32 v33, v31;
	v15 =	vmul.f32 $1.442695020e+00, v15  }
0xd2: {  	v9 =	vmax.f32 v9, $0.0e+00;
	v13 =	vmul.f32 v13, v5;
	v36 =	vpop (erf);
	v17 =	vmul.f32 $1.442695020e+00, v17  }
0xd3: {  	v38 =	vmul.f32 $1.442695020e+00, v16;
	v10 =	vsub.f32 $0.0e+00, v10;
	(erf) = vpow2.f32 v15;
	v39 =	vpop (erf)  }
0xd4: {  	v12 =	vadd.f32 $9.997924560e-01, v12;
	(erf) = vpow2.f32 v17;
	v40 =	vmul.f32 $1.720806020e-02, v39;
	v41 =	vpop (erf)  }
0xd5: {  	v13 =	vadd.f32 $9.997924560e-01, v13;
	v10 =	vmul.f32 $1.442695020e+00, v10;
	v42 =	vmul.f32 $1.720806020e-02, v41;
	v43 =	vpop (erf)  }
0xd6: {  	(erf) = vpow2.f32 v38;
	v17 =	vsub.f32 $8.172681180e-02, v40;
	v44 =	vmul.f32 $1.720806020e-02, v43;
	v45 =	vpop (erf)  }
0xd7: {  	v46 =	vmul.f32 v12, v7;
	v47 =	vsub.f32 $8.172681180e-02, v42;
	v48 =	vmul.f32 $1.720806020e-02, v45  }
0xd8: {  	(erf) = vpow2.f32 v10;
	v17 =	vmul.f32 v17, v39;
	v49 =	vsub.f32 $8.172681180e-02, v44  }
0xd9: {  	v4 =	vmul.f32 v4, v36;
	v12 =	vmul.f32 v47, v41;
	v15 =	vsub.f32 $8.172681180e-02, v48  }
0xda: {  	v20 =	vadd.f32 $9.997924560e-01, v34;
	v51 =	vadd.f32 $-1.887826770e-01, v17;
	v10 =	vmul.f32 v49, v43  }
0xdb: {  	v50 =	vmul.f32 v13, v5;
	v12 =	vadd.f32 $-1.887826770e-01, v12;
	v15 =	vmul.f32 v15, v45  }
0xdc: {  	v37 =	vmul.f32 v20, v6;
	v52 =	vpop (erf);
	v13 =	vmul.f32 v51, v39;
	v10 =	vadd.f32 $-1.887826770e-01, v10  }
0xdd: {  	v53 =	vpop (erf);
	v17 =	vadd.f32 $1.000000000e+00, v52;
	v12 =	vmul.f32 v12, v41;
	v15 =	vadd.f32 $-1.887826770e-01, v15  }
0xde: {  	v22 =	vadd.f32 $1.000000000e+00, v53;
	v13 =	vadd.f32 $3.145905440e-01, v13;
	v10 =	vmul.f32 v10, v43  }
0xdf: {  	(erf) = vrcp.f32 v17;
	v54 =	vpop (erf);
	v12 =	vadd.f32 $3.145905440e-01, v12;
	v15 =	vmul.f32 v15, v45  }
0xe0: {  	v17 =	vadd.f32 $1.000000000e+00, v54;
	v13 =	vmul.f32 v13, v39;
	v10 =	vadd.f32 $3.145905440e-01, v10  }
0xe1: {  	(erf) = vrcp.f32 v22;
	v55 =	vpop (erf);
	v12 =	vmul.f32 v12, v41;
	v15 =	vadd.f32 $3.145905440e-01, v15  }
0xe2: {  	v22 =	vadd.f32 $1.000000000e+00, v55;
	v13 =	vadd.f32 $-4.969779250e-01, v13;
	v10 =	vmul.f32 v10, v43  }
0xe3: {  	(erf) = vrcp.f32 v17;
	v12 =	vadd.f32 $-4.969779250e-01, v12;
	v15 =	vmul.f32 v15, v45  }
0xe4: {  	(erf) = vrcp.f32 v22;
	v13 =	vmul.f32 v13, v39;
	v10 =	vadd.f32 $-4.969779250e-01, v10  }
0xe5: {  	v6 =	vadd.f32 $3.507552040e-06, v37;
	v12 =	vmul.f32 v12, v41;
	v15 =	vadd.f32 $-4.969779250e-01, v15  }
0xe6: {  	v7 =	vadd.f32 $3.507552040e-06, v46;
	v13 =	vadd.f32 $9.997924560e-01, v13;
	v10 =	vmul.f32 v10, v43  }
0xe7: {  	v2 =	vadd.f32 v6, v2;
	v56 =	vmul.f32 v15, v45;
	v12 =	vadd.f32 $9.997924560e-01, v12  }
0xe8: {  	v5 =	vadd.f32 $3.507552040e-06, v50;
	v57 =	vmul.f32 v13, v39;
	v10 =	vadd.f32 $9.997924560e-01, v10  }
0xe9: {  	v2 =	vmul.f32 v2, v30;
	v6 =	vadd.f32 $9.997924560e-01, v56;
	v12 =	vmul.f32 v12, v41  }
0xea: {  	v3 =	vadd.f32 v7, v3;
	v58 =	vpop (erf);
	v7 =	vadd.f32 $3.507552040e-06, v57;
	v10 =	vmul.f32 v10, v43  }
0xeb: {  	v1 =	vadd.f32 v5, v1;
	v59 =	vpop (erf);
	v6 =	vmul.f32 v6, v45;
	v12 =	vadd.f32 $3.507552040e-06, v12  }
0xec: {  	[tilespmem:s28+$0x50B0] =	vst v4;
	v3 =	vmul.f32 v3, v32;
	v60 =	vpop (erf);
	v7 =	vadd.f32 v7, v9;
	v61 =	vadd.f32 $3.507552040e-06, v10  }
0xed: {  	v1 =	vmul.f32 v1, v35;
	[tilespmem:s28+$0x5080] =	vst v2;
	v2 =	vpop (erf);
	v6 =	vadd.f32 $3.507552040e-06, v6;
	v62 =	vadd.f32 v12, v14  }
0xee: {  	v8 =	vmax.f32 v8, $0.0e+00;
	[tilespmem:s28+$0x5090] =	vst v3;
	v2 =	vmul.f32 v7, v2;
	v3 =	vadd.f32 v61, v11  }
0xef: {  	[tilespmem:s28+$0x50A0] =	vst v1;
	v1 =	vmul.f32 v62, v58;
	v63 =	vadd.f32 v6, v8  }
0xf0: {  	[tilespmem:s30+$0x50B0] =	vst v2;
	v2 =	vmul.f32 v3, v59  }
0xf1: {  	s26 =	sadd.s32 $0x1, s26;
	[tilespmem:s30+$0x5080] =	vst v1;
	v1 =	vmul.f32 v63, v60  }
0xf2: {  	p0 =	sne.s32 s26, $0xFA;
	[tilespmem:s30+$0x5090] =	vst v2  }
.Ltmp3:
0xf3: {  	[tilespmem:s30+$0x50A0] =	vst v1;
	(pc) =	sbr.rel @p0 .LBB2_6-.Ltmp3, $4  }
0xf4: {  	[spmem:s1] =	stream.indirect.scatter.add.f32 [tilespmem:s23], [sflag:$0x1], $0x80, s2, s22, $0xb8;
	[tilespmem:$0x1F880] =	vst v63  }
0xf5: {  	_ =	swait.ge [sflag:s17], $0x2800  }
0xf6: {  	[sflag:s17] =	ssyncset.done $0x0  }
0xf7: {  	[sflag:s17] =	ssyncadd.s32 $0xFFFFD800  }
0xf8: {  	s24 =	sadd.s32 $0x1, s24  }
0xf9: {  	s25 =	sshll.u32 s3, $0x6;
	[bflag:$0x0] =	sbarrier.arrive $0xFFFF;
	p0 =	sne.s32 s24, s15  }
.Ltmp4:
0xfa: {  	s26 =	sshrl.u32 s7, $0x3;
	s25 =	sor.u32 $0x1C01, s25;
	(pc) =	sbr.rel @p0 .LBB2_1-.Ltmp4, $4  }
0xfb: {  	[hbm:s14], [sflag:s25] =	dma.local [spmem:s26], $0x2800  }
0xfc: {  	_ =	swait.ge [sflag:s17], $0x2800  }
0xfd: {  	[sflag:s17] =	ssyncset.done $0x0  }
0xfe: {  	[sflag:s17] =	ssyncadd.s32 $0xFFFFD800  }
0xff: {  	_ =	sfence.sel $0x180000  }
0x100: {  	[bflag:$0x0] =	sbarrier.arrive $0xFFFF  }
0x101: {  	p0 =	sne.s32 s3, $0x0;
	_ =	strace $0x9000004A  }
0x102: {  	s0 =	sadd.s32 @!p0 $0x100000, s0;
	[bflag:$0x2] =	sbarrier.arrive $0xFFFF  }
0x103: {  	[sflag:s0] =	ssyncadd.tile.s32 @!p0 $0x1;
	_ =	shalt  }
.Lfunc_end2:
_tile_overlayer_lowered:
.L_overlay_start_2:
0x104: {  	(tag) =	ssettag $0x2  }
0x105: {  	s0 =	rddreg [dreg:$0x0];
	s2 =	stileid.u32  }
0x106: {  	s1 =	rddreg [dreg:$0x1];
	p0 =	sne.s32 s2, $0x0  }
0x107: {  	s3 =	rddreg [dreg:$0x2];
	[bflag:$0x3] =	sbarrier.arrive $0xFFFF;
	s2 =	simm.s32 @!p0 $0x1C01  }
0x108: {  	[timem:s3], [sflag:s2] =	dma.local @!p0 [hbm:s0], s1  }
0x109: {  	s0 =	simm.s32 @!p0 $0x1  }
0x10a: {  	_ =	swait.ge @!p0 [sflag:s0], s1  }
0x10b: {  	s1 =	ssub.s32 @!p0 $0x0, s1;
	[sflag:s0] =	ssyncset.done @!p0 $0x0  }
0x10c: {  	[sflag:s0] =	ssyncadd.s32 @!p0 s1  }
0x10d: {  	[bflag:$0x3] =	sbarrier.arrive $0xFFFF  }
0x10e: {  	_ =	shalt  }

// kernel: kernel.25.cloned.1.call-start
scs
__scs_entry_jumppad:
0x0: {  	(pc) =	sbr.rel $0x88, $3  }
0x1: {  	(tag) =	ssettag $0x0;
	lr =	simm.s32 $0x1  }
0x2: {  	[smem:$0x3F8D] =	sst lr;
	_ =	strace $0xD0000000  }
0x3: {  	_ = 	snop  }
0x4: {  	_ = 	snop  }
0x5: {  	_ = 	snop  }
0x6: {  	_ = 	snop  }
0x7: {  	_ = 	snop  }
__scs_overlays_trampoline_lowered:
0x8: {  	[smem:$0x3F9C] =	sst s0  }
0x9: {  	[smem:$0x3F9D] =	sst s1  }
0xa: {  	[smem:$0x3F9E] =	sst s2  }
0xb: {  	[smem:$0x3F9F] =	sst s3  }
0xc: {  	[smem:$0x3FA0] =	sst s4  }
0xd: {  	[smem:$0x3FA1] =	sst s5  }
0xe: {  	[smem:$0x3FA2] =	sst s6  }
0xf: {  	[smem:$0x3FA3] =	sst s7  }
0x10: {  	[smem:$0x3FA4] =	sst s8  }
0x11: {  	[smem:$0x3FA5] =	sst s9;
	s0 =	simm.s32 @!p0 $0x0  }
0x12: {  	s1 =	sld [smem:$0x3F8B];
	s0 =	simm.s32 @p0 $0x1  }
0x13: {  	[smem:$0x3FA6] =	sst s0;
	s0 =	simm.s32 @!p1 $0x0  }
0x14: {  	s2 =	sld [smem:$0x3F8A];
	s0 =	simm.s32 @p1 $0x1  }
0x15: {  	[smem:$0x3FA7] =	sst s0;
	s0 =	simm.s32 @!p2 $0x0  }
0x16: {  	s3 =	sld [smem:$0x3FDB];
	s0 =	simm.s32 @p2 $0x1  }
0x17: {  	s4 =	simm.s32 $0x1BF5;
	[smem:$0x3FA9] =	sst s0  }
0x18: {  	s0 =	sld [smem:$0x3F8C];
	_ =	swait.ge [sflag:s4], $0x0  }
0x19: {  	s7 =	sld [smem:$0x3F8D]  }
0x1a: {  	s8 =	sadd.s32 $0xFFFFE003, lr  }
0x1b: {  	s9 =	sadd.s32 $0xFFFFFEF7, lr;
	s5 =	simm.s32 $0xFFFFFFFF;
	p2 =	slt.u32 s8, $0xFFFFF086  }
0x1c: {  	p1 =	slt.u32 s9, $0xF7A;
	s5 =	simm.s32 @!p2 $0x0  }
0x1d: {  	s5 =	simm.s32 @p1 $0x1;
	p0 =	seq.s32 s7, s2  }
0x1e: {  	s7 =	smul.u32 @!p0 $0xF7A, s2;
	p2 =	seq.s32 @!p0 s5, $0x0  }
0x1f: {  	s9 =	smul.u32 $0xF7A, s1;
	s8 =	simm.s32 @!p0 $0x1BF5;
	p2 =	por !p2, p0  }
0x20: {  	[sflag:s8] =	ssyncset.s32 @!p0 $0xFFFFF086;
	s6 =	sadd.s32 @!p0 s3, s7;
	s7 =	simm.s32 @!p0 $0x108  }
0x21: {  	s3 =	sadd.s32 s3, s9;
	s6 =	sadd.s32 @!p0 $0x88, s6;
	s7 =	simm.s32 @p2 $0x1082  }
0x22: {  	[simem:s7], [sflag:s8] =	dma.local @!p0 [hbm:s6], $0xF7A  }
0x23: {  	s9 =	sor.u32 $0xD0000000, s2;
	s6 =	simm.s32 $0x108;
	_ =	swait.ge @!p0 [sflag:s8], $0x0  }
0x24: {  	s3 =	sadd.s32 $0x88, s3;
	s6 =	simm.s32 @!p1 $0x1082;
	[sflag:s4] =	ssyncset.s32 $0xFFFFF086  }
0x25: {  	[simem:s6], [sflag:s4] =	dma.local [hbm:s3], $0xF7A  }
0x26: {  	[smem:$0x3F8D] =	sst s1;
	(tag) =	ssettag s2;
	_ =	strace s9  }
0x27: {  	s1 =	sld [smem:$0x3F9D]  }
0x28: {  	s2 =	sld [smem:$0x3F9E]  }
0x29: {  	s4 =	sld [smem:$0x3FA0]  }
0x2a: {  	p0 =	seq.s32 s5, $0x0;
	s5 =	sld [smem:$0x3FA1]  }
0x2b: {  	s6 =	sld [smem:$0x3FA2]  }
0x2c: {  	s7 =	sld [smem:$0x3FA3]  }
0x2d: {  	s3 =	simm.s32 $0x108;
	s8 =	sld [smem:$0x3FA4]  }
0x2e: {  	s3 =	simm.s32 @!p0 $0x1082;
	s9 =	sld [smem:$0x3FA5]  }
0x2f: {  	lr =	sadd.s32 s0, s3;
	s0 =	sld [smem:$0x3F9C]  }
0x30: {  	s3 =	sld [smem:$0x3F9F]  }
0x31: {  	[smem:$0x3FA8] =	sst s10  }
0x32: {  	s10 =	sld [smem:$0x3FA6];
	_ =	sdelay $0x3  }
0x33: {  	p0 =	seq.s32 s10, $0x1;
	s10 =	sld [smem:$0x3FA8];
	_ =	sdelay $0x3  }
0x34: {  	[smem:$0x3FA8] =	sst s10  }
0x35: {  	s10 =	sld [smem:$0x3FA7];
	_ =	sdelay $0x3  }
0x36: {  	p1 =	seq.s32 s10, $0x1;
	s10 =	sld [smem:$0x3FA8];
	_ =	sdelay $0x3  }
0x37: {  	[smem:$0x3FA8] =	sst s10  }
0x38: {  	s10 =	sld [smem:$0x3FA9]  }
0x39: {  	_ = 	snop;
	(pc) =	sbr.ind lr, $3  }
0x3a: {  	_ = 	snop  }
0x3b: {  	_ = 	snop  }
0x3c: {  	p2 =	seq.s32 s10, $0x1;
	s10 =	sld [smem:$0x3FA8]  }
0x3d: {  	_ =	shalt  }
0x3e: {  	_ =	shalt  }
0x3f: {  	_ =	shalt  }
0x40: {  	_ =	shalt  }
0x41: {  	_ =	shalt  }
0x42: {  	_ =	shalt  }
0x43: {  	_ =	shalt  }
0x44: {  	_ =	shalt  }
0x45: {  	_ =	shalt  }
0x46: {  	_ =	shalt  }
0x47: {  	_ =	shalt  }
0x48: {  	_ =	shalt  }
0x49: {  	_ =	shalt  }
0x4a: {  	_ =	shalt  }
0x4b: {  	_ =	shalt  }
0x4c: {  	_ =	shalt  }
0x4d: {  	_ =	shalt  }
0x4e: {  	_ =	shalt  }
0x4f: {  	_ =	shalt  }
0x50: {  	_ =	shalt  }
0x51: {  	_ =	shalt  }
0x52: {  	_ =	shalt  }
0x53: {  	_ =	shalt  }
0x54: {  	_ =	shalt  }
0x55: {  	_ =	shalt  }
0x56: {  	_ =	shalt  }
0x57: {  	_ =	shalt  }
0x58: {  	_ =	shalt  }
0x59: {  	_ =	shalt  }
0x5a: {  	_ =	shalt  }
0x5b: {  	_ =	shalt  }
0x5c: {  	_ =	shalt  }
0x5d: {  	_ =	shalt  }
0x5e: {  	_ =	shalt  }
0x5f: {  	_ =	shalt  }
0x60: {  	_ =	shalt  }
0x61: {  	_ =	shalt  }
0x62: {  	_ =	shalt  }
0x63: {  	_ =	shalt  }
0x64: {  	_ =	shalt  }
0x65: {  	_ =	shalt  }
0x66: {  	_ =	shalt  }
0x67: {  	_ =	shalt  }
0x68: {  	_ =	shalt  }
0x69: {  	_ =	shalt  }
0x6a: {  	_ =	shalt  }
0x6b: {  	_ =	shalt  }
0x6c: {  	_ =	shalt  }
0x6d: {  	_ =	shalt  }
0x6e: {  	_ =	shalt  }
0x6f: {  	_ =	shalt  }
0x70: {  	_ =	shalt  }
0x71: {  	_ =	shalt  }
0x72: {  	_ =	shalt  }
0x73: {  	_ =	shalt  }
0x74: {  	_ =	shalt  }
0x75: {  	_ =	shalt  }
0x76: {  	_ =	shalt  }
0x77: {  	_ =	shalt  }
0x78: {  	_ =	shalt  }
0x79: {  	_ =	shalt  }
0x7a: {  	_ =	shalt  }
0x7b: {  	_ =	shalt  }
0x7c: {  	_ =	shalt  }
0x7d: {  	_ =	shalt  }
0x7e: {  	_ =	shalt  }
0x7f: {  	_ =	shalt  }
0x80: {  	_ =	shalt  }
0x81: {  	_ =	shalt  }
0x82: {  	_ =	shalt  }
0x83: {  	_ =	shalt  }
0x84: {  	_ =	shalt  }
0x85: {  	_ =	shalt  }
0x86: {  	_ =	shalt  }
0x87: {  	_ =	shalt  }
.Lfunc_end0:
.L_simem_size_0:
called_computation.3_lowered:
.L_overlay_start_0:
0x88: {  	s2 =	sld [smem:$0x3FD9]  }
0x89: {  	s3 =	sld [smem:$0x3FFE];
	_ =	sdelay $0x1  }
0x8a: {  	s1 =	srdreg.scid  }
0x8b: {  	s0 =	sand.u32 $0x1, s1  }
0x8c: {  	s17 =	sshll.u32 s0, $0xA;
	s2 =	sadd.s32 s3, s2  }
0x8d: {  	s2 =	sadd.s32 s2, s17  }
0x8e: {  	[smem:$0x3FB4] =	sst s2  }
0x8f: {  	_ = 	snop  }
0x90: {  	(tm) =	ssettm $0x1  }
0x91: {  	s18 =	sld [smem:$0x3FFB];
	_ =	sdelay $0x3  }
0x92: {  	_ =	strace s18  }
0x93: {  	s2 =	sld [smem:$0x3FFC];
	_ =	sdelay $0x3  }
0x94: {  	_ =	strace s2  }
0x95: {  	s2 =	sld [smem:$0x3FFD];
	_ =	sdelay $0x3  }
0x96: {  	_ =	strace s2  }
0x97: {  	_ =	strace $0x8FFFFFFF  }
0x98: {  	s19 =	sld [smem:$0x3FDB];
	_ =	sdelay $0x1  }
0x99: {  	s20 =	simm.s32 $_scs_section_size  }
0x9a: {  	s4 =	simm.s32 $_size__tile_overlayer_lowered;
	s5 =	simm.s32 $_tile_overlayer_lowered  }
0x9b: {  	s6 =	simm.s32 $0x1BFF;
	s21 =	sshll.u32 s5, $0x1;
	s3 =	sadd.s32 s20, s19  }
0x9c: {  	s22 =	simm.s32 $0x0;
	s4 =	sshll.u32 s4, $0x1;
	s5 =	sadd.s32 s21, s3  }
0x9d: {  	[timem:s22], [sflag:s6] =	dma.local [hbm:s5], s4  }
0x9e: {  	_ =	swait.ge [sflag:s6], s4  }
0x9f: {  	s4 =	ssub.s32 $0x0, s4;
	[sflag:s6] =	ssyncset.done $0x0  }
0xa0: {  	[sflag:s6] =	ssyncadd.s32 s4;
	_ =	sdelay $0x1  }
0xa1: {  	s23 =	simm.s32 $0x1B8B  }
0xa2: {  	_ =	swait.ge [sflag:s23], $0x1  }
0xa3: {  	[sflag:s23] =	ssyncset.done $0x0  }
0xa4: {  	[sflag:s23] =	ssyncadd.s32 $0xFFFFFFFF  }
0xa5: {  	s4 =	sld [smem:$0x0]  }
0xa6: {  	s5 =	sand.u32 $0xFFFFFFFE, s1  }
0xa7: {  	p0 =	sne.s32 s1, s5  }
0xa8: {  	s5 =	sshll.u32 @p0 s5, $0xE  }
0xa9: {  	s5 =	sadd.s32 @p0 $0x11B8D, s5;
	s6 =	sshll.u32 @p0 s4, $0x11  }
0xaa: {  	s5 =	sor.u32 @p0 s6, s5  }
0xab: {  	[sflag:s5] =	ssyncadd.remote.s32 @p0 $0x1;
	_ =	sdelay $0x1  }
0xac: {  	s5 =	simm.s32 @p0 $0x1B8D  }
0xad: {  	_ =	swait.eq @p0 [sflag:s5], $0x1  }
0xae: {  	[sflag:s5] =	ssyncadd.s32 @p0 $0xFFFFFFFF  }
0xaf: {  	s6 =	sshll.u32 @!p0 s1, $0xE  }
0xb0: {  	s6 =	sor.u32 @!p0 $0x4000, s6;
	s5 =	simm.s32 @!p0 $0x1B8D  }
0xb1: {  	s4 =	sshll.u32 @!p0 s4, $0x11;
	s6 =	sadd.s32 @!p0 $0x11B8D, s6;
	_ =	swait.eq @!p0 [sflag:s5], $0x1  }
0xb2: {  	s4 =	sor.u32 @!p0 s4, s6;
	[sflag:s5] =	ssyncadd.s32 @!p0 $0xFFFFFFFF  }
0xb3: {  	s25 =	simm.s32 $0x1B8E;
	s24 =	sld [smem:$0x3FFE];
	[sflag:s4] =	ssyncadd.remote.s32 @!p0 $0x1  }
0xb4: {  	s26 =	simm.s32 $execute0_lowered;
	[smem:$0x3FD2] =	sst s25  }
0xb5: {  	s5 =	sshll.u32 s26, $0x1;
	_ =	strace $0x80000052;
	[dreg:$0x1] =	wrdreg $0xFFFFFFFF  }
0xb6: {  	s28 =	simm.s32 $_size_execute0_lowered;
	s3 =	sadd.s32 s3, s5;
	[dreg:$0x0] =	wrdreg $0x0  }
0xb7: {  	s5 =	sshll.u32 s28, $0x1;
	[dreg:$0x2] =	wrdreg s3  }
0xb8: {  	[dreg:$0x3] =	wrdreg s5  }
0xb9: {  	[dreg:$0x4] =	wrdreg $0xC0  }
0xba: {  	_ =	task [dreg:s22], $0x5FFFF  }
0xbb: {  	[dreg:$0x1] =	wrdreg $0xFFFFFFFF  }
0xbc: {  	[dreg:$0x0] =	wrdreg $0x60  }
0xbd: {  	[dreg:$0x2] =	wrdreg s24  }
0xbe: {  	[dreg:$0x3] =	wrdreg $0xB8800  }
0xbf: {  	[dreg:$0x4] =	wrdreg $0x9  }
0xc0: {  	_ =	task.clear_ibuf [dreg:s22], $0x5FFFF;
	_ =	strace $0x90000052  }
0xc1: {  	s29 =	simm.s32 $0x9;
	_ =	strace $0x80000054  }
0xc2: {  	_ =	swait.ge [sflag:s29], $0x1  }
0xc3: {  	[sflag:s29] =	ssyncadd.s32 $0xFFFFFFFF  }
0xc4: {  	_ =	strace $0x90000054  }
0xc5: {  	_ =	sfence  }
0xc6: {  	s30 =	sld [smem:$0x0];
	_ =	sdelay $0x2  }
0xc7: {  	s31 =	sshll.u32 s1, $0xD;
	s1 =	sshrl.u32 s1, $0x2  }
0xc8: {  	s4 =	sand.u32 $0x4000, s31;
	s1 =	sadd.s32 s1, s30  }
0xc9: {  	s0 =	sor.u32 s4, s0;
	s1 =	sshll.u32 s1, $0x11  }
0xca: {  	s0 =	sor.u32 s1, s0  }
0xcb: {  	s0 =	sadd.s32 $0x8F2B, s0  }
0xcc: {  	[sflag:s0] =	ssyncadd.remote.s32 $0x1  }
0xcd: {  	_ =	sfence.sel $0xFFFF  }
0xce: {  	[dreg:$0x0] =	wrdreg $0xFFFFFFFF;
	(pc) =	sbr.abs _section_cstart, $3  }
0xcf: {  	[dreg:$0x1] =	wrdreg $0xFFFFFFFF  }
0xd0: {  	_ =	task.clear_ibuf [dreg:s22], $0x2FFFF;
	_ =	strace $0x9FFFFFFF  }
0xd1: {  	(tm) =	ssettm $0x7FFFFFFF  }
tec
execute0_lowered:
.L_overlay_start_1:
0x0: {  	(tag) =	ssettag $0x1  }
0x1: {  	s7 =	rddreg [dreg:$0x0]  }
0x2: {  	s1 =	rddreg [dreg:$0x1]  }
0x3: {  	s2 =	srdreg.scid;
	s0 =	rddreg [dreg:$0x2]  }
0x4: {  	s3 =	simm.s32 $0x0;
	s16 =	simm.s32 $0x7880;
	s17 =	simm.s32 $0x1  }
0x5: {  	s18 =	simm.s32 $0x400;
	s19 =	simm.s32 $0x1000;
	s20 =	simm.s32 $0x80  }
0x6: {  	s21 =	simm.s32 $0x2880;
	s22 =	simm.s32 $0x50;
	s23 =	simm.s32 $0x5080  }
0x7: {  	s24 =	simm.s32 $0x0;
	s13 =	sand.u32 $0x1, s2;
	s2 =	stileid.u32  }
0x8: {  	[smem:$0x7FF] =	sst s3;
	s4 =	sadd.s32 $0x2C68000, s7;
	s8 =	smul.u32 $0x140000, s13  }
0x9: {  	s5 =	sadd.s32 $0x558000, s7;
	s6 =	sadd.s32 $0xA400, s7;
	s9 =	smul.u32 $0x14000, s2  }
0xa: {  	_ =	strace $0x80000053;
	s10 =	smul.u32 $0x50000, s2;
	s30 =	ssub.s32 $0x2, s13  }
0xb: {  	s12 =	smul.u32 $0x4E20, s2;
	s13 =	sshll.u32 s13, $0x7;
	s8 =	sadd.s32 s9, s8  }
0xc: {  	s31 =	sshrl.u32 s30, $0x1;
	s10 =	sshrl.u32 s10, $0x2;
	s8 =	sshrl.u32 s8, $0x3  }
0xd: {  	s15 =	ssub.s32 s30, s31;
	s14 =	sadd.s32 s8, s7;
	s7 =	sadd.s32 s10, s1  }
0xe: {  	s15 =	smax.u32 s15, $0x1;
	s8 =	sadd.s32 $0x4000, s7;
	s9 =	sadd.s32 $0x8000, s7  }
0xf: {  	v0 =	vimm.f32 $0.0e+00;
	s10 =	sadd.s32 $0xC000, s7;
	s11 =	sadd.s32 $0x10000, s7;
	s14 =	sadd.s32 $0x64200, s14  }
.LBB2_1:
0x10: {  	s25 =	simm.s32 $0x0;
	s26 =	simm.s32 $0x200  }
.LBB2_2:
0x11: {  	p0 =	sne.s32 s26, $0xFE00;
	[tilespmem:s25+$0x78F0] =	vst v0  }
0x12: {  	[tilespmem:s25+$0x7880] =	vst v0  }
0x13: {  	[tilespmem:s25+$0x7890] =	vst v0  }
.Ltmp0:
0x14: {  	[tilespmem:s25+$0x78A0] =	vst v0;
	(pc) =	sbr.rel @p0 .LBB2_2-.Ltmp0, $4  }
0x15: {  	[tilespmem:s25+$0x78B0] =	vst v0  }
0x16: {  	[tilespmem:s25+$0x78C0] =	vst v0  }
0x17: {  	[tilespmem:s25+$0x78D0] =	vst v0  }
0x18: {  	[tilespmem:s25+$0x78E0] =	vst v0;
	s25 =	sshra.s32 s26, $0x2;
	s26 =	sadd.s32 $0x200, s26  }
0x19: {  	[tilespmem:s25+$0x78F0] =	vst v0  }
0x1a: {  	[tilespmem:s25+$0x7880] =	vst v0  }
0x1b: {  	[tilespmem:s25+$0x7890] =	vst v0  }
0x1c: {  	[tilespmem:s25+$0x78A0] =	vst v0  }
0x1d: {  	[tilespmem:s25+$0x78B0] =	vst v0  }
0x1e: {  	[tilespmem:s25+$0x78C0] =	vst v0  }
0x1f: {  	[tilespmem:s25+$0x78D0] =	vst v0  }
0x20: {  	[tilespmem:s25+$0x78E0] =	vst v0;
	s26 =	simm.s32 $0x200;
	s25 =	simm.s32 $0x0  }
.LBB2_4:
0x21: {  	p0 =	sne.s32 s26, $0x9E00;
	[tilespmem:s25+$0x50F0] =	vst v0;
	s28 =	smov.u32 s26;
	s26 =	sadd.s32 $0x200, s26  }
.Ltmp1:
0x22: {  	[tilespmem:s25+$0x50E0] =	vst v0;
	(pc) =	sbr.rel @p0 .LBB2_4-.Ltmp1, $3  }
0x23: {  	[tilespmem:s25+$0x50C0] =	vst v0  }
0x24: {  	[tilespmem:s25+$0x50D0] =	vst v0;
	_ =	sdelay $0x1  }
0x25: {  	s25 =	sshra.s32 s28, $0x2  }
0x26: {  	[tilespmem:s25+$0x50F0] =	vst v0  }
0x27: {  	[tilespmem:s25+$0x50E0] =	vst v0  }
0x28: {  	[tilespmem:s25+$0x50C0] =	vst v0  }
0x29: {  	[tilespmem:s25+$0x50D0] =	vst v0  }
0x2a: {  	[spmem:s7] =	stream.linear.scatter [tilespmem:s16], [sflag:$0x1], $0x4000, $0x38;
	[tilespmem:$0x1F880] =	vst v63  }
0x2b: {  	_ =	swait.ge [sflag:s17], $0x4000  }
0x2c: {  	[sflag:s17] =	ssyncset.done $0x0  }
0x2d: {  	[sflag:s17] =	ssyncadd.s32 $0xFFFFC000  }
0x2e: {  	[spmem:s8] =	stream.linear.scatter [tilespmem:s16], [sflag:$0x1], $0x4000, $0x38;
	[tilespmem:$0x1F880] =	vst v63  }
0x2f: {  	_ =	swait.ge [sflag:s17], $0x4000  }
0x30: {  	[sflag:s17] =	ssyncset.done $0x0  }
0x31: {  	[sflag:s17] =	ssyncadd.s32 $0xFFFFC000  }
0x32: {  	[spmem:s9] =	stream.linear.scatter [tilespmem:s16], [sflag:$0x1], $0x4000, $0x38;
	[tilespmem:$0x1F880] =	vst v63  }
0x33: {  	_ =	swait.ge [sflag:s17], $0x4000  }
0x34: {  	[sflag:s17] =	ssyncset.done $0x0  }
0x35: {  	[sflag:s17] =	ssyncadd.s32 $0xFFFFC000  }
0x36: {  	[spmem:s10] =	stream.linear.scatter [tilespmem:s16], [sflag:$0x1], $0x4000, $0x38;
	[tilespmem:$0x1F880] =	vst v63  }
0x37: {  	_ =	swait.ge [sflag:s17], $0x4000  }
0x38: {  	[sflag:s17] =	ssyncset.done $0x0  }
0x39: {  	[sflag:s17] =	ssyncadd.s32 $0xFFFFC000  }
0x3a: {  	[spmem:s11] =	stream.linear.scatter [tilespmem:s16], [sflag:$0x1], $0x4000, $0x38;
	[tilespmem:$0x1F880] =	vst v63  }
0x3b: {  	_ =	swait.ge [sflag:s17], $0x4000  }
0x3c: {  	[sflag:s17] =	ssyncset.done $0x0  }
0x3d: {  	[sflag:s17] =	ssyncadd.s32 $0xFFFFC000  }
0x3e: {  	s25 =	simm.s32 $0x0;
	s26 =	simm.s32 $0x0;
	[bflag:$0x0] =	sbarrier.arrive $0xFFFF  }
.LBB2_6:
0x3f: {  	s28 =	smul.u32 $0x50, s26;
	_ =	sdelay $0x1  }
0x40: {  	s28 =	sadd.s32 s12, s28  }
0x41: {  	s29 =	sshrl.u32 s28, $0x3  }
0x42: {  	s29 =	sadd.s32 s6, s29  }
0x43: {  	[tilespmem:s25], [sflag:$0x1] =	stream.linear.gather [hbm4b:s29+s25], $0x50, $0x38;
	[tilespmem:$0x1F880] =	vst v63  }
0x44: {  	s28 =	sshll.u32 s28, $0x6;
	_ =	swait.ge [sflag:s17], $0x50  }
0x45: {  	s28 =	sor.u32 s13, s28;
	[sflag:s17] =	ssyncset.done $0x0  }
0x46: {  	s29 =	sadd.s32 s4, s28;
	[sflag:s17] =	ssyncadd.s32 $0xFFFFFFB0  }
0x47: {  	[tilespmem:s20], [sflag:$0x1] =	stream.strided.gather [hbm4b:s29+s18], $0x2800, s19, s18, $0x38;
	[tilespmem:$0x1F880] =	vst v63  }
0x48: {  	_ =	swait.ge [sflag:s17], $0x2800  }
0x49: {  	[sflag:s17] =	ssyncset.done $0x0  }
0x4a: {  	s28 =	sadd.s32 s5, s28;
	[sflag:s17] =	ssyncadd.s32 $0xFFFFD800  }
0x4b: {  	[tilespmem:s21], [sflag:$0x1] =	stream.strided.gather [hbm4b:s28+s18], $0x2800, s19, s18, $0x38;
	[tilespmem:$0x1F880] =	vst v63  }
0x4c: {  	_ =	swait.ge [sflag:s17], $0x2800  }
0x4d: {  	[sflag:s17] =	ssyncset.done $0x0  }
0x4e: {  	s29 =	simm.s32 $0x0;
	[sflag:s17] =	ssyncadd.s32 $0xFFFFD800  }
0x4f: {  	v1 =	vld [tilespmem:s29+$0xF0]  }
0x50: {  	v2 =	vld [tilespmem:s29+$0x28F0]  }
0x51: {  	v3 =	vld [tilespmem:s29+$0xC0]  }
0x52: {  	v4 =	vld [tilespmem:s29+$0x28C0]  }
0x53: {  	v5 =	vld [tilespmem:s29+$0xD0]  }
0x54: {  	v6 =	vld [tilespmem:s29+$0x28D0]  }
0x55: {  	v7 =	vld [tilespmem:s29+$0xE0]  }
0x56: {  	v8 =	vld [tilespmem:s29+$0x80];
	v1 =	vadd.f32 v2, v1  }
0x57: {  	v2 =	vld [tilespmem:s29+$0x28E0]  }
0x58: {  	v3 =	vadd.f32 v4, v3;
	v4 =	vld [tilespmem:s29+$0x2880];
	v9 =	vand.u32 $0x7FFFFFFF, v1  }
0x59: {  	v9 =	vsub.f32 $0.0e+00, v9;
	_ =	sdelay $0x1  }
0x5a: {  	v10 =	vld [tilespmem:s29+$0x90];
	v5 =	vadd.f32 v6, v5;
	v11 =	vand.u32 $0x7FFFFFFF, v3;
	v9 =	vmul.f32 $1.442695020e+00, v9  }
0x5b: {  	v6 =	vld [tilespmem:s29+$0x2890];
	v11 =	vsub.f32 $0.0e+00, v11;
	v2 =	vadd.f32 v2, v7  }
0x5c: {  	v12 =	vld [tilespmem:s29+$0xA0];
	v13 =	vand.u32 $0x7FFFFFFF, v5;
	v4 =	vadd.f32 v4, v8;
	(erf) = vpow2.f32 v9  }
0x5d: {  	v7 =	vld [tilespmem:s29+$0x28A0];
	v9 =	vmul.f32 $1.442695020e+00, v11;
	v11 =	vsub.f32 $0.0e+00, v13;
	v8 =	vand.u32 $0x7FFFFFFF, v2  }
0x5e: {  	v13 =	vld [tilespmem:s29+$0xB0];
	v8 =	vsub.f32 $0.0e+00, v8  }
0x5f: {  	v11 =	vmul.f32 $1.442695020e+00, v11;
	(erf) = vpow2.f32 v9;
	v9 =	vld [tilespmem:s29+$0x28B0]  }
0x60: {  	v6 =	vadd.f32 v6, v10;
	v4 =	vsub.f32 $0.0e+00, v4;
	v8 =	vmul.f32 $1.442695020e+00, v8  }
0x61: {  	(erf) = vpow2.f32 v11  }
0x62: {  	v6 =	vsub.f32 $0.0e+00, v6;
	v4 =	vmul.f32 $1.442695020e+00, v4;
	(erf) = vpow2.f32 v8  }
0x63: {  	v7 =	vadd.f32 v7, v12  }
0x64: {  	v6 =	vmul.f32 $1.442695020e+00, v6;
	(erf) = vpow2.f32 v4;
	v4 =	vadd.f32 v9, v13  }
0x65: {  	v7 =	vsub.f32 $0.0e+00, v7  }
0x66: {  	v8 =	vpop (erf);
	(erf) = vpow2.f32 v6;
	v4 =	vsub.f32 $0.0e+00, v4  }
0x67: {  	v7 =	vmul.f32 $1.442695020e+00, v7;
	v6 =	vmul.f32 $1.720806020e-02, v8  }
0x68: {  	v4 =	vmul.f32 $1.442695020e+00, v4  }
0x69: {  	v10 =	vpop (erf);
	(erf) = vpow2.f32 v7;
	v6 =	vsub.f32 $8.172681180e-02, v6  }
0x6a: {  	v7 =	vmul.f32 $1.720806020e-02, v10;
	v11 =	vpop (erf);
	(erf) = vpow2.f32 v4  }
0x6b: {  	v6 =	vmul.f32 v6, v8;
	v12 =	vpop (erf)  }
0x6c: {  	v4 =	vsub.f32 $8.172681180e-02, v7;
	v7 =	vmul.f32 $1.720806020e-02, v11;
	v9 =	vmul.f32 $1.720806020e-02, v12  }
0x6d: {  	v14 =	vmax.f32 v3, $0.0e+00;
	v6 =	vadd.f32 $-1.887826770e-01, v6  }
0x6e: {  	v13 =	vpop (erf);
	v4 =	vmul.f32 v4, v10;
	v7 =	vsub.f32 $8.172681180e-02, v7;
	v9 =	vsub.f32 $8.172681180e-02, v9  }
0x6f: {  	v18 =	vmax.f32 v5, $0.0e+00;
	v3 =	vadd.f32 $1.000000000e+00, v13;
	v6 =	vmul.f32 v6, v8;
	v13 =	vpop (erf)  }
0x70: {  	s28 =	simm.s32 $0x80;
	v4 =	vadd.f32 $-1.887826770e-01, v4;
	v7 =	vmul.f32 v7, v11;
	v13 =	vadd.f32 $1.000000000e+00, v13  }
0x71: {  	v15 =	vld [tilespmem:s28+$0x28F0];
	(erf) = vrcp.f32 v3;
	v3 =	vadd.f32 $3.145905440e-01, v6;
	v6 =	vmul.f32 v9, v12  }
0x72: {  	v17 =	vld [tilespmem:s28+$0x28C0];
	v4 =	vmul.f32 v4, v10;
	v7 =	vadd.f32 $-1.887826770e-01, v7;
	v9 =	vpop (erf);
	(erf) = vrcp.f32 v13  }
0x73: {  	v13 =	vld [tilespmem:s28+$0xF0];
	v9 =	vadd.f32 $1.000000000e+00, v9;
	v3 =	vmul.f32 v3, v8;
	v6 =	vadd.f32 $-1.887826770e-01, v6;
	v16 =	vpop (erf)  }
0x74: {  	v5 =	vld [tilespmem:s28+$0xD0];
	v4 =	vadd.f32 $3.145905440e-01, v4;
	v7 =	vmul.f32 v7, v11;
	v16 =	vadd.f32 $1.000000000e+00, v16  }
0x75: {  	(erf) = vrcp.f32 v9;
	v9 =	vld [tilespmem:s28+$0xC0];
	v3 =	vadd.f32 $-4.969779250e-01, v3;
	v6 =	vmul.f32 v6, v12  }
0x76: {  	v20 =	vmax.f32 v2, $0.0e+00;
	v2 =	vld [tilespmem:s28+$0xE0];
	v4 =	vmul.f32 v4, v10;
	v7 =	vadd.f32 $3.145905440e-01, v7  }
0x77: {  	(erf) = vrcp.f32 v16;
	v16 =	vld [tilespmem:s28+$0x28D0];
	v3 =	vmul.f32 v3, v8;
	v6 =	vadd.f32 $3.145905440e-01, v6  }
0x78: {  	v19 =	vadd.f32 $-4.969779250e-01, v4;
	v4 =	vadd.f32 v15, v13;
	v13 =	vld [tilespmem:s28+$0x28E0]  }
0x79: {  	v21 =	vld [tilespmem:s28+$0x2880];
	v7 =	vmul.f32 v7, v11;
	v3 =	vadd.f32 $9.997924560e-01, v3;
	v6 =	vmul.f32 v6, v12  }
0x7a: {  	v15 =	vmul.f32 v19, v10;
	v19 =	vld [tilespmem:s28+$0x80];
	v17 =	vadd.f32 v17, v9;
	v9 =	vand.u32 $0x7FFFFFFF, v4  }
0x7b: {  	v7 =	vadd.f32 $-4.969779250e-01, v7;
	v3 =	vmul.f32 v3, v8;
	v8 =	vsub.f32 $0.0e+00, v9  }
0x7c: {  	v24 =	vld [tilespmem:s28+$0x90];
	v6 =	vadd.f32 $-4.969779250e-01, v6;
	v5 =	vadd.f32 v16, v5;
	v23 =	vand.u32 $0x7FFFFFFF, v17  }
0x7d: {  	v57 =	vld [tilespmem:s28+$0x2890];
	v1 =	vmax.f32 v1, $0.0e+00;
	v13 =	vadd.f32 v13, v2;
	v16 =	vsub.f32 $0.0e+00, v23  }
0x7e: {  	v22 =	vpop (erf);
	v3 =	vadd.f32 $3.507552040e-06, v3;
	v25 =	vmul.f32 $1.442695020e+00, v8;
	v26 =	vand.u32 $0x7FFFFFFF, v5  }
0x7f: {  	v27 =	vld [tilespmem:s28+$0xA0];
	v9 =	vpop (erf);
	v6 =	vmul.f32 v6, v12;
	v19 =	vadd.f32 v21, v19;
	v2 =	vmul.f32 $1.442695020e+00, v16  }
0x80: {  	v8 =	vpop (erf);
	v1 =	vadd.f32 v3, v1;
	v3 =	vsub.f32 $0.0e+00, v26;
	v16 =	vld [tilespmem:s28+$0x28A0];
	(erf) = vpow2.f32 v25  }
0x81: {  	v59 =	vand.u32 $0x7FFFFFFF, v13;
	v6 =	vadd.f32 $9.997924560e-01, v6;
	v58 =	vpop (erf);
	(erf) = vpow2.f32 v2  }
0x82: {  	v60 =	vld [tilespmem:s28+$0xB0];
	v25 =	vmul.f32 v1, v58;
	v1 =	vmul.f32 $1.442695020e+00, v3;
	v3 =	vsub.f32 $0.0e+00, v59  }
0x83: {  	v61 =	vld [tilespmem:s28+$0x28B0];
	v7 =	vmul.f32 v7, v11;
	v2 =	vsub.f32 $0.0e+00, v19;
	v19 =	vadd.f32 v57, v24  }
0x84: {  	v3 =	vmul.f32 $1.442695020e+00, v3;
	(erf) = vpow2.f32 v1;
	v1 =	vadd.f32 $9.997924560e-01, v15  }
0x85: {  	v12 =	vmul.f32 v6, v12;
	v15 =	vsub.f32 $0.0e+00, v19;
	v16 =	vadd.f32 v16, v27  }
0x86: {  	v2 =	vmul.f32 $1.442695020e+00, v2;
	(erf) = vpow2.f32 v3  }
0x87: {  	v3 =	vadd.f32 $9.997924560e-01, v7;
	v7 =	vmul.f32 $1.442695020e+00, v15;
	v15 =	vsub.f32 $0.0e+00, v16  }
0x88: {  	v1 =	vmul.f32 v1, v10;
	(erf) = vpow2.f32 v2;
	v16 =	vadd.f32 v61, v60  }
0x89: {  	v2 =	vmax.f32 v17, $0.0e+00;
	v3 =	vmul.f32 v3, v11;
	v11 =	vmul.f32 $1.442695020e+00, v15;
	v10 =	vpop (erf)  }
0x8a: {  	(erf) = vpow2.f32 v7;
	v7 =	vsub.f32 $0.0e+00, v16;
	v15 =	vmul.f32 $1.720806020e-02, v10;
	v6 =	vpop (erf)  }
0x8b: {  	(erf) = vpow2.f32 v11;
	v11 =	vadd.f32 $3.507552040e-06, v1;
	v17 =	vmul.f32 $1.720806020e-02, v6  }
0x8c: {  	v19 =	vmul.f32 $1.442695020e+00, v7;
	v1 =	vmax.f32 v13, $0.0e+00;
	v13 =	vadd.f32 $3.507552040e-06, v12  }
0x8d: {  	v15 =	vsub.f32 $8.172681180e-02, v15;
	v12 =	vsub.f32 $8.172681180e-02, v17  }
0x8e: {  	v16 =	vadd.f32 $3.507552040e-06, v3;
	v7 =	vpop (erf);
	(erf) = vpow2.f32 v19  }
0x8f: {  	v14 =	vadd.f32 v11, v14;
	v15 =	vmul.f32 v15, v10;
	v12 =	vmul.f32 v12, v6  }
0x90: {  	v3 =	vmax.f32 v5, $0.0e+00;
	v11 =	vadd.f32 v16, v18;
	v17 =	vmul.f32 $1.720806020e-02, v7;
	v5 =	vpop (erf)  }
0x91: {  	v16 =	vmul.f32 $1.720806020e-02, v5;
	v15 =	vadd.f32 $-1.887826770e-01, v15;
	v18 =	vpop (erf);
	v12 =	vadd.f32 $-1.887826770e-01, v12  }
0x92: {  	v17 =	vsub.f32 $8.172681180e-02, v17;
	v18 =	vadd.f32 $1.000000000e+00, v18  }
0x93: {  	v19 =	vmul.f32 v14, v22;
	v14 =	vpop (erf);
	v16 =	vsub.f32 $8.172681180e-02, v16;
	v15 =	vmul.f32 v15, v10  }
0x94: {  	v62 =	vadd.f32 $1.000000000e+00, v14;
	v17 =	vmul.f32 v17, v7;
	(erf) = vrcp.f32 v18  }
0x95: {  	[tilespmem:s29+$0x50B0] =	vst v25;
	v14 =	vmul.f32 v12, v6;
	v18 =	vmul.f32 v16, v5;
	v63 =	vadd.f32 $3.145905440e-01, v15;
	v12 =	vpop (erf)  }
0x96: {  	s30 =	simm.s32 $0x100;
	[tilespmem:s29+$0x5080] =	vst v19;
	v15 =	vadd.f32 $-1.887826770e-01, v17;
	(erf) = vrcp.f32 v62;
	v16 =	vadd.f32 $1.000000000e+00, v12  }
0x97: {  	s31 =	simm.s32 $0x600;
	v13 =	vadd.f32 v13, v20;
	v18 =	vadd.f32 $-1.887826770e-01, v18;
	v17 =	vmul.f32 v63, v10;
	v12 =	vld [tilespmem:s30+$0xF0]  }
.LBB2_7:
0x98: {  	p0 =	sne.s32 s31, $0x9E00;
	v19 =	vld [tilespmem:s30+$0x28F0];
	v14 =	vadd.f32 $3.145905440e-01, v14;
	v15 =	vmul.f32 v15, v7;
	(erf) = vrcp.f32 v16;
	v16 =	vpop (erf)  }
0x99: {  	v20 =	vld [tilespmem:s30+$0xC0];
	v18 =	vmul.f32 v18, v5;
	v16 =	vadd.f32 $1.000000000e+00, v16;
	v17 =	vadd.f32 $-4.969779250e-01, v17  }
0x9a: {  	v9 =	vmul.f32 v11, v9;
	v21 =	vld [tilespmem:s30+$0x28C0];
	v14 =	vmul.f32 v14, v6;
	v15 =	vadd.f32 $3.145905440e-01, v15  }
0x9b: {  	v11 =	vld [tilespmem:s30+$0xD0];
	v18 =	vadd.f32 $3.145905440e-01, v18;
	v22 =	vmul.f32 v17, v10;
	(erf) = vrcp.f32 v16  }
0x9c: {  	v8 =	vmul.f32 v13, v8;
	v16 =	vld [tilespmem:s30+$0x28D0];
	v14 =	vadd.f32 $-4.969779250e-01, v14;
	v15 =	vmul.f32 v15, v7;
	[tilespmem:s29+$0x5090] =	vst v9  }
0x9d: {  	v13 =	vld [tilespmem:s30+$0xE0];
	v12 =	vadd.f32 v19, v12;
	v18 =	vmul.f32 v18, v5;
	v23 =	vadd.f32 $9.997924560e-01, v22;
	v17 =	vpop (erf)  }
0x9e: {  	v19 =	vld [tilespmem:s30+$0x28E0];
	v14 =	vmul.f32 v14, v6;
	v15 =	vadd.f32 $-4.969779250e-01, v15;
	[tilespmem:s29+$0x50A0] =	vst v8;
	s29 =	smov.u32 s28;
	s28 =	smov.u32 s30  }
0x9f: {  	v22 =	vld [tilespmem:s28+$0x80];
	v20 =	vadd.f32 v21, v20;
	v26 =	vand.u32 $0x7FFFFFFF, v12;
	v10 =	vmul.f32 v23, v10;
	v9 =	vpop (erf)  }
0xa0: {  	v18 =	vadd.f32 $-4.969779250e-01, v18;
	v21 =	vld [tilespmem:s28+$0x2880];
	v23 =	vsub.f32 $0.0e+00, v26;
	v15 =	vmul.f32 v15, v7  }
0xa1: {  	v24 =	vand.u32 $0x7FFFFFFF, v20;
	v25 =	vld [tilespmem:s28+$0x90];
	v11 =	vadd.f32 v16, v11;
	v10 =	vadd.f32 $3.507552040e-06, v10;
	v8 =	vpop (erf)  }
0xa2: {  	v26 =	vmax.f32 v4, $0.0e+00;
	v4 =	vmovc v12;
	v16 =	vsub.f32 $0.0e+00, v24;
	v24 =	vld [tilespmem:s28+$0x2890];
	v28 =	vmul.f32 $1.442695020e+00, v23  }
0xa3: {  	v12 =	vand.u32 $0x7FFFFFFF, v11;
	v27 =	vld [tilespmem:s28+$0xA0];
	v13 =	vadd.f32 v19, v13;
	v10 =	vadd.f32 v10, v26  }
0xa4: {  	v16 =	vmul.f32 $1.442695020e+00, v16;
	v12 =	vsub.f32 $0.0e+00, v12;
	v19 =	vld [tilespmem:s28+$0x28A0];
	(erf) = vpow2.f32 v28;
	v23 =	vpop (erf)  }
0xa5: {  	v21 =	vadd.f32 v21, v22;
	v22 =	vand.u32 $0x7FFFFFFF, v13;
	v10 =	vmul.f32 v10, v23  }
0xa6: {  	v12 =	vmul.f32 $1.442695020e+00, v12;
	v22 =	vsub.f32 $0.0e+00, v22;
	v23 =	vld [tilespmem:s28+$0xB0];
	(erf) = vpow2.f32 v16  }
0xa7: {  	v18 =	vmul.f32 v18, v5;
	v16 =	vsub.f32 $0.0e+00, v21;
	v21 =	vadd.f32 v24, v25;
	v24 =	vld [tilespmem:s28+$0x28B0];
	[tilespmem:s29+$0x50B0] =	vst v10  }
0xa8: {  	v10 =	vmul.f32 $1.442695020e+00, v22;
	(erf) = vpow2.f32 v12;
	v12 =	vadd.f32 $9.997924560e-01, v14  }
0xa9: {  	v14 =	vmul.f32 $1.442695020e+00, v16;
	v16 =	vsub.f32 $0.0e+00, v21;
	v19 =	vadd.f32 v19, v27  }
0xaa: {  	v21 =	vadd.f32 $9.997924560e-01, v15;
	v15 =	vadd.f32 $9.997924560e-01, v18;
	(erf) = vpow2.f32 v10  }
0xab: {  	v16 =	vmul.f32 $1.442695020e+00, v16;
	v18 =	vsub.f32 $0.0e+00, v19;
	(erf) = vpow2.f32 v14  }
0xac: {  	v12 =	vmul.f32 v12, v6;
	v7 =	vmul.f32 v21, v7;
	v14 =	vadd.f32 v24, v23  }
0xad: {  	v19 =	vmax.f32 v20, $0.0e+00;
	v18 =	vmul.f32 $1.442695020e+00, v18;
	(erf) = vpow2.f32 v16;
	v10 =	vpop (erf)  }
0xae: {  	v5 =	vmul.f32 v15, v5;
	v14 =	vsub.f32 $0.0e+00, v14;
	v16 =	vmul.f32 $1.720806020e-02, v10  }
0xaf: {  	v12 =	vadd.f32 $3.507552040e-06, v12;
	v15 =	vadd.f32 $3.507552040e-06, v7;
	v6 =	vpop (erf);
	(erf) = vpow2.f32 v18  }
0xb0: {  	v18 =	vmul.f32 $1.720806020e-02, v6;
	v14 =	vmul.f32 $1.442695020e+00, v14;
	v16 =	vsub.f32 $8.172681180e-02, v16  }
0xb1: {  	v20 =	vmax.f32 v11, $0.0e+00;
	v21 =	vmax.f32 v13, $0.0e+00;
	v13 =	vadd.f32 $3.507552040e-06, v5;
	v7 =	vpop (erf)  }
0xb2: {  	v18 =	vsub.f32 $8.172681180e-02, v18;
	v16 =	vmul.f32 v16, v10;
	(erf) = vpow2.f32 v14  }
0xb3: {  	v22 =	vadd.f32 v12, v2;
	v11 =	vadd.f32 v15, v3;
	v14 =	vmul.f32 $1.720806020e-02, v7;
	v5 =	vpop (erf)  }
0xb4: {  	v12 =	vmul.f32 v18, v6;
	v15 =	vmul.f32 $1.720806020e-02, v5;
	v16 =	vadd.f32 $-1.887826770e-01, v16;
	v3 =	vpop (erf)  }
0xb5: {  	v2 =	vmovc v19;
	v17 =	vmul.f32 v22, v17;
	v14 =	vsub.f32 $8.172681180e-02, v14;
	v18 =	vadd.f32 $1.000000000e+00, v3;
	v3 =	vmovc v20  }
.Ltmp2:
0xb6: {  	v23 =	vadd.f32 $-1.887826770e-01, v12;
	v15 =	vsub.f32 $8.172681180e-02, v15;
	v16 =	vmul.f32 v16, v10;
	v19 =	vpop (erf);
	(pc) =	sbr.rel @p0 .LBB2_7-.Ltmp2, $4  }
0xb7: {  	v20 =	vmul.f32 v14, v7;
	v19 =	vadd.f32 $1.000000000e+00, v19;
	(erf) = vrcp.f32 v18;
	[tilespmem:s29+$0x5080] =	vst v17  }
0xb8: {  	v14 =	vmul.f32 v23, v6;
	v17 =	vmul.f32 v15, v5;
	v22 =	vadd.f32 $3.145905440e-01, v16;
	v12 =	vpop (erf)  }
0xb9: {  	s30 =	sshra.s32 s31, $0x2;
	v15 =	vadd.f32 $-1.887826770e-01, v20;
	v16 =	vadd.f32 $1.000000000e+00, v12;
	(erf) = vrcp.f32 v19  }
0xba: {  	s31 =	sadd.s32 $0x200, s31;
	v13 =	vadd.f32 v13, v1;
	v1 =	vmovc v21;
	v12 =	vld [tilespmem:s30+$0xF0];
	v18 =	vadd.f32 $-1.887826770e-01, v17;
	v17 =	vmul.f32 v22, v10  }
0xbb: {  	v19 =	vld [tilespmem:s30+$0x28F0]  }
0xbc: {  	v20 =	vld [tilespmem:s30+$0xC0]  }
0xbd: {  	v21 =	vld [tilespmem:s30+$0x28C0];
	v9 =	vmul.f32 v11, v9  }
0xbe: {  	v46 =	vld [tilespmem:s30+$0xD0]  }
0xbf: {  	v22 =	vld [tilespmem:s30+$0x28D0];
	[tilespmem:s29+$0x5090] =	vst v9  }
0xc0: {  	v47 =	vadd.f32 $3.145905440e-01, v14;
	v48 =	vmul.f32 v15, v7;
	(erf) = vrcp.f32 v16;
	v49 =	vpop (erf);
	v50 =	vld [tilespmem:s30+$0xE0]  }
0xc1: {  	v18 =	vmul.f32 v18, v5;
	v15 =	vadd.f32 $1.000000000e+00, v49;
	v17 =	vadd.f32 $-4.969779250e-01, v17;
	v23 =	vld [tilespmem:s30+$0x28E0]  }
0xc2: {  	v8 =	vmul.f32 v13, v8;
	v24 =	vmul.f32 v47, v6;
	v14 =	vadd.f32 $3.145905440e-01, v48  }
0xc3: {  	v51 =	vadd.f32 $3.145905440e-01, v18;
	v17 =	vmul.f32 v17, v10;
	v9 =	vadd.f32 v19, v12  }
0xc4: {  	(erf) = vrcp.f32 v15;
	[tilespmem:s29+$0x50A0] =	vst v8;
	v52 =	vmul.f32 v14, v7;
	v53 =	vadd.f32 v21, v20  }
0xc5: {  	v54 =	vld [tilespmem:s30+$0x80];
	v24 =	vadd.f32 $-4.969779250e-01, v24;
	v11 =	vadd.f32 v22, v46;
	v55 =	vand.u32 $0x7FFFFFFF, v9  }
0xc6: {  	v56 =	vld [tilespmem:s30+$0x2880];
	v20 =	vand.u32 $0x7FFFFFFF, v53;
	v57 =	vsub.f32 $0.0e+00, v55;
	v8 =	vadd.f32 v23, v50  }
0xc7: {  	v59 =	vld [tilespmem:s30+$0x90];
	v13 =	vmul.f32 v51, v5;
	v60 =	vand.u32 $0x7FFFFFFF, v11;
	v20 =	vsub.f32 $0.0e+00, v20  }
0xc8: {  	v61 =	vld [tilespmem:s30+$0x2890];
	v21 =	vsub.f32 $0.0e+00, v60;
	v19 =	vmul.f32 $1.442695020e+00, v57;
	v23 =	vand.u32 $0x7FFFFFFF, v8  }
0xc9: {  	v63 =	vld [tilespmem:s30+$0xA0];
	v34 =	vmul.f32 v24, v6;
	v20 =	vmul.f32 $1.442695020e+00, v20;
	v23 =	vsub.f32 $0.0e+00, v23  }
0xca: {  	v25 =	vld [tilespmem:s30+$0x28A0];
	v58 =	vadd.f32 $9.997924560e-01, v17;
	v28 =	vmul.f32 $1.442695020e+00, v21;
	(erf) = vpow2.f32 v19  }
0xcb: {  	v4 =	vmax.f32 v4, $0.0e+00;
	v31 =	vld [tilespmem:s30+$0xB0];
	(erf) = vpow2.f32 v20;
	v29 =	vmul.f32 $1.442695020e+00, v23  }
0xcc: {  	v33 =	vld [tilespmem:s30+$0x28B0];
	v30 =	vpop (erf);
	v12 =	vadd.f32 $-4.969779250e-01, v52;
	v62 =	vmul.f32 v58, v10;
	(erf) = vpow2.f32 v28  }
0xcd: {  	v32 =	vpop (erf);
	v13 =	vadd.f32 $-4.969779250e-01, v13;
	v15 =	vadd.f32 v56, v54;
	(erf) = vpow2.f32 v29  }
0xce: {  	v14 =	vmax.f32 v53, $0.0e+00;
	v10 =	vadd.f32 $3.507552040e-06, v62;
	v17 =	vadd.f32 v61, v59  }
0xcf: {  	v11 =	vmax.f32 v11, $0.0e+00;
	v16 =	vadd.f32 v25, v63;
	v15 =	vsub.f32 $0.0e+00, v15  }
0xd0: {  	v12 =	vmul.f32 v12, v7;
	v4 =	vadd.f32 v10, v4;
	v17 =	vsub.f32 $0.0e+00, v17  }
0xd1: {  	v35 =	vpop (erf);
	v16 =	vsub.f32 $0.0e+00, v16;
	v10 =	vadd.f32 v33, v31;
	v15 =	vmul.f32 $1.442695020e+00, v15  }
0xd2: {  	v9 =	vmax.f32 v9, $0.0e+00;
	v13 =	vmul.f32 v13, v5;
	v36 =	vpop (erf);
	v17 =	vmul.f32 $1.442695020e+00, v17  }
0xd3: {  	v38 =	vmul.f32 $1.442695020e+00, v16;
	v10 =	vsub.f32 $0.0e+00, v10;
	(erf) = vpow2.f32 v15;
	v39 =	vpop (erf)  }
0xd4: {  	v12 =	vadd.f32 $9.997924560e-01, v12;
	(erf) = vpow2.f32 v17;
	v40 =	vmul.f32 $1.720806020e-02, v39;
	v41 =	vpop (erf)  }
0xd5: {  	v13 =	vadd.f32 $9.997924560e-01, v13;
	v10 =	vmul.f32 $1.442695020e+00, v10;
	v42 =	vmul.f32 $1.720806020e-02, v41;
	v43 =	vpop (erf)  }
0xd6: {  	(erf) = vpow2.f32 v38;
	v17 =	vsub.f32 $8.172681180e-02, v40;
	v44 =	vmul.f32 $1.720806020e-02, v43;
	v45 =	vpop (erf)  }
0xd7: {  	v46 =	vmul.f32 v12, v7;
	v47 =	vsub.f32 $8.172681180e-02, v42;
	v48 =	vmul.f32 $1.720806020e-02, v45  }
0xd8: {  	(erf) = vpow2.f32 v10;
	v17 =	vmul.f32 v17, v39;
	v49 =	vsub.f32 $8.172681180e-02, v44  }
0xd9: {  	v4 =	vmul.f32 v4, v36;
	v12 =	vmul.f32 v47, v41;
	v15 =	vsub.f32 $8.172681180e-02, v48  }
0xda: {  	v20 =	vadd.f32 $9.997924560e-01, v34;
	v51 =	vadd.f32 $-1.887826770e-01, v17;
	v10 =	vmul.f32 v49, v43  }
0xdb: {  	v50 =	vmul.f32 v13, v5;
	v12 =	vadd.f32 $-1.887826770e-01, v12;
	v15 =	vmul.f32 v15, v45  }
0xdc: {  	v37 =	vmul.f32 v20, v6;
	v52 =	vpop (erf);
	v13 =	vmul.f32 v51, v39;
	v10 =	vadd.f32 $-1.887826770e-01, v10  }
0xdd: {  	v53 =	vpop (erf);
	v17 =	vadd.f32 $1.000000000e+00, v52;
	v12 =	vmul.f32 v12, v41;
	v15 =	vadd.f32 $-1.887826770e-01, v15  }
0xde: {  	v22 =	vadd.f32 $1.000000000e+00, v53;
	v13 =	vadd.f32 $3.145905440e-01, v13;
	v10 =	vmul.f32 v10, v43  }
0xdf: {  	(erf) = vrcp.f32 v17;
	v54 =	vpop (erf);
	v12 =	vadd.f32 $3.145905440e-01, v12;
	v15 =	vmul.f32 v15, v45  }
0xe0: {  	v17 =	vadd.f32 $1.000000000e+00, v54;
	v13 =	vmul.f32 v13, v39;
	v10 =	vadd.f32 $3.145905440e-01, v10  }
0xe1: {  	(erf) = vrcp.f32 v22;
	v55 =	vpop (erf);
	v12 =	vmul.f32 v12, v41;
	v15 =	vadd.f32 $3.145905440e-01, v15  }
0xe2: {  	v22 =	vadd.f32 $1.000000000e+00, v55;
	v13 =	vadd.f32 $-4.969779250e-01, v13;
	v10 =	vmul.f32 v10, v43  }
0xe3: {  	(erf) = vrcp.f32 v17;
	v12 =	vadd.f32 $-4.969779250e-01, v12;
	v15 =	vmul.f32 v15, v45  }
0xe4: {  	(erf) = vrcp.f32 v22;
	v13 =	vmul.f32 v13, v39;
	v10 =	vadd.f32 $-4.969779250e-01, v10  }
0xe5: {  	v6 =	vadd.f32 $3.507552040e-06, v37;
	v12 =	vmul.f32 v12, v41;
	v15 =	vadd.f32 $-4.969779250e-01, v15  }
0xe6: {  	v7 =	vadd.f32 $3.507552040e-06, v46;
	v13 =	vadd.f32 $9.997924560e-01, v13;
	v10 =	vmul.f32 v10, v43  }
0xe7: {  	v2 =	vadd.f32 v6, v2;
	v56 =	vmul.f32 v15, v45;
	v12 =	vadd.f32 $9.997924560e-01, v12  }
0xe8: {  	v5 =	vadd.f32 $3.507552040e-06, v50;
	v57 =	vmul.f32 v13, v39;
	v10 =	vadd.f32 $9.997924560e-01, v10  }
0xe9: {  	v2 =	vmul.f32 v2, v30;
	v6 =	vadd.f32 $9.997924560e-01, v56;
	v12 =	vmul.f32 v12, v41  }
0xea: {  	v3 =	vadd.f32 v7, v3;
	v58 =	vpop (erf);
	v7 =	vadd.f32 $3.507552040e-06, v57;
	v10 =	vmul.f32 v10, v43  }
0xeb: {  	v1 =	vadd.f32 v5, v1;
	v59 =	vpop (erf);
	v6 =	vmul.f32 v6, v45;
	v12 =	vadd.f32 $3.507552040e-06, v12  }
0xec: {  	[tilespmem:s28+$0x50B0] =	vst v4;
	v3 =	vmul.f32 v3, v32;
	v60 =	vpop (erf);
	v7 =	vadd.f32 v7, v9;
	v61 =	vadd.f32 $3.507552040e-06, v10  }
0xed: {  	v1 =	vmul.f32 v1, v35;
	[tilespmem:s28+$0x5080] =	vst v2;
	v2 =	vpop (erf);
	v6 =	vadd.f32 $3.507552040e-06, v6;
	v62 =	vadd.f32 v12, v14  }
0xee: {  	v8 =	vmax.f32 v8, $0.0e+00;
	[tilespmem:s28+$0x5090] =	vst v3;
	v2 =	vmul.f32 v7, v2;
	v3 =	vadd.f32 v61, v11  }
0xef: {  	[tilespmem:s28+$0x50A0] =	vst v1;
	v1 =	vmul.f32 v62, v58;
	v63 =	vadd.f32 v6, v8  }
0xf0: {  	[tilespmem:s30+$0x50B0] =	vst v2;
	v2 =	vmul.f32 v3, v59  }
0xf1: {  	s26 =	sadd.s32 $0x1, s26;
	[tilespmem:s30+$0x5080] =	vst v1;
	v1 =	vmul.f32 v63, v60  }
0xf2: {  	p0 =	sne.s32 s26, $0xFA;
	[tilespmem:s30+$0x5090] =	vst v2  }
.Ltmp3:
0xf3: {  	[tilespmem:s30+$0x50A0] =	vst v1;
	(pc) =	sbr.rel @p0 .LBB2_6-.Ltmp3, $4  }
0xf4: {  	[spmem:s1] =	stream.indirect.scatter.add.f32 [tilespmem:s23], [sflag:$0x1], $0x80, s3, s22, $0xb8;
	[tilespmem:$0x1F880] =	vst v63  }
0xf5: {  	_ =	swait.ge [sflag:s17], $0x2800  }
0xf6: {  	[sflag:s17] =	ssyncset.done $0x0  }
0xf7: {  	[sflag:s17] =	ssyncadd.s32 $0xFFFFD800  }
0xf8: {  	s24 =	sadd.s32 $0x1, s24  }
0xf9: {  	s25 =	sshll.u32 s2, $0x6;
	[bflag:$0x0] =	sbarrier.arrive $0xFFFF;
	p0 =	sne.s32 s24, s15  }
.Ltmp4:
0xfa: {  	s26 =	sshrl.u32 s7, $0x3;
	s25 =	sor.u32 $0x1C01, s25;
	(pc) =	sbr.rel @p0 .LBB2_1-.Ltmp4, $4  }
0xfb: {  	[hbm:s14], [sflag:s25] =	dma.local [spmem:s26], $0x2800  }
0xfc: {  	_ =	swait.ge [sflag:s17], $0x2800  }
0xfd: {  	[sflag:s17] =	ssyncset.done $0x0  }
0xfe: {  	[sflag:s17] =	ssyncadd.s32 $0xFFFFD800  }
0xff: {  	_ =	sfence.sel $0x180000  }
0x100: {  	[bflag:$0x0] =	sbarrier.arrive $0xFFFF  }
0x101: {  	p0 =	sne.s32 s2, $0x0;
	_ =	strace $0x90000053  }
0x102: {  	s0 =	sadd.s32 @!p0 $0x100000, s0;
	[bflag:$0x2] =	sbarrier.arrive $0xFFFF  }
0x103: {  	[sflag:s0] =	ssyncadd.tile.s32 @!p0 $0x1;
	_ =	shalt  }
.Lfunc_end2:
_tile_overlayer_lowered:
.L_overlay_start_2:
0x104: {  	(tag) =	ssettag $0x2  }
0x105: {  	s0 =	rddreg [dreg:$0x0];
	s2 =	stileid.u32  }
0x106: {  	s1 =	rddreg [dreg:$0x1];
	p0 =	sne.s32 s2, $0x0  }
0x107: {  	s3 =	rddreg [dreg:$0x2];
	[bflag:$0x3] =	sbarrier.arrive $0xFFFF;
	s2 =	simm.s32 @!p0 $0x1C01  }
0x108: {  	[timem:s3], [sflag:s2] =	dma.local @!p0 [hbm:s0], s1  }
0x109: {  	s0 =	simm.s32 @!p0 $0x1  }
0x10a: {  	_ =	swait.ge @!p0 [sflag:s0], s1  }
0x10b: {  	s1 =	ssub.s32 @!p0 $0x0, s1;
	[sflag:s0] =	ssyncset.done @!p0 $0x0  }
0x10c: {  	[sflag:s0] =	ssyncadd.s32 @!p0 s1  }
0x10d: {  	[bflag:$0x3] =	sbarrier.arrive $0xFFFF  }
0x10e: {  	_ =	shalt  }

// kernel: kernel.28.cloned.1.call-start
scs
__scs_entry_jumppad:
0x0: {  	(pc) =	sbr.rel $0x88, $3  }
0x1: {  	(tag) =	ssettag $0x0;
	lr =	simm.s32 $0x1  }
0x2: {  	[smem:$0x3F8D] =	sst lr;
	_ =	strace $0xD0000000  }
0x3: {  	_ = 	snop  }
0x4: {  	_ = 	snop  }
0x5: {  	_ = 	snop  }
0x6: {  	_ = 	snop  }
0x7: {  	_ = 	snop  }
__scs_overlays_trampoline_lowered:
0x8: {  	[smem:$0x3F9C] =	sst s0  }
0x9: {  	[smem:$0x3F9D] =	sst s1  }
0xa: {  	[smem:$0x3F9E] =	sst s2  }
0xb: {  	[smem:$0x3F9F] =	sst s3  }
0xc: {  	[smem:$0x3FA0] =	sst s4  }
0xd: {  	[smem:$0x3FA1] =	sst s5  }
0xe: {  	[smem:$0x3FA2] =	sst s6  }
0xf: {  	[smem:$0x3FA3] =	sst s7  }
0x10: {  	[smem:$0x3FA4] =	sst s8  }
0x11: {  	[smem:$0x3FA5] =	sst s9;
	s0 =	simm.s32 @!p0 $0x0  }
0x12: {  	s1 =	sld [smem:$0x3F8B];
	s0 =	simm.s32 @p0 $0x1  }
0x13: {  	[smem:$0x3FA6] =	sst s0;
	s0 =	simm.s32 @!p1 $0x0  }
0x14: {  	s2 =	sld [smem:$0x3F8A];
	s0 =	simm.s32 @p1 $0x1  }
0x15: {  	[smem:$0x3FA7] =	sst s0;
	s0 =	simm.s32 @!p2 $0x0  }
0x16: {  	s3 =	sld [smem:$0x3FDB];
	s0 =	simm.s32 @p2 $0x1  }
0x17: {  	s4 =	simm.s32 $0x1BF5;
	[smem:$0x3FA9] =	sst s0  }
0x18: {  	s0 =	sld [smem:$0x3F8C];
	_ =	swait.ge [sflag:s4], $0x0  }
0x19: {  	s7 =	sld [smem:$0x3F8D]  }
0x1a: {  	s8 =	sadd.s32 $0xFFFFE003, lr  }
0x1b: {  	s9 =	sadd.s32 $0xFFFFFEF7, lr;
	s5 =	simm.s32 $0xFFFFFFFF;
	p2 =	slt.u32 s8, $0xFFFFF086  }
0x1c: {  	p1 =	slt.u32 s9, $0xF7A;
	s5 =	simm.s32 @!p2 $0x0  }
0x1d: {  	s5 =	simm.s32 @p1 $0x1;
	p0 =	seq.s32 s7, s2  }
0x1e: {  	s7 =	smul.u32 @!p0 $0xF7A, s2;
	p2 =	seq.s32 @!p0 s5, $0x0  }
0x1f: {  	s9 =	smul.u32 $0xF7A, s1;
	s8 =	simm.s32 @!p0 $0x1BF5;
	p2 =	por !p2, p0  }
0x20: {  	[sflag:s8] =	ssyncset.s32 @!p0 $0xFFFFF086;
	s6 =	sadd.s32 @!p0 s3, s7;
	s7 =	simm.s32 @!p0 $0x108  }
0x21: {  	s3 =	sadd.s32 s3, s9;
	s6 =	sadd.s32 @!p0 $0x88, s6;
	s7 =	simm.s32 @p2 $0x1082  }
0x22: {  	[simem:s7], [sflag:s8] =	dma.local @!p0 [hbm:s6], $0xF7A  }
0x23: {  	s9 =	sor.u32 $0xD0000000, s2;
	s6 =	simm.s32 $0x108;
	_ =	swait.ge @!p0 [sflag:s8], $0x0  }
0x24: {  	s3 =	sadd.s32 $0x88, s3;
	s6 =	simm.s32 @!p1 $0x1082;
	[sflag:s4] =	ssyncset.s32 $0xFFFFF086  }
0x25: {  	[simem:s6], [sflag:s4] =	dma.local [hbm:s3], $0xF7A  }
0x26: {  	[smem:$0x3F8D] =	sst s1;
	(tag) =	ssettag s2;
	_ =	strace s9  }
0x27: {  	s1 =	sld [smem:$0x3F9D]  }
0x28: {  	s2 =	sld [smem:$0x3F9E]  }
0x29: {  	s4 =	sld [smem:$0x3FA0]  }
0x2a: {  	p0 =	seq.s32 s5, $0x0;
	s5 =	sld [smem:$0x3FA1]  }
0x2b: {  	s6 =	sld [smem:$0x3FA2]  }
0x2c: {  	s7 =	sld [smem:$0x3FA3]  }
0x2d: {  	s3 =	simm.s32 $0x108;
	s8 =	sld [smem:$0x3FA4]  }
0x2e: {  	s3 =	simm.s32 @!p0 $0x1082;
	s9 =	sld [smem:$0x3FA5]  }
0x2f: {  	lr =	sadd.s32 s0, s3;
	s0 =	sld [smem:$0x3F9C]  }
0x30: {  	s3 =	sld [smem:$0x3F9F]  }
0x31: {  	[smem:$0x3FA8] =	sst s10  }
0x32: {  	s10 =	sld [smem:$0x3FA6];
	_ =	sdelay $0x3  }
0x33: {  	p0 =	seq.s32 s10, $0x1;
	s10 =	sld [smem:$0x3FA8];
	_ =	sdelay $0x3  }
0x34: {  	[smem:$0x3FA8] =	sst s10  }
0x35: {  	s10 =	sld [smem:$0x3FA7];
	_ =	sdelay $0x3  }
0x36: {  	p1 =	seq.s32 s10, $0x1;
	s10 =	sld [smem:$0x3FA8];
	_ =	sdelay $0x3  }
0x37: {  	[smem:$0x3FA8] =	sst s10  }
0x38: {  	s10 =	sld [smem:$0x3FA9]  }
0x39: {  	_ = 	snop;
	(pc) =	sbr.ind lr, $3  }
0x3a: {  	_ = 	snop  }
0x3b: {  	_ = 	snop  }
0x3c: {  	p2 =	seq.s32 s10, $0x1;
	s10 =	sld [smem:$0x3FA8]  }
0x3d: {  	_ =	shalt  }
0x3e: {  	_ =	shalt  }
0x3f: {  	_ =	shalt  }
0x40: {  	_ =	shalt  }
0x41: {  	_ =	shalt  }
0x42: {  	_ =	shalt  }
0x43: {  	_ =	shalt  }
0x44: {  	_ =	shalt  }
0x45: {  	_ =	shalt  }
0x46: {  	_ =	shalt  }
0x47: {  	_ =	shalt  }
0x48: {  	_ =	shalt  }
0x49: {  	_ =	shalt  }
0x4a: {  	_ =	shalt  }
0x4b: {  	_ =	shalt  }
0x4c: {  	_ =	shalt  }
0x4d: {  	_ =	shalt  }
0x4e: {  	_ =	shalt  }
0x4f: {  	_ =	shalt  }
0x50: {  	_ =	shalt  }
0x51: {  	_ =	shalt  }
0x52: {  	_ =	shalt  }
0x53: {  	_ =	shalt  }
0x54: {  	_ =	shalt  }
0x55: {  	_ =	shalt  }
0x56: {  	_ =	shalt  }
0x57: {  	_ =	shalt  }
0x58: {  	_ =	shalt  }
0x59: {  	_ =	shalt  }
0x5a: {  	_ =	shalt  }
0x5b: {  	_ =	shalt  }
0x5c: {  	_ =	shalt  }
0x5d: {  	_ =	shalt  }
0x5e: {  	_ =	shalt  }
0x5f: {  	_ =	shalt  }
0x60: {  	_ =	shalt  }
0x61: {  	_ =	shalt  }
0x62: {  	_ =	shalt  }
0x63: {  	_ =	shalt  }
0x64: {  	_ =	shalt  }
0x65: {  	_ =	shalt  }
0x66: {  	_ =	shalt  }
0x67: {  	_ =	shalt  }
0x68: {  	_ =	shalt  }
0x69: {  	_ =	shalt  }
0x6a: {  	_ =	shalt  }
0x6b: {  	_ =	shalt  }
0x6c: {  	_ =	shalt  }
0x6d: {  	_ =	shalt  }
0x6e: {  	_ =	shalt  }
0x6f: {  	_ =	shalt  }
0x70: {  	_ =	shalt  }
0x71: {  	_ =	shalt  }
0x72: {  	_ =	shalt  }
0x73: {  	_ =	shalt  }
0x74: {  	_ =	shalt  }
0x75: {  	_ =	shalt  }
0x76: {  	_ =	shalt  }
0x77: {  	_ =	shalt  }
0x78: {  	_ =	shalt  }
0x79: {  	_ =	shalt  }
0x7a: {  	_ =	shalt  }
0x7b: {  	_ =	shalt  }
0x7c: {  	_ =	shalt  }
0x7d: {  	_ =	shalt  }
0x7e: {  	_ =	shalt  }
0x7f: {  	_ =	shalt  }
0x80: {  	_ =	shalt  }
0x81: {  	_ =	shalt  }
0x82: {  	_ =	shalt  }
0x83: {  	_ =	shalt  }
0x84: {  	_ =	shalt  }
0x85: {  	_ =	shalt  }
0x86: {  	_ =	shalt  }
0x87: {  	_ =	shalt  }
.Lfunc_end0:
.L_simem_size_0:
called_computation.4_lowered:
.L_overlay_start_0:
0x88: {  	s2 =	sld [smem:$0x3FD9]  }
0x89: {  	s3 =	sld [smem:$0x3FFE];
	_ =	sdelay $0x1  }
0x8a: {  	s1 =	srdreg.scid  }
0x8b: {  	s0 =	sand.u32 $0x1, s1  }
0x8c: {  	s16 =	sshll.u32 s0, $0xA;
	s2 =	sadd.s32 s3, s2  }
0x8d: {  	s2 =	sadd.s32 s2, s16  }
0x8e: {  	[smem:$0x3FB4] =	sst s2  }
0x8f: {  	_ = 	snop  }
0x90: {  	(tm) =	ssettm $0x1  }
0x91: {  	s17 =	sld [smem:$0x3FFB];
	_ =	sdelay $0x3  }
0x92: {  	_ =	strace s17  }
0x93: {  	s2 =	sld [smem:$0x3FFC];
	_ =	sdelay $0x3  }
0x94: {  	_ =	strace s2  }
0x95: {  	s2 =	sld [smem:$0x3FFD];
	_ =	sdelay $0x3  }
0x96: {  	_ =	strace s2  }
0x97: {  	_ =	strace $0x8FFFFFFF  }
0x98: {  	s18 =	sld [smem:$0x3FDB];
	_ =	sdelay $0x1  }
0x99: {  	s19 =	simm.s32 $_scs_section_size  }
0x9a: {  	s4 =	simm.s32 $_size__tile_overlayer_lowered;
	s5 =	simm.s32 $_tile_overlayer_lowered  }
0x9b: {  	s22 =	simm.s32 $0x1BFF;
	s21 =	sshll.u32 s5, $0x1;
	s2 =	sadd.s32 s19, s18  }
0x9c: {  	s6 =	simm.s32 $0x0;
	s20 =	sshll.u32 s4, $0x1;
	s4 =	sadd.s32 s21, s2  }
0x9d: {  	[timem:s6], [sflag:s22] =	dma.local [hbm:s4], s20  }
0x9e: {  	_ =	swait.ge [sflag:s22], s20  }
0x9f: {  	s3 =	ssub.s32 $0x0, s20;
	[sflag:s22] =	ssyncset.done $0x0  }
0xa0: {  	[sflag:s22] =	ssyncadd.s32 s3;
	_ =	sdelay $0x1  }
0xa1: {  	s23 =	simm.s32 $0x1B8B  }
0xa2: {  	_ =	swait.ge [sflag:s23], $0x1  }
0xa3: {  	[sflag:s23] =	ssyncset.done $0x0  }
0xa4: {  	s25 =	simm.s32 $0x1B8E;
	s24 =	sld [smem:$0x3FFE];
	[sflag:s23] =	ssyncadd.s32 $0xFFFFFFFF  }
0xa5: {  	s26 =	simm.s32 $execute0_lowered;
	[smem:$0x3FD2] =	sst s25  }
0xa6: {  	s4 =	sshll.u32 s26, $0x1;
	_ =	strace $0x8000004F;
	[dreg:$0x1] =	wrdreg $0xFFFFFFFF  }
0xa7: {  	s28 =	simm.s32 $_size_execute0_lowered;
	s2 =	sadd.s32 s2, s4;
	[dreg:$0x0] =	wrdreg $0x0  }
0xa8: {  	s4 =	sshll.u32 s28, $0x1;
	[dreg:$0x2] =	wrdreg s2  }
0xa9: {  	[dreg:$0x3] =	wrdreg s4  }
0xaa: {  	[dreg:$0x4] =	wrdreg $0xC0  }
0xab: {  	_ =	task [dreg:s6], $0x5FFFF  }
0xac: {  	[dreg:$0x1] =	wrdreg $0xFFFFFFFF  }
0xad: {  	[dreg:$0x0] =	wrdreg $0x60  }
0xae: {  	[dreg:$0x2] =	wrdreg s24  }
0xaf: {  	[dreg:$0x3] =	wrdreg $0xB8800  }
0xb0: {  	[dreg:$0x4] =	wrdreg $0xA  }
0xb1: {  	_ =	task.clear_ibuf [dreg:s6], $0x5FFFF;
	_ =	strace $0x9000004F  }
0xb2: {  	s29 =	simm.s32 $0xA;
	_ =	strace $0x80000051  }
0xb3: {  	_ =	swait.ge [sflag:s29], $0x1  }
0xb4: {  	[sflag:s29] =	ssyncadd.s32 $0xFFFFFFFF  }
0xb5: {  	_ =	strace $0x90000051  }
0xb6: {  	_ =	sfence  }
0xb7: {  	s30 =	sld [smem:$0x0];
	_ =	sdelay $0x2  }
0xb8: {  	s31 =	sshll.u32 s1, $0xD;
	s1 =	sshrl.u32 s1, $0x2  }
0xb9: {  	s3 =	sand.u32 $0x4000, s31;
	s1 =	sadd.s32 s1, s30  }
0xba: {  	s0 =	sor.u32 s3, s0;
	s1 =	sshll.u32 s1, $0x11  }
0xbb: {  	s0 =	sor.u32 s1, s0  }
0xbc: {  	s0 =	sadd.s32 $0x8F2B, s0  }
0xbd: {  	[sflag:s0] =	ssyncadd.remote.s32 $0x1  }
0xbe: {  	_ =	sfence.sel $0xFFFF  }
0xbf: {  	[dreg:$0x0] =	wrdreg $0xFFFFFFFF;
	(pc) =	sbr.abs _section_cstart, $3  }
0xc0: {  	[dreg:$0x1] =	wrdreg $0xFFFFFFFF  }
0xc1: {  	_ =	task.clear_ibuf [dreg:s6], $0x2FFFF;
	_ =	strace $0x9FFFFFFF  }
0xc2: {  	(tm) =	ssettm $0x7FFFFFFF  }
0xc3: {  	_ =	shalt  }
tec
execute0_lowered:
.L_overlay_start_1:
0x0: {  	(tag) =	ssettag $0x1  }
0x1: {  	s7 =	rddreg [dreg:$0x0]  }
0x2: {  	s1 =	rddreg [dreg:$0x1]  }
0x3: {  	s0 =	rddreg [dreg:$0x2];
	s3 =	simm.s32 $0x0;
	s2 =	srdreg.scid  }
0x4: {  	s16 =	simm.s32 $0x7880;
	s17 =	simm.s32 $0x1;
	s18 =	simm.s32 $0x400  }
0x5: {  	s19 =	simm.s32 $0x1000;
	s20 =	simm.s32 $0x80;
	s21 =	simm.s32 $0x2880  }
0x6: {  	s22 =	simm.s32 $0x50;
	s23 =	simm.s32 $0x5080;
	s13 =	sand.u32 $0x1, s2  }
0x7: {  	s24 =	simm.s32 $0x0;
	s2 =	stileid.u32;
	s8 =	smul.u32 $0x140000, s13  }
0x8: {  	[smem:$0x7FF] =	sst s3;
	s4 =	sadd.s32 $0x2C68000, s7;
	s9 =	smul.u32 $0x14000, s2  }
0x9: {  	s5 =	sadd.s32 $0x558000, s7;
	s6 =	sadd.s32 $0xA400, s7;
	s10 =	smul.u32 $0x50000, s2  }
0xa: {  	_ =	strace $0x80000050;
	s31 =	ssub.s32 $0x2, s13;
	s12 =	smul.u32 $0x4E20, s2  }
0xb: {  	s13 =	sshll.u32 s13, $0x7;
	s11 =	sshrl.u32 s31, $0x1;
	s8 =	sadd.s32 s9, s8  }
0xc: {  	s13 =	sor.u32 $0x100, s13;
	s10 =	sshrl.u32 s10, $0x2;
	s8 =	sshrl.u32 s8, $0x3  }
0xd: {  	s15 =	ssub.s32 s31, s11;
	s14 =	sadd.s32 s8, s7;
	s7 =	sadd.s32 s10, s1  }
0xe: {  	s15 =	smax.u32 s15, $0x1;
	s8 =	sadd.s32 $0x4000, s7;
	s9 =	sadd.s32 $0x8000, s7  }
0xf: {  	v0 =	vimm.f32 $0.0e+00;
	s10 =	sadd.s32 $0xC000, s7;
	s11 =	sadd.s32 $0x10000, s7;
	s14 =	sadd.s32 $0x14200, s14  }
.LBB2_1:
0x10: {  	s25 =	simm.s32 $0x0;
	s26 =	simm.s32 $0x200  }
.LBB2_2:
0x11: {  	p0 =	sne.s32 s26, $0xFE00;
	[tilespmem:s25+$0x78F0] =	vst v0  }
0x12: {  	[tilespmem:s25+$0x7880] =	vst v0  }
0x13: {  	[tilespmem:s25+$0x7890] =	vst v0  }
.Ltmp0:
0x14: {  	[tilespmem:s25+$0x78A0] =	vst v0;
	(pc) =	sbr.rel @p0 .LBB2_2-.Ltmp0, $4  }
0x15: {  	[tilespmem:s25+$0x78B0] =	vst v0  }
0x16: {  	[tilespmem:s25+$0x78C0] =	vst v0  }
0x17: {  	[tilespmem:s25+$0x78D0] =	vst v0  }
0x18: {  	[tilespmem:s25+$0x78E0] =	vst v0;
	s25 =	sshra.s32 s26, $0x2;
	s26 =	sadd.s32 $0x200, s26  }
0x19: {  	[tilespmem:s25+$0x78F0] =	vst v0  }
0x1a: {  	[tilespmem:s25+$0x7880] =	vst v0  }
0x1b: {  	[tilespmem:s25+$0x7890] =	vst v0  }
0x1c: {  	[tilespmem:s25+$0x78A0] =	vst v0  }
0x1d: {  	[tilespmem:s25+$0x78B0] =	vst v0  }
0x1e: {  	[tilespmem:s25+$0x78C0] =	vst v0  }
0x1f: {  	[tilespmem:s25+$0x78D0] =	vst v0  }
0x20: {  	[tilespmem:s25+$0x78E0] =	vst v0;
	s26 =	simm.s32 $0x200;
	s25 =	simm.s32 $0x0  }
.LBB2_4:
0x21: {  	p0 =	sne.s32 s26, $0x9E00;
	[tilespmem:s25+$0x50F0] =	vst v0;
	s28 =	smov.u32 s26;
	s26 =	sadd.s32 $0x200, s26  }
.Ltmp1:
0x22: {  	[tilespmem:s25+$0x50E0] =	vst v0;
	(pc) =	sbr.rel @p0 .LBB2_4-.Ltmp1, $3  }
0x23: {  	[tilespmem:s25+$0x50C0] =	vst v0  }
0x24: {  	[tilespmem:s25+$0x50D0] =	vst v0;
	_ =	sdelay $0x1  }
0x25: {  	s25 =	sshra.s32 s28, $0x2  }
0x26: {  	[tilespmem:s25+$0x50F0] =	vst v0  }
0x27: {  	[tilespmem:s25+$0x50E0] =	vst v0  }
0x28: {  	[tilespmem:s25+$0x50C0] =	vst v0  }
0x29: {  	[tilespmem:s25+$0x50D0] =	vst v0  }
0x2a: {  	[spmem:s7] =	stream.linear.scatter [tilespmem:s16], [sflag:$0x1], $0x4000, $0x38;
	[tilespmem:$0x1F880] =	vst v63  }
0x2b: {  	_ =	swait.ge [sflag:s17], $0x4000  }
0x2c: {  	[sflag:s17] =	ssyncset.done $0x0  }
0x2d: {  	[sflag:s17] =	ssyncadd.s32 $0xFFFFC000  }
0x2e: {  	[spmem:s8] =	stream.linear.scatter [tilespmem:s16], [sflag:$0x1], $0x4000, $0x38;
	[tilespmem:$0x1F880] =	vst v63  }
0x2f: {  	_ =	swait.ge [sflag:s17], $0x4000  }
0x30: {  	[sflag:s17] =	ssyncset.done $0x0  }
0x31: {  	[sflag:s17] =	ssyncadd.s32 $0xFFFFC000  }
0x32: {  	[spmem:s9] =	stream.linear.scatter [tilespmem:s16], [sflag:$0x1], $0x4000, $0x38;
	[tilespmem:$0x1F880] =	vst v63  }
0x33: {  	_ =	swait.ge [sflag:s17], $0x4000  }
0x34: {  	[sflag:s17] =	ssyncset.done $0x0  }
0x35: {  	[sflag:s17] =	ssyncadd.s32 $0xFFFFC000  }
0x36: {  	[spmem:s10] =	stream.linear.scatter [tilespmem:s16], [sflag:$0x1], $0x4000, $0x38;
	[tilespmem:$0x1F880] =	vst v63  }
0x37: {  	_ =	swait.ge [sflag:s17], $0x4000  }
0x38: {  	[sflag:s17] =	ssyncset.done $0x0  }
0x39: {  	[sflag:s17] =	ssyncadd.s32 $0xFFFFC000  }
0x3a: {  	[spmem:s11] =	stream.linear.scatter [tilespmem:s16], [sflag:$0x1], $0x4000, $0x38;
	[tilespmem:$0x1F880] =	vst v63  }
0x3b: {  	_ =	swait.ge [sflag:s17], $0x4000  }
0x3c: {  	[sflag:s17] =	ssyncset.done $0x0  }
0x3d: {  	[sflag:s17] =	ssyncadd.s32 $0xFFFFC000  }
0x3e: {  	s25 =	simm.s32 $0x0;
	s26 =	simm.s32 $0x0;
	[bflag:$0x0] =	sbarrier.arrive $0xFFFF  }
.LBB2_6:
0x3f: {  	s28 =	smul.u32 $0x50, s26;
	_ =	sdelay $0x1  }
0x40: {  	s28 =	sadd.s32 s12, s28  }
0x41: {  	s29 =	sshrl.u32 s28, $0x3  }
0x42: {  	s29 =	sadd.s32 s6, s29  }
0x43: {  	[tilespmem:s25], [sflag:$0x1] =	stream.linear.gather [hbm4b:s29+s25], $0x50, $0x38;
	[tilespmem:$0x1F880] =	vst v63  }
0x44: {  	s28 =	sshll.u32 s28, $0x6;
	_ =	swait.ge [sflag:s17], $0x50  }
0x45: {  	s28 =	sor.u32 s13, s28;
	[sflag:s17] =	ssyncset.done $0x0  }
0x46: {  	s29 =	sadd.s32 s4, s28;
	[sflag:s17] =	ssyncadd.s32 $0xFFFFFFB0  }
0x47: {  	[tilespmem:s20], [sflag:$0x1] =	stream.strided.gather [hbm4b:s29+s18], $0x2800, s19, s18, $0x38;
	[tilespmem:$0x1F880] =	vst v63  }
0x48: {  	_ =	swait.ge [sflag:s17], $0x2800  }
0x49: {  	[sflag:s17] =	ssyncset.done $0x0  }
0x4a: {  	s28 =	sadd.s32 s5, s28;
	[sflag:s17] =	ssyncadd.s32 $0xFFFFD800  }
0x4b: {  	[tilespmem:s21], [sflag:$0x1] =	stream.strided.gather [hbm4b:s28+s18], $0x2800, s19, s18, $0x38;
	[tilespmem:$0x1F880] =	vst v63  }
0x4c: {  	_ =	swait.ge [sflag:s17], $0x2800  }
0x4d: {  	[sflag:s17] =	ssyncset.done $0x0  }
0x4e: {  	s29 =	simm.s32 $0x0;
	[sflag:s17] =	ssyncadd.s32 $0xFFFFD800  }
0x4f: {  	v1 =	vld [tilespmem:s29+$0xF0]  }
0x50: {  	v2 =	vld [tilespmem:s29+$0x28F0]  }
0x51: {  	v3 =	vld [tilespmem:s29+$0xC0]  }
0x52: {  	v4 =	vld [tilespmem:s29+$0x28C0]  }
0x53: {  	v5 =	vld [tilespmem:s29+$0xD0]  }
0x54: {  	v6 =	vld [tilespmem:s29+$0x28D0]  }
0x55: {  	v7 =	vld [tilespmem:s29+$0xE0]  }
0x56: {  	v8 =	vld [tilespmem:s29+$0x80];
	v1 =	vadd.f32 v2, v1  }
0x57: {  	v2 =	vld [tilespmem:s29+$0x28E0]  }
0x58: {  	v3 =	vadd.f32 v4, v3;
	v4 =	vld [tilespmem:s29+$0x2880];
	v9 =	vand.u32 $0x7FFFFFFF, v1  }
0x59: {  	v9 =	vsub.f32 $0.0e+00, v9;
	_ =	sdelay $0x1  }
0x5a: {  	v10 =	vld [tilespmem:s29+$0x90];
	v5 =	vadd.f32 v6, v5;
	v11 =	vand.u32 $0x7FFFFFFF, v3;
	v9 =	vmul.f32 $1.442695020e+00, v9  }
0x5b: {  	v6 =	vld [tilespmem:s29+$0x2890];
	v11 =	vsub.f32 $0.0e+00, v11;
	v2 =	vadd.f32 v2, v7  }
0x5c: {  	v12 =	vld [tilespmem:s29+$0xA0];
	v13 =	vand.u32 $0x7FFFFFFF, v5;
	v4 =	vadd.f32 v4, v8;
	(erf) = vpow2.f32 v9  }
0x5d: {  	v7 =	vld [tilespmem:s29+$0x28A0];
	v9 =	vmul.f32 $1.442695020e+00, v11;
	v11 =	vsub.f32 $0.0e+00, v13;
	v8 =	vand.u32 $0x7FFFFFFF, v2  }
0x5e: {  	v13 =	vld [tilespmem:s29+$0xB0];
	v8 =	vsub.f32 $0.0e+00, v8  }
0x5f: {  	v11 =	vmul.f32 $1.442695020e+00, v11;
	(erf) = vpow2.f32 v9;
	v9 =	vld [tilespmem:s29+$0x28B0]  }
0x60: {  	v6 =	vadd.f32 v6, v10;
	v4 =	vsub.f32 $0.0e+00, v4;
	v8 =	vmul.f32 $1.442695020e+00, v8  }
0x61: {  	(erf) = vpow2.f32 v11  }
0x62: {  	v6 =	vsub.f32 $0.0e+00, v6;
	v4 =	vmul.f32 $1.442695020e+00, v4;
	(erf) = vpow2.f32 v8  }
0x63: {  	v7 =	vadd.f32 v7, v12  }
0x64: {  	v6 =	vmul.f32 $1.442695020e+00, v6;
	(erf) = vpow2.f32 v4;
	v4 =	vadd.f32 v9, v13  }
0x65: {  	v7 =	vsub.f32 $0.0e+00, v7  }
0x66: {  	v8 =	vpop (erf);
	(erf) = vpow2.f32 v6;
	v4 =	vsub.f32 $0.0e+00, v4  }
0x67: {  	v7 =	vmul.f32 $1.442695020e+00, v7;
	v6 =	vmul.f32 $1.720806020e-02, v8  }
0x68: {  	v4 =	vmul.f32 $1.442695020e+00, v4  }
0x69: {  	v10 =	vpop (erf);
	(erf) = vpow2.f32 v7;
	v6 =	vsub.f32 $8.172681180e-02, v6  }
0x6a: {  	v7 =	vmul.f32 $1.720806020e-02, v10;
	v11 =	vpop (erf);
	(erf) = vpow2.f32 v4  }
0x6b: {  	v6 =	vmul.f32 v6, v8;
	v12 =	vpop (erf)  }
0x6c: {  	v4 =	vsub.f32 $8.172681180e-02, v7;
	v7 =	vmul.f32 $1.720806020e-02, v11;
	v9 =	vmul.f32 $1.720806020e-02, v12  }
0x6d: {  	v14 =	vmax.f32 v3, $0.0e+00;
	v6 =	vadd.f32 $-1.887826770e-01, v6  }
0x6e: {  	v13 =	vpop (erf);
	v4 =	vmul.f32 v4, v10;
	v7 =	vsub.f32 $8.172681180e-02, v7;
	v9 =	vsub.f32 $8.172681180e-02, v9  }
0x6f: {  	v18 =	vmax.f32 v5, $0.0e+00;
	v3 =	vadd.f32 $1.000000000e+00, v13;
	v6 =	vmul.f32 v6, v8;
	v13 =	vpop (erf)  }
0x70: {  	s28 =	simm.s32 $0x80;
	v4 =	vadd.f32 $-1.887826770e-01, v4;
	v7 =	vmul.f32 v7, v11;
	v13 =	vadd.f32 $1.000000000e+00, v13  }
0x71: {  	v15 =	vld [tilespmem:s28+$0x28F0];
	(erf) = vrcp.f32 v3;
	v3 =	vadd.f32 $3.145905440e-01, v6;
	v6 =	vmul.f32 v9, v12  }
0x72: {  	v17 =	vld [tilespmem:s28+$0x28C0];
	v4 =	vmul.f32 v4, v10;
	v7 =	vadd.f32 $-1.887826770e-01, v7;
	v9 =	vpop (erf);
	(erf) = vrcp.f32 v13  }
0x73: {  	v13 =	vld [tilespmem:s28+$0xF0];
	v9 =	vadd.f32 $1.000000000e+00, v9;
	v3 =	vmul.f32 v3, v8;
	v6 =	vadd.f32 $-1.887826770e-01, v6;
	v16 =	vpop (erf)  }
0x74: {  	v5 =	vld [tilespmem:s28+$0xD0];
	v4 =	vadd.f32 $3.145905440e-01, v4;
	v7 =	vmul.f32 v7, v11;
	v16 =	vadd.f32 $1.000000000e+00, v16  }
0x75: {  	(erf) = vrcp.f32 v9;
	v9 =	vld [tilespmem:s28+$0xC0];
	v3 =	vadd.f32 $-4.969779250e-01, v3;
	v6 =	vmul.f32 v6, v12  }
0x76: {  	v20 =	vmax.f32 v2, $0.0e+00;
	v2 =	vld [tilespmem:s28+$0xE0];
	v4 =	vmul.f32 v4, v10;
	v7 =	vadd.f32 $3.145905440e-01, v7  }
0x77: {  	(erf) = vrcp.f32 v16;
	v16 =	vld [tilespmem:s28+$0x28D0];
	v3 =	vmul.f32 v3, v8;
	v6 =	vadd.f32 $3.145905440e-01, v6  }
0x78: {  	v19 =	vadd.f32 $-4.969779250e-01, v4;
	v4 =	vadd.f32 v15, v13;
	v13 =	vld [tilespmem:s28+$0x28E0]  }
0x79: {  	v21 =	vld [tilespmem:s28+$0x2880];
	v7 =	vmul.f32 v7, v11;
	v3 =	vadd.f32 $9.997924560e-01, v3;
	v6 =	vmul.f32 v6, v12  }
0x7a: {  	v15 =	vmul.f32 v19, v10;
	v19 =	vld [tilespmem:s28+$0x80];
	v17 =	vadd.f32 v17, v9;
	v9 =	vand.u32 $0x7FFFFFFF, v4  }
0x7b: {  	v7 =	vadd.f32 $-4.969779250e-01, v7;
	v3 =	vmul.f32 v3, v8;
	v8 =	vsub.f32 $0.0e+00, v9  }
0x7c: {  	v24 =	vld [tilespmem:s28+$0x90];
	v6 =	vadd.f32 $-4.969779250e-01, v6;
	v5 =	vadd.f32 v16, v5;
	v23 =	vand.u32 $0x7FFFFFFF, v17  }
0x7d: {  	v57 =	vld [tilespmem:s28+$0x2890];
	v1 =	vmax.f32 v1, $0.0e+00;
	v13 =	vadd.f32 v13, v2;
	v16 =	vsub.f32 $0.0e+00, v23  }
0x7e: {  	v22 =	vpop (erf);
	v3 =	vadd.f32 $3.507552040e-06, v3;
	v25 =	vmul.f32 $1.442695020e+00, v8;
	v26 =	vand.u32 $0x7FFFFFFF, v5  }
0x7f: {  	v27 =	vld [tilespmem:s28+$0xA0];
	v9 =	vpop (erf);
	v6 =	vmul.f32 v6, v12;
	v19 =	vadd.f32 v21, v19;
	v2 =	vmul.f32 $1.442695020e+00, v16  }
0x80: {  	v8 =	vpop (erf);
	v1 =	vadd.f32 v3, v1;
	v3 =	vsub.f32 $0.0e+00, v26;
	v16 =	vld [tilespmem:s28+$0x28A0];
	(erf) = vpow2.f32 v25  }
0x81: {  	v59 =	vand.u32 $0x7FFFFFFF, v13;
	v6 =	vadd.f32 $9.997924560e-01, v6;
	v58 =	vpop (erf);
	(erf) = vpow2.f32 v2  }
0x82: {  	v60 =	vld [tilespmem:s28+$0xB0];
	v25 =	vmul.f32 v1, v58;
	v1 =	vmul.f32 $1.442695020e+00, v3;
	v3 =	vsub.f32 $0.0e+00, v59  }
0x83: {  	v61 =	vld [tilespmem:s28+$0x28B0];
	v7 =	vmul.f32 v7, v11;
	v2 =	vsub.f32 $0.0e+00, v19;
	v19 =	vadd.f32 v57, v24  }
0x84: {  	v3 =	vmul.f32 $1.442695020e+00, v3;
	(erf) = vpow2.f32 v1;
	v1 =	vadd.f32 $9.997924560e-01, v15  }
0x85: {  	v12 =	vmul.f32 v6, v12;
	v15 =	vsub.f32 $0.0e+00, v19;
	v16 =	vadd.f32 v16, v27  }
0x86: {  	v2 =	vmul.f32 $1.442695020e+00, v2;
	(erf) = vpow2.f32 v3  }
0x87: {  	v3 =	vadd.f32 $9.997924560e-01, v7;
	v7 =	vmul.f32 $1.442695020e+00, v15;
	v15 =	vsub.f32 $0.0e+00, v16  }
0x88: {  	v1 =	vmul.f32 v1, v10;
	(erf) = vpow2.f32 v2;
	v16 =	vadd.f32 v61, v60  }
0x89: {  	v2 =	vmax.f32 v17, $0.0e+00;
	v3 =	vmul.f32 v3, v11;
	v11 =	vmul.f32 $1.442695020e+00, v15;
	v10 =	vpop (erf)  }
0x8a: {  	(erf) = vpow2.f32 v7;
	v7 =	vsub.f32 $0.0e+00, v16;
	v15 =	vmul.f32 $1.720806020e-02, v10;
	v6 =	vpop (erf)  }
0x8b: {  	(erf) = vpow2.f32 v11;
	v11 =	vadd.f32 $3.507552040e-06, v1;
	v17 =	vmul.f32 $1.720806020e-02, v6  }
0x8c: {  	v19 =	vmul.f32 $1.442695020e+00, v7;
	v1 =	vmax.f32 v13, $0.0e+00;
	v13 =	vadd.f32 $3.507552040e-06, v12  }
0x8d: {  	v15 =	vsub.f32 $8.172681180e-02, v15;
	v12 =	vsub.f32 $8.172681180e-02, v17  }
0x8e: {  	v16 =	vadd.f32 $3.507552040e-06, v3;
	v7 =	vpop (erf);
	(erf) = vpow2.f32 v19  }
0x8f: {  	v14 =	vadd.f32 v11, v14;
	v15 =	vmul.f32 v15, v10;
	v12 =	vmul.f32 v12, v6  }
0x90: {  	v3 =	vmax.f32 v5, $0.0e+00;
	v11 =	vadd.f32 v16, v18;
	v17 =	vmul.f32 $1.720806020e-02, v7;
	v5 =	vpop (erf)  }
0x91: {  	v16 =	vmul.f32 $1.720806020e-02, v5;
	v15 =	vadd.f32 $-1.887826770e-01, v15;
	v18 =	vpop (erf);
	v12 =	vadd.f32 $-1.887826770e-01, v12  }
0x92: {  	v17 =	vsub.f32 $8.172681180e-02, v17;
	v18 =	vadd.f32 $1.000000000e+00, v18  }
0x93: {  	v19 =	vmul.f32 v14, v22;
	v14 =	vpop (erf);
	v16 =	vsub.f32 $8.172681180e-02, v16;
	v15 =	vmul.f32 v15, v10  }
0x94: {  	v62 =	vadd.f32 $1.000000000e+00, v14;
	v17 =	vmul.f32 v17, v7;
	(erf) = vrcp.f32 v18  }
0x95: {  	[tilespmem:s29+$0x50B0] =	vst v25;
	v14 =	vmul.f32 v12, v6;
	v18 =	vmul.f32 v16, v5;
	v63 =	vadd.f32 $3.145905440e-01, v15;
	v12 =	vpop (erf)  }
0x96: {  	s30 =	simm.s32 $0x100;
	[tilespmem:s29+$0x5080] =	vst v19;
	v15 =	vadd.f32 $-1.887826770e-01, v17;
	(erf) = vrcp.f32 v62;
	v16 =	vadd.f32 $1.000000000e+00, v12  }
0x97: {  	s31 =	simm.s32 $0x600;
	v13 =	vadd.f32 v13, v20;
	v18 =	vadd.f32 $-1.887826770e-01, v18;
	v17 =	vmul.f32 v63, v10;
	v12 =	vld [tilespmem:s30+$0xF0]  }
.LBB2_7:
0x98: {  	p0 =	sne.s32 s31, $0x9E00;
	v19 =	vld [tilespmem:s30+$0x28F0];
	v14 =	vadd.f32 $3.145905440e-01, v14;
	v15 =	vmul.f32 v15, v7;
	(erf) = vrcp.f32 v16;
	v16 =	vpop (erf)  }
0x99: {  	v20 =	vld [tilespmem:s30+$0xC0];
	v18 =	vmul.f32 v18, v5;
	v16 =	vadd.f32 $1.000000000e+00, v16;
	v17 =	vadd.f32 $-4.969779250e-01, v17  }
0x9a: {  	v9 =	vmul.f32 v11, v9;
	v21 =	vld [tilespmem:s30+$0x28C0];
	v14 =	vmul.f32 v14, v6;
	v15 =	vadd.f32 $3.145905440e-01, v15  }
0x9b: {  	v11 =	vld [tilespmem:s30+$0xD0];
	v18 =	vadd.f32 $3.145905440e-01, v18;
	v22 =	vmul.f32 v17, v10;
	(erf) = vrcp.f32 v16  }
0x9c: {  	v8 =	vmul.f32 v13, v8;
	v16 =	vld [tilespmem:s30+$0x28D0];
	v14 =	vadd.f32 $-4.969779250e-01, v14;
	v15 =	vmul.f32 v15, v7;
	[tilespmem:s29+$0x5090] =	vst v9  }
0x9d: {  	v13 =	vld [tilespmem:s30+$0xE0];
	v12 =	vadd.f32 v19, v12;
	v18 =	vmul.f32 v18, v5;
	v23 =	vadd.f32 $9.997924560e-01, v22;
	v17 =	vpop (erf)  }
0x9e: {  	v19 =	vld [tilespmem:s30+$0x28E0];
	v14 =	vmul.f32 v14, v6;
	v15 =	vadd.f32 $-4.969779250e-01, v15;
	[tilespmem:s29+$0x50A0] =	vst v8;
	s29 =	smov.u32 s28;
	s28 =	smov.u32 s30  }
0x9f: {  	v22 =	vld [tilespmem:s28+$0x80];
	v20 =	vadd.f32 v21, v20;
	v26 =	vand.u32 $0x7FFFFFFF, v12;
	v10 =	vmul.f32 v23, v10;
	v9 =	vpop (erf)  }
0xa0: {  	v18 =	vadd.f32 $-4.969779250e-01, v18;
	v21 =	vld [tilespmem:s28+$0x2880];
	v23 =	vsub.f32 $0.0e+00, v26;
	v15 =	vmul.f32 v15, v7  }
0xa1: {  	v24 =	vand.u32 $0x7FFFFFFF, v20;
	v25 =	vld [tilespmem:s28+$0x90];
	v11 =	vadd.f32 v16, v11;
	v10 =	vadd.f32 $3.507552040e-06, v10;
	v8 =	vpop (erf)  }
0xa2: {  	v26 =	vmax.f32 v4, $0.0e+00;
	v4 =	vmovc v12;
	v16 =	vsub.f32 $0.0e+00, v24;
	v24 =	vld [tilespmem:s28+$0x2890];
	v28 =	vmul.f32 $1.442695020e+00, v23  }
0xa3: {  	v12 =	vand.u32 $0x7FFFFFFF, v11;
	v27 =	vld [tilespmem:s28+$0xA0];
	v13 =	vadd.f32 v19, v13;
	v10 =	vadd.f32 v10, v26  }
0xa4: {  	v16 =	vmul.f32 $1.442695020e+00, v16;
	v12 =	vsub.f32 $0.0e+00, v12;
	v19 =	vld [tilespmem:s28+$0x28A0];
	(erf) = vpow2.f32 v28;
	v23 =	vpop (erf)  }
0xa5: {  	v21 =	vadd.f32 v21, v22;
	v22 =	vand.u32 $0x7FFFFFFF, v13;
	v10 =	vmul.f32 v10, v23  }
0xa6: {  	v12 =	vmul.f32 $1.442695020e+00, v12;
	v22 =	vsub.f32 $0.0e+00, v22;
	v23 =	vld [tilespmem:s28+$0xB0];
	(erf) = vpow2.f32 v16  }
0xa7: {  	v18 =	vmul.f32 v18, v5;
	v16 =	vsub.f32 $0.0e+00, v21;
	v21 =	vadd.f32 v24, v25;
	v24 =	vld [tilespmem:s28+$0x28B0];
	[tilespmem:s29+$0x50B0] =	vst v10  }
0xa8: {  	v10 =	vmul.f32 $1.442695020e+00, v22;
	(erf) = vpow2.f32 v12;
	v12 =	vadd.f32 $9.997924560e-01, v14  }
0xa9: {  	v14 =	vmul.f32 $1.442695020e+00, v16;
	v16 =	vsub.f32 $0.0e+00, v21;
	v19 =	vadd.f32 v19, v27  }
0xaa: {  	v21 =	vadd.f32 $9.997924560e-01, v15;
	v15 =	vadd.f32 $9.997924560e-01, v18;
	(erf) = vpow2.f32 v10  }
0xab: {  	v16 =	vmul.f32 $1.442695020e+00, v16;
	v18 =	vsub.f32 $0.0e+00, v19;
	(erf) = vpow2.f32 v14  }
0xac: {  	v12 =	vmul.f32 v12, v6;
	v7 =	vmul.f32 v21, v7;
	v14 =	vadd.f32 v24, v23  }
0xad: {  	v19 =	vmax.f32 v20, $0.0e+00;
	v18 =	vmul.f32 $1.442695020e+00, v18;
	(erf) = vpow2.f32 v16;
	v10 =	vpop (erf)  }
0xae: {  	v5 =	vmul.f32 v15, v5;
	v14 =	vsub.f32 $0.0e+00, v14;
	v16 =	vmul.f32 $1.720806020e-02, v10  }
0xaf: {  	v12 =	vadd.f32 $3.507552040e-06, v12;
	v15 =	vadd.f32 $3.507552040e-06, v7;
	v6 =	vpop (erf);
	(erf) = vpow2.f32 v18  }
0xb0: {  	v18 =	vmul.f32 $1.720806020e-02, v6;
	v14 =	vmul.f32 $1.442695020e+00, v14;
	v16 =	vsub.f32 $8.172681180e-02, v16  }
0xb1: {  	v20 =	vmax.f32 v11, $0.0e+00;
	v21 =	vmax.f32 v13, $0.0e+00;
	v13 =	vadd.f32 $3.507552040e-06, v5;
	v7 =	vpop (erf)  }
0xb2: {  	v18 =	vsub.f32 $8.172681180e-02, v18;
	v16 =	vmul.f32 v16, v10;
	(erf) = vpow2.f32 v14  }
0xb3: {  	v22 =	vadd.f32 v12, v2;
	v11 =	vadd.f32 v15, v3;
	v14 =	vmul.f32 $1.720806020e-02, v7;
	v5 =	vpop (erf)  }
0xb4: {  	v12 =	vmul.f32 v18, v6;
	v15 =	vmul.f32 $1.720806020e-02, v5;
	v16 =	vadd.f32 $-1.887826770e-01, v16;
	v3 =	vpop (erf)  }
0xb5: {  	v2 =	vmovc v19;
	v17 =	vmul.f32 v22, v17;
	v14 =	vsub.f32 $8.172681180e-02, v14;
	v18 =	vadd.f32 $1.000000000e+00, v3;
	v3 =	vmovc v20  }
.Ltmp2:
0xb6: {  	v23 =	vadd.f32 $-1.887826770e-01, v12;
	v15 =	vsub.f32 $8.172681180e-02, v15;
	v16 =	vmul.f32 v16, v10;
	v19 =	vpop (erf);
	(pc) =	sbr.rel @p0 .LBB2_7-.Ltmp2, $4  }
0xb7: {  	v20 =	vmul.f32 v14, v7;
	v19 =	vadd.f32 $1.000000000e+00, v19;
	(erf) = vrcp.f32 v18;
	[tilespmem:s29+$0x5080] =	vst v17  }
0xb8: {  	v14 =	vmul.f32 v23, v6;
	v17 =	vmul.f32 v15, v5;
	v22 =	vadd.f32 $3.145905440e-01, v16;
	v12 =	vpop (erf)  }
0xb9: {  	s30 =	sshra.s32 s31, $0x2;
	v15 =	vadd.f32 $-1.887826770e-01, v20;
	v16 =	vadd.f32 $1.000000000e+00, v12;
	(erf) = vrcp.f32 v19  }
0xba: {  	s31 =	sadd.s32 $0x200, s31;
	v13 =	vadd.f32 v13, v1;
	v1 =	vmovc v21;
	v12 =	vld [tilespmem:s30+$0xF0];
	v18 =	vadd.f32 $-1.887826770e-01, v17;
	v17 =	vmul.f32 v22, v10  }
0xbb: {  	v19 =	vld [tilespmem:s30+$0x28F0]  }
0xbc: {  	v20 =	vld [tilespmem:s30+$0xC0]  }
0xbd: {  	v21 =	vld [tilespmem:s30+$0x28C0];
	v9 =	vmul.f32 v11, v9  }
0xbe: {  	v46 =	vld [tilespmem:s30+$0xD0]  }
0xbf: {  	v22 =	vld [tilespmem:s30+$0x28D0];
	[tilespmem:s29+$0x5090] =	vst v9  }
0xc0: {  	v47 =	vadd.f32 $3.145905440e-01, v14;
	v48 =	vmul.f32 v15, v7;
	(erf) = vrcp.f32 v16;
	v49 =	vpop (erf);
	v50 =	vld [tilespmem:s30+$0xE0]  }
0xc1: {  	v18 =	vmul.f32 v18, v5;
	v15 =	vadd.f32 $1.000000000e+00, v49;
	v17 =	vadd.f32 $-4.969779250e-01, v17;
	v23 =	vld [tilespmem:s30+$0x28E0]  }
0xc2: {  	v8 =	vmul.f32 v13, v8;
	v24 =	vmul.f32 v47, v6;
	v14 =	vadd.f32 $3.145905440e-01, v48  }
0xc3: {  	v51 =	vadd.f32 $3.145905440e-01, v18;
	v17 =	vmul.f32 v17, v10;
	v9 =	vadd.f32 v19, v12  }
0xc4: {  	(erf) = vrcp.f32 v15;
	[tilespmem:s29+$0x50A0] =	vst v8;
	v52 =	vmul.f32 v14, v7;
	v53 =	vadd.f32 v21, v20  }
0xc5: {  	v54 =	vld [tilespmem:s30+$0x80];
	v24 =	vadd.f32 $-4.969779250e-01, v24;
	v11 =	vadd.f32 v22, v46;
	v55 =	vand.u32 $0x7FFFFFFF, v9  }
0xc6: {  	v56 =	vld [tilespmem:s30+$0x2880];
	v20 =	vand.u32 $0x7FFFFFFF, v53;
	v57 =	vsub.f32 $0.0e+00, v55;
	v8 =	vadd.f32 v23, v50  }
0xc7: {  	v59 =	vld [tilespmem:s30+$0x90];
	v13 =	vmul.f32 v51, v5;
	v60 =	vand.u32 $0x7FFFFFFF, v11;
	v20 =	vsub.f32 $0.0e+00, v20  }
0xc8: {  	v61 =	vld [tilespmem:s30+$0x2890];
	v21 =	vsub.f32 $0.0e+00, v60;
	v19 =	vmul.f32 $1.442695020e+00, v57;
	v23 =	vand.u32 $0x7FFFFFFF, v8  }
0xc9: {  	v63 =	vld [tilespmem:s30+$0xA0];
	v34 =	vmul.f32 v24, v6;
	v20 =	vmul.f32 $1.442695020e+00, v20;
	v23 =	vsub.f32 $0.0e+00, v23  }
0xca: {  	v25 =	vld [tilespmem:s30+$0x28A0];
	v58 =	vadd.f32 $9.997924560e-01, v17;
	v28 =	vmul.f32 $1.442695020e+00, v21;
	(erf) = vpow2.f32 v19  }
0xcb: {  	v4 =	vmax.f32 v4, $0.0e+00;
	v31 =	vld [tilespmem:s30+$0xB0];
	(erf) = vpow2.f32 v20;
	v29 =	vmul.f32 $1.442695020e+00, v23  }
0xcc: {  	v33 =	vld [tilespmem:s30+$0x28B0];
	v30 =	vpop (erf);
	v12 =	vadd.f32 $-4.969779250e-01, v52;
	v62 =	vmul.f32 v58, v10;
	(erf) = vpow2.f32 v28  }
0xcd: {  	v32 =	vpop (erf);
	v13 =	vadd.f32 $-4.969779250e-01, v13;
	v15 =	vadd.f32 v56, v54;
	(erf) = vpow2.f32 v29  }
0xce: {  	v14 =	vmax.f32 v53, $0.0e+00;
	v10 =	vadd.f32 $3.507552040e-06, v62;
	v17 =	vadd.f32 v61, v59  }
0xcf: {  	v11 =	vmax.f32 v11, $0.0e+00;
	v16 =	vadd.f32 v25, v63;
	v15 =	vsub.f32 $0.0e+00, v15  }
0xd0: {  	v12 =	vmul.f32 v12, v7;
	v4 =	vadd.f32 v10, v4;
	v17 =	vsub.f32 $0.0e+00, v17  }
0xd1: {  	v35 =	vpop (erf);
	v16 =	vsub.f32 $0.0e+00, v16;
	v10 =	vadd.f32 v33, v31;
	v15 =	vmul.f32 $1.442695020e+00, v15  }
0xd2: {  	v9 =	vmax.f32 v9, $0.0e+00;
	v13 =	vmul.f32 v13, v5;
	v36 =	vpop (erf);
	v17 =	vmul.f32 $1.442695020e+00, v17  }
0xd3: {  	v38 =	vmul.f32 $1.442695020e+00, v16;
	v10 =	vsub.f32 $0.0e+00, v10;
	(erf) = vpow2.f32 v15;
	v39 =	vpop (erf)  }
0xd4: {  	v12 =	vadd.f32 $9.997924560e-01, v12;
	(erf) = vpow2.f32 v17;
	v40 =	vmul.f32 $1.720806020e-02, v39;
	v41 =	vpop (erf)  }
0xd5: {  	v13 =	vadd.f32 $9.997924560e-01, v13;
	v10 =	vmul.f32 $1.442695020e+00, v10;
	v42 =	vmul.f32 $1.720806020e-02, v41;
	v43 =	vpop (erf)  }
0xd6: {  	(erf) = vpow2.f32 v38;
	v17 =	vsub.f32 $8.172681180e-02, v40;
	v44 =	vmul.f32 $1.720806020e-02, v43;
	v45 =	vpop (erf)  }
0xd7: {  	v46 =	vmul.f32 v12, v7;
	v47 =	vsub.f32 $8.172681180e-02, v42;
	v48 =	vmul.f32 $1.720806020e-02, v45  }
0xd8: {  	(erf) = vpow2.f32 v10;
	v17 =	vmul.f32 v17, v39;
	v49 =	vsub.f32 $8.172681180e-02, v44  }
0xd9: {  	v4 =	vmul.f32 v4, v36;
	v12 =	vmul.f32 v47, v41;
	v15 =	vsub.f32 $8.172681180e-02, v48  }
0xda: {  	v20 =	vadd.f32 $9.997924560e-01, v34;
	v51 =	vadd.f32 $-1.887826770e-01, v17;
	v10 =	vmul.f32 v49, v43  }
0xdb: {  	v50 =	vmul.f32 v13, v5;
	v12 =	vadd.f32 $-1.887826770e-01, v12;
	v15 =	vmul.f32 v15, v45  }
0xdc: {  	v37 =	vmul.f32 v20, v6;
	v52 =	vpop (erf);
	v13 =	vmul.f32 v51, v39;
	v10 =	vadd.f32 $-1.887826770e-01, v10  }
0xdd: {  	v53 =	vpop (erf);
	v17 =	vadd.f32 $1.000000000e+00, v52;
	v12 =	vmul.f32 v12, v41;
	v15 =	vadd.f32 $-1.887826770e-01, v15  }
0xde: {  	v22 =	vadd.f32 $1.000000000e+00, v53;
	v13 =	vadd.f32 $3.145905440e-01, v13;
	v10 =	vmul.f32 v10, v43  }
0xdf: {  	(erf) = vrcp.f32 v17;
	v54 =	vpop (erf);
	v12 =	vadd.f32 $3.145905440e-01, v12;
	v15 =	vmul.f32 v15, v45  }
0xe0: {  	v17 =	vadd.f32 $1.000000000e+00, v54;
	v13 =	vmul.f32 v13, v39;
	v10 =	vadd.f32 $3.145905440e-01, v10  }
0xe1: {  	(erf) = vrcp.f32 v22;
	v55 =	vpop (erf);
	v12 =	vmul.f32 v12, v41;
	v15 =	vadd.f32 $3.145905440e-01, v15  }
0xe2: {  	v22 =	vadd.f32 $1.000000000e+00, v55;
	v13 =	vadd.f32 $-4.969779250e-01, v13;
	v10 =	vmul.f32 v10, v43  }
0xe3: {  	(erf) = vrcp.f32 v17;
	v12 =	vadd.f32 $-4.969779250e-01, v12;
	v15 =	vmul.f32 v15, v45  }
0xe4: {  	(erf) = vrcp.f32 v22;
	v13 =	vmul.f32 v13, v39;
	v10 =	vadd.f32 $-4.969779250e-01, v10  }
0xe5: {  	v6 =	vadd.f32 $3.507552040e-06, v37;
	v12 =	vmul.f32 v12, v41;
	v15 =	vadd.f32 $-4.969779250e-01, v15  }
0xe6: {  	v7 =	vadd.f32 $3.507552040e-06, v46;
	v13 =	vadd.f32 $9.997924560e-01, v13;
	v10 =	vmul.f32 v10, v43  }
0xe7: {  	v2 =	vadd.f32 v6, v2;
	v56 =	vmul.f32 v15, v45;
	v12 =	vadd.f32 $9.997924560e-01, v12  }
0xe8: {  	v5 =	vadd.f32 $3.507552040e-06, v50;
	v57 =	vmul.f32 v13, v39;
	v10 =	vadd.f32 $9.997924560e-01, v10  }
0xe9: {  	v2 =	vmul.f32 v2, v30;
	v6 =	vadd.f32 $9.997924560e-01, v56;
	v12 =	vmul.f32 v12, v41  }
0xea: {  	v3 =	vadd.f32 v7, v3;
	v58 =	vpop (erf);
	v7 =	vadd.f32 $3.507552040e-06, v57;
	v10 =	vmul.f32 v10, v43  }
0xeb: {  	v1 =	vadd.f32 v5, v1;
	v59 =	vpop (erf);
	v6 =	vmul.f32 v6, v45;
	v12 =	vadd.f32 $3.507552040e-06, v12  }
0xec: {  	[tilespmem:s28+$0x50B0] =	vst v4;
	v3 =	vmul.f32 v3, v32;
	v60 =	vpop (erf);
	v7 =	vadd.f32 v7, v9;
	v61 =	vadd.f32 $3.507552040e-06, v10  }
0xed: {  	v1 =	vmul.f32 v1, v35;
	[tilespmem:s28+$0x5080] =	vst v2;
	v2 =	vpop (erf);
	v6 =	vadd.f32 $3.507552040e-06, v6;
	v62 =	vadd.f32 v12, v14  }
0xee: {  	v8 =	vmax.f32 v8, $0.0e+00;
	[tilespmem:s28+$0x5090] =	vst v3;
	v2 =	vmul.f32 v7, v2;
	v3 =	vadd.f32 v61, v11  }
0xef: {  	[tilespmem:s28+$0x50A0] =	vst v1;
	v1 =	vmul.f32 v62, v58;
	v63 =	vadd.f32 v6, v8  }
0xf0: {  	[tilespmem:s30+$0x50B0] =	vst v2;
	v2 =	vmul.f32 v3, v59  }
0xf1: {  	s26 =	sadd.s32 $0x1, s26;
	[tilespmem:s30+$0x5080] =	vst v1;
	v1 =	vmul.f32 v63, v60  }
0xf2: {  	p0 =	sne.s32 s26, $0xFA;
	[tilespmem:s30+$0x5090] =	vst v2  }
.Ltmp3:
0xf3: {  	[tilespmem:s30+$0x50A0] =	vst v1;
	(pc) =	sbr.rel @p0 .LBB2_6-.Ltmp3, $4  }
0xf4: {  	[spmem:s1] =	stream.indirect.scatter.add.f32 [tilespmem:s23], [sflag:$0x1], $0x80, s3, s22, $0xb8;
	[tilespmem:$0x1F880] =	vst v63  }
0xf5: {  	_ =	swait.ge [sflag:s17], $0x2800  }
0xf6: {  	[sflag:s17] =	ssyncset.done $0x0  }
0xf7: {  	[sflag:s17] =	ssyncadd.s32 $0xFFFFD800  }
0xf8: {  	s24 =	sadd.s32 $0x1, s24  }
0xf9: {  	s25 =	sshll.u32 s2, $0x6;
	[bflag:$0x0] =	sbarrier.arrive $0xFFFF;
	p0 =	sne.s32 s24, s15  }
.Ltmp4:
0xfa: {  	s26 =	sshrl.u32 s7, $0x3;
	s25 =	sor.u32 $0x1C01, s25;
	(pc) =	sbr.rel @p0 .LBB2_1-.Ltmp4, $4  }
0xfb: {  	[hbm:s14], [sflag:s25] =	dma.local [spmem:s26], $0x2800  }
0xfc: {  	_ =	swait.ge [sflag:s17], $0x2800  }
0xfd: {  	[sflag:s17] =	ssyncset.done $0x0  }
0xfe: {  	[sflag:s17] =	ssyncadd.s32 $0xFFFFD800  }
0xff: {  	_ =	sfence.sel $0x180000  }
0x100: {  	[bflag:$0x0] =	sbarrier.arrive $0xFFFF  }
0x101: {  	p0 =	sne.s32 s2, $0x0;
	_ =	strace $0x90000050  }
0x102: {  	s0 =	sadd.s32 @!p0 $0x100000, s0;
	[bflag:$0x2] =	sbarrier.arrive $0xFFFF  }
0x103: {  	[sflag:s0] =	ssyncadd.tile.s32 @!p0 $0x1;
	_ =	shalt  }
.Lfunc_end2:
_tile_overlayer_lowered:
.L_overlay_start_2:
0x104: {  	(tag) =	ssettag $0x2  }
0x105: {  	s0 =	rddreg [dreg:$0x0];
	s2 =	stileid.u32  }
0x106: {  	s1 =	rddreg [dreg:$0x1];
	p0 =	sne.s32 s2, $0x0  }
0x107: {  	s3 =	rddreg [dreg:$0x2];
	[bflag:$0x3] =	sbarrier.arrive $0xFFFF;
	s2 =	simm.s32 @!p0 $0x1C01  }
0x108: {  	[timem:s3], [sflag:s2] =	dma.local @!p0 [hbm:s0], s1  }
0x109: {  	s0 =	simm.s32 @!p0 $0x1  }
0x10a: {  	_ =	swait.ge @!p0 [sflag:s0], s1  }
0x10b: {  	s1 =	ssub.s32 @!p0 $0x0, s1;
	[sflag:s0] =	ssyncset.done @!p0 $0x0  }
0x10c: {  	[sflag:s0] =	ssyncadd.s32 @!p0 s1  }
0x10d: {  	[bflag:$0x3] =	sbarrier.arrive $0xFFFF  }
0x10e: {  	_ =	shalt  }

</sc_bundles>
